<compile_context>
chip_gen: v7x
topology: tpu7x:2x2x1
jax: 0.10.2.dev20260603
libtpu: 0.0.44.dev20260713+nightly
codegen_flags: <defaults>
</compile_context>

<pallas_src>
import functools

import jax
import jax.numpy as jnp
import numpy as np
from jax import lax
from jax.experimental import pallas as pl
from jax.experimental.pallas import tpu as pltpu
from jax.experimental.pallas import tpu_sc as plsc

N = 10000
E = 320000
D = 128
DO = 16

NC = 2
NS = 16
NW = NC * NS

NPADD = 10240
RPTD = NPADD // NS
NPAD = 10112
RPT = NPAD // NS
CHUNK = 128
NBUF = 3

_sc_mesh = plsc.VectorSubcoreMesh(core_axis_name="c", subcore_axis_name="s")

_ONES_C = np.ones((CHUNK,), np.float32)
_Z1 = np.zeros((RPTD,), np.float32)
_Z2 = np.zeros((RPT, D), np.float32)


NCH_TOT = E // CHUNK


@functools.partial(
    pl.kernel,
    out_type=jax.ShapeDtypeStruct((NC * NPADD,), jnp.float32),
    mesh=_sc_mesh,
    scratch_types=[
        pltpu.VMEM((2, CHUNK), jnp.int32),
        pltpu.VMEM((CHUNK,), jnp.float32),
        pltpu.VMEM_SHARED((NPADD,), jnp.float32),
        pltpu.SemaphoreType.DMA,
        pltpu.SemaphoreType.DMA,
    ],
)
def _deg_kernel(col_hbm, ones_hbm, z1_hbm, out_hbm, cidx_d, ones_v,
                acc, dsem0, dsem1):
    dsems = (dsem0, dsem1)
    c = lax.axis_index("c")
    s = lax.axis_index("s")
    wid = c * NS + s
    start = wid * NCH_TOT // NW
    cnt = (wid + 1) * NCH_TOT // NW - start
    base = start * CHUNK
    pltpu.sync_copy(ones_hbm, ones_v)
    pltpu.sync_copy(z1_hbm, acc.at[pl.ds(s * RPTD, RPTD)])
    plsc.subcore_barrier()

    def issue_cidx(j, b):
        pltpu.async_copy(col_hbm.at[pl.ds(base + j * CHUNK, CHUNK)],
                         cidx_d.at[b], dsems[b])

    def wait_cidx(b):
        pltpu.make_async_copy(col_hbm.at[pl.ds(0, CHUNK)], cidx_d.at[b],
                              dsems[b]).wait()

    issue_cidx(0, 0)
    issue_cidx(1, 1)

    def substep_d(j, b):
        @pl.when(j < cnt)
        def _():
            wait_cidx(b)
            pltpu.sync_copy(ones_v, acc.at[cidx_d.at[b]], add=True)

        @pl.when(j + 2 < cnt)
        def _():
            issue_cidx(j + 2, b)

    def step(t, carry):
        substep_d(2 * t, 0)
        substep_d(2 * t + 1, 1)
        return carry

    lax.fori_loop(0, (NCH_TOT // NW + 2) // 2, step, 0)
    plsc.subcore_barrier()
    pltpu.sync_copy(acc.at[pl.ds(s * RPTD, RPTD)],
                    out_hbm.at[pl.ds(c * NPADD + s * RPTD, RPTD)])


@functools.partial(
    pl.kernel,
    out_type=jax.ShapeDtypeStruct((NC * NPAD, D), jnp.float32),
    mesh=_sc_mesh,
    scratch_types=[
        pltpu.VMEM((NBUF, CHUNK), jnp.int32),
        pltpu.VMEM((NBUF, CHUNK), jnp.int32),
        pltpu.VMEM((NBUF, CHUNK, D), jnp.float32),
        pltpu.VMEM_SHARED((NPAD, D), jnp.float32),
        pltpu.SemaphoreType.DMA,
        pltpu.SemaphoreType.DMA,
        pltpu.SemaphoreType.DMA,
        pltpu.SemaphoreType.DMA,
        pltpu.SemaphoreType.DMA,
        pltpu.SemaphoreType.DMA,
    ],
)
def _agg_kernel(g_hbm, row_hbm, col_hbm, z2_hbm, out_hbm,
                ridx, cidx, gbufs, acc,
                gsem0, gsem1, gsem2, isem0, isem1, isem2):
    gsems = (gsem0, gsem1, gsem2)
    isems = (isem0, isem1, isem2)
    c = lax.axis_index("c")
    s = lax.axis_index("s")
    wid = c * NS + s
    start = wid * NCH_TOT // NW
    cnt = (wid + 1) * NCH_TOT // NW - start
    base = start * CHUNK
    pltpu.sync_copy(z2_hbm, acc.at[pl.ds(s * RPT, RPT)])
    plsc.subcore_barrier()

    def issue_idx(j, b):
        pltpu.async_copy(row_hbm.at[pl.ds(base + j * CHUNK, CHUNK)],
                         ridx.at[b], isems[b])
        pltpu.async_copy(col_hbm.at[pl.ds(base + j * CHUNK, CHUNK)],
                         cidx.at[b], isems[b])

    def wait_idx(b):
        pltpu.make_async_copy(row_hbm.at[pl.ds(0, CHUNK)], ridx.at[b],
                              isems[b]).wait()
        pltpu.make_async_copy(col_hbm.at[pl.ds(0, CHUNK)], cidx.at[b],
                              isems[b]).wait()

    def issue_gather(b):
        pltpu.async_copy(g_hbm.at[ridx.at[b]], gbufs.at[b], gsems[b])

    def wait_gather(b):
        pltpu.make_async_copy(g_hbm.at[ridx.at[0]], gbufs.at[b],
                              gsems[b]).wait()

    for b in range(NBUF):
        issue_idx(b, b)
    wait_idx(0)
    issue_gather(0)

    def substep(j, b):
        bn = (b + 1) % NBUF

        @pl.when(j + 1 < cnt)
        def _():
            wait_idx(bn)
            issue_gather(bn)

        @pl.when(j < cnt)
        def _():
            wait_gather(b)
            pltpu.sync_copy(gbufs.at[b], acc.at[cidx.at[b]], add=True)

        @pl.when(j + NBUF < cnt)
        def _():
            issue_idx(j + NBUF, b)

    def outer(t, carry):
        for b in range(NBUF):
            substep(NBUF * t + b, b)
        return carry

    lax.fori_loop(0, (NCH_TOT // NW + NBUF) // NBUF, outer, 0)
    plsc.subcore_barrier()
    pltpu.sync_copy(acc.at[pl.ds(s * RPT, RPT)],
                    out_hbm.at[pl.ds(c * NPAD + s * RPT, RPT)])


BLK = 1000
_GRID = (N // BLK,)


def _k1m_body(x_ref, w_ref, out_ref):
    out_ref[...] = jnp.dot(x_ref[...], w_ref[...],
                           preferred_element_type=jnp.float32)


_k1m = pl.pallas_call(
    _k1m_body,
    grid=_GRID,
    in_specs=[
        pl.BlockSpec((BLK, D), lambda i: (i, 0)),
        pl.BlockSpec((D, D), lambda i: (0, 0)),
    ],
    out_specs=pl.BlockSpec((BLK, D), lambda i: (i, 0)),
    out_shape=jax.ShapeDtypeStruct((N, D), jnp.float32),
)


def _ksc_body(h_ref, degc_ref, out_ref):
    dis = lax.rsqrt(degc_ref[...])
    out_ref[...] = dis * h_ref[...]


_ksc = pl.pallas_call(
    _ksc_body,
    grid=_GRID,
    in_specs=[
        pl.BlockSpec((BLK, D), lambda i: (i, 0)),
        pl.BlockSpec((BLK, 1), lambda i: (i, 0)),
    ],
    out_specs=pl.BlockSpec((BLK, D), lambda i: (i, 0)),
    out_shape=jax.ShapeDtypeStruct((N, D), jnp.float32),
)


def _k2_body(p_ref, g_ref, degc_ref, b_ref, w_ref, out_ref):
    dis = lax.rsqrt(degc_ref[...])
    p = p_ref[...]
    act = jnp.maximum(dis * (p[0] + p[1] + g_ref[...]) + b_ref[...], 0.0)
    out_ref[...] = dis * jnp.dot(act, w_ref[...],
                                 preferred_element_type=jnp.float32)


_k2 = pl.pallas_call(
    _k2_body,
    grid=_GRID,
    in_specs=[
        pl.BlockSpec((NC, BLK, D), lambda i: (0, i, 0)),
        pl.BlockSpec((BLK, D), lambda i: (i, 0)),
        pl.BlockSpec((BLK, 1), lambda i: (i, 0)),
        pl.BlockSpec((1, D), lambda i: (0, 0)),
        pl.BlockSpec((D, D), lambda i: (0, 0)),
    ],
    out_specs=pl.BlockSpec((BLK, D), lambda i: (i, 0)),
    out_shape=jax.ShapeDtypeStruct((N, D), jnp.float32),
)


def _k4_body(p_ref, g_ref, degc_ref, b_ref, wf1_ref, bf1_ref, wf2_ref,
             bf2_ref, out_ref):
    dis = lax.rsqrt(degc_ref[...])
    p = p_ref[...]
    act = jnp.maximum(dis * (p[0] + p[1] + g_ref[...]) + b_ref[...], 0.0)
    t = jnp.maximum(jnp.dot(act, wf1_ref[...],
                            preferred_element_type=jnp.float32) + bf1_ref[...],
                    0.0)
    out_ref[...] = jnp.dot(t, wf2_ref[...],
                           preferred_element_type=jnp.float32) + bf2_ref[...]


_k4 = pl.pallas_call(
    _k4_body,
    grid=_GRID,
    in_specs=[
        pl.BlockSpec((NC, BLK, D), lambda i: (0, i, 0)),
        pl.BlockSpec((BLK, D), lambda i: (i, 0)),
        pl.BlockSpec((BLK, 1), lambda i: (i, 0)),
        pl.BlockSpec((1, D), lambda i: (0, 0)),
        pl.BlockSpec((D, D), lambda i: (0, 0)),
        pl.BlockSpec((1, D), lambda i: (0, 0)),
        pl.BlockSpec((D, DO), lambda i: (0, 0)),
        pl.BlockSpec((1, DO), lambda i: (0, 0)),
    ],
    out_specs=pl.BlockSpec((BLK, DO), lambda i: (i, 0)),
    out_shape=jax.ShapeDtypeStruct((N, DO), jnp.float32),
)


def kernel(x, edge_index, W1, b1, W2, b2, W3, b3, Wf1, bf1, Wf2, bf2):
    row = edge_index[0]
    col = edge_index[1]
    ones_c = jnp.asarray(_ONES_C)
    z1 = jnp.asarray(_Z1)
    z2 = jnp.asarray(_Z2)

    degp = _deg_kernel(col, ones_c, z1)
    h1 = _k1m(x, W1)
    degc = (1.0 + degp[:N] + degp[NPADD:NPADD + N])[:, None]

    g1 = _ksc(h1, degc)
    p1 = _agg_kernel(g1, row, col, z2).reshape(NC, NPAD, D)
    g2 = _k2(p1, g1, degc, b1.reshape(1, D), W2)
    p2 = _agg_kernel(g2, row, col, z2).reshape(NC, NPAD, D)
    g3 = _k2(p2, g2, degc, b2.reshape(1, D), W3)
    p3 = _agg_kernel(g3, row, col, z2).reshape(NC, NPAD, D)
    pred = _k4(p3, g3, degc, b3.reshape(1, D), Wf1, bf1.reshape(1, D),
               Wf2, bf2.reshape(1, DO))
    return pred

# --- scband reference (transcript-rebuilt; emitter-appended) ---
"""Pipeline reference for scband-gcn-26499948216402 (READ-ONLY COPY).

The authoritative reference and input builder live on the scoring server;
editing this copy changes nothing except your own understanding.
"""

import jax, jax.numpy as jnp
import numpy as np

N = 10000
E = 320000
D_IN = 128
D_HID = 128
D_OUT = 16


def setup_inputs(seed: int = 0) -> dict:
    key = jax.random.key(seed)
    ks = jax.random.split(key, 12)
    x = jax.random.normal(ks[0], (N, D_IN), dtype=jnp.float32)
    edge_index = jax.random.randint(ks[1], (2, E), 0, N, dtype=jnp.int32)
    s_in = 1.0 / np.sqrt(D_IN)
    s_hid = 1.0 / np.sqrt(D_HID)
    W1 = jax.random.normal(ks[2], (D_IN, D_HID), dtype=jnp.float32) * s_in
    b1 = jnp.zeros((D_HID,), dtype=jnp.float32)
    W2 = jax.random.normal(ks[3], (D_HID, D_HID), dtype=jnp.float32) * s_hid
    b2 = jnp.zeros((D_HID,), dtype=jnp.float32)
    W3 = jax.random.normal(ks[4], (D_HID, D_HID), dtype=jnp.float32) * s_hid
    b3 = jnp.zeros((D_HID,), dtype=jnp.float32)
    Wf1 = jax.random.normal(ks[5], (D_HID, D_HID), dtype=jnp.float32) * s_hid
    bf1 = jax.random.normal(ks[6], (D_HID,), dtype=jnp.float32) * 0.01
    Wf2 = jax.random.normal(ks[7], (D_HID, D_OUT), dtype=jnp.float32) * s_hid
    bf2 = jax.random.normal(ks[8], (D_OUT,), dtype=jnp.float32) * 0.01
    return {"x": x, "edge_index": edge_index, "W1": W1, "b1": b1, "W2": W2, "b2": b2, "W3": W3, "b3": b3, "Wf1": Wf1, "bf1": bf1, "Wf2": Wf2, "bf2": bf2}


def gcn_conv(x, edge_index, W, b, num_nodes):
    # PyG GCNConv: add self loops, symmetric normalization, then aggregate x@W
    row = edge_index[0]
    col = edge_index[1]
    loop = jnp.arange(num_nodes, dtype=row.dtype)
    row = jnp.concatenate([row, loop])
    col = jnp.concatenate([col, loop])
    ew = jnp.ones(row.shape[0], dtype=x.dtype)
    deg = jax.ops.segment_sum(ew, col, num_segments=num_nodes)
    deg_inv_sqrt = jnp.where(deg > 0, 1.0 / jnp.sqrt(jnp.maximum(deg, 1e-12)), 0.0)
    norm = deg_inv_sqrt[row] * deg_inv_sqrt[col]
    h = x @ W
    msg = h[row] * norm[:, None]
    out = jax.ops.segment_sum(msg, col, num_segments=num_nodes)
    return out + b


def reference(x, edge_index, W1, b1, W2, b2, W3, b3, Wf1, bf1, Wf2, bf2):
    num_nodes = x.shape[0]
    h = gcn_conv(x, edge_index, W1, b1, num_nodes)
    h = jax.nn.relu(h)  # dropout p=0 -> no-op
    h = gcn_conv(h, edge_index, W2, b2, num_nodes)
    h = jax.nn.relu(h)
    h = gcn_conv(h, edge_index, W3, b3, num_nodes)
    h = jax.nn.relu(h)
    # ffn: Linear -> ReLU -> Dropout(eval no-op) -> Linear
    h = jax.nn.relu(h @ Wf1 + bf1)
    pred = h @ Wf2 + bf2
    return pred

if __name__ == "__main__":
    import jax
    _d = setup_inputs()
    print(jax.jit(kernel)(*tuple(_d.values())))

</pallas_src>

<mosaic_0001>
#map = affine_map<(d0, d1) -> (0, 0)>
#map1 = affine_map<(d0, d1) -> (0)>
module attributes {stable_mosaic.version = 14 : i64} {
  func.func @_agg_kernel(%arg0: i32, %arg1: i32, %arg2: memref<10000x128xf32, #tpu.memory_space<hbm>>, %arg3: memref<320000xi32, #tpu.memory_space<hbm>>, %arg4: memref<320000xi32, #tpu.memory_space<hbm>>, %arg5: memref<632x128xf32, #tpu.memory_space<hbm>>, %arg6: memref<20224x128xf32, #tpu.memory_space<hbm>>, %arg7: memref<3x128xi32, #tpu.memory_space<vmem>>, %arg8: memref<3x128xi32, #tpu.memory_space<vmem>>, %arg9: memref<3x128x128xf32, #tpu.memory_space<vmem>>, %arg10: memref<10112x128xf32, #tpu.memory_space<vmem_shared>>, %arg11: memref<!tpu.dma_semaphore, #tpu.memory_space<semaphore_mem>>, %arg12: memref<!tpu.dma_semaphore, #tpu.memory_space<semaphore_mem>>, %arg13: memref<!tpu.dma_semaphore, #tpu.memory_space<semaphore_mem>>, %arg14: memref<!tpu.dma_semaphore, #tpu.memory_space<semaphore_mem>>, %arg15: memref<!tpu.dma_semaphore, #tpu.memory_space<semaphore_mem>>, %arg16: memref<!tpu.dma_semaphore, #tpu.memory_space<semaphore_mem>>) attributes {dimension_semantics = [#tpu.dimension_semantics<core_parallel>, #tpu.dimension_semantics<subcore_parallel>], iteration_bounds = array<i64: 2, 16>, scalar_prefetch = 0 : i64, scratch_operands = 10 : i64, tpu.core_type = #tpu.core_type<sc_vector_subcore>, window_params = [{transform_indices = #map}, {transform_indices = #map1}, {transform_indices = #map1}, {transform_indices = #map}, {transform_indices = #map}]} {
    %mul3A = arith.constant 16 : i32
    %mul3A_0 = arith.muli %arg0, %mul3A : i32
    %add3A = arith.addi %mul3A_0, %arg1 : i32
    %mul3A_1 = arith.constant 2500 : i32
    %mul3A_2 = arith.muli %add3A, %mul3A_1 : i32
    %jit3A = arith.constant 32 : i32
    %div3A = arith.divsi %mul3A_2, %jit3A : i32
    %sign3A = arith.constant 0 : i32
    %sign3A_3 = arith.cmpi sgt, %mul3A_2, %sign3A : i32
    %sign3A_4 = arith.extui %sign3A_3 : i1 to i32
    %sign3A_5 = arith.constant 0 : i32
    %sign3A_6 = arith.cmpi slt, %mul3A_2, %sign3A_5 : i32
    %sign3A_7 = arith.extui %sign3A_6 : i1 to i32
    %sign3A_8 = arith.subi %sign3A_4, %sign3A_7 : i32
    %sign3A_9 = arith.constant 0 : i32
    %sign3A_10 = arith.cmpi sgt, %jit3A, %sign3A_9 : i32
    %sign3A_11 = arith.extui %sign3A_10 : i1 to i32
    %sign3A_12 = arith.constant 0 : i32
    %sign3A_13 = arith.cmpi slt, %jit3A, %sign3A_12 : i32
    %sign3A_14 = arith.extui %sign3A_13 : i1 to i32
    %sign3A_15 = arith.subi %sign3A_11, %sign3A_14 : i32
    %ne3A = arith.cmpi ne, %sign3A_8, %sign3A_15 : i32
    %rem3A = arith.remsi %mul3A_2, %jit3A : i32
    %ne3A_16 = arith.constant 0 : i32
    %ne3A_17 = arith.cmpi ne, %rem3A, %ne3A_16 : i32
    %and3A = arith.andi %ne3A, %ne3A_17 : i1
    %sub3A = arith.constant 1 : i32
    %sub3A_18 = arith.subi %div3A, %sub3A : i32
    %select_n3A = arith.select %and3A, %sub3A_18, %div3A : i32
    %add3A_19 = arith.constant 1 : i32
    %add3A_20 = arith.addi %add3A, %add3A_19 : i32
    %mul3A_21 = arith.constant 2500 : i32
    %mul3A_22 = arith.muli %add3A_20, %mul3A_21 : i32
    %jit3A_23 = arith.constant 32 : i32
    %div3A_24 = arith.divsi %mul3A_22, %jit3A_23 : i32
    %sign3A_25 = arith.constant 0 : i32
    %sign3A_26 = arith.cmpi sgt, %mul3A_22, %sign3A_25 : i32
    %sign3A_27 = arith.extui %sign3A_26 : i1 to i32
    %sign3A_28 = arith.constant 0 : i32
    %sign3A_29 = arith.cmpi slt, %mul3A_22, %sign3A_28 : i32
    %sign3A_30 = arith.extui %sign3A_29 : i1 to i32
    %sign3A_31 = arith.subi %sign3A_27, %sign3A_30 : i32
    %sign3A_32 = arith.constant 0 : i32
    %sign3A_33 = arith.cmpi sgt, %jit3A_23, %sign3A_32 : i32
    %sign3A_34 = arith.extui %sign3A_33 : i1 to i32
    %sign3A_35 = arith.constant 0 : i32
    %sign3A_36 = arith.cmpi slt, %jit3A_23, %sign3A_35 : i32
    %sign3A_37 = arith.extui %sign3A_36 : i1 to i32
    %sign3A_38 = arith.subi %sign3A_34, %sign3A_37 : i32
    %ne3A_39 = arith.cmpi ne, %sign3A_31, %sign3A_38 : i32
    %rem3A_40 = arith.remsi %mul3A_22, %jit3A_23 : i32
    %ne3A_41 = arith.constant 0 : i32
    %ne3A_42 = arith.cmpi ne, %rem3A_40, %ne3A_41 : i32
    %and3A_43 = arith.andi %ne3A_39, %ne3A_42 : i1
    %sub3A_44 = arith.constant 1 : i32
    %sub3A_45 = arith.subi %div3A_24, %sub3A_44 : i32
    %select_n3A_46 = arith.select %and3A_43, %sub3A_45, %div3A_24 : i32
    %sub3A_47 = arith.subi %select_n3A_46, %select_n3A : i32
    %mul3A_48 = arith.constant 128 : i32
    %mul3A_49 = arith.muli %select_n3A, %mul3A_48 : i32
    %mul3A_50 = arith.constant 632 : i32
    %mul3A_51 = arith.muli %arg1, %mul3A_50 : i32
    "tpu.region"() ({
      %run_scoped3A = tpu.sem_alloc : memref<!tpu.dma_semaphore, #tpu.memory_space<semaphore_mem>>
      %dma_start3A_163 = arith.constant 0 : i32
      %dma_start3A_164 = tpu.memref_slice %arg10[%mul3A_51, %dma_start3A_163] : memref<10112x128xf32, #tpu.memory_space<vmem_shared>> -> memref<632x128xf32, #tpu.memory_space<vmem_shared>>
      tpu.enqueue_dma source(%arg5 : memref<632x128xf32, #tpu.memory_space<hbm>>) target(%dma_start3A_164 : memref<632x128xf32, #tpu.memory_space<vmem_shared>>) target_semaphore(%run_scoped3A : memref<!tpu.dma_semaphore, #tpu.memory_space<semaphore_mem>>)
      %dma_wait3A_165 = arith.constant 0 : i32
      %dma_wait3A_166 = tpu.memref_slice %arg10[%mul3A_51, %dma_wait3A_165] : memref<10112x128xf32, #tpu.memory_space<vmem_shared>> -> memref<632x128xf32, #tpu.memory_space<vmem_shared>>
      tpu.wait_dma2 semaphore(%run_scoped3A : memref<!tpu.dma_semaphore, #tpu.memory_space<semaphore_mem>>) src(%arg5 : memref<632x128xf32, #tpu.memory_space<hbm>>) dst(%dma_wait3A_166 : memref<632x128xf32, #tpu.memory_space<vmem_shared>>)
      tpu.yield
    }) : () -> ()
    %barrier3A = arith.constant 0 : index
    tpu.barrier barrier_id(%barrier3A)
    %add3A_52 = arith.constant 0 : i32
    %add3A_53 = arith.addi %mul3A_49, %add3A_52 : i32
    %dma_start3A = arith.constant 0 : i32
    %dma_start3A_54 = arith.constant 0 : i32
    %dma_start3A_55 = tpu.memref_slice %arg7[%dma_start3A, %dma_start3A_54] : memref<3x128xi32, #tpu.memory_space<vmem>> -> memref<1x128xi32, #tpu.memory_space<vmem>>
    %dma_start3A_56 = tpu.memref_squeeze %dma_start3A_55 : memref<1x128xi32, #tpu.memory_space<vmem>> -> memref<128xi32, #tpu.memory_space<vmem>>
    %dma_start3A_57 = tpu.memref_slice %arg3[%add3A_53] : memref<320000xi32, #tpu.memory_space<hbm>> -> memref<128xi32, #tpu.memory_space<hbm>>
    %dma_start3A_58 = arith.constant 0 : i32
    %dma_start3A_59 = tpu.memref_slice %arg7[%dma_start3A, %dma_start3A_58] : memref<3x128xi32, #tpu.memory_space<vmem>> -> memref<1x128xi32, #tpu.memory_space<vmem>>
    %dma_start3A_60 = tpu.memref_squeeze %dma_start3A_59 : memref<1x128xi32, #tpu.memory_space<vmem>> -> memref<128xi32, #tpu.memory_space<vmem>>
    %dma_start3A_61 = tpu.memref_slice %arg3[%add3A_53] : memref<320000xi32, #tpu.memory_space<hbm>> -> memref<128xi32, #tpu.memory_space<hbm>>
    tpu.enqueue_dma source(%dma_start3A_61 : memref<128xi32, #tpu.memory_space<hbm>>) target(%dma_start3A_60 : memref<128xi32, #tpu.memory_space<vmem>>) target_semaphore(%arg14 : memref<!tpu.dma_semaphore, #tpu.memory_space<semaphore_mem>>)
    %add3A_62 = arith.constant 0 : i32
    %add3A_63 = arith.addi %mul3A_49, %add3A_62 : i32
    %dma_start3A_64 = arith.constant 0 : i32
    %dma_start3A_65 = arith.constant 0 : i32
    %dma_start3A_66 = tpu.memref_slice %arg8[%dma_start3A_64, %dma_start3A_65] : memref<3x128xi32, #tpu.memory_space<vmem>> -> memref<1x128xi32, #tpu.memory_space<vmem>>
    %dma_start3A_67 = tpu.memref_squeeze %dma_start3A_66 : memref<1x128xi32, #tpu.memory_space<vmem>> -> memref<128xi32, #tpu.memory_space<vmem>>
    %dma_start3A_68 = tpu.memref_slice %arg4[%add3A_63] : memref<320000xi32, #tpu.memory_space<hbm>> -> memref<128xi32, #tpu.memory_space<hbm>>
    %dma_start3A_69 = arith.constant 0 : i32
    %dma_start3A_70 = tpu.memref_slice %arg8[%dma_start3A_64, %dma_start3A_69] : memref<3x128xi32, #tpu.memory_space<vmem>> -> memref<1x128xi32, #tpu.memory_space<vmem>>
    %dma_start3A_71 = tpu.memref_squeeze %dma_start3A_70 : memref<1x128xi32, #tpu.memory_space<vmem>> -> memref<128xi32, #tpu.memory_space<vmem>>
    %dma_start3A_72 = tpu.memref_slice %arg4[%add3A_63] : memref<320000xi32, #tpu.memory_space<hbm>> -> memref<128xi32, #tpu.memory_space<hbm>>
    tpu.enqueue_dma source(%dma_start3A_72 : memref<128xi32, #tpu.memory_space<hbm>>) target(%dma_start3A_71 : memref<128xi32, #tpu.memory_space<vmem>>) target_semaphore(%arg14 : memref<!tpu.dma_semaphore, #tpu.memory_space<semaphore_mem>>)
    %add3A_73 = arith.constant 128 : i32
    %add3A_74 = arith.addi %mul3A_49, %add3A_73 : i32
    %dma_start3A_75 = arith.constant 1 : i32
    %dma_start3A_76 = arith.constant 0 : i32
    %dma_start3A_77 = tpu.memref_slice %arg7[%dma_start3A_75, %dma_start3A_76] : memref<3x128xi32, #tpu.memory_space<vmem>> -> memref<1x128xi32, #tpu.memory_space<vmem>>
    %dma_start3A_78 = tpu.memref_squeeze %dma_start3A_77 : memref<1x128xi32, #tpu.memory_space<vmem>> -> memref<128xi32, #tpu.memory_space<vmem>>
    %dma_start3A_79 = tpu.memref_slice %arg3[%add3A_74] : memref<320000xi32, #tpu.memory_space<hbm>> -> memref<128xi32, #tpu.memory_space<hbm>>
    %dma_start3A_80 = arith.constant 0 : i32
    %dma_start3A_81 = tpu.memref_slice %arg7[%dma_start3A_75, %dma_start3A_80] : memref<3x128xi32, #tpu.memory_space<vmem>> -> memref<1x128xi32, #tpu.memory_space<vmem>>
    %dma_start3A_82 = tpu.memref_squeeze %dma_start3A_81 : memref<1x128xi32, #tpu.memory_space<vmem>> -> memref<128xi32, #tpu.memory_space<vmem>>
    %dma_start3A_83 = tpu.memref_slice %arg3[%add3A_74] : memref<320000xi32, #tpu.memory_space<hbm>> -> memref<128xi32, #tpu.memory_space<hbm>>
    tpu.enqueue_dma source(%dma_start3A_83 : memref<128xi32, #tpu.memory_space<hbm>>) target(%dma_start3A_82 : memref<128xi32, #tpu.memory_space<vmem>>) target_semaphore(%arg15 : memref<!tpu.dma_semaphore, #tpu.memory_space<semaphore_mem>>)
    %add3A_84 = arith.constant 128 : i32
    %add3A_85 = arith.addi %mul3A_49, %add3A_84 : i32
    %dma_start3A_86 = arith.constant 1 : i32
    %dma_start3A_87 = arith.constant 0 : i32
    %dma_start3A_88 = tpu.memref_slice %arg8[%dma_start3A_86, %dma_start3A_87] : memref<3x128xi32, #tpu.memory_space<vmem>> -> memref<1x128xi32, #tpu.memory_space<vmem>>
    %dma_start3A_89 = tpu.memref_squeeze %dma_start3A_88 : memref<1x128xi32, #tpu.memory_space<vmem>> -> memref<128xi32, #tpu.memory_space<vmem>>
    %dma_start3A_90 = tpu.memref_slice %arg4[%add3A_85] : memref<320000xi32, #tpu.memory_space<hbm>> -> memref<128xi32, #tpu.memory_space<hbm>>
    %dma_start3A_91 = arith.constant 0 : i32
    %dma_start3A_92 = tpu.memref_slice %arg8[%dma_start3A_86, %dma_start3A_91] : memref<3x128xi32, #tpu.memory_space<vmem>> -> memref<1x128xi32, #tpu.memory_space<vmem>>
    %dma_start3A_93 = tpu.memref_squeeze %dma_start3A_92 : memref<1x128xi32, #tpu.memory_space<vmem>> -> memref<128xi32, #tpu.memory_space<vmem>>
    %dma_start3A_94 = tpu.memref_slice %arg4[%add3A_85] : memref<320000xi32, #tpu.memory_space<hbm>> -> memref<128xi32, #tpu.memory_space<hbm>>
    tpu.enqueue_dma source(%dma_start3A_94 : memref<128xi32, #tpu.memory_space<hbm>>) target(%dma_start3A_93 : memref<128xi32, #tpu.memory_space<vmem>>) target_semaphore(%arg15 : memref<!tpu.dma_semaphore, #tpu.memory_space<semaphore_mem>>)
    %add3A_95 = arith.constant 256 : i32
    %add3A_96 = arith.addi %mul3A_49, %add3A_95 : i32
    %dma_start3A_97 = arith.constant 2 : i32
    %dma_start3A_98 = arith.constant 0 : i32
    %dma_start3A_99 = tpu.memref_slice %arg7[%dma_start3A_97, %dma_start3A_98] : memref<3x128xi32, #tpu.memory_space<vmem>> -> memref<1x128xi32, #tpu.memory_space<vmem>>
    %dma_start3A_100 = tpu.memref_squeeze %dma_start3A_99 : memref<1x128xi32, #tpu.memory_space<vmem>> -> memref<128xi32, #tpu.memory_space<vmem>>
    %dma_start3A_101 = tpu.memref_slice %arg3[%add3A_96] : memref<320000xi32, #tpu.memory_space<hbm>> -> memref<128xi32, #tpu.memory_space<hbm>>
    %dma_start3A_102 = arith.constant 0 : i32
    %dma_start3A_103 = tpu.memref_slice %arg7[%dma_start3A_97, %dma_start3A_102] : memref<3x128xi32, #tpu.memory_space<vmem>> -> memref<1x128xi32, #tpu.memory_space<vmem>>
    %dma_start3A_104 = tpu.memref_squeeze %dma_start3A_103 : memref<1x128xi32, #tpu.memory_space<vmem>> -> memref<128xi32, #tpu.memory_space<vmem>>
    %dma_start3A_105 = tpu.memref_slice %arg3[%add3A_96] : memref<320000xi32, #tpu.memory_space<hbm>> -> memref<128xi32, #tpu.memory_space<hbm>>
    tpu.enqueue_dma source(%dma_start3A_105 : memref<128xi32, #tpu.memory_space<hbm>>) target(%dma_start3A_104 : memref<128xi32, #tpu.memory_space<vmem>>) target_semaphore(%arg16 : memref<!tpu.dma_semaphore, #tpu.memory_space<semaphore_mem>>)
    %add3A_106 = arith.constant 256 : i32
    %add3A_107 = arith.addi %mul3A_49, %add3A_106 : i32
    %dma_start3A_108 = arith.constant 2 : i32
    %dma_start3A_109 = arith.constant 0 : i32
    %dma_start3A_110 = tpu.memref_slice %arg8[%dma_start3A_108, %dma_start3A_109] : memref<3x128xi32, #tpu.memory_space<vmem>> -> memref<1x128xi32, #tpu.memory_space<vmem>>
    %dma_start3A_111 = tpu.memref_squeeze %dma_start3A_110 : memref<1x128xi32, #tpu.memory_space<vmem>> -> memref<128xi32, #tpu.memory_space<vmem>>
    %dma_start3A_112 = tpu.memref_slice %arg4[%add3A_107] : memref<320000xi32, #tpu.memory_space<hbm>> -> memref<128xi32, #tpu.memory_space<hbm>>
    %dma_start3A_113 = arith.constant 0 : i32
    %dma_start3A_114 = tpu.memref_slice %arg8[%dma_start3A_108, %dma_start3A_113] : memref<3x128xi32, #tpu.memory_space<vmem>> -> memref<1x128xi32, #tpu.memory_space<vmem>>
    %dma_start3A_115 = tpu.memref_squeeze %dma_start3A_114 : memref<1x128xi32, #tpu.memory_space<vmem>> -> memref<128xi32, #tpu.memory_space<vmem>>
    %dma_start3A_116 = tpu.memref_slice %arg4[%add3A_107] : memref<320000xi32, #tpu.memory_space<hbm>> -> memref<128xi32, #tpu.memory_space<hbm>>
    tpu.enqueue_dma source(%dma_start3A_116 : memref<128xi32, #tpu.memory_space<hbm>>) target(%dma_start3A_115 : memref<128xi32, #tpu.memory_space<vmem>>) target_semaphore(%arg16 : memref<!tpu.dma_semaphore, #tpu.memory_space<semaphore_mem>>)
    %dma_wait3A = arith.constant 0 : i32
    %dma_wait3A_117 = arith.constant 0 : i32
    %dma_wait3A_118 = tpu.memref_slice %arg7[%dma_wait3A, %dma_wait3A_117] : memref<3x128xi32, #tpu.memory_space<vmem>> -> memref<1x128xi32, #tpu.memory_space<vmem>>
    %dma_wait3A_119 = tpu.memref_squeeze %dma_wait3A_118 : memref<1x128xi32, #tpu.memory_space<vmem>> -> memref<128xi32, #tpu.memory_space<vmem>>
    %dma_wait3A_120 = arith.constant 0 : i32
    %dma_wait3A_121 = tpu.memref_slice %arg3[%dma_wait3A_120] : memref<320000xi32, #tpu.memory_space<hbm>> -> memref<128xi32, #tpu.memory_space<hbm>>
    %dma_wait3A_122 = arith.constant 0 : i32
    %dma_wait3A_123 = tpu.memref_slice %arg7[%dma_wait3A, %dma_wait3A_122] : memref<3x128xi32, #tpu.memory_space<vmem>> -> memref<1x128xi32, #tpu.memory_space<vmem>>
    %dma_wait3A_124 = tpu.memref_squeeze %dma_wait3A_123 : memref<1x128xi32, #tpu.memory_space<vmem>> -> memref<128xi32, #tpu.memory_space<vmem>>
    %dma_wait3A_125 = arith.constant 0 : i32
    %dma_wait3A_126 = tpu.memref_slice %arg3[%dma_wait3A_125] : memref<320000xi32, #tpu.memory_space<hbm>> -> memref<128xi32, #tpu.memory_space<hbm>>
    tpu.wait_dma2 semaphore(%arg14 : memref<!tpu.dma_semaphore, #tpu.memory_space<semaphore_mem>>) src(%dma_wait3A_126 : memref<128xi32, #tpu.memory_space<hbm>>) dst(%dma_wait3A_124 : memref<128xi32, #tpu.memory_space<vmem>>)
    %dma_wait3A_127 = arith.constant 0 : i32
    %dma_wait3A_128 = arith.constant 0 : i32
    %dma_wait3A_129 = tpu.memref_slice %arg8[%dma_wait3A_127, %dma_wait3A_128] : memref<3x128xi32, #tpu.memory_space<vmem>> -> memref<1x128xi32, #tpu.memory_space<vmem>>
    %dma_wait3A_130 = tpu.memref_squeeze %dma_wait3A_129 : memref<1x128xi32, #tpu.memory_space<vmem>> -> memref<128xi32, #tpu.memory_space<vmem>>
    %dma_wait3A_131 = arith.constant 0 : i32
    %dma_wait3A_132 = tpu.memref_slice %arg4[%dma_wait3A_131] : memref<320000xi32, #tpu.memory_space<hbm>> -> memref<128xi32, #tpu.memory_space<hbm>>
    %dma_wait3A_133 = arith.constant 0 : i32
    %dma_wait3A_134 = tpu.memref_slice %arg8[%dma_wait3A_127, %dma_wait3A_133] : memref<3x128xi32, #tpu.memory_space<vmem>> -> memref<1x128xi32, #tpu.memory_space<vmem>>
    %dma_wait3A_135 = tpu.memref_squeeze %dma_wait3A_134 : memref<1x128xi32, #tpu.memory_space<vmem>> -> memref<128xi32, #tpu.memory_space<vmem>>
    %dma_wait3A_136 = arith.constant 0 : i32
    %dma_wait3A_137 = tpu.memref_slice %arg4[%dma_wait3A_136] : memref<320000xi32, #tpu.memory_space<hbm>> -> memref<128xi32, #tpu.memory_space<hbm>>
    tpu.wait_dma2 semaphore(%arg14 : memref<!tpu.dma_semaphore, #tpu.memory_space<semaphore_mem>>) src(%dma_wait3A_137 : memref<128xi32, #tpu.memory_space<hbm>>) dst(%dma_wait3A_135 : memref<128xi32, #tpu.memory_space<vmem>>)
    %dma_start3A_138 = arith.constant 0 : i32
    %dma_start3A_139 = arith.constant 0 : i32
    %dma_start3A_140 = arith.constant 0 : i32
    %dma_start3A_141 = arith.constant 0 : i32
    %dma_start3A_142 = tpu.memref_slice %arg9[%dma_start3A_139, %dma_start3A_140, %dma_start3A_141] : memref<3x128x128xf32, #tpu.memory_space<vmem>> -> memref<1x128x128xf32, #tpu.memory_space<vmem>>
    %dma_start3A_143 = tpu.memref_squeeze %dma_start3A_142 : memref<1x128x128xf32, #tpu.memory_space<vmem>> -> memref<128x128xf32, #tpu.memory_space<vmem>>
    %dma_start3A_144 = arith.constant 0 : i32
    %dma_start3A_145 = tpu.memref_slice %arg7[%dma_start3A_138, %dma_start3A_144] : memref<3x128xi32, #tpu.memory_space<vmem>> -> memref<1x128xi32, #tpu.memory_space<vmem>>
    %dma_start3A_146 = tpu.memref_squeeze %dma_start3A_145 : memref<1x128xi32, #tpu.memory_space<vmem>> -> memref<128xi32, #tpu.memory_space<vmem>>
    %dma_start3A_147 = arith.constant 0 : i32
    %dma_start3A_148 = arith.constant 0 : i32
    %dma_start3A_149 = tpu.memref_slice %arg2[%dma_start3A_147, %dma_start3A_148] : memref<10000x128xf32, #tpu.memory_space<hbm>> -> memref<10000x128xf32, #tpu.memory_space<hbm>>
    tpu.enqueue_indirect_dma source(%dma_start3A_149 : memref<10000x128xf32, #tpu.memory_space<hbm>>) target(%dma_start3A_143 : memref<128x128xf32, #tpu.memory_space<vmem>>) offsets(%dma_start3A_146 : memref<128xi32, #tpu.memory_space<vmem>>) semaphore(%arg11 : memref<!tpu.dma_semaphore, #tpu.memory_space<semaphore_mem>>)
    %scan3A = arith.constant 0 : i32
    %scan3A_150 = arith.constant 0 : i32
    %scan3A_151 = arith.constant 27 : i32
    %scan3A_152 = arith.addi %scan3A_150, %scan3A_151 : i32
    %scan3A_153 = arith.constant 1 : i32
    scf.for %scan3A_163 = %scan3A_150 to %scan3A_152 step %scan3A_153  : i32 {
      %mul3A_164 = arith.constant 3 : i32
      %mul3A_165 = arith.muli %mul3A_164, %scan3A_163 : i32
      %add3A_166 = arith.constant 0 : i32
      %add3A_167 = arith.addi %mul3A_165, %add3A_166 : i32
      %add3A_168 = arith.constant 1 : i32
      %add3A_169 = arith.addi %add3A_167, %add3A_168 : i32
      %lt3A = arith.cmpi slt, %add3A_169, %sub3A_47 : i32
      %convert_element_type3A = arith.extui %lt3A : i1 to i32
      %cond3A = arith.constant 0 : i32
      %cond3A_170 = arith.cmpi ne, %convert_element_type3A, %cond3A : i32
      scf.if %cond3A_170 {
        %dma_wait3A_221 = arith.constant 1 : i32
        %dma_wait3A_222 = arith.constant 0 : i32
        %dma_wait3A_223 = tpu.memref_slice %arg7[%dma_wait3A_221, %dma_wait3A_222] : memref<3x128xi32, #tpu.memory_space<vmem>> -> memref<1x128xi32, #tpu.memory_space<vmem>>
        %dma_wait3A_224 = tpu.memref_squeeze %dma_wait3A_223 : memref<1x128xi32, #tpu.memory_space<vmem>> -> memref<128xi32, #tpu.memory_space<vmem>>
        %dma_wait3A_225 = arith.constant 0 : i32
        %dma_wait3A_226 = tpu.memref_slice %arg3[%dma_wait3A_225] : memref<320000xi32, #tpu.memory_space<hbm>> -> memref<128xi32, #tpu.memory_space<hbm>>
        %dma_wait3A_227 = arith.constant 0 : i32
        %dma_wait3A_228 = tpu.memref_slice %arg7[%dma_wait3A_221, %dma_wait3A_227] : memref<3x128xi32, #tpu.memory_space<vmem>> -> memref<1x128xi32, #tpu.memory_space<vmem>>
        %dma_wait3A_229 = tpu.memref_squeeze %dma_wait3A_228 : memref<1x128xi32, #tpu.memory_space<vmem>> -> memref<128xi32, #tpu.memory_space<vmem>>
        %dma_wait3A_230 = arith.constant 0 : i32
        %dma_wait3A_231 = tpu.memref_slice %arg3[%dma_wait3A_230] : memref<320000xi32, #tpu.memory_space<hbm>> -> memref<128xi32, #tpu.memory_space<hbm>>
        tpu.wait_dma2 semaphore(%arg15 : memref<!tpu.dma_semaphore, #tpu.memory_space<semaphore_mem>>) src(%dma_wait3A_231 : memref<128xi32, #tpu.memory_space<hbm>>) dst(%dma_wait3A_229 : memref<128xi32, #tpu.memory_space<vmem>>)
        %dma_wait3A_232 = arith.constant 1 : i32
        %dma_wait3A_233 = arith.constant 0 : i32
        %dma_wait3A_234 = tpu.memref_slice %arg8[%dma_wait3A_232, %dma_wait3A_233] : memref<3x128xi32, #tpu.memory_space<vmem>> -> memref<1x128xi32, #tpu.memory_space<vmem>>
        %dma_wait3A_235 = tpu.memref_squeeze %dma_wait3A_234 : memref<1x128xi32, #tpu.memory_space<vmem>> -> memref<128xi32, #tpu.memory_space<vmem>>
        %dma_wait3A_236 = arith.constant 0 : i32
        %dma_wait3A_237 = tpu.memref_slice %arg4[%dma_wait3A_236] : memref<320000xi32, #tpu.memory_space<hbm>> -> memref<128xi32, #tpu.memory_space<hbm>>
        %dma_wait3A_238 = arith.constant 0 : i32
        %dma_wait3A_239 = tpu.memref_slice %arg8[%dma_wait3A_232, %dma_wait3A_238] : memref<3x128xi32, #tpu.memory_space<vmem>> -> memref<1x128xi32, #tpu.memory_space<vmem>>
        %dma_wait3A_240 = tpu.memref_squeeze %dma_wait3A_239 : memref<1x128xi32, #tpu.memory_space<vmem>> -> memref<128xi32, #tpu.memory_space<vmem>>
        %dma_wait3A_241 = arith.constant 0 : i32
        %dma_wait3A_242 = tpu.memref_slice %arg4[%dma_wait3A_241] : memref<320000xi32, #tpu.memory_space<hbm>> -> memref<128xi32, #tpu.memory_space<hbm>>
        tpu.wait_dma2 semaphore(%arg15 : memref<!tpu.dma_semaphore, #tpu.memory_space<semaphore_mem>>) src(%dma_wait3A_242 : memref<128xi32, #tpu.memory_space<hbm>>) dst(%dma_wait3A_240 : memref<128xi32, #tpu.memory_space<vmem>>)
        %dma_start3A_243 = arith.constant 1 : i32
        %dma_start3A_244 = arith.constant 1 : i32
        %dma_start3A_245 = arith.constant 0 : i32
        %dma_start3A_246 = arith.constant 0 : i32
        %dma_start3A_247 = tpu.memref_slice %arg9[%dma_start3A_244, %dma_start3A_245, %dma_start3A_246] : memref<3x128x128xf32, #tpu.memory_space<vmem>> -> memref<1x128x128xf32, #tpu.memory_space<vmem>>
        %dma_start3A_248 = tpu.memref_squeeze %dma_start3A_247 : memref<1x128x128xf32, #tpu.memory_space<vmem>> -> memref<128x128xf32, #tpu.memory_space<vmem>>
        %dma_start3A_249 = arith.constant 0 : i32
        %dma_start3A_250 = tpu.memref_slice %arg7[%dma_start3A_243, %dma_start3A_249] : memref<3x128xi32, #tpu.memory_space<vmem>> -> memref<1x128xi32, #tpu.memory_space<vmem>>
        %dma_start3A_251 = tpu.memref_squeeze %dma_start3A_250 : memref<1x128xi32, #tpu.memory_space<vmem>> -> memref<128xi32, #tpu.memory_space<vmem>>
        %dma_start3A_252 = arith.constant 0 : i32
        %dma_start3A_253 = arith.constant 0 : i32
        %dma_start3A_254 = tpu.memref_slice %arg2[%dma_start3A_252, %dma_start3A_253] : memref<10000x128xf32, #tpu.memory_space<hbm>> -> memref<10000x128xf32, #tpu.memory_space<hbm>>
        tpu.enqueue_indirect_dma source(%dma_start3A_254 : memref<10000x128xf32, #tpu.memory_space<hbm>>) target(%dma_start3A_248 : memref<128x128xf32, #tpu.memory_space<vmem>>) offsets(%dma_start3A_251 : memref<128xi32, #tpu.memory_space<vmem>>) semaphore(%arg12 : memref<!tpu.dma_semaphore, #tpu.memory_space<semaphore_mem>>)
      } else {
      }
      %lt3A_171 = arith.cmpi slt, %add3A_167, %sub3A_47 : i32
      %convert_element_type3A_172 = arith.extui %lt3A_171 : i1 to i32
      %cond3A_173 = arith.constant 0 : i32
      %cond3A_174 = arith.cmpi ne, %convert_element_type3A_172, %cond3A_173 : i32
      scf.if %cond3A_174 {
        %dma_wait3A_221 = arith.constant 0 : i32
        %dma_wait3A_222 = arith.constant 0 : i32
        %dma_wait3A_223 = arith.constant 0 : i32
        %dma_wait3A_224 = arith.constant 0 : i32
        %dma_wait3A_225 = tpu.memref_slice %arg9[%dma_wait3A_222, %dma_wait3A_223, %dma_wait3A_224] : memref<3x128x128xf32, #tpu.memory_space<vmem>> -> memref<1x128x128xf32, #tpu.memory_space<vmem>>
        %dma_wait3A_226 = tpu.memref_squeeze %dma_wait3A_225 : memref<1x128x128xf32, #tpu.memory_space<vmem>> -> memref<128x128xf32, #tpu.memory_space<vmem>>
        %dma_wait3A_227 = arith.constant 0 : i32
        %dma_wait3A_228 = tpu.memref_slice %arg7[%dma_wait3A_221, %dma_wait3A_227] : memref<3x128xi32, #tpu.memory_space<vmem>> -> memref<1x128xi32, #tpu.memory_space<vmem>>
        %dma_wait3A_229 = tpu.memref_squeeze %dma_wait3A_228 : memref<1x128xi32, #tpu.memory_space<vmem>> -> memref<128xi32, #tpu.memory_space<vmem>>
        %dma_wait3A_230 = arith.constant 0 : i32
        %dma_wait3A_231 = arith.constant 0 : i32
        %dma_wait3A_232 = tpu.memref_slice %arg2[%dma_wait3A_230, %dma_wait3A_231] : memref<10000x128xf32, #tpu.memory_space<hbm>> -> memref<10000x128xf32, #tpu.memory_space<hbm>>
        tpu.wait_indirect_dma semaphore(%arg11 : memref<!tpu.dma_semaphore, #tpu.memory_space<semaphore_mem>>) src(%dma_wait3A_232 : memref<10000x128xf32, #tpu.memory_space<hbm>>) dst(%dma_wait3A_226 : memref<128x128xf32, #tpu.memory_space<vmem>>)
        %run_scoped3A = arith.constant 0 : i32
        %run_scoped3A_233 = arith.constant 0 : i32
        "tpu.region"() ({
          %run_scoped3A_234 = tpu.sem_alloc : memref<!tpu.dma_semaphore, #tpu.memory_space<semaphore_mem>>
          %dma_start3A_235 = arith.constant 0 : i32
          %dma_start3A_236 = arith.constant 0 : i32
          %dma_start3A_237 = tpu.memref_slice %arg9[%run_scoped3A, %dma_start3A_235, %dma_start3A_236] : memref<3x128x128xf32, #tpu.memory_space<vmem>> -> memref<1x128x128xf32, #tpu.memory_space<vmem>>
          %dma_start3A_238 = tpu.memref_squeeze %dma_start3A_237 : memref<1x128x128xf32, #tpu.memory_space<vmem>> -> memref<128x128xf32, #tpu.memory_space<vmem>>
          %dma_start3A_239 = arith.constant 0 : i32
          %dma_start3A_240 = tpu.memref_slice %arg8[%run_scoped3A_233, %dma_start3A_239] : memref<3x128xi32, #tpu.memory_space<vmem>> -> memref<1x128xi32, #tpu.memory_space<vmem>>
          %dma_start3A_241 = tpu.memref_squeeze %dma_start3A_240 : memref<1x128xi32, #tpu.memory_space<vmem>> -> memref<128xi32, #tpu.memory_space<vmem>>
          %dma_start3A_242 = arith.constant 0 : i32
          %dma_start3A_243 = arith.constant 0 : i32
          %dma_start3A_244 = tpu.memref_slice %arg10[%dma_start3A_242, %dma_start3A_243] : memref<10112x128xf32, #tpu.memory_space<vmem_shared>> -> memref<10112x128xf32, #tpu.memory_space<vmem_shared>>
          tpu.enqueue_indirect_dma source(%dma_start3A_238 : memref<128x128xf32, #tpu.memory_space<vmem>>) target(%dma_start3A_244 : memref<10112x128xf32, #tpu.memory_space<vmem_shared>>) offsets(%dma_start3A_241 : memref<128xi32, #tpu.memory_space<vmem>>) semaphore(%run_scoped3A_234 : memref<!tpu.dma_semaphore, #tpu.memory_space<semaphore_mem>>) {add = true}
          %dma_wait3A_245 = arith.constant 0 : i32
          %dma_wait3A_246 = arith.constant 0 : i32
          %dma_wait3A_247 = tpu.memref_slice %arg9[%run_scoped3A, %dma_wait3A_245, %dma_wait3A_246] : memref<3x128x128xf32, #tpu.memory_space<vmem>> -> memref<1x128x128xf32, #tpu.memory_space<vmem>>
          %dma_wait3A_248 = tpu.memref_squeeze %dma_wait3A_247 : memref<1x128x128xf32, #tpu.memory_space<vmem>> -> memref<128x128xf32, #tpu.memory_space<vmem>>
          %dma_wait3A_249 = arith.constant 0 : i32
          %dma_wait3A_250 = tpu.memref_slice %arg8[%run_scoped3A_233, %dma_wait3A_249] : memref<3x128xi32, #tpu.memory_space<vmem>> -> memref<1x128xi32, #tpu.memory_space<vmem>>
          %dma_wait3A_251 = tpu.memref_squeeze %dma_wait3A_250 : memref<1x128xi32, #tpu.memory_space<vmem>> -> memref<128xi32, #tpu.memory_space<vmem>>
          %dma_wait3A_252 = arith.constant 0 : i32
          %dma_wait3A_253 = arith.constant 0 : i32
          %dma_wait3A_254 = tpu.memref_slice %arg10[%dma_wait3A_252, %dma_wait3A_253] : memref<10112x128xf32, #tpu.memory_space<vmem_shared>> -> memref<10112x128xf32, #tpu.memory_space<vmem_shared>>
          tpu.wait_indirect_dma semaphore(%run_scoped3A_234 : memref<!tpu.dma_semaphore, #tpu.memory_space<semaphore_mem>>) src(%dma_wait3A_248 : memref<128x128xf32, #tpu.memory_space<vmem>>) dst(%dma_wait3A_254 : memref<10112x128xf32, #tpu.memory_space<vmem_shared>>)
          tpu.yield
        }) : () -> ()
      } else {
      }
      %add3A_175 = arith.constant 3 : i32
      %add3A_176 = arith.addi %add3A_167, %add3A_175 : i32
      %lt3A_177 = arith.cmpi slt, %add3A_176, %sub3A_47 : i32
      %convert_element_type3A_178 = arith.extui %lt3A_177 : i1 to i32
      %cond3A_179 = arith.constant 0 : i32
      %cond3A_180 = arith.cmpi ne, %convert_element_type3A_178, %cond3A_179 : i32
      scf.if %cond3A_180 {
        %add3A_221 = arith.constant 3 : i32
        %add3A_222 = arith.addi %add3A_167, %add3A_221 : i32
        %mul3A_223 = arith.constant 128 : i32
        %mul3A_224 = arith.muli %add3A_222, %mul3A_223 : i32
        %add3A_225 = arith.addi %mul3A_49, %mul3A_224 : i32
        %dma_start3A_226 = arith.constant 0 : i32
        %dma_start3A_227 = arith.constant 0 : i32
        %dma_start3A_228 = tpu.memref_slice %arg7[%dma_start3A_226, %dma_start3A_227] : memref<3x128xi32, #tpu.memory_space<vmem>> -> memref<1x128xi32, #tpu.memory_space<vmem>>
        %dma_start3A_229 = tpu.memref_squeeze %dma_start3A_228 : memref<1x128xi32, #tpu.memory_space<vmem>> -> memref<128xi32, #tpu.memory_space<vmem>>
        %dma_start3A_230 = tpu.memref_slice %arg3[%add3A_225] : memref<320000xi32, #tpu.memory_space<hbm>> -> memref<128xi32, #tpu.memory_space<hbm>>
        %dma_start3A_231 = arith.constant 0 : i32
        %dma_start3A_232 = tpu.memref_slice %arg7[%dma_start3A_226, %dma_start3A_231] : memref<3x128xi32, #tpu.memory_space<vmem>> -> memref<1x128xi32, #tpu.memory_space<vmem>>
        %dma_start3A_233 = tpu.memref_squeeze %dma_start3A_232 : memref<1x128xi32, #tpu.memory_space<vmem>> -> memref<128xi32, #tpu.memory_space<vmem>>
        %dma_start3A_234 = tpu.memref_slice %arg3[%add3A_225] : memref<320000xi32, #tpu.memory_space<hbm>> -> memref<128xi32, #tpu.memory_space<hbm>>
        tpu.enqueue_dma source(%dma_start3A_234 : memref<128xi32, #tpu.memory_space<hbm>>) target(%dma_start3A_233 : memref<128xi32, #tpu.memory_space<vmem>>) target_semaphore(%arg14 : memref<!tpu.dma_semaphore, #tpu.memory_space<semaphore_mem>>)
        %mul3A_235 = arith.constant 128 : i32
        %mul3A_236 = arith.muli %add3A_222, %mul3A_235 : i32
        %add3A_237 = arith.addi %mul3A_49, %mul3A_236 : i32
        %dma_start3A_238 = arith.constant 0 : i32
        %dma_start3A_239 = arith.constant 0 : i32
        %dma_start3A_240 = tpu.memref_slice %arg8[%dma_start3A_238, %dma_start3A_239] : memref<3x128xi32, #tpu.memory_space<vmem>> -> memref<1x128xi32, #tpu.memory_space<vmem>>
        %dma_start3A_241 = tpu.memref_squeeze %dma_start3A_240 : memref<1x128xi32, #tpu.memory_space<vmem>> -> memref<128xi32, #tpu.memory_space<vmem>>
        %dma_start3A_242 = tpu.memref_slice %arg4[%add3A_237] : memref<320000xi32, #tpu.memory_space<hbm>> -> memref<128xi32, #tpu.memory_space<hbm>>
        %dma_start3A_243 = arith.constant 0 : i32
        %dma_start3A_244 = tpu.memref_slice %arg8[%dma_start3A_238, %dma_start3A_243] : memref<3x128xi32, #tpu.memory_space<vmem>> -> memref<1x128xi32, #tpu.memory_space<vmem>>
        %dma_start3A_245 = tpu.memref_squeeze %dma_start3A_244 : memref<1x128xi32, #tpu.memory_space<vmem>> -> memref<128xi32, #tpu.memory_space<vmem>>
        %dma_start3A_246 = tpu.memref_slice %arg4[%add3A_237] : memref<320000xi32, #tpu.memory_space<hbm>> -> memref<128xi32, #tpu.memory_space<hbm>>
        tpu.enqueue_dma source(%dma_start3A_246 : memref<128xi32, #tpu.memory_space<hbm>>) target(%dma_start3A_245 : memref<128xi32, #tpu.memory_space<vmem>>) target_semaphore(%arg14 : memref<!tpu.dma_semaphore, #tpu.memory_space<semaphore_mem>>)
      } else {
      }
      %mul3A_181 = arith.constant 3 : i32
      %mul3A_182 = arith.muli %mul3A_181, %scan3A_163 : i32
      %add3A_183 = arith.constant 1 : i32
      %add3A_184 = arith.addi %mul3A_182, %add3A_183 : i32
      %add3A_185 = arith.constant 1 : i32
      %add3A_186 = arith.addi %add3A_184, %add3A_185 : i32
      %lt3A_187 = arith.cmpi slt, %add3A_186, %sub3A_47 : i32
      %convert_element_type3A_188 = arith.extui %lt3A_187 : i1 to i32
      %cond3A_189 = arith.constant 0 : i32
      %cond3A_190 = arith.cmpi ne, %convert_element_type3A_188, %cond3A_189 : i32
      scf.if %cond3A_190 {
        %dma_wait3A_221 = arith.constant 2 : i32
        %dma_wait3A_222 = arith.constant 0 : i32
        %dma_wait3A_223 = tpu.memref_slice %arg7[%dma_wait3A_221, %dma_wait3A_222] : memref<3x128xi32, #tpu.memory_space<vmem>> -> memref<1x128xi32, #tpu.memory_space<vmem>>
        %dma_wait3A_224 = tpu.memref_squeeze %dma_wait3A_223 : memref<1x128xi32, #tpu.memory_space<vmem>> -> memref<128xi32, #tpu.memory_space<vmem>>
        %dma_wait3A_225 = arith.constant 0 : i32
        %dma_wait3A_226 = tpu.memref_slice %arg3[%dma_wait3A_225] : memref<320000xi32, #tpu.memory_space<hbm>> -> memref<128xi32, #tpu.memory_space<hbm>>
        %dma_wait3A_227 = arith.constant 0 : i32
        %dma_wait3A_228 = tpu.memref_slice %arg7[%dma_wait3A_221, %dma_wait3A_227] : memref<3x128xi32, #tpu.memory_space<vmem>> -> memref<1x128xi32, #tpu.memory_space<vmem>>
        %dma_wait3A_229 = tpu.memref_squeeze %dma_wait3A_228 : memref<1x128xi32, #tpu.memory_space<vmem>> -> memref<128xi32, #tpu.memory_space<vmem>>
        %dma_wait3A_230 = arith.constant 0 : i32
        %dma_wait3A_231 = tpu.memref_slice %arg3[%dma_wait3A_230] : memref<320000xi32, #tpu.memory_space<hbm>> -> memref<128xi32, #tpu.memory_space<hbm>>
        tpu.wait_dma2 semaphore(%arg16 : memref<!tpu.dma_semaphore, #tpu.memory_space<semaphore_mem>>) src(%dma_wait3A_231 : memref<128xi32, #tpu.memory_space<hbm>>) dst(%dma_wait3A_229 : memref<128xi32, #tpu.memory_space<vmem>>)
        %dma_wait3A_232 = arith.constant 2 : i32
        %dma_wait3A_233 = arith.constant 0 : i32
        %dma_wait3A_234 = tpu.memref_slice %arg8[%dma_wait3A_232, %dma_wait3A_233] : memref<3x128xi32, #tpu.memory_space<vmem>> -> memref<1x128xi32, #tpu.memory_space<vmem>>
        %dma_wait3A_235 = tpu.memref_squeeze %dma_wait3A_234 : memref<1x128xi32, #tpu.memory_space<vmem>> -> memref<128xi32, #tpu.memory_space<vmem>>
        %dma_wait3A_236 = arith.constant 0 : i32
        %dma_wait3A_237 = tpu.memref_slice %arg4[%dma_wait3A_236] : memref<320000xi32, #tpu.memory_space<hbm>> -> memref<128xi32, #tpu.memory_space<hbm>>
        %dma_wait3A_238 = arith.constant 0 : i32
        %dma_wait3A_239 = tpu.memref_slice %arg8[%dma_wait3A_232, %dma_wait3A_238] : memref<3x128xi32, #tpu.memory_space<vmem>> -> memref<1x128xi32, #tpu.memory_space<vmem>>
        %dma_wait3A_240 = tpu.memref_squeeze %dma_wait3A_239 : memref<1x128xi32, #tpu.memory_space<vmem>> -> memref<128xi32, #tpu.memory_space<vmem>>
        %dma_wait3A_241 = arith.constant 0 : i32
        %dma_wait3A_242 = tpu.memref_slice %arg4[%dma_wait3A_241] : memref<320000xi32, #tpu.memory_space<hbm>> -> memref<128xi32, #tpu.memory_space<hbm>>
        tpu.wait_dma2 semaphore(%arg16 : memref<!tpu.dma_semaphore, #tpu.memory_space<semaphore_mem>>) src(%dma_wait3A_242 : memref<128xi32, #tpu.memory_space<hbm>>) dst(%dma_wait3A_240 : memref<128xi32, #tpu.memory_space<vmem>>)
        %dma_start3A_243 = arith.constant 2 : i32
        %dma_start3A_244 = arith.constant 2 : i32
        %dma_start3A_245 = arith.constant 0 : i32
        %dma_start3A_246 = arith.constant 0 : i32
        %dma_start3A_247 = tpu.memref_slice %arg9[%dma_start3A_244, %dma_start3A_245, %dma_start3A_246] : memref<3x128x128xf32, #tpu.memory_space<vmem>> -> memref<1x128x128xf32, #tpu.memory_space<vmem>>
        %dma_start3A_248 = tpu.memref_squeeze %dma_start3A_247 : memref<1x128x128xf32, #tpu.memory_space<vmem>> -> memref<128x128xf32, #tpu.memory_space<vmem>>
        %dma_start3A_249 = arith.constant 0 : i32
        %dma_start3A_250 = tpu.memref_slice %arg7[%dma_start3A_243, %dma_start3A_249] : memref<3x128xi32, #tpu.memory_space<vmem>> -> memref<1x128xi32, #tpu.memory_space<vmem>>
        %dma_start3A_251 = tpu.memref_squeeze %dma_start3A_250 : memref<1x128xi32, #tpu.memory_space<vmem>> -> memref<128xi32, #tpu.memory_space<vmem>>
        %dma_start3A_252 = arith.constant 0 : i32
        %dma_start3A_253 = arith.constant 0 : i32
        %dma_start3A_254 = tpu.memref_slice %arg2[%dma_start3A_252, %dma_start3A_253] : memref<10000x128xf32, #tpu.memory_space<hbm>> -> memref<10000x128xf32, #tpu.memory_space<hbm>>
        tpu.enqueue_indirect_dma source(%dma_start3A_254 : memref<10000x128xf32, #tpu.memory_space<hbm>>) target(%dma_start3A_248 : memref<128x128xf32, #tpu.memory_space<vmem>>) offsets(%dma_start3A_251 : memref<128xi32, #tpu.memory_space<vmem>>) semaphore(%arg13 : memref<!tpu.dma_semaphore, #tpu.memory_space<semaphore_mem>>)
      } else {
      }
      %lt3A_191 = arith.cmpi slt, %add3A_184, %sub3A_47 : i32
      %convert_element_type3A_192 = arith.extui %lt3A_191 : i1 to i32
      %cond3A_193 = arith.constant 0 : i32
      %cond3A_194 = arith.cmpi ne, %convert_element_type3A_192, %cond3A_193 : i32
      scf.if %cond3A_194 {
        %dma_wait3A_221 = arith.constant 0 : i32
        %dma_wait3A_222 = arith.constant 1 : i32
        %dma_wait3A_223 = arith.constant 0 : i32
        %dma_wait3A_224 = arith.constant 0 : i32
        %dma_wait3A_225 = tpu.memref_slice %arg9[%dma_wait3A_222, %dma_wait3A_223, %dma_wait3A_224] : memref<3x128x128xf32, #tpu.memory_space<vmem>> -> memref<1x128x128xf32, #tpu.memory_space<vmem>>
        %dma_wait3A_226 = tpu.memref_squeeze %dma_wait3A_225 : memref<1x128x128xf32, #tpu.memory_space<vmem>> -> memref<128x128xf32, #tpu.memory_space<vmem>>
        %dma_wait3A_227 = arith.constant 0 : i32
        %dma_wait3A_228 = tpu.memref_slice %arg7[%dma_wait3A_221, %dma_wait3A_227] : memref<3x128xi32, #tpu.memory_space<vmem>> -> memref<1x128xi32, #tpu.memory_space<vmem>>
        %dma_wait3A_229 = tpu.memref_squeeze %dma_wait3A_228 : memref<1x128xi32, #tpu.memory_space<vmem>> -> memref<128xi32, #tpu.memory_space<vmem>>
        %dma_wait3A_230 = arith.constant 0 : i32
        %dma_wait3A_231 = arith.constant 0 : i32
        %dma_wait3A_232 = tpu.memref_slice %arg2[%dma_wait3A_230, %dma_wait3A_231] : memref<10000x128xf32, #tpu.memory_space<hbm>> -> memref<10000x128xf32, #tpu.memory_space<hbm>>
        tpu.wait_indirect_dma semaphore(%arg12 : memref<!tpu.dma_semaphore, #tpu.memory_space<semaphore_mem>>) src(%dma_wait3A_232 : memref<10000x128xf32, #tpu.memory_space<hbm>>) dst(%dma_wait3A_226 : memref<128x128xf32, #tpu.memory_space<vmem>>)
        %run_scoped3A = arith.constant 1 : i32
        %run_scoped3A_233 = arith.constant 1 : i32
        "tpu.region"() ({
          %run_scoped3A_234 = tpu.sem_alloc : memref<!tpu.dma_semaphore, #tpu.memory_space<semaphore_mem>>
          %dma_start3A_235 = arith.constant 0 : i32
          %dma_start3A_236 = arith.constant 0 : i32
          %dma_start3A_237 = tpu.memref_slice %arg9[%run_scoped3A, %dma_start3A_235, %dma_start3A_236] : memref<3x128x128xf32, #tpu.memory_space<vmem>> -> memref<1x128x128xf32, #tpu.memory_space<vmem>>
          %dma_start3A_238 = tpu.memref_squeeze %dma_start3A_237 : memref<1x128x128xf32, #tpu.memory_space<vmem>> -> memref<128x128xf32, #tpu.memory_space<vmem>>
          %dma_start3A_239 = arith.constant 0 : i32
          %dma_start3A_240 = tpu.memref_slice %arg8[%run_scoped3A_233, %dma_start3A_239] : memref<3x128xi32, #tpu.memory_space<vmem>> -> memref<1x128xi32, #tpu.memory_space<vmem>>
          %dma_start3A_241 = tpu.memref_squeeze %dma_start3A_240 : memref<1x128xi32, #tpu.memory_space<vmem>> -> memref<128xi32, #tpu.memory_space<vmem>>
          %dma_start3A_242 = arith.constant 0 : i32
          %dma_start3A_243 = arith.constant 0 : i32
          %dma_start3A_244 = tpu.memref_slice %arg10[%dma_start3A_242, %dma_start3A_243] : memref<10112x128xf32, #tpu.memory_space<vmem_shared>> -> memref<10112x128xf32, #tpu.memory_space<vmem_shared>>
          tpu.enqueue_indirect_dma source(%dma_start3A_238 : memref<128x128xf32, #tpu.memory_space<vmem>>) target(%dma_start3A_244 : memref<10112x128xf32, #tpu.memory_space<vmem_shared>>) offsets(%dma_start3A_241 : memref<128xi32, #tpu.memory_space<vmem>>) semaphore(%run_scoped3A_234 : memref<!tpu.dma_semaphore, #tpu.memory_space<semaphore_mem>>) {add = true}
          %dma_wait3A_245 = arith.constant 0 : i32
          %dma_wait3A_246 = arith.constant 0 : i32
          %dma_wait3A_247 = tpu.memref_slice %arg9[%run_scoped3A, %dma_wait3A_245, %dma_wait3A_246] : memref<3x128x128xf32, #tpu.memory_space<vmem>> -> memref<1x128x128xf32, #tpu.memory_space<vmem>>
          %dma_wait3A_248 = tpu.memref_squeeze %dma_wait3A_247 : memref<1x128x128xf32, #tpu.memory_space<vmem>> -> memref<128x128xf32, #tpu.memory_space<vmem>>
          %dma_wait3A_249 = arith.constant 0 : i32
          %dma_wait3A_250 = tpu.memref_slice %arg8[%run_scoped3A_233, %dma_wait3A_249] : memref<3x128xi32, #tpu.memory_space<vmem>> -> memref<1x128xi32, #tpu.memory_space<vmem>>
          %dma_wait3A_251 = tpu.memref_squeeze %dma_wait3A_250 : memref<1x128xi32, #tpu.memory_space<vmem>> -> memref<128xi32, #tpu.memory_space<vmem>>
          %dma_wait3A_252 = arith.constant 0 : i32
          %dma_wait3A_253 = arith.constant 0 : i32
          %dma_wait3A_254 = tpu.memref_slice %arg10[%dma_wait3A_252, %dma_wait3A_253] : memref<10112x128xf32, #tpu.memory_space<vmem_shared>> -> memref<10112x128xf32, #tpu.memory_space<vmem_shared>>
          tpu.wait_indirect_dma semaphore(%run_scoped3A_234 : memref<!tpu.dma_semaphore, #tpu.memory_space<semaphore_mem>>) src(%dma_wait3A_248 : memref<128x128xf32, #tpu.memory_space<vmem>>) dst(%dma_wait3A_254 : memref<10112x128xf32, #tpu.memory_space<vmem_shared>>)
          tpu.yield
        }) : () -> ()
      } else {
      }
      %add3A_195 = arith.constant 3 : i32
      %add3A_196 = arith.addi %add3A_184, %add3A_195 : i32
      %lt3A_197 = arith.cmpi slt, %add3A_196, %sub3A_47 : i32
      %convert_element_type3A_198 = arith.extui %lt3A_197 : i1 to i32
      %cond3A_199 = arith.constant 0 : i32
      %cond3A_200 = arith.cmpi ne, %convert_element_type3A_198, %cond3A_199 : i32
      scf.if %cond3A_200 {
        %add3A_221 = arith.constant 3 : i32
        %add3A_222 = arith.addi %add3A_184, %add3A_221 : i32
        %mul3A_223 = arith.constant 128 : i32
        %mul3A_224 = arith.muli %add3A_222, %mul3A_223 : i32
        %add3A_225 = arith.addi %mul3A_49, %mul3A_224 : i32
        %dma_start3A_226 = arith.constant 1 : i32
        %dma_start3A_227 = arith.constant 0 : i32
        %dma_start3A_228 = tpu.memref_slice %arg7[%dma_start3A_226, %dma_start3A_227] : memref<3x128xi32, #tpu.memory_space<vmem>> -> memref<1x128xi32, #tpu.memory_space<vmem>>
        %dma_start3A_229 = tpu.memref_squeeze %dma_start3A_228 : memref<1x128xi32, #tpu.memory_space<vmem>> -> memref<128xi32, #tpu.memory_space<vmem>>
        %dma_start3A_230 = tpu.memref_slice %arg3[%add3A_225] : memref<320000xi32, #tpu.memory_space<hbm>> -> memref<128xi32, #tpu.memory_space<hbm>>
        %dma_start3A_231 = arith.constant 0 : i32
        %dma_start3A_232 = tpu.memref_slice %arg7[%dma_start3A_226, %dma_start3A_231] : memref<3x128xi32, #tpu.memory_space<vmem>> -> memref<1x128xi32, #tpu.memory_space<vmem>>
        %dma_start3A_233 = tpu.memref_squeeze %dma_start3A_232 : memref<1x128xi32, #tpu.memory_space<vmem>> -> memref<128xi32, #tpu.memory_space<vmem>>
        %dma_start3A_234 = tpu.memref_slice %arg3[%add3A_225] : memref<320000xi32, #tpu.memory_space<hbm>> -> memref<128xi32, #tpu.memory_space<hbm>>
        tpu.enqueue_dma source(%dma_start3A_234 : memref<128xi32, #tpu.memory_space<hbm>>) target(%dma_start3A_233 : memref<128xi32, #tpu.memory_space<vmem>>) target_semaphore(%arg15 : memref<!tpu.dma_semaphore, #tpu.memory_space<semaphore_mem>>)
        %mul3A_235 = arith.constant 128 : i32
        %mul3A_236 = arith.muli %add3A_222, %mul3A_235 : i32
        %add3A_237 = arith.addi %mul3A_49, %mul3A_236 : i32
        %dma_start3A_238 = arith.constant 1 : i32
        %dma_start3A_239 = arith.constant 0 : i32
        %dma_start3A_240 = tpu.memref_slice %arg8[%dma_start3A_238, %dma_start3A_239] : memref<3x128xi32, #tpu.memory_space<vmem>> -> memref<1x128xi32, #tpu.memory_space<vmem>>
        %dma_start3A_241 = tpu.memref_squeeze %dma_start3A_240 : memref<1x128xi32, #tpu.memory_space<vmem>> -> memref<128xi32, #tpu.memory_space<vmem>>
        %dma_start3A_242 = tpu.memref_slice %arg4[%add3A_237] : memref<320000xi32, #tpu.memory_space<hbm>> -> memref<128xi32, #tpu.memory_space<hbm>>
        %dma_start3A_243 = arith.constant 0 : i32
        %dma_start3A_244 = tpu.memref_slice %arg8[%dma_start3A_238, %dma_start3A_243] : memref<3x128xi32, #tpu.memory_space<vmem>> -> memref<1x128xi32, #tpu.memory_space<vmem>>
        %dma_start3A_245 = tpu.memref_squeeze %dma_start3A_244 : memref<1x128xi32, #tpu.memory_space<vmem>> -> memref<128xi32, #tpu.memory_space<vmem>>
        %dma_start3A_246 = tpu.memref_slice %arg4[%add3A_237] : memref<320000xi32, #tpu.memory_space<hbm>> -> memref<128xi32, #tpu.memory_space<hbm>>
        tpu.enqueue_dma source(%dma_start3A_246 : memref<128xi32, #tpu.memory_space<hbm>>) target(%dma_start3A_245 : memref<128xi32, #tpu.memory_space<vmem>>) target_semaphore(%arg15 : memref<!tpu.dma_semaphore, #tpu.memory_space<semaphore_mem>>)
      } else {
      }
      %mul3A_201 = arith.constant 3 : i32
      %mul3A_202 = arith.muli %mul3A_201, %scan3A_163 : i32
      %add3A_203 = arith.constant 2 : i32
      %add3A_204 = arith.addi %mul3A_202, %add3A_203 : i32
      %add3A_205 = arith.constant 1 : i32
      %add3A_206 = arith.addi %add3A_204, %add3A_205 : i32
      %lt3A_207 = arith.cmpi slt, %add3A_206, %sub3A_47 : i32
      %convert_element_type3A_208 = arith.extui %lt3A_207 : i1 to i32
      %cond3A_209 = arith.constant 0 : i32
      %cond3A_210 = arith.cmpi ne, %convert_element_type3A_208, %cond3A_209 : i32
      scf.if %cond3A_210 {
        %dma_wait3A_221 = arith.constant 0 : i32
        %dma_wait3A_222 = arith.constant 0 : i32
        %dma_wait3A_223 = tpu.memref_slice %arg7[%dma_wait3A_221, %dma_wait3A_222] : memref<3x128xi32, #tpu.memory_space<vmem>> -> memref<1x128xi32, #tpu.memory_space<vmem>>
        %dma_wait3A_224 = tpu.memref_squeeze %dma_wait3A_223 : memref<1x128xi32, #tpu.memory_space<vmem>> -> memref<128xi32, #tpu.memory_space<vmem>>
        %dma_wait3A_225 = arith.constant 0 : i32
        %dma_wait3A_226 = tpu.memref_slice %arg3[%dma_wait3A_225] : memref<320000xi32, #tpu.memory_space<hbm>> -> memref<128xi32, #tpu.memory_space<hbm>>
        %dma_wait3A_227 = arith.constant 0 : i32
        %dma_wait3A_228 = tpu.memref_slice %arg7[%dma_wait3A_221, %dma_wait3A_227] : memref<3x128xi32, #tpu.memory_space<vmem>> -> memref<1x128xi32, #tpu.memory_space<vmem>>
        %dma_wait3A_229 = tpu.memref_squeeze %dma_wait3A_228 : memref<1x128xi32, #tpu.memory_space<vmem>> -> memref<128xi32, #tpu.memory_space<vmem>>
        %dma_wait3A_230 = arith.constant 0 : i32
        %dma_wait3A_231 = tpu.memref_slice %arg3[%dma_wait3A_230] : memref<320000xi32, #tpu.memory_space<hbm>> -> memref<128xi32, #tpu.memory_space<hbm>>
        tpu.wait_dma2 semaphore(%arg14 : memref<!tpu.dma_semaphore, #tpu.memory_space<semaphore_mem>>) src(%dma_wait3A_231 : memref<128xi32, #tpu.memory_space<hbm>>) dst(%dma_wait3A_229 : memref<128xi32, #tpu.memory_space<vmem>>)
        %dma_wait3A_232 = arith.constant 0 : i32
        %dma_wait3A_233 = arith.constant 0 : i32
        %dma_wait3A_234 = tpu.memref_slice %arg8[%dma_wait3A_232, %dma_wait3A_233] : memref<3x128xi32, #tpu.memory_space<vmem>> -> memref<1x128xi32, #tpu.memory_space<vmem>>
        %dma_wait3A_235 = tpu.memref_squeeze %dma_wait3A_234 : memref<1x128xi32, #tpu.memory_space<vmem>> -> memref<128xi32, #tpu.memory_space<vmem>>
        %dma_wait3A_236 = arith.constant 0 : i32
        %dma_wait3A_237 = tpu.memref_slice %arg4[%dma_wait3A_236] : memref<320000xi32, #tpu.memory_space<hbm>> -> memref<128xi32, #tpu.memory_space<hbm>>
        %dma_wait3A_238 = arith.constant 0 : i32
        %dma_wait3A_239 = tpu.memref_slice %arg8[%dma_wait3A_232, %dma_wait3A_238] : memref<3x128xi32, #tpu.memory_space<vmem>> -> memref<1x128xi32, #tpu.memory_space<vmem>>
        %dma_wait3A_240 = tpu.memref_squeeze %dma_wait3A_239 : memref<1x128xi32, #tpu.memory_space<vmem>> -> memref<128xi32, #tpu.memory_space<vmem>>
        %dma_wait3A_241 = arith.constant 0 : i32
        %dma_wait3A_242 = tpu.memref_slice %arg4[%dma_wait3A_241] : memref<320000xi32, #tpu.memory_space<hbm>> -> memref<128xi32, #tpu.memory_space<hbm>>
        tpu.wait_dma2 semaphore(%arg14 : memref<!tpu.dma_semaphore, #tpu.memory_space<semaphore_mem>>) src(%dma_wait3A_242 : memref<128xi32, #tpu.memory_space<hbm>>) dst(%dma_wait3A_240 : memref<128xi32, #tpu.memory_space<vmem>>)
        %dma_start3A_243 = arith.constant 0 : i32
        %dma_start3A_244 = arith.constant 0 : i32
        %dma_start3A_245 = arith.constant 0 : i32
        %dma_start3A_246 = arith.constant 0 : i32
        %dma_start3A_247 = tpu.memref_slice %arg9[%dma_start3A_244, %dma_start3A_245, %dma_start3A_246] : memref<3x128x128xf32, #tpu.memory_space<vmem>> -> memref<1x128x128xf32, #tpu.memory_space<vmem>>
        %dma_start3A_248 = tpu.memref_squeeze %dma_start3A_247 : memref<1x128x128xf32, #tpu.memory_space<vmem>> -> memref<128x128xf32, #tpu.memory_space<vmem>>
        %dma_start3A_249 = arith.constant 0 : i32
        %dma_start3A_250 = tpu.memref_slice %arg7[%dma_start3A_243, %dma_start3A_249] : memref<3x128xi32, #tpu.memory_space<vmem>> -> memref<1x128xi32, #tpu.memory_space<vmem>>
        %dma_start3A_251 = tpu.memref_squeeze %dma_start3A_250 : memref<1x128xi32, #tpu.memory_space<vmem>> -> memref<128xi32, #tpu.memory_space<vmem>>
        %dma_start3A_252 = arith.constant 0 : i32
        %dma_start3A_253 = arith.constant 0 : i32
        %dma_start3A_254 = tpu.memref_slice %arg2[%dma_start3A_252, %dma_start3A_253] : memref<10000x128xf32, #tpu.memory_space<hbm>> -> memref<10000x128xf32, #tpu.memory_space<hbm>>
        tpu.enqueue_indirect_dma source(%dma_start3A_254 : memref<10000x128xf32, #tpu.memory_space<hbm>>) target(%dma_start3A_248 : memref<128x128xf32, #tpu.memory_space<vmem>>) offsets(%dma_start3A_251 : memref<128xi32, #tpu.memory_space<vmem>>) semaphore(%arg11 : memref<!tpu.dma_semaphore, #tpu.memory_space<semaphore_mem>>)
      } else {
      }
      %lt3A_211 = arith.cmpi slt, %add3A_204, %sub3A_47 : i32
      %convert_element_type3A_212 = arith.extui %lt3A_211 : i1 to i32
      %cond3A_213 = arith.constant 0 : i32
      %cond3A_214 = arith.cmpi ne, %convert_element_type3A_212, %cond3A_213 : i32
      scf.if %cond3A_214 {
        %dma_wait3A_221 = arith.constant 0 : i32
        %dma_wait3A_222 = arith.constant 2 : i32
        %dma_wait3A_223 = arith.constant 0 : i32
        %dma_wait3A_224 = arith.constant 0 : i32
        %dma_wait3A_225 = tpu.memref_slice %arg9[%dma_wait3A_222, %dma_wait3A_223, %dma_wait3A_224] : memref<3x128x128xf32, #tpu.memory_space<vmem>> -> memref<1x128x128xf32, #tpu.memory_space<vmem>>
        %dma_wait3A_226 = tpu.memref_squeeze %dma_wait3A_225 : memref<1x128x128xf32, #tpu.memory_space<vmem>> -> memref<128x128xf32, #tpu.memory_space<vmem>>
        %dma_wait3A_227 = arith.constant 0 : i32
        %dma_wait3A_228 = tpu.memref_slice %arg7[%dma_wait3A_221, %dma_wait3A_227] : memref<3x128xi32, #tpu.memory_space<vmem>> -> memref<1x128xi32, #tpu.memory_space<vmem>>
        %dma_wait3A_229 = tpu.memref_squeeze %dma_wait3A_228 : memref<1x128xi32, #tpu.memory_space<vmem>> -> memref<128xi32, #tpu.memory_space<vmem>>
        %dma_wait3A_230 = arith.constant 0 : i32
        %dma_wait3A_231 = arith.constant 0 : i32
        %dma_wait3A_232 = tpu.memref_slice %arg2[%dma_wait3A_230, %dma_wait3A_231] : memref<10000x128xf32, #tpu.memory_space<hbm>> -> memref<10000x128xf32, #tpu.memory_space<hbm>>
        tpu.wait_indirect_dma semaphore(%arg13 : memref<!tpu.dma_semaphore, #tpu.memory_space<semaphore_mem>>) src(%dma_wait3A_232 : memref<10000x128xf32, #tpu.memory_space<hbm>>) dst(%dma_wait3A_226 : memref<128x128xf32, #tpu.memory_space<vmem>>)
        %run_scoped3A = arith.constant 2 : i32
        %run_scoped3A_233 = arith.constant 2 : i32
        "tpu.region"() ({
          %run_scoped3A_234 = tpu.sem_alloc : memref<!tpu.dma_semaphore, #tpu.memory_space<semaphore_mem>>
          %dma_start3A_235 = arith.constant 0 : i32
          %dma_start3A_236 = arith.constant 0 : i32
          %dma_start3A_237 = tpu.memref_slice %arg9[%run_scoped3A, %dma_start3A_235, %dma_start3A_236] : memref<3x128x128xf32, #tpu.memory_space<vmem>> -> memref<1x128x128xf32, #tpu.memory_space<vmem>>
          %dma_start3A_238 = tpu.memref_squeeze %dma_start3A_237 : memref<1x128x128xf32, #tpu.memory_space<vmem>> -> memref<128x128xf32, #tpu.memory_space<vmem>>
          %dma_start3A_239 = arith.constant 0 : i32
          %dma_start3A_240 = tpu.memref_slice %arg8[%run_scoped3A_233, %dma_start3A_239] : memref<3x128xi32, #tpu.memory_space<vmem>> -> memref<1x128xi32, #tpu.memory_space<vmem>>
          %dma_start3A_241 = tpu.memref_squeeze %dma_start3A_240 : memref<1x128xi32, #tpu.memory_space<vmem>> -> memref<128xi32, #tpu.memory_space<vmem>>
          %dma_start3A_242 = arith.constant 0 : i32
          %dma_start3A_243 = arith.constant 0 : i32
          %dma_start3A_244 = tpu.memref_slice %arg10[%dma_start3A_242, %dma_start3A_243] : memref<10112x128xf32, #tpu.memory_space<vmem_shared>> -> memref<10112x128xf32, #tpu.memory_space<vmem_shared>>
          tpu.enqueue_indirect_dma source(%dma_start3A_238 : memref<128x128xf32, #tpu.memory_space<vmem>>) target(%dma_start3A_244 : memref<10112x128xf32, #tpu.memory_space<vmem_shared>>) offsets(%dma_start3A_241 : memref<128xi32, #tpu.memory_space<vmem>>) semaphore(%run_scoped3A_234 : memref<!tpu.dma_semaphore, #tpu.memory_space<semaphore_mem>>) {add = true}
          %dma_wait3A_245 = arith.constant 0 : i32
          %dma_wait3A_246 = arith.constant 0 : i32
          %dma_wait3A_247 = tpu.memref_slice %arg9[%run_scoped3A, %dma_wait3A_245, %dma_wait3A_246] : memref<3x128x128xf32, #tpu.memory_space<vmem>> -> memref<1x128x128xf32, #tpu.memory_space<vmem>>
          %dma_wait3A_248 = tpu.memref_squeeze %dma_wait3A_247 : memref<1x128x128xf32, #tpu.memory_space<vmem>> -> memref<128x128xf32, #tpu.memory_space<vmem>>
          %dma_wait3A_249 = arith.constant 0 : i32
          %dma_wait3A_250 = tpu.memref_slice %arg8[%run_scoped3A_233, %dma_wait3A_249] : memref<3x128xi32, #tpu.memory_space<vmem>> -> memref<1x128xi32, #tpu.memory_space<vmem>>
          %dma_wait3A_251 = tpu.memref_squeeze %dma_wait3A_250 : memref<1x128xi32, #tpu.memory_space<vmem>> -> memref<128xi32, #tpu.memory_space<vmem>>
          %dma_wait3A_252 = arith.constant 0 : i32
          %dma_wait3A_253 = arith.constant 0 : i32
          %dma_wait3A_254 = tpu.memref_slice %arg10[%dma_wait3A_252, %dma_wait3A_253] : memref<10112x128xf32, #tpu.memory_space<vmem_shared>> -> memref<10112x128xf32, #tpu.memory_space<vmem_shared>>
          tpu.wait_indirect_dma semaphore(%run_scoped3A_234 : memref<!tpu.dma_semaphore, #tpu.memory_space<semaphore_mem>>) src(%dma_wait3A_248 : memref<128x128xf32, #tpu.memory_space<vmem>>) dst(%dma_wait3A_254 : memref<10112x128xf32, #tpu.memory_space<vmem_shared>>)
          tpu.yield
        }) : () -> ()
      } else {
      }
      %add3A_215 = arith.constant 3 : i32
      %add3A_216 = arith.addi %add3A_204, %add3A_215 : i32
      %lt3A_217 = arith.cmpi slt, %add3A_216, %sub3A_47 : i32
      %convert_element_type3A_218 = arith.extui %lt3A_217 : i1 to i32
      %cond3A_219 = arith.constant 0 : i32
      %cond3A_220 = arith.cmpi ne, %convert_element_type3A_218, %cond3A_219 : i32
      scf.if %cond3A_220 {
        %add3A_221 = arith.constant 3 : i32
        %add3A_222 = arith.addi %add3A_204, %add3A_221 : i32
        %mul3A_223 = arith.constant 128 : i32
        %mul3A_224 = arith.muli %add3A_222, %mul3A_223 : i32
        %add3A_225 = arith.addi %mul3A_49, %mul3A_224 : i32
        %dma_start3A_226 = arith.constant 2 : i32
        %dma_start3A_227 = arith.constant 0 : i32
        %dma_start3A_228 = tpu.memref_slice %arg7[%dma_start3A_226, %dma_start3A_227] : memref<3x128xi32, #tpu.memory_space<vmem>> -> memref<1x128xi32, #tpu.memory_space<vmem>>
        %dma_start3A_229 = tpu.memref_squeeze %dma_start3A_228 : memref<1x128xi32, #tpu.memory_space<vmem>> -> memref<128xi32, #tpu.memory_space<vmem>>
        %dma_start3A_230 = tpu.memref_slice %arg3[%add3A_225] : memref<320000xi32, #tpu.memory_space<hbm>> -> memref<128xi32, #tpu.memory_space<hbm>>
        %dma_start3A_231 = arith.constant 0 : i32
        %dma_start3A_232 = tpu.memref_slice %arg7[%dma_start3A_226, %dma_start3A_231] : memref<3x128xi32, #tpu.memory_space<vmem>> -> memref<1x128xi32, #tpu.memory_space<vmem>>
        %dma_start3A_233 = tpu.memref_squeeze %dma_start3A_232 : memref<1x128xi32, #tpu.memory_space<vmem>> -> memref<128xi32, #tpu.memory_space<vmem>>
        %dma_start3A_234 = tpu.memref_slice %arg3[%add3A_225] : memref<320000xi32, #tpu.memory_space<hbm>> -> memref<128xi32, #tpu.memory_space<hbm>>
        tpu.enqueue_dma source(%dma_start3A_234 : memref<128xi32, #tpu.memory_space<hbm>>) target(%dma_start3A_233 : memref<128xi32, #tpu.memory_space<vmem>>) target_semaphore(%arg16 : memref<!tpu.dma_semaphore, #tpu.memory_space<semaphore_mem>>)
        %mul3A_235 = arith.constant 128 : i32
        %mul3A_236 = arith.muli %add3A_222, %mul3A_235 : i32
        %add3A_237 = arith.addi %mul3A_49, %mul3A_236 : i32
        %dma_start3A_238 = arith.constant 2 : i32
        %dma_start3A_239 = arith.constant 0 : i32
        %dma_start3A_240 = tpu.memref_slice %arg8[%dma_start3A_238, %dma_start3A_239] : memref<3x128xi32, #tpu.memory_space<vmem>> -> memref<1x128xi32, #tpu.memory_space<vmem>>
        %dma_start3A_241 = tpu.memref_squeeze %dma_start3A_240 : memref<1x128xi32, #tpu.memory_space<vmem>> -> memref<128xi32, #tpu.memory_space<vmem>>
        %dma_start3A_242 = tpu.memref_slice %arg4[%add3A_237] : memref<320000xi32, #tpu.memory_space<hbm>> -> memref<128xi32, #tpu.memory_space<hbm>>
        %dma_start3A_243 = arith.constant 0 : i32
        %dma_start3A_244 = tpu.memref_slice %arg8[%dma_start3A_238, %dma_start3A_243] : memref<3x128xi32, #tpu.memory_space<vmem>> -> memref<1x128xi32, #tpu.memory_space<vmem>>
        %dma_start3A_245 = tpu.memref_squeeze %dma_start3A_244 : memref<1x128xi32, #tpu.memory_space<vmem>> -> memref<128xi32, #tpu.memory_space<vmem>>
        %dma_start3A_246 = tpu.memref_slice %arg4[%add3A_237] : memref<320000xi32, #tpu.memory_space<hbm>> -> memref<128xi32, #tpu.memory_space<hbm>>
        tpu.enqueue_dma source(%dma_start3A_246 : memref<128xi32, #tpu.memory_space<hbm>>) target(%dma_start3A_245 : memref<128xi32, #tpu.memory_space<vmem>>) target_semaphore(%arg16 : memref<!tpu.dma_semaphore, #tpu.memory_space<semaphore_mem>>)
      } else {
      }
    }
    %scan3A_154 = arith.constant 27 : i32
    %barrier3A_155 = arith.constant 0 : index
    tpu.barrier barrier_id(%barrier3A_155)
    %mul3A_156 = arith.constant 632 : i32
    %mul3A_157 = arith.muli %arg1, %mul3A_156 : i32
    %mul3A_158 = arith.constant 10112 : i32
    %mul3A_159 = arith.muli %arg0, %mul3A_158 : i32
    %mul3A_160 = arith.constant 632 : i32
    %mul3A_161 = arith.muli %arg1, %mul3A_160 : i32
    %add3A_162 = arith.addi %mul3A_159, %mul3A_161 : i32
    "tpu.region"() ({
      %run_scoped3A = tpu.sem_alloc : memref<!tpu.dma_semaphore, #tpu.memory_space<semaphore_mem>>
      %dma_start3A_163 = arith.constant 0 : i32
      %dma_start3A_164 = tpu.memref_slice %arg6[%add3A_162, %dma_start3A_163] : memref<20224x128xf32, #tpu.memory_space<hbm>> -> memref<632x128xf32, #tpu.memory_space<hbm>>
      %dma_start3A_165 = arith.constant 0 : i32
      %dma_start3A_166 = tpu.memref_slice %arg10[%mul3A_157, %dma_start3A_165] : memref<10112x128xf32, #tpu.memory_space<vmem_shared>> -> memref<632x128xf32, #tpu.memory_space<vmem_shared>>
      tpu.enqueue_dma source(%dma_start3A_166 : memref<632x128xf32, #tpu.memory_space<vmem_shared>>) target(%dma_start3A_164 : memref<632x128xf32, #tpu.memory_space<hbm>>) target_semaphore(%run_scoped3A : memref<!tpu.dma_semaphore, #tpu.memory_space<semaphore_mem>>)
      %dma_wait3A_167 = arith.constant 0 : i32
      %dma_wait3A_168 = tpu.memref_slice %arg6[%add3A_162, %dma_wait3A_167] : memref<20224x128xf32, #tpu.memory_space<hbm>> -> memref<632x128xf32, #tpu.memory_space<hbm>>
      %dma_wait3A_169 = arith.constant 0 : i32
      %dma_wait3A_170 = tpu.memref_slice %arg10[%mul3A_157, %dma_wait3A_169] : memref<10112x128xf32, #tpu.memory_space<vmem_shared>> -> memref<632x128xf32, #tpu.memory_space<vmem_shared>>
      tpu.wait_dma2 semaphore(%run_scoped3A : memref<!tpu.dma_semaphore, #tpu.memory_space<semaphore_mem>>) src(%dma_wait3A_170 : memref<632x128xf32, #tpu.memory_space<vmem_shared>>) dst(%dma_wait3A_168 : memref<632x128xf32, #tpu.memory_space<hbm>>)
      tpu.yield
    }) : () -> ()
    return
  }
}

#map = affine_map<(d0, d1) -> (0, 0)>
#map1 = affine_map<(d0, d1) -> (0)>
module attributes {stable_mosaic.version = 14 : i64} {
  func.func @_agg_kernel(%arg0: i32, %arg1: i32, %arg2: memref<10000x128xf32, #tpu.memory_space<hbm>>, %arg3: memref<320000xi32, #tpu.memory_space<hbm>>, %arg4: memref<320000xi32, #tpu.memory_space<hbm>>, %arg5: memref<632x128xf32, #tpu.memory_space<hbm>>, %arg6: memref<20224x128xf32, #tpu.memory_space<hbm>>, %arg7: memref<3x128xi32, #tpu.memory_space<vmem>>, %arg8: memref<3x128xi32, #tpu.memory_space<vmem>>, %arg9: memref<3x128x128xf32, #tpu.memory_space<vmem>>, %arg10: memref<10112x128xf32, #tpu.memory_space<vmem_shared>>, %arg11: memref<!tpu.dma_semaphore, #tpu.memory_space<semaphore_mem>>, %arg12: memref<!tpu.dma_semaphore, #tpu.memory_space<semaphore_mem>>, %arg13: memref<!tpu.dma_semaphore, #tpu.memory_space<semaphore_mem>>, %arg14: memref<!tpu.dma_semaphore, #tpu.memory_space<semaphore_mem>>, %arg15: memref<!tpu.dma_semaphore, #tpu.memory_space<semaphore_mem>>, %arg16: memref<!tpu.dma_semaphore, #tpu.memory_space<semaphore_mem>>) attributes {dimension_semantics = [#tpu.dimension_semantics<core_parallel>, #tpu.dimension_semantics<subcore_parallel>], iteration_bounds = array<i64: 2, 16>, scalar_prefetch = 0 : i64, scratch_operands = 10 : i64, tpu.core_type = #tpu.core_type<sc_vector_subcore>, window_params = [{transform_indices = #map}, {transform_indices = #map1}, {transform_indices = #map1}, {transform_indices = #map}, {transform_indices = #map}]} {
    %mul3A = arith.constant 16 : i32
    %mul3A_0 = arith.muli %arg0, %mul3A : i32
    %add3A = arith.addi %mul3A_0, %arg1 : i32
    %mul3A_1 = arith.constant 2500 : i32
    %mul3A_2 = arith.muli %add3A, %mul3A_1 : i32
    %jit3A = arith.constant 32 : i32
    %div3A = arith.divsi %mul3A_2, %jit3A : i32
    %sign3A = arith.constant 0 : i32
    %sign3A_3 = arith.cmpi sgt, %mul3A_2, %sign3A : i32
    %sign3A_4 = arith.extui %sign3A_3 : i1 to i32
    %sign3A_5 = arith.constant 0 : i32
    %sign3A_6 = arith.cmpi slt, %mul3A_2, %sign3A_5 : i32
    %sign3A_7 = arith.extui %sign3A_6 : i1 to i32
    %sign3A_8 = arith.subi %sign3A_4, %sign3A_7 : i32
    %sign3A_9 = arith.constant 0 : i32
    %sign3A_10 = arith.cmpi sgt, %jit3A, %sign3A_9 : i32
    %sign3A_11 = arith.extui %sign3A_10 : i1 to i32
    %sign3A_12 = arith.constant 0 : i32
    %sign3A_13 = arith.cmpi slt, %jit3A, %sign3A_12 : i32
    %sign3A_14 = arith.extui %sign3A_13 : i1 to i32
    %sign3A_15 = arith.subi %sign3A_11, %sign3A_14 : i32
    %ne3A = arith.cmpi ne, %sign3A_8, %sign3A_15 : i32
    %rem3A = arith.remsi %mul3A_2, %jit3A : i32
    %ne3A_16 = arith.constant 0 : i32
    %ne3A_17 = arith.cmpi ne, %rem3A, %ne3A_16 : i32
    %and3A = arith.andi %ne3A, %ne3A_17 : i1
    %sub3A = arith.constant 1 : i32
    %sub3A_18 = arith.subi %div3A, %sub3A : i32
    %select_n3A = arith.select %and3A, %sub3A_18, %div3A : i32
    %add3A_19 = arith.constant 1 : i32
    %add3A_20 = arith.addi %add3A, %add3A_19 : i32
    %mul3A_21 = arith.constant 2500 : i32
    %mul3A_22 = arith.muli %add3A_20, %mul3A_21 : i32
    %jit3A_23 = arith.constant 32 : i32
    %div3A_24 = arith.divsi %mul3A_22, %jit3A_23 : i32
    %sign3A_25 = arith.constant 0 : i32
    %sign3A_26 = arith.cmpi sgt, %mul3A_22, %sign3A_25 : i32
    %sign3A_27 = arith.extui %sign3A_26 : i1 to i32
    %sign3A_28 = arith.constant 0 : i32
    %sign3A_29 = arith.cmpi slt, %mul3A_22, %sign3A_28 : i32
    %sign3A_30 = arith.extui %sign3A_29 : i1 to i32
    %sign3A_31 = arith.subi %sign3A_27, %sign3A_30 : i32
    %sign3A_32 = arith.constant 0 : i32
    %sign3A_33 = arith.cmpi sgt, %jit3A_23, %sign3A_32 : i32
    %sign3A_34 = arith.extui %sign3A_33 : i1 to i32
    %sign3A_35 = arith.constant 0 : i32
    %sign3A_36 = arith.cmpi slt, %jit3A_23, %sign3A_35 : i32
    %sign3A_37 = arith.extui %sign3A_36 : i1 to i32
    %sign3A_38 = arith.subi %sign3A_34, %sign3A_37 : i32
    %ne3A_39 = arith.cmpi ne, %sign3A_31, %sign3A_38 : i32
    %rem3A_40 = arith.remsi %mul3A_22, %jit3A_23 : i32
    %ne3A_41 = arith.constant 0 : i32
    %ne3A_42 = arith.cmpi ne, %rem3A_40, %ne3A_41 : i32
    %and3A_43 = arith.andi %ne3A_39, %ne3A_42 : i1
    %sub3A_44 = arith.constant 1 : i32
    %sub3A_45 = arith.subi %div3A_24, %sub3A_44 : i32
    %select_n3A_46 = arith.select %and3A_43, %sub3A_45, %div3A_24 : i32
    %sub3A_47 = arith.subi %select_n3A_46, %select_n3A : i32
    %mul3A_48 = arith.constant 128 : i32
    %mul3A_49 = arith.muli %select_n3A, %mul3A_48 : i32
    %mul3A_50 = arith.constant 632 : i32
    %mul3A_51 = arith.muli %arg1, %mul3A_50 : i32
    "tpu.region"() ({
      %run_scoped3A = tpu.sem_alloc : memref<!tpu.dma_semaphore, #tpu.memory_space<semaphore_mem>>
      %dma_start3A_163 = arith.constant 0 : i32
      %dma_start3A_164 = tpu.memref_slice %arg10[%mul3A_51, %dma_start3A_163] : memref<10112x128xf32, #tpu.memory_space<vmem_shared>> -> memref<632x128xf32, #tpu.memory_space<vmem_shared>>
      tpu.enqueue_dma source(%arg5 : memref<632x128xf32, #tpu.memory_space<hbm>>) target(%dma_start3A_164 : memref<632x128xf32, #tpu.memory_space<vmem_shared>>) target_semaphore(%run_scoped3A : memref<!tpu.dma_semaphore, #tpu.memory_space<semaphore_mem>>)
      %dma_wait3A_165 = arith.constant 0 : i32
      %dma_wait3A_166 = tpu.memref_slice %arg10[%mul3A_51, %dma_wait3A_165] : memref<10112x128xf32, #tpu.memory_space<vmem_shared>> -> memref<632x128xf32, #tpu.memory_space<vmem_shared>>
      tpu.wait_dma2 semaphore(%run_scoped3A : memref<!tpu.dma_semaphore, #tpu.memory_space<semaphore_mem>>) src(%arg5 : memref<632x128xf32, #tpu.memory_space<hbm>>) dst(%dma_wait3A_166 : memref<632x128xf32, #tpu.memory_space<vmem_shared>>)
      tpu.yield
    }) : () -> ()
    %barrier3A = arith.constant 0 : index
    tpu.barrier barrier_id(%barrier3A)
    %add3A_52 = arith.constant 0 : i32
    %add3A_53 = arith.addi %mul3A_49, %add3A_52 : i32
    %dma_start3A = arith.constant 0 : i32
    %dma_start3A_54 = arith.constant 0 : i32
    %dma_start3A_55 = tpu.memref_slice %arg7[%dma_start3A, %dma_start3A_54] : memref<3x128xi32, #tpu.memory_space<vmem>> -> memref<1x128xi32, #tpu.memory_space<vmem>>
    %dma_start3A_56 = tpu.memref_squeeze %dma_start3A_55 : memref<1x128xi32, #tpu.memory_space<vmem>> -> memref<128xi32, #tpu.memory_space<vmem>>
    %dma_start3A_57 = tpu.memref_slice %arg3[%add3A_53] : memref<320000xi32, #tpu.memory_space<hbm>> -> memref<128xi32, #tpu.memory_space<hbm>>
    %dma_start3A_58 = arith.constant 0 : i32
    %dma_start3A_59 = tpu.memref_slice %arg7[%dma_start3A, %dma_start3A_58] : memref<3x128xi32, #tpu.memory_space<vmem>> -> memref<1x128xi32, #tpu.memory_space<vmem>>
    %dma_start3A_60 = tpu.memref_squeeze %dma_start3A_59 : memref<1x128xi32, #tpu.memory_space<vmem>> -> memref<128xi32, #tpu.memory_space<vmem>>
    %dma_start3A_61 = tpu.memref_slice %arg3[%add3A_53] : memref<320000xi32, #tpu.memory_space<hbm>> -> memref<128xi32, #tpu.memory_space<hbm>>
    tpu.enqueue_dma source(%dma_start3A_61 : memref<128xi32, #tpu.memory_space<hbm>>) target(%dma_start3A_60 : memref<128xi32, #tpu.memory_space<vmem>>) target_semaphore(%arg14 : memref<!tpu.dma_semaphore, #tpu.memory_space<semaphore_mem>>)
    %add3A_62 = arith.constant 0 : i32
    %add3A_63 = arith.addi %mul3A_49, %add3A_62 : i32
    %dma_start3A_64 = arith.constant 0 : i32
    %dma_start3A_65 = arith.constant 0 : i32
    %dma_start3A_66 = tpu.memref_slice %arg8[%dma_start3A_64, %dma_start3A_65] : memref<3x128xi32, #tpu.memory_space<vmem>> -> memref<1x128xi32, #tpu.memory_space<vmem>>
    %dma_start3A_67 = tpu.memref_squeeze %dma_start3A_66 : memref<1x128xi32, #tpu.memory_space<vmem>> -> memref<128xi32, #tpu.memory_space<vmem>>
    %dma_start3A_68 = tpu.memref_slice %arg4[%add3A_63] : memref<320000xi32, #tpu.memory_space<hbm>> -> memref<128xi32, #tpu.memory_space<hbm>>
    %dma_start3A_69 = arith.constant 0 : i32
    %dma_start3A_70 = tpu.memref_slice %arg8[%dma_start3A_64, %dma_start3A_69] : memref<3x128xi32, #tpu.memory_space<vmem>> -> memref<1x128xi32, #tpu.memory_space<vmem>>
    %dma_start3A_71 = tpu.memref_squeeze %dma_start3A_70 : memref<1x128xi32, #tpu.memory_space<vmem>> -> memref<128xi32, #tpu.memory_space<vmem>>
    %dma_start3A_72 = tpu.memref_slice %arg4[%add3A_63] : memref<320000xi32, #tpu.memory_space<hbm>> -> memref<128xi32, #tpu.memory_space<hbm>>
    tpu.enqueue_dma source(%dma_start3A_72 : memref<128xi32, #tpu.memory_space<hbm>>) target(%dma_start3A_71 : memref<128xi32, #tpu.memory_space<vmem>>) target_semaphore(%arg14 : memref<!tpu.dma_semaphore, #tpu.memory_space<semaphore_mem>>)
    %add3A_73 = arith.constant 128 : i32
    %add3A_74 = arith.addi %mul3A_49, %add3A_73 : i32
    %dma_start3A_75 = arith.constant 1 : i32
    %dma_start3A_76 = arith.constant 0 : i32
    %dma_start3A_77 = tpu.memref_slice %arg7[%dma_start3A_75, %dma_start3A_76] : memref<3x128xi32, #tpu.memory_space<vmem>> -> memref<1x128xi32, #tpu.memory_space<vmem>>
    %dma_start3A_78 = tpu.memref_squeeze %dma_start3A_77 : memref<1x128xi32, #tpu.memory_space<vmem>> -> memref<128xi32, #tpu.memory_space<vmem>>
    %dma_start3A_79 = tpu.memref_slice %arg3[%add3A_74] : memref<320000xi32, #tpu.memory_space<hbm>> -> memref<128xi32, #tpu.memory_space<hbm>>
    %dma_start3A_80 = arith.constant 0 : i32
    %dma_start3A_81 = tpu.memref_slice %arg7[%dma_start3A_75, %dma_start3A_80] : memref<3x128xi32, #tpu.memory_space<vmem>> -> memref<1x128xi32, #tpu.memory_space<vmem>>
    %dma_start3A_82 = tpu.memref_squeeze %dma_start3A_81 : memref<1x128xi32, #tpu.memory_space<vmem>> -> memref<128xi32, #tpu.memory_space<vmem>>
    %dma_start3A_83 = tpu.memref_slice %arg3[%add3A_74] : memref<320000xi32, #tpu.memory_space<hbm>> -> memref<128xi32, #tpu.memory_space<hbm>>
    tpu.enqueue_dma source(%dma_start3A_83 : memref<128xi32, #tpu.memory_space<hbm>>) target(%dma_start3A_82 : memref<128xi32, #tpu.memory_space<vmem>>) target_semaphore(%arg15 : memref<!tpu.dma_semaphore, #tpu.memory_space<semaphore_mem>>)
    %add3A_84 = arith.constant 128 : i32
    %add3A_85 = arith.addi %mul3A_49, %add3A_84 : i32
    %dma_start3A_86 = arith.constant 1 : i32
    %dma_start3A_87 = arith.constant 0 : i32
    %dma_start3A_88 = tpu.memref_slice %arg8[%dma_start3A_86, %dma_start3A_87] : memref<3x128xi32, #tpu.memory_space<vmem>> -> memref<1x128xi32, #tpu.memory_space<vmem>>
    %dma_start3A_89 = tpu.memref_squeeze %dma_start3A_88 : memref<1x128xi32, #tpu.memory_space<vmem>> -> memref<128xi32, #tpu.memory_space<vmem>>
    %dma_start3A_90 = tpu.memref_slice %arg4[%add3A_85] : memref<320000xi32, #tpu.memory_space<hbm>> -> memref<128xi32, #tpu.memory_space<hbm>>
    %dma_start3A_91 = arith.constant 0 : i32
    %dma_start3A_92 = tpu.memref_slice %arg8[%dma_start3A_86, %dma_start3A_91] : memref<3x128xi32, #tpu.memory_space<vmem>> -> memref<1x128xi32, #tpu.memory_space<vmem>>
    %dma_start3A_93 = tpu.memref_squeeze %dma_start3A_92 : memref<1x128xi32, #tpu.memory_space<vmem>> -> memref<128xi32, #tpu.memory_space<vmem>>
    %dma_start3A_94 = tpu.memref_slice %arg4[%add3A_85] : memref<320000xi32, #tpu.memory_space<hbm>> -> memref<128xi32, #tpu.memory_space<hbm>>
    tpu.enqueue_dma source(%dma_start3A_94 : memref<128xi32, #tpu.memory_space<hbm>>) target(%dma_start3A_93 : memref<128xi32, #tpu.memory_space<vmem>>) target_semaphore(%arg15 : memref<!tpu.dma_semaphore, #tpu.memory_space<semaphore_mem>>)
    %add3A_95 = arith.constant 256 : i32
    %add3A_96 = arith.addi %mul3A_49, %add3A_95 : i32
    %dma_start3A_97 = arith.constant 2 : i32
    %dma_start3A_98 = arith.constant 0 : i32
    %dma_start3A_99 = tpu.memref_slice %arg7[%dma_start3A_97, %dma_start3A_98] : memref<3x128xi32, #tpu.memory_space<vmem>> -> memref<1x128xi32, #tpu.memory_space<vmem>>
    %dma_start3A_100 = tpu.memref_squeeze %dma_start3A_99 : memref<1x128xi32, #tpu.memory_space<vmem>> -> memref<128xi32, #tpu.memory_space<vmem>>
    %dma_start3A_101 = tpu.memref_slice %arg3[%add3A_96] : memref<320000xi32, #tpu.memory_space<hbm>> -> memref<128xi32, #tpu.memory_space<hbm>>
    %dma_start3A_102 = arith.constant 0 : i32
    %dma_start3A_103 = tpu.memref_slice %arg7[%dma_start3A_97, %dma_start3A_102] : memref<3x128xi32, #tpu.memory_space<vmem>> -> memref<1x128xi32, #tpu.memory_space<vmem>>
    %dma_start3A_104 = tpu.memref_squeeze %dma_start3A_103 : memref<1x128xi32, #tpu.memory_space<vmem>> -> memref<128xi32, #tpu.memory_space<vmem>>
    %dma_start3A_105 = tpu.memref_slice %arg3[%add3A_96] : memref<320000xi32, #tpu.memory_space<hbm>> -> memref<128xi32, #tpu.memory_space<hbm>>
    tpu.enqueue_dma source(%dma_start3A_105 : memref<128xi32, #tpu.memory_space<hbm>>) target(%dma_start3A_104 : memref<128xi32, #tpu.memory_space<vmem>>) target_semaphore(%arg16 : memref<!tpu.dma_semaphore, #tpu.memory_space<semaphore_mem>>)
    %add3A_106 = arith.constant 256 : i32
    %add3A_107 = arith.addi %mul3A_49, %add3A_106 : i32
    %dma_start3A_108 = arith.constant 2 : i32
    %dma_start3A_109 = arith.constant 0 : i32
    %dma_start3A_110 = tpu.memref_slice %arg8[%dma_start3A_108, %dma_start3A_109] : memref<3x128xi32, #tpu.memory_space<vmem>> -> memref<1x128xi32, #tpu.memory_space<vmem>>
    %dma_start3A_111 = tpu.memref_squeeze %dma_start3A_110 : memref<1x128xi32, #tpu.memory_space<vmem>> -> memref<128xi32, #tpu.memory_space<vmem>>
    %dma_start3A_112 = tpu.memref_slice %arg4[%add3A_107] : memref<320000xi32, #tpu.memory_space<hbm>> -> memref<128xi32, #tpu.memory_space<hbm>>
    %dma_start3A_113 = arith.constant 0 : i32
    %dma_start3A_114 = tpu.memref_slice %arg8[%dma_start3A_108, %dma_start3A_113] : memref<3x128xi32, #tpu.memory_space<vmem>> -> memref<1x128xi32, #tpu.memory_space<vmem>>
    %dma_start3A_115 = tpu.memref_squeeze %dma_start3A_114 : memref<1x128xi32, #tpu.memory_space<vmem>> -> memref<128xi32, #tpu.memory_space<vmem>>
    %dma_start3A_116 = tpu.memref_slice %arg4[%add3A_107] : memref<320000xi32, #tpu.memory_space<hbm>> -> memref<128xi32, #tpu.memory_space<hbm>>
    tpu.enqueue_dma source(%dma_start3A_116 : memref<128xi32, #tpu.memory_space<hbm>>) target(%dma_start3A_115 : memref<128xi32, #tpu.memory_space<vmem>>) target_semaphore(%arg16 : memref<!tpu.dma_semaphore, #tpu.memory_space<semaphore_mem>>)
    %dma_wait3A = arith.constant 0 : i32
    %dma_wait3A_117 = arith.constant 0 : i32
    %dma_wait3A_118 = tpu.memref_slice %arg7[%dma_wait3A, %dma_wait3A_117] : memref<3x128xi32, #tpu.memory_space<vmem>> -> memref<1x128xi32, #tpu.memory_space<vmem>>
    %dma_wait3A_119 = tpu.memref_squeeze %dma_wait3A_118 : memref<1x128xi32, #tpu.memory_space<vmem>> -> memref<128xi32, #tpu.memory_space<vmem>>
    %dma_wait3A_120 = arith.constant 0 : i32
    %dma_wait3A_121 = tpu.memref_slice %arg3[%dma_wait3A_120] : memref<320000xi32, #tpu.memory_space<hbm>> -> memref<128xi32, #tpu.memory_space<hbm>>
    %dma_wait3A_122 = arith.constant 0 : i32
    %dma_wait3A_123 = tpu.memref_slice %arg7[%dma_wait3A, %dma_wait3A_122] : memref<3x128xi32, #tpu.memory_space<vmem>> -> memref<1x128xi32, #tpu.memory_space<vmem>>
    %dma_wait3A_124 = tpu.memref_squeeze %dma_wait3A_123 : memref<1x128xi32, #tpu.memory_space<vmem>> -> memref<128xi32, #tpu.memory_space<vmem>>
    %dma_wait3A_125 = arith.constant 0 : i32
    %dma_wait3A_126 = tpu.memref_slice %arg3[%dma_wait3A_125] : memref<320000xi32, #tpu.memory_space<hbm>> -> memref<128xi32, #tpu.memory_space<hbm>>
    tpu.wait_dma2 semaphore(%arg14 : memref<!tpu.dma_semaphore, #tpu.memory_space<semaphore_mem>>) src(%dma_wait3A_126 : memref<128xi32, #tpu.memory_space<hbm>>) dst(%dma_wait3A_124 : memref<128xi32, #tpu.memory_space<vmem>>)
    %dma_wait3A_127 = arith.constant 0 : i32
    %dma_wait3A_128 = arith.constant 0 : i32
    %dma_wait3A_129 = tpu.memref_slice %arg8[%dma_wait3A_127, %dma_wait3A_128] : memref<3x128xi32, #tpu.memory_space<vmem>> -> memref<1x128xi32, #tpu.memory_space<vmem>>
    %dma_wait3A_130 = tpu.memref_squeeze %dma_wait3A_129 : memref<1x128xi32, #tpu.memory_space<vmem>> -> memref<128xi32, #tpu.memory_space<vmem>>
    %dma_wait3A_131 = arith.constant 0 : i32
    %dma_wait3A_132 = tpu.memref_slice %arg4[%dma_wait3A_131] : memref<320000xi32, #tpu.memory_space<hbm>> -> memref<128xi32, #tpu.memory_space<hbm>>
    %dma_wait3A_133 = arith.constant 0 : i32
    %dma_wait3A_134 = tpu.memref_slice %arg8[%dma_wait3A_127, %dma_wait3A_133] : memref<3x128xi32, #tpu.memory_space<vmem>> -> memref<1x128xi32, #tpu.memory_space<vmem>>
    %dma_wait3A_135 = tpu.memref_squeeze %dma_wait3A_134 : memref<1x128xi32, #tpu.memory_space<vmem>> -> memref<128xi32, #tpu.memory_space<vmem>>
    %dma_wait3A_136 = arith.constant 0 : i32
    %dma_wait3A_137 = tpu.memref_slice %arg4[%dma_wait3A_136] : memref<320000xi32, #tpu.memory_space<hbm>> -> memref<128xi32, #tpu.memory_space<hbm>>
    tpu.wait_dma2 semaphore(%arg14 : memref<!tpu.dma_semaphore, #tpu.memory_space<semaphore_mem>>) src(%dma_wait3A_137 : memref<128xi32, #tpu.memory_space<hbm>>) dst(%dma_wait3A_135 : memref<128xi32, #tpu.memory_space<vmem>>)
    %dma_start3A_138 = arith.constant 0 : i32
    %dma_start3A_139 = arith.constant 0 : i32
    %dma_start3A_140 = arith.constant 0 : i32
    %dma_start3A_141 = arith.constant 0 : i32
    %dma_start3A_142 = tpu.memref_slice %arg9[%dma_start3A_139, %dma_start3A_140, %dma_start3A_141] : memref<3x128x128xf32, #tpu.memory_space<vmem>> -> memref<1x128x128xf32, #tpu.memory_space<vmem>>
    %dma_start3A_143 = tpu.memref_squeeze %dma_start3A_142 : memref<1x128x128xf32, #tpu.memory_space<vmem>> -> memref<128x128xf32, #tpu.memory_space<vmem>>
    %dma_start3A_144 = arith.constant 0 : i32
    %dma_start3A_145 = tpu.memref_slice %arg7[%dma_start3A_138, %dma_start3A_144] : memref<3x128xi32, #tpu.memory_space<vmem>> -> memref<1x128xi32, #tpu.memory_space<vmem>>
    %dma_start3A_146 = tpu.memref_squeeze %dma_start3A_145 : memref<1x128xi32, #tpu.memory_space<vmem>> -> memref<128xi32, #tpu.memory_space<vmem>>
    %dma_start3A_147 = arith.constant 0 : i32
    %dma_start3A_148 = arith.constant 0 : i32
    %dma_start3A_149 = tpu.memref_slice %arg2[%dma_start3A_147, %dma_start3A_148] : memref<10000x128xf32, #tpu.memory_space<hbm>> -> memref<10000x128xf32, #tpu.memory_space<hbm>>
    tpu.enqueue_indirect_dma source(%dma_start3A_149 : memref<10000x128xf32, #tpu.memory_space<hbm>>) target(%dma_start3A_143 : memref<128x128xf32, #tpu.memory_space<vmem>>) offsets(%dma_start3A_146 : memref<128xi32, #tpu.memory_space<vmem>>) semaphore(%arg11 : memref<!tpu.dma_semaphore, #tpu.memory_space<semaphore_mem>>)
    %scan3A = arith.constant 0 : i32
    %scan3A_150 = arith.constant 0 : i32
    %scan3A_151 = arith.constant 27 : i32
    %scan3A_152 = arith.addi %scan3A_150, %scan3A_151 : i32
    %scan3A_153 = arith.constant 1 : i32
    scf.for %scan3A_163 = %scan3A_150 to %scan3A_152 step %scan3A_153  : i32 {
      %mul3A_164 = arith.constant 3 : i32
      %mul3A_165 = arith.muli %mul3A_164, %scan3A_163 : i32
      %add3A_166 = arith.constant 0 : i32
      %add3A_167 = arith.addi %mul3A_165, %add3A_166 : i32
      %add3A_168 = arith.constant 1 : i32
      %add3A_169 = arith.addi %add3A_167, %add3A_168 : i32
      %lt3A = arith.cmpi slt, %add3A_169, %sub3A_47 : i32
      %convert_element_type3A = arith.extui %lt3A : i1 to i32
      %cond3A = arith.constant 0 : i32
      %cond3A_170 = arith.cmpi ne, %convert_element_type3A, %cond3A : i32
      scf.if %cond3A_170 {
        %dma_wait3A_221 = arith.constant 1 : i32
        %dma_wait3A_222 = arith.constant 0 : i32
        %dma_wait3A_223 = tpu.memref_slice %arg7[%dma_wait3A_221, %dma_wait3A_222] : memref<3x128xi32, #tpu.memory_space<vmem>> -> memref<1x128xi32, #tpu.memory_space<vmem>>
        %dma_wait3A_224 = tpu.memref_squeeze %dma_wait3A_223 : memref<1x128xi32, #tpu.memory_space<vmem>> -> memref<128xi32, #tpu.memory_space<vmem>>
        %dma_wait3A_225 = arith.constant 0 : i32
        %dma_wait3A_226 = tpu.memref_slice %arg3[%dma_wait3A_225] : memref<320000xi32, #tpu.memory_space<hbm>> -> memref<128xi32, #tpu.memory_space<hbm>>
        %dma_wait3A_227 = arith.constant 0 : i32
        %dma_wait3A_228 = tpu.memref_slice %arg7[%dma_wait3A_221, %dma_wait3A_227] : memref<3x128xi32, #tpu.memory_space<vmem>> -> memref<1x128xi32, #tpu.memory_space<vmem>>
        %dma_wait3A_229 = tpu.memref_squeeze %dma_wait3A_228 : memref<1x128xi32, #tpu.memory_space<vmem>> -> memref<128xi32, #tpu.memory_space<vmem>>
        %dma_wait3A_230 = arith.constant 0 : i32
        %dma_wait3A_231 = tpu.memref_slice %arg3[%dma_wait3A_230] : memref<320000xi32, #tpu.memory_space<hbm>> -> memref<128xi32, #tpu.memory_space<hbm>>
        tpu.wait_dma2 semaphore(%arg15 : memref<!tpu.dma_semaphore, #tpu.memory_space<semaphore_mem>>) src(%dma_wait3A_231 : memref<128xi32, #tpu.memory_space<hbm>>) dst(%dma_wait3A_229 : memref<128xi32, #tpu.memory_space<vmem>>)
        %dma_wait3A_232 = arith.constant 1 : i32
        %dma_wait3A_233 = arith.constant 0 : i32
        %dma_wait3A_234 = tpu.memref_slice %arg8[%dma_wait3A_232, %dma_wait3A_233] : memref<3x128xi32, #tpu.memory_space<vmem>> -> memref<1x128xi32, #tpu.memory_space<vmem>>
        %dma_wait3A_235 = tpu.memref_squeeze %dma_wait3A_234 : memref<1x128xi32, #tpu.memory_space<vmem>> -> memref<128xi32, #tpu.memory_space<vmem>>
        %dma_wait3A_236 = arith.constant 0 : i32
        %dma_wait3A_237 = tpu.memref_slice %arg4[%dma_wait3A_236] : memref<320000xi32, #tpu.memory_space<hbm>> -> memref<128xi32, #tpu.memory_space<hbm>>
        %dma_wait3A_238 = arith.constant 0 : i32
        %dma_wait3A_239 = tpu.memref_slice %arg8[%dma_wait3A_232, %dma_wait3A_238] : memref<3x128xi32, #tpu.memory_space<vmem>> -> memref<1x128xi32, #tpu.memory_space<vmem>>
        %dma_wait3A_240 = tpu.memref_squeeze %dma_wait3A_239 : memref<1x128xi32, #tpu.memory_space<vmem>> -> memref<128xi32, #tpu.memory_space<vmem>>
        %dma_wait3A_241 = arith.constant 0 : i32
        %dma_wait3A_242 = tpu.memref_slice %arg4[%dma_wait3A_241] : memref<320000xi32, #tpu.memory_space<hbm>> -> memref<128xi32, #tpu.memory_space<hbm>>
        tpu.wait_dma2 semaphore(%arg15 : memref<!tpu.dma_semaphore, #tpu.memory_space<semaphore_mem>>) src(%dma_wait3A_242 : memref<128xi32, #tpu.memory_space<hbm>>) dst(%dma_wait3A_240 : memref<128xi32, #tpu.memory_space<vmem>>)
        %dma_start3A_243 = arith.constant 1 : i32
        %dma_start3A_244 = arith.constant 1 : i32
        %dma_start3A_245 = arith.constant 0 : i32
        %dma_start3A_246 = arith.constant 0 : i32
        %dma_start3A_247 = tpu.memref_slice %arg9[%dma_start3A_244, %dma_start3A_245, %dma_start3A_246] : memref<3x128x128xf32, #tpu.memory_space<vmem>> -> memref<1x128x128xf32, #tpu.memory_space<vmem>>
        %dma_start3A_248 = tpu.memref_squeeze %dma_start3A_247 : memref<1x128x128xf32, #tpu.memory_space<vmem>> -> memref<128x128xf32, #tpu.memory_space<vmem>>
        %dma_start3A_249 = arith.constant 0 : i32
        %dma_start3A_250 = tpu.memref_slice %arg7[%dma_start3A_243, %dma_start3A_249] : memref<3x128xi32, #tpu.memory_space<vmem>> -> memref<1x128xi32, #tpu.memory_space<vmem>>
        %dma_start3A_251 = tpu.memref_squeeze %dma_start3A_250 : memref<1x128xi32, #tpu.memory_space<vmem>> -> memref<128xi32, #tpu.memory_space<vmem>>
        %dma_start3A_252 = arith.constant 0 : i32
        %dma_start3A_253 = arith.constant 0 : i32
        %dma_start3A_254 = tpu.memref_slice %arg2[%dma_start3A_252, %dma_start3A_253] : memref<10000x128xf32, #tpu.memory_space<hbm>> -> memref<10000x128xf32, #tpu.memory_space<hbm>>
        tpu.enqueue_indirect_dma source(%dma_start3A_254 : memref<10000x128xf32, #tpu.memory_space<hbm>>) target(%dma_start3A_248 : memref<128x128xf32, #tpu.memory_space<vmem>>) offsets(%dma_start3A_251 : memref<128xi32, #tpu.memory_space<vmem>>) semaphore(%arg12 : memref<!tpu.dma_semaphore, #tpu.memory_space<semaphore_mem>>)
      } else {
      }
      %lt3A_171 = arith.cmpi slt, %add3A_167, %sub3A_47 : i32
      %convert_element_type3A_172 = arith.extui %lt3A_171 : i1 to i32
      %cond3A_173 = arith.constant 0 : i32
      %cond3A_174 = arith.cmpi ne, %convert_element_type3A_172, %cond3A_173 : i32
      scf.if %cond3A_174 {
        %dma_wait3A_221 = arith.constant 0 : i32
        %dma_wait3A_222 = arith.constant 0 : i32
        %dma_wait3A_223 = arith.constant 0 : i32
        %dma_wait3A_224 = arith.constant 0 : i32
        %dma_wait3A_225 = tpu.memref_slice %arg9[%dma_wait3A_222, %dma_wait3A_223, %dma_wait3A_224] : memref<3x128x128xf32, #tpu.memory_space<vmem>> -> memref<1x128x128xf32, #tpu.memory_space<vmem>>
        %dma_wait3A_226 = tpu.memref_squeeze %dma_wait3A_225 : memref<1x128x128xf32, #tpu.memory_space<vmem>> -> memref<128x128xf32, #tpu.memory_space<vmem>>
        %dma_wait3A_227 = arith.constant 0 : i32
        %dma_wait3A_228 = tpu.memref_slice %arg7[%dma_wait3A_221, %dma_wait3A_227] : memref<3x128xi32, #tpu.memory_space<vmem>> -> memref<1x128xi32, #tpu.memory_space<vmem>>
        %dma_wait3A_229 = tpu.memref_squeeze %dma_wait3A_228 : memref<1x128xi32, #tpu.memory_space<vmem>> -> memref<128xi32, #tpu.memory_space<vmem>>
        %dma_wait3A_230 = arith.constant 0 : i32
        %dma_wait3A_231 = arith.constant 0 : i32
        %dma_wait3A_232 = tpu.memref_slice %arg2[%dma_wait3A_230, %dma_wait3A_231] : memref<10000x128xf32, #tpu.memory_space<hbm>> -> memref<10000x128xf32, #tpu.memory_space<hbm>>
        tpu.wait_indirect_dma semaphore(%arg11 : memref<!tpu.dma_semaphore, #tpu.memory_space<semaphore_mem>>) src(%dma_wait3A_232 : memref<10000x128xf32, #tpu.memory_space<hbm>>) dst(%dma_wait3A_226 : memref<128x128xf32, #tpu.memory_space<vmem>>)
        %run_scoped3A = arith.constant 0 : i32
        %run_scoped3A_233 = arith.constant 0 : i32
        "tpu.region"() ({
          %run_scoped3A_234 = tpu.sem_alloc : memref<!tpu.dma_semaphore, #tpu.memory_space<semaphore_mem>>
          %dma_start3A_235 = arith.constant 0 : i32
          %dma_start3A_236 = arith.constant 0 : i32
          %dma_start3A_237 = tpu.memref_slice %arg9[%run_scoped3A, %dma_start3A_235, %dma_start3A_236] : memref<3x128x128xf32, #tpu.memory_space<vmem>> -> memref<1x128x128xf32, #tpu.memory_space<vmem>>
          %dma_start3A_238 = tpu.memref_squeeze %dma_start3A_237 : memref<1x128x128xf32, #tpu.memory_space<vmem>> -> memref<128x128xf32, #tpu.memory_space<vmem>>
          %dma_start3A_239 = arith.constant 0 : i32
          %dma_start3A_240 = tpu.memref_slice %arg8[%run_scoped3A_233, %dma_start3A_239] : memref<3x128xi32, #tpu.memory_space<vmem>> -> memref<1x128xi32, #tpu.memory_space<vmem>>
          %dma_start3A_241 = tpu.memref_squeeze %dma_start3A_240 : memref<1x128xi32, #tpu.memory_space<vmem>> -> memref<128xi32, #tpu.memory_space<vmem>>
          %dma_start3A_242 = arith.constant 0 : i32
          %dma_start3A_243 = arith.constant 0 : i32
          %dma_start3A_244 = tpu.memref_slice %arg10[%dma_start3A_242, %dma_start3A_243] : memref<10112x128xf32, #tpu.memory_space<vmem_shared>> -> memref<10112x128xf32, #tpu.memory_space<vmem_shared>>
          tpu.enqueue_indirect_dma source(%dma_start3A_238 : memref<128x128xf32, #tpu.memory_space<vmem>>) target(%dma_start3A_244 : memref<10112x128xf32, #tpu.memory_space<vmem_shared>>) offsets(%dma_start3A_241 : memref<128xi32, #tpu.memory_space<vmem>>) semaphore(%run_scoped3A_234 : memref<!tpu.dma_semaphore, #tpu.memory_space<semaphore_mem>>) {add = true}
          %dma_wait3A_245 = arith.constant 0 : i32
          %dma_wait3A_246 = arith.constant 0 : i32
          %dma_wait3A_247 = tpu.memref_slice %arg9[%run_scoped3A, %dma_wait3A_245, %dma_wait3A_246] : memref<3x128x128xf32, #tpu.memory_space<vmem>> -> memref<1x128x128xf32, #tpu.memory_space<vmem>>
          %dma_wait3A_248 = tpu.memref_squeeze %dma_wait3A_247 : memref<1x128x128xf32, #tpu.memory_space<vmem>> -> memref<128x128xf32, #tpu.memory_space<vmem>>
          %dma_wait3A_249 = arith.constant 0 : i32
          %dma_wait3A_250 = tpu.memref_slice %arg8[%run_scoped3A_233, %dma_wait3A_249] : memref<3x128xi32, #tpu.memory_space<vmem>> -> memref<1x128xi32, #tpu.memory_space<vmem>>
          %dma_wait3A_251 = tpu.memref_squeeze %dma_wait3A_250 : memref<1x128xi32, #tpu.memory_space<vmem>> -> memref<128xi32, #tpu.memory_space<vmem>>
          %dma_wait3A_252 = arith.constant 0 : i32
          %dma_wait3A_253 = arith.constant 0 : i32
          %dma_wait3A_254 = tpu.memref_slice %arg10[%dma_wait3A_252, %dma_wait3A_253] : memref<10112x128xf32, #tpu.memory_space<vmem_shared>> -> memref<10112x128xf32, #tpu.memory_space<vmem_shared>>
          tpu.wait_indirect_dma semaphore(%run_scoped3A_234 : memref<!tpu.dma_semaphore, #tpu.memory_space<semaphore_mem>>) src(%dma_wait3A_248 : memref<128x128xf32, #tpu.memory_space<vmem>>) dst(%dma_wait3A_254 : memref<10112x128xf32, #tpu.memory_space<vmem_shared>>)
          tpu.yield
        }) : () -> ()
      } else {
      }
      %add3A_175 = arith.constant 3 : i32
      %add3A_176 = arith.addi %add3A_167, %add3A_175 : i32
      %lt3A_177 = arith.cmpi slt, %add3A_176, %sub3A_47 : i32
      %convert_element_type3A_178 = arith.extui %lt3A_177 : i1 to i32
      %cond3A_179 = arith.constant 0 : i32
      %cond3A_180 = arith.cmpi ne, %convert_element_type3A_178, %cond3A_179 : i32
      scf.if %cond3A_180 {
        %add3A_221 = arith.constant 3 : i32
        %add3A_222 = arith.addi %add3A_167, %add3A_221 : i32
        %mul3A_223 = arith.constant 128 : i32
        %mul3A_224 = arith.muli %add3A_222, %mul3A_223 : i32
        %add3A_225 = arith.addi %mul3A_49, %mul3A_224 : i32
        %dma_start3A_226 = arith.constant 0 : i32
        %dma_start3A_227 = arith.constant 0 : i32
        %dma_start3A_228 = tpu.memref_slice %arg7[%dma_start3A_226, %dma_start3A_227] : memref<3x128xi32, #tpu.memory_space<vmem>> -> memref<1x128xi32, #tpu.memory_space<vmem>>
        %dma_start3A_229 = tpu.memref_squeeze %dma_start3A_228 : memref<1x128xi32, #tpu.memory_space<vmem>> -> memref<128xi32, #tpu.memory_space<vmem>>
        %dma_start3A_230 = tpu.memref_slice %arg3[%add3A_225] : memref<320000xi32, #tpu.memory_space<hbm>> -> memref<128xi32, #tpu.memory_space<hbm>>
        %dma_start3A_231 = arith.constant 0 : i32
        %dma_start3A_232 = tpu.memref_slice %arg7[%dma_start3A_226, %dma_start3A_231] : memref<3x128xi32, #tpu.memory_space<vmem>> -> memref<1x128xi32, #tpu.memory_space<vmem>>
        %dma_start3A_233 = tpu.memref_squeeze %dma_start3A_232 : memref<1x128xi32, #tpu.memory_space<vmem>> -> memref<128xi32, #tpu.memory_space<vmem>>
        %dma_start3A_234 = tpu.memref_slice %arg3[%add3A_225] : memref<320000xi32, #tpu.memory_space<hbm>> -> memref<128xi32, #tpu.memory_space<hbm>>
        tpu.enqueue_dma source(%dma_start3A_234 : memref<128xi32, #tpu.memory_space<hbm>>) target(%dma_start3A_233 : memref<128xi32, #tpu.memory_space<vmem>>) target_semaphore(%arg14 : memref<!tpu.dma_semaphore, #tpu.memory_space<semaphore_mem>>)
        %mul3A_235 = arith.constant 128 : i32
        %mul3A_236 = arith.muli %add3A_222, %mul3A_235 : i32
        %add3A_237 = arith.addi %mul3A_49, %mul3A_236 : i32
        %dma_start3A_238 = arith.constant 0 : i32
        %dma_start3A_239 = arith.constant 0 : i32
        %dma_start3A_240 = tpu.memref_slice %arg8[%dma_start3A_238, %dma_start3A_239] : memref<3x128xi32, #tpu.memory_space<vmem>> -> memref<1x128xi32, #tpu.memory_space<vmem>>
        %dma_start3A_241 = tpu.memref_squeeze %dma_start3A_240 : memref<1x128xi32, #tpu.memory_space<vmem>> -> memref<128xi32, #tpu.memory_space<vmem>>
        %dma_start3A_242 = tpu.memref_slice %arg4[%add3A_237] : memref<320000xi32, #tpu.memory_space<hbm>> -> memref<128xi32, #tpu.memory_space<hbm>>
        %dma_start3A_243 = arith.constant 0 : i32
        %dma_start3A_244 = tpu.memref_slice %arg8[%dma_start3A_238, %dma_start3A_243] : memref<3x128xi32, #tpu.memory_space<vmem>> -> memref<1x128xi32, #tpu.memory_space<vmem>>
        %dma_start3A_245 = tpu.memref_squeeze %dma_start3A_244 : memref<1x128xi32, #tpu.memory_space<vmem>> -> memref<128xi32, #tpu.memory_space<vmem>>
        %dma_start3A_246 = tpu.memref_slice %arg4[%add3A_237] : memref<320000xi32, #tpu.memory_space<hbm>> -> memref<128xi32, #tpu.memory_space<hbm>>
        tpu.enqueue_dma source(%dma_start3A_246 : memref<128xi32, #tpu.memory_space<hbm>>) target(%dma_start3A_245 : memref<128xi32, #tpu.memory_space<vmem>>) target_semaphore(%arg14 : memref<!tpu.dma_semaphore, #tpu.memory_space<semaphore_mem>>)
      } else {
      }
      %mul3A_181 = arith.constant 3 : i32
      %mul3A_182 = arith.muli %mul3A_181, %scan3A_163 : i32
      %add3A_183 = arith.constant 1 : i32
      %add3A_184 = arith.addi %mul3A_182, %add3A_183 : i32
      %add3A_185 = arith.constant 1 : i32
      %add3A_186 = arith.addi %add3A_184, %add3A_185 : i32
      %lt3A_187 = arith.cmpi slt, %add3A_186, %sub3A_47 : i32
      %convert_element_type3A_188 = arith.extui %lt3A_187 : i1 to i32
      %cond3A_189 = arith.constant 0 : i32
      %cond3A_190 = arith.cmpi ne, %convert_element_type3A_188, %cond3A_189 : i32
      scf.if %cond3A_190 {
        %dma_wait3A_221 = arith.constant 2 : i32
        %dma_wait3A_222 = arith.constant 0 : i32
        %dma_wait3A_223 = tpu.memref_slice %arg7[%dma_wait3A_221, %dma_wait3A_222] : memref<3x128xi32, #tpu.memory_space<vmem>> -> memref<1x128xi32, #tpu.memory_space<vmem>>
        %dma_wait3A_224 = tpu.memref_squeeze %dma_wait3A_223 : memref<1x128xi32, #tpu.memory_space<vmem>> -> memref<128xi32, #tpu.memory_space<vmem>>
        %dma_wait3A_225 = arith.constant 0 : i32
        %dma_wait3A_226 = tpu.memref_slice %arg3[%dma_wait3A_225] : memref<320000xi32, #tpu.memory_space<hbm>> -> memref<128xi32, #tpu.memory_space<hbm>>
        %dma_wait3A_227 = arith.constant 0 : i32
        %dma_wait3A_228 = tpu.memref_slice %arg7[%dma_wait3A_221, %dma_wait3A_227] : memref<3x128xi32, #tpu.memory_space<vmem>> -> memref<1x128xi32, #tpu.memory_space<vmem>>
        %dma_wait3A_229 = tpu.memref_squeeze %dma_wait3A_228 : memref<1x128xi32, #tpu.memory_space<vmem>> -> memref<128xi32, #tpu.memory_space<vmem>>
        %dma_wait3A_230 = arith.constant 0 : i32
        %dma_wait3A_231 = tpu.memref_slice %arg3[%dma_wait3A_230] : memref<320000xi32, #tpu.memory_space<hbm>> -> memref<128xi32, #tpu.memory_space<hbm>>
        tpu.wait_dma2 semaphore(%arg16 : memref<!tpu.dma_semaphore, #tpu.memory_space<semaphore_mem>>) src(%dma_wait3A_231 : memref<128xi32, #tpu.memory_space<hbm>>) dst(%dma_wait3A_229 : memref<128xi32, #tpu.memory_space<vmem>>)
        %dma_wait3A_232 = arith.constant 2 : i32
        %dma_wait3A_233 = arith.constant 0 : i32
        %dma_wait3A_234 = tpu.memref_slice %arg8[%dma_wait3A_232, %dma_wait3A_233] : memref<3x128xi32, #tpu.memory_space<vmem>> -> memref<1x128xi32, #tpu.memory_space<vmem>>
        %dma_wait3A_235 = tpu.memref_squeeze %dma_wait3A_234 : memref<1x128xi32, #tpu.memory_space<vmem>> -> memref<128xi32, #tpu.memory_space<vmem>>
        %dma_wait3A_236 = arith.constant 0 : i32
        %dma_wait3A_237 = tpu.memref_slice %arg4[%dma_wait3A_236] : memref<320000xi32, #tpu.memory_space<hbm>> -> memref<128xi32, #tpu.memory_space<hbm>>
        %dma_wait3A_238 = arith.constant 0 : i32
        %dma_wait3A_239 = tpu.memref_slice %arg8[%dma_wait3A_232, %dma_wait3A_238] : memref<3x128xi32, #tpu.memory_space<vmem>> -> memref<1x128xi32, #tpu.memory_space<vmem>>
        %dma_wait3A_240 = tpu.memref_squeeze %dma_wait3A_239 : memref<1x128xi32, #tpu.memory_space<vmem>> -> memref<128xi32, #tpu.memory_space<vmem>>
        %dma_wait3A_241 = arith.constant 0 : i32
        %dma_wait3A_242 = tpu.memref_slice %arg4[%dma_wait3A_241] : memref<320000xi32, #tpu.memory_space<hbm>> -> memref<128xi32, #tpu.memory_space<hbm>>
        tpu.wait_dma2 semaphore(%arg16 : memref<!tpu.dma_semaphore, #tpu.memory_space<semaphore_mem>>) src(%dma_wait3A_242 : memref<128xi32, #tpu.memory_space<hbm>>) dst(%dma_wait3A_240 : memref<128xi32, #tpu.memory_space<vmem>>)
        %dma_start3A_243 = arith.constant 2 : i32
        %dma_start3A_244 = arith.constant 2 : i32
        %dma_start3A_245 = arith.constant 0 : i32
        %dma_start3A_246 = arith.constant 0 : i32
        %dma_start3A_247 = tpu.memref_slice %arg9[%dma_start3A_244, %dma_start3A_245, %dma_start3A_246] : memref<3x128x128xf32, #tpu.memory_space<vmem>> -> memref<1x128x128xf32, #tpu.memory_space<vmem>>
        %dma_start3A_248 = tpu.memref_squeeze %dma_start3A_247 : memref<1x128x128xf32, #tpu.memory_space<vmem>> -> memref<128x128xf32, #tpu.memory_space<vmem>>
        %dma_start3A_249 = arith.constant 0 : i32
        %dma_start3A_250 = tpu.memref_slice %arg7[%dma_start3A_243, %dma_start3A_249] : memref<3x128xi32, #tpu.memory_space<vmem>> -> memref<1x128xi32, #tpu.memory_space<vmem>>
        %dma_start3A_251 = tpu.memref_squeeze %dma_start3A_250 : memref<1x128xi32, #tpu.memory_space<vmem>> -> memref<128xi32, #tpu.memory_space<vmem>>
        %dma_start3A_252 = arith.constant 0 : i32
        %dma_start3A_253 = arith.constant 0 : i32
        %dma_start3A_254 = tpu.memref_slice %arg2[%dma_start3A_252, %dma_start3A_253] : memref<10000x128xf32, #tpu.memory_space<hbm>> -> memref<10000x128xf32, #tpu.memory_space<hbm>>
        tpu.enqueue_indirect_dma source(%dma_start3A_254 : memref<10000x128xf32, #tpu.memory_space<hbm>>) target(%dma_start3A_248 : memref<128x128xf32, #tpu.memory_space<vmem>>) offsets(%dma_start3A_251 : memref<128xi32, #tpu.memory_space<vmem>>) semaphore(%arg13 : memref<!tpu.dma_semaphore, #tpu.memory_space<semaphore_mem>>)
      } else {
      }
      %lt3A_191 = arith.cmpi slt, %add3A_184, %sub3A_47 : i32
      %convert_element_type3A_192 = arith.extui %lt3A_191 : i1 to i32
      %cond3A_193 = arith.constant 0 : i32
      %cond3A_194 = arith.cmpi ne, %convert_element_type3A_192, %cond3A_193 : i32
      scf.if %cond3A_194 {
        %dma_wait3A_221 = arith.constant 0 : i32
        %dma_wait3A_222 = arith.constant 1 : i32
        %dma_wait3A_223 = arith.constant 0 : i32
        %dma_wait3A_224 = arith.constant 0 : i32
        %dma_wait3A_225 = tpu.memref_slice %arg9[%dma_wait3A_222, %dma_wait3A_223, %dma_wait3A_224] : memref<3x128x128xf32, #tpu.memory_space<vmem>> -> memref<1x128x128xf32, #tpu.memory_space<vmem>>
        %dma_wait3A_226 = tpu.memref_squeeze %dma_wait3A_225 : memref<1x128x128xf32, #tpu.memory_space<vmem>> -> memref<128x128xf32, #tpu.memory_space<vmem>>
        %dma_wait3A_227 = arith.constant 0 : i32
        %dma_wait3A_228 = tpu.memref_slice %arg7[%dma_wait3A_221, %dma_wait3A_227] : memref<3x128xi32, #tpu.memory_space<vmem>> -> memref<1x128xi32, #tpu.memory_space<vmem>>
        %dma_wait3A_229 = tpu.memref_squeeze %dma_wait3A_228 : memref<1x128xi32, #tpu.memory_space<vmem>> -> memref<128xi32, #tpu.memory_space<vmem>>
        %dma_wait3A_230 = arith.constant 0 : i32
        %dma_wait3A_231 = arith.constant 0 : i32
        %dma_wait3A_232 = tpu.memref_slice %arg2[%dma_wait3A_230, %dma_wait3A_231] : memref<10000x128xf32, #tpu.memory_space<hbm>> -> memref<10000x128xf32, #tpu.memory_space<hbm>>
        tpu.wait_indirect_dma semaphore(%arg12 : memref<!tpu.dma_semaphore, #tpu.memory_space<semaphore_mem>>) src(%dma_wait3A_232 : memref<10000x128xf32, #tpu.memory_space<hbm>>) dst(%dma_wait3A_226 : memref<128x128xf32, #tpu.memory_space<vmem>>)
        %run_scoped3A = arith.constant 1 : i32
        %run_scoped3A_233 = arith.constant 1 : i32
        "tpu.region"() ({
          %run_scoped3A_234 = tpu.sem_alloc : memref<!tpu.dma_semaphore, #tpu.memory_space<semaphore_mem>>
          %dma_start3A_235 = arith.constant 0 : i32
          %dma_start3A_236 = arith.constant 0 : i32
          %dma_start3A_237 = tpu.memref_slice %arg9[%run_scoped3A, %dma_start3A_235, %dma_start3A_236] : memref<3x128x128xf32, #tpu.memory_space<vmem>> -> memref<1x128x128xf32, #tpu.memory_space<vmem>>
          %dma_start3A_238 = tpu.memref_squeeze %dma_start3A_237 : memref<1x128x128xf32, #tpu.memory_space<vmem>> -> memref<128x128xf32, #tpu.memory_space<vmem>>
          %dma_start3A_239 = arith.constant 0 : i32
          %dma_start3A_240 = tpu.memref_slice %arg8[%run_scoped3A_233, %dma_start3A_239] : memref<3x128xi32, #tpu.memory_space<vmem>> -> memref<1x128xi32, #tpu.memory_space<vmem>>
          %dma_start3A_241 = tpu.memref_squeeze %dma_start3A_240 : memref<1x128xi32, #tpu.memory_space<vmem>> -> memref<128xi32, #tpu.memory_space<vmem>>
          %dma_start3A_242 = arith.constant 0 : i32
          %dma_start3A_243 = arith.constant 0 : i32
          %dma_start3A_244 = tpu.memref_slice %arg10[%dma_start3A_242, %dma_start3A_243] : memref<10112x128xf32, #tpu.memory_space<vmem_shared>> -> memref<10112x128xf32, #tpu.memory_space<vmem_shared>>
          tpu.enqueue_indirect_dma source(%dma_start3A_238 : memref<128x128xf32, #tpu.memory_space<vmem>>) target(%dma_start3A_244 : memref<10112x128xf32, #tpu.memory_space<vmem_shared>>) offsets(%dma_start3A_241 : memref<128xi32, #tpu.memory_space<vmem>>) semaphore(%run_scoped3A_234 : memref<!tpu.dma_semaphore, #tpu.memory_space<semaphore_mem>>) {add = true}
          %dma_wait3A_245 = arith.constant 0 : i32
          %dma_wait3A_246 = arith.constant 0 : i32
          %dma_wait3A_247 = tpu.memref_slice %arg9[%run_scoped3A, %dma_wait3A_245, %dma_wait3A_246] : memref<3x128x128xf32, #tpu.memory_space<vmem>> -> memref<1x128x128xf32, #tpu.memory_space<vmem>>
          %dma_wait3A_248 = tpu.memref_squeeze %dma_wait3A_247 : memref<1x128x128xf32, #tpu.memory_space<vmem>> -> memref<128x128xf32, #tpu.memory_space<vmem>>
          %dma_wait3A_249 = arith.constant 0 : i32
          %dma_wait3A_250 = tpu.memref_slice %arg8[%run_scoped3A_233, %dma_wait3A_249] : memref<3x128xi32, #tpu.memory_space<vmem>> -> memref<1x128xi32, #tpu.memory_space<vmem>>
          %dma_wait3A_251 = tpu.memref_squeeze %dma_wait3A_250 : memref<1x128xi32, #tpu.memory_space<vmem>> -> memref<128xi32, #tpu.memory_space<vmem>>
          %dma_wait3A_252 = arith.constant 0 : i32
          %dma_wait3A_253 = arith.constant 0 : i32
          %dma_wait3A_254 = tpu.memref_slice %arg10[%dma_wait3A_252, %dma_wait3A_253] : memref<10112x128xf32, #tpu.memory_space<vmem_shared>> -> memref<10112x128xf32, #tpu.memory_space<vmem_shared>>
          tpu.wait_indirect_dma semaphore(%run_scoped3A_234 : memref<!tpu.dma_semaphore, #tpu.memory_space<semaphore_mem>>) src(%dma_wait3A_248 : memref<128x128xf32, #tpu.memory_space<vmem>>) dst(%dma_wait3A_254 : memref<10112x128xf32, #tpu.memory_space<vmem_shared>>)
          tpu.yield
        }) : () -> ()
      } else {
      }
      %add3A_195 = arith.constant 3 : i32
      %add3A_196 = arith.addi %add3A_184, %add3A_195 : i32
      %lt3A_197 = arith.cmpi slt, %add3A_196, %sub3A_47 : i32
      %convert_element_type3A_198 = arith.extui %lt3A_197 : i1 to i32
      %cond3A_199 = arith.constant 0 : i32
      %cond3A_200 = arith.cmpi ne, %convert_element_type3A_198, %cond3A_199 : i32
      scf.if %cond3A_200 {
        %add3A_221 = arith.constant 3 : i32
        %add3A_222 = arith.addi %add3A_184, %add3A_221 : i32
        %mul3A_223 = arith.constant 128 : i32
        %mul3A_224 = arith.muli %add3A_222, %mul3A_223 : i32
        %add3A_225 = arith.addi %mul3A_49, %mul3A_224 : i32
        %dma_start3A_226 = arith.constant 1 : i32
        %dma_start3A_227 = arith.constant 0 : i32
        %dma_start3A_228 = tpu.memref_slice %arg7[%dma_start3A_226, %dma_start3A_227] : memref<3x128xi32, #tpu.memory_space<vmem>> -> memref<1x128xi32, #tpu.memory_space<vmem>>
        %dma_start3A_229 = tpu.memref_squeeze %dma_start3A_228 : memref<1x128xi32, #tpu.memory_space<vmem>> -> memref<128xi32, #tpu.memory_space<vmem>>
        %dma_start3A_230 = tpu.memref_slice %arg3[%add3A_225] : memref<320000xi32, #tpu.memory_space<hbm>> -> memref<128xi32, #tpu.memory_space<hbm>>
        %dma_start3A_231 = arith.constant 0 : i32
        %dma_start3A_232 = tpu.memref_slice %arg7[%dma_start3A_226, %dma_start3A_231] : memref<3x128xi32, #tpu.memory_space<vmem>> -> memref<1x128xi32, #tpu.memory_space<vmem>>
        %dma_start3A_233 = tpu.memref_squeeze %dma_start3A_232 : memref<1x128xi32, #tpu.memory_space<vmem>> -> memref<128xi32, #tpu.memory_space<vmem>>
        %dma_start3A_234 = tpu.memref_slice %arg3[%add3A_225] : memref<320000xi32, #tpu.memory_space<hbm>> -> memref<128xi32, #tpu.memory_space<hbm>>
        tpu.enqueue_dma source(%dma_start3A_234 : memref<128xi32, #tpu.memory_space<hbm>>) target(%dma_start3A_233 : memref<128xi32, #tpu.memory_space<vmem>>) target_semaphore(%arg15 : memref<!tpu.dma_semaphore, #tpu.memory_space<semaphore_mem>>)
        %mul3A_235 = arith.constant 128 : i32
        %mul3A_236 = arith.muli %add3A_222, %mul3A_235 : i32
        %add3A_237 = arith.addi %mul3A_49, %mul3A_236 : i32
        %dma_start3A_238 = arith.constant 1 : i32
        %dma_start3A_239 = arith.constant 0 : i32
        %dma_start3A_240 = tpu.memref_slice %arg8[%dma_start3A_238, %dma_start3A_239] : memref<3x128xi32, #tpu.memory_space<vmem>> -> memref<1x128xi32, #tpu.memory_space<vmem>>
        %dma_start3A_241 = tpu.memref_squeeze %dma_start3A_240 : memref<1x128xi32, #tpu.memory_space<vmem>> -> memref<128xi32, #tpu.memory_space<vmem>>
        %dma_start3A_242 = tpu.memref_slice %arg4[%add3A_237] : memref<320000xi32, #tpu.memory_space<hbm>> -> memref<128xi32, #tpu.memory_space<hbm>>
        %dma_start3A_243 = arith.constant 0 : i32
        %dma_start3A_244 = tpu.memref_slice %arg8[%dma_start3A_238, %dma_start3A_243] : memref<3x128xi32, #tpu.memory_space<vmem>> -> memref<1x128xi32, #tpu.memory_space<vmem>>
        %dma_start3A_245 = tpu.memref_squeeze %dma_start3A_244 : memref<1x128xi32, #tpu.memory_space<vmem>> -> memref<128xi32, #tpu.memory_space<vmem>>
        %dma_start3A_246 = tpu.memref_slice %arg4[%add3A_237] : memref<320000xi32, #tpu.memory_space<hbm>> -> memref<128xi32, #tpu.memory_space<hbm>>
        tpu.enqueue_dma source(%dma_start3A_246 : memref<128xi32, #tpu.memory_space<hbm>>) target(%dma_start3A_245 : memref<128xi32, #tpu.memory_space<vmem>>) target_semaphore(%arg15 : memref<!tpu.dma_semaphore, #tpu.memory_space<semaphore_mem>>)
      } else {
      }
      %mul3A_201 = arith.constant 3 : i32
      %mul3A_202 = arith.muli %mul3A_201, %scan3A_163 : i32
      %add3A_203 = arith.constant 2 : i32
      %add3A_204 = arith.addi %mul3A_202, %add3A_203 : i32
      %add3A_205 = arith.constant 1 : i32
      %add3A_206 = arith.addi %add3A_204, %add3A_205 : i32
      %lt3A_207 = arith.cmpi slt, %add3A_206, %sub3A_47 : i32
      %convert_element_type3A_208 = arith.extui %lt3A_207 : i1 to i32
      %cond3A_209 = arith.constant 0 : i32
      %cond3A_210 = arith.cmpi ne, %convert_element_type3A_208, %cond3A_209 : i32
      scf.if %cond3A_210 {
        %dma_wait3A_221 = arith.constant 0 : i32
        %dma_wait3A_222 = arith.constant 0 : i32
        %dma_wait3A_223 = tpu.memref_slice %arg7[%dma_wait3A_221, %dma_wait3A_222] : memref<3x128xi32, #tpu.memory_space<vmem>> -> memref<1x128xi32, #tpu.memory_space<vmem>>
        %dma_wait3A_224 = tpu.memref_squeeze %dma_wait3A_223 : memref<1x128xi32, #tpu.memory_space<vmem>> -> memref<128xi32, #tpu.memory_space<vmem>>
        %dma_wait3A_225 = arith.constant 0 : i32
        %dma_wait3A_226 = tpu.memref_slice %arg3[%dma_wait3A_225] : memref<320000xi32, #tpu.memory_space<hbm>> -> memref<128xi32, #tpu.memory_space<hbm>>
        %dma_wait3A_227 = arith.constant 0 : i32
        %dma_wait3A_228 = tpu.memref_slice %arg7[%dma_wait3A_221, %dma_wait3A_227] : memref<3x128xi32, #tpu.memory_space<vmem>> -> memref<1x128xi32, #tpu.memory_space<vmem>>
        %dma_wait3A_229 = tpu.memref_squeeze %dma_wait3A_228 : memref<1x128xi32, #tpu.memory_space<vmem>> -> memref<128xi32, #tpu.memory_space<vmem>>
        %dma_wait3A_230 = arith.constant 0 : i32
        %dma_wait3A_231 = tpu.memref_slice %arg3[%dma_wait3A_230] : memref<320000xi32, #tpu.memory_space<hbm>> -> memref<128xi32, #tpu.memory_space<hbm>>
        tpu.wait_dma2 semaphore(%arg14 : memref<!tpu.dma_semaphore, #tpu.memory_space<semaphore_mem>>) src(%dma_wait3A_231 : memref<128xi32, #tpu.memory_space<hbm>>) dst(%dma_wait3A_229 : memref<128xi32, #tpu.memory_space<vmem>>)
        %dma_wait3A_232 = arith.constant 0 : i32
        %dma_wait3A_233 = arith.constant 0 : i32
        %dma_wait3A_234 = tpu.memref_slice %arg8[%dma_wait3A_232, %dma_wait3A_233] : memref<3x128xi32, #tpu.memory_space<vmem>> -> memref<1x128xi32, #tpu.memory_space<vmem>>
        %dma_wait3A_235 = tpu.memref_squeeze %dma_wait3A_234 : memref<1x128xi32, #tpu.memory_space<vmem>> -> memref<128xi32, #tpu.memory_space<vmem>>
        %dma_wait3A_236 = arith.constant 0 : i32
        %dma_wait3A_237 = tpu.memref_slice %arg4[%dma_wait3A_236] : memref<320000xi32, #tpu.memory_space<hbm>> -> memref<128xi32, #tpu.memory_space<hbm>>
        %dma_wait3A_238 = arith.constant 0 : i32
        %dma_wait3A_239 = tpu.memref_slice %arg8[%dma_wait3A_232, %dma_wait3A_238] : memref<3x128xi32, #tpu.memory_space<vmem>> -> memref<1x128xi32, #tpu.memory_space<vmem>>
        %dma_wait3A_240 = tpu.memref_squeeze %dma_wait3A_239 : memref<1x128xi32, #tpu.memory_space<vmem>> -> memref<128xi32, #tpu.memory_space<vmem>>
        %dma_wait3A_241 = arith.constant 0 : i32
        %dma_wait3A_242 = tpu.memref_slice %arg4[%dma_wait3A_241] : memref<320000xi32, #tpu.memory_space<hbm>> -> memref<128xi32, #tpu.memory_space<hbm>>
        tpu.wait_dma2 semaphore(%arg14 : memref<!tpu.dma_semaphore, #tpu.memory_space<semaphore_mem>>) src(%dma_wait3A_242 : memref<128xi32, #tpu.memory_space<hbm>>) dst(%dma_wait3A_240 : memref<128xi32, #tpu.memory_space<vmem>>)
        %dma_start3A_243 = arith.constant 0 : i32
        %dma_start3A_244 = arith.constant 0 : i32
        %dma_start3A_245 = arith.constant 0 : i32
        %dma_start3A_246 = arith.constant 0 : i32
        %dma_start3A_247 = tpu.memref_slice %arg9[%dma_start3A_244, %dma_start3A_245, %dma_start3A_246] : memref<3x128x128xf32, #tpu.memory_space<vmem>> -> memref<1x128x128xf32, #tpu.memory_space<vmem>>
        %dma_start3A_248 = tpu.memref_squeeze %dma_start3A_247 : memref<1x128x128xf32, #tpu.memory_space<vmem>> -> memref<128x128xf32, #tpu.memory_space<vmem>>
        %dma_start3A_249 = arith.constant 0 : i32
        %dma_start3A_250 = tpu.memref_slice %arg7[%dma_start3A_243, %dma_start3A_249] : memref<3x128xi32, #tpu.memory_space<vmem>> -> memref<1x128xi32, #tpu.memory_space<vmem>>
        %dma_start3A_251 = tpu.memref_squeeze %dma_start3A_250 : memref<1x128xi32, #tpu.memory_space<vmem>> -> memref<128xi32, #tpu.memory_space<vmem>>
        %dma_start3A_252 = arith.constant 0 : i32
        %dma_start3A_253 = arith.constant 0 : i32
        %dma_start3A_254 = tpu.memref_slice %arg2[%dma_start3A_252, %dma_start3A_253] : memref<10000x128xf32, #tpu.memory_space<hbm>> -> memref<10000x128xf32, #tpu.memory_space<hbm>>
        tpu.enqueue_indirect_dma source(%dma_start3A_254 : memref<10000x128xf32, #tpu.memory_space<hbm>>) target(%dma_start3A_248 : memref<128x128xf32, #tpu.memory_space<vmem>>) offsets(%dma_start3A_251 : memref<128xi32, #tpu.memory_space<vmem>>) semaphore(%arg11 : memref<!tpu.dma_semaphore, #tpu.memory_space<semaphore_mem>>)
      } else {
      }
      %lt3A_211 = arith.cmpi slt, %add3A_204, %sub3A_47 : i32
      %convert_element_type3A_212 = arith.extui %lt3A_211 : i1 to i32
      %cond3A_213 = arith.constant 0 : i32
      %cond3A_214 = arith.cmpi ne, %convert_element_type3A_212, %cond3A_213 : i32
      scf.if %cond3A_214 {
        %dma_wait3A_221 = arith.constant 0 : i32
        %dma_wait3A_222 = arith.constant 2 : i32
        %dma_wait3A_223 = arith.constant 0 : i32
        %dma_wait3A_224 = arith.constant 0 : i32
        %dma_wait3A_225 = tpu.memref_slice %arg9[%dma_wait3A_222, %dma_wait3A_223, %dma_wait3A_224] : memref<3x128x128xf32, #tpu.memory_space<vmem>> -> memref<1x128x128xf32, #tpu.memory_space<vmem>>
        %dma_wait3A_226 = tpu.memref_squeeze %dma_wait3A_225 : memref<1x128x128xf32, #tpu.memory_space<vmem>> -> memref<128x128xf32, #tpu.memory_space<vmem>>
        %dma_wait3A_227 = arith.constant 0 : i32
        %dma_wait3A_228 = tpu.memref_slice %arg7[%dma_wait3A_221, %dma_wait3A_227] : memref<3x128xi32, #tpu.memory_space<vmem>> -> memref<1x128xi32, #tpu.memory_space<vmem>>
        %dma_wait3A_229 = tpu.memref_squeeze %dma_wait3A_228 : memref<1x128xi32, #tpu.memory_space<vmem>> -> memref<128xi32, #tpu.memory_space<vmem>>
        %dma_wait3A_230 = arith.constant 0 : i32
        %dma_wait3A_231 = arith.constant 0 : i32
        %dma_wait3A_232 = tpu.memref_slice %arg2[%dma_wait3A_230, %dma_wait3A_231] : memref<10000x128xf32, #tpu.memory_space<hbm>> -> memref<10000x128xf32, #tpu.memory_space<hbm>>
        tpu.wait_indirect_dma semaphore(%arg13 : memref<!tpu.dma_semaphore, #tpu.memory_space<semaphore_mem>>) src(%dma_wait3A_232 : memref<10000x128xf32, #tpu.memory_space<hbm>>) dst(%dma_wait3A_226 : memref<128x128xf32, #tpu.memory_space<vmem>>)
        %run_scoped3A = arith.constant 2 : i32
        %run_scoped3A_233 = arith.constant 2 : i32
        "tpu.region"() ({
          %run_scoped3A_234 = tpu.sem_alloc : memref<!tpu.dma_semaphore, #tpu.memory_space<semaphore_mem>>
          %dma_start3A_235 = arith.constant 0 : i32
          %dma_start3A_236 = arith.constant 0 : i32
          %dma_start3A_237 = tpu.memref_slice %arg9[%run_scoped3A, %dma_start3A_235, %dma_start3A_236] : memref<3x128x128xf32, #tpu.memory_space<vmem>> -> memref<1x128x128xf32, #tpu.memory_space<vmem>>
          %dma_start3A_238 = tpu.memref_squeeze %dma_start3A_237 : memref<1x128x128xf32, #tpu.memory_space<vmem>> -> memref<128x128xf32, #tpu.memory_space<vmem>>
          %dma_start3A_239 = arith.constant 0 : i32
          %dma_start3A_240 = tpu.memref_slice %arg8[%run_scoped3A_233, %dma_start3A_239] : memref<3x128xi32, #tpu.memory_space<vmem>> -> memref<1x128xi32, #tpu.memory_space<vmem>>
          %dma_start3A_241 = tpu.memref_squeeze %dma_start3A_240 : memref<1x128xi32, #tpu.memory_space<vmem>> -> memref<128xi32, #tpu.memory_space<vmem>>
          %dma_start3A_242 = arith.constant 0 : i32
          %dma_start3A_243 = arith.constant 0 : i32
          %dma_start3A_244 = tpu.memref_slice %arg10[%dma_start3A_242, %dma_start3A_243] : memref<10112x128xf32, #tpu.memory_space<vmem_shared>> -> memref<10112x128xf32, #tpu.memory_space<vmem_shared>>
          tpu.enqueue_indirect_dma source(%dma_start3A_238 : memref<128x128xf32, #tpu.memory_space<vmem>>) target(%dma_start3A_244 : memref<10112x128xf32, #tpu.memory_space<vmem_shared>>) offsets(%dma_start3A_241 : memref<128xi32, #tpu.memory_space<vmem>>) semaphore(%run_scoped3A_234 : memref<!tpu.dma_semaphore, #tpu.memory_space<semaphore_mem>>) {add = true}
          %dma_wait3A_245 = arith.constant 0 : i32
          %dma_wait3A_246 = arith.constant 0 : i32
          %dma_wait3A_247 = tpu.memref_slice %arg9[%run_scoped3A, %dma_wait3A_245, %dma_wait3A_246] : memref<3x128x128xf32, #tpu.memory_space<vmem>> -> memref<1x128x128xf32, #tpu.memory_space<vmem>>
          %dma_wait3A_248 = tpu.memref_squeeze %dma_wait3A_247 : memref<1x128x128xf32, #tpu.memory_space<vmem>> -> memref<128x128xf32, #tpu.memory_space<vmem>>
          %dma_wait3A_249 = arith.constant 0 : i32
          %dma_wait3A_250 = tpu.memref_slice %arg8[%run_scoped3A_233, %dma_wait3A_249] : memref<3x128xi32, #tpu.memory_space<vmem>> -> memref<1x128xi32, #tpu.memory_space<vmem>>
          %dma_wait3A_251 = tpu.memref_squeeze %dma_wait3A_250 : memref<1x128xi32, #tpu.memory_space<vmem>> -> memref<128xi32, #tpu.memory_space<vmem>>
          %dma_wait3A_252 = arith.constant 0 : i32
          %dma_wait3A_253 = arith.constant 0 : i32
          %dma_wait3A_254 = tpu.memref_slice %arg10[%dma_wait3A_252, %dma_wait3A_253] : memref<10112x128xf32, #tpu.memory_space<vmem_shared>> -> memref<10112x128xf32, #tpu.memory_space<vmem_shared>>
          tpu.wait_indirect_dma semaphore(%run_scoped3A_234 : memref<!tpu.dma_semaphore, #tpu.memory_space<semaphore_mem>>) src(%dma_wait3A_248 : memref<128x128xf32, #tpu.memory_space<vmem>>) dst(%dma_wait3A_254 : memref<10112x128xf32, #tpu.memory_space<vmem_shared>>)
          tpu.yield
        }) : () -> ()
      } else {
      }
      %add3A_215 = arith.constant 3 : i32
      %add3A_216 = arith.addi %add3A_204, %add3A_215 : i32
      %lt3A_217 = arith.cmpi slt, %add3A_216, %sub3A_47 : i32
      %convert_element_type3A_218 = arith.extui %lt3A_217 : i1 to i32
      %cond3A_219 = arith.constant 0 : i32
      %cond3A_220 = arith.cmpi ne, %convert_element_type3A_218, %cond3A_219 : i32
      scf.if %cond3A_220 {
        %add3A_221 = arith.constant 3 : i32
        %add3A_222 = arith.addi %add3A_204, %add3A_221 : i32
        %mul3A_223 = arith.constant 128 : i32
        %mul3A_224 = arith.muli %add3A_222, %mul3A_223 : i32
        %add3A_225 = arith.addi %mul3A_49, %mul3A_224 : i32
        %dma_start3A_226 = arith.constant 2 : i32
        %dma_start3A_227 = arith.constant 0 : i32
        %dma_start3A_228 = tpu.memref_slice %arg7[%dma_start3A_226, %dma_start3A_227] : memref<3x128xi32, #tpu.memory_space<vmem>> -> memref<1x128xi32, #tpu.memory_space<vmem>>
        %dma_start3A_229 = tpu.memref_squeeze %dma_start3A_228 : memref<1x128xi32, #tpu.memory_space<vmem>> -> memref<128xi32, #tpu.memory_space<vmem>>
        %dma_start3A_230 = tpu.memref_slice %arg3[%add3A_225] : memref<320000xi32, #tpu.memory_space<hbm>> -> memref<128xi32, #tpu.memory_space<hbm>>
        %dma_start3A_231 = arith.constant 0 : i32
        %dma_start3A_232 = tpu.memref_slice %arg7[%dma_start3A_226, %dma_start3A_231] : memref<3x128xi32, #tpu.memory_space<vmem>> -> memref<1x128xi32, #tpu.memory_space<vmem>>
        %dma_start3A_233 = tpu.memref_squeeze %dma_start3A_232 : memref<1x128xi32, #tpu.memory_space<vmem>> -> memref<128xi32, #tpu.memory_space<vmem>>
        %dma_start3A_234 = tpu.memref_slice %arg3[%add3A_225] : memref<320000xi32, #tpu.memory_space<hbm>> -> memref<128xi32, #tpu.memory_space<hbm>>
        tpu.enqueue_dma source(%dma_start3A_234 : memref<128xi32, #tpu.memory_space<hbm>>) target(%dma_start3A_233 : memref<128xi32, #tpu.memory_space<vmem>>) target_semaphore(%arg16 : memref<!tpu.dma_semaphore, #tpu.memory_space<semaphore_mem>>)
        %mul3A_235 = arith.constant 128 : i32
        %mul3A_236 = arith.muli %add3A_222, %mul3A_235 : i32
        %add3A_237 = arith.addi %mul3A_49, %mul3A_236 : i32
        %dma_start3A_238 = arith.constant 2 : i32
        %dma_start3A_239 = arith.constant 0 : i32
        %dma_start3A_240 = tpu.memref_slice %arg8[%dma_start3A_238, %dma_start3A_239] : memref<3x128xi32, #tpu.memory_space<vmem>> -> memref<1x128xi32, #tpu.memory_space<vmem>>
        %dma_start3A_241 = tpu.memref_squeeze %dma_start3A_240 : memref<1x128xi32, #tpu.memory_space<vmem>> -> memref<128xi32, #tpu.memory_space<vmem>>
        %dma_start3A_242 = tpu.memref_slice %arg4[%add3A_237] : memref<320000xi32, #tpu.memory_space<hbm>> -> memref<128xi32, #tpu.memory_space<hbm>>
        %dma_start3A_243 = arith.constant 0 : i32
        %dma_start3A_244 = tpu.memref_slice %arg8[%dma_start3A_238, %dma_start3A_243] : memref<3x128xi32, #tpu.memory_space<vmem>> -> memref<1x128xi32, #tpu.memory_space<vmem>>
        %dma_start3A_245 = tpu.memref_squeeze %dma_start3A_244 : memref<1x128xi32, #tpu.memory_space<vmem>> -> memref<128xi32, #tpu.memory_space<vmem>>
        %dma_start3A_246 = tpu.memref_slice %arg4[%add3A_237] : memref<320000xi32, #tpu.memory_space<hbm>> -> memref<128xi32, #tpu.memory_space<hbm>>
        tpu.enqueue_dma source(%dma_start3A_246 : memref<128xi32, #tpu.memory_space<hbm>>) target(%dma_start3A_245 : memref<128xi32, #tpu.memory_space<vmem>>) target_semaphore(%arg16 : memref<!tpu.dma_semaphore, #tpu.memory_space<semaphore_mem>>)
      } else {
      }
    }
    %scan3A_154 = arith.constant 27 : i32
    %barrier3A_155 = arith.constant 0 : index
    tpu.barrier barrier_id(%barrier3A_155)
    %mul3A_156 = arith.constant 632 : i32
    %mul3A_157 = arith.muli %arg1, %mul3A_156 : i32
    %mul3A_158 = arith.constant 10112 : i32
    %mul3A_159 = arith.muli %arg0, %mul3A_158 : i32
    %mul3A_160 = arith.constant 632 : i32
    %mul3A_161 = arith.muli %arg1, %mul3A_160 : i32
    %add3A_162 = arith.addi %mul3A_159, %mul3A_161 : i32
    "tpu.region"() ({
      %run_scoped3A = tpu.sem_alloc : memref<!tpu.dma_semaphore, #tpu.memory_space<semaphore_mem>>
      %dma_start3A_163 = arith.constant 0 : i32
      %dma_start3A_164 = tpu.memref_slice %arg6[%add3A_162, %dma_start3A_163] : memref<20224x128xf32, #tpu.memory_space<hbm>> -> memref<632x128xf32, #tpu.memory_space<hbm>>
      %dma_start3A_165 = arith.constant 0 : i32
      %dma_start3A_166 = tpu.memref_slice %arg10[%mul3A_157, %dma_start3A_165] : memref<10112x128xf32, #tpu.memory_space<vmem_shared>> -> memref<632x128xf32, #tpu.memory_space<vmem_shared>>
      tpu.enqueue_dma source(%dma_start3A_166 : memref<632x128xf32, #tpu.memory_space<vmem_shared>>) target(%dma_start3A_164 : memref<632x128xf32, #tpu.memory_space<hbm>>) target_semaphore(%run_scoped3A : memref<!tpu.dma_semaphore, #tpu.memory_space<semaphore_mem>>)
      %dma_wait3A_167 = arith.constant 0 : i32
      %dma_wait3A_168 = tpu.memref_slice %arg6[%add3A_162, %dma_wait3A_167] : memref<20224x128xf32, #tpu.memory_space<hbm>> -> memref<632x128xf32, #tpu.memory_space<hbm>>
      %dma_wait3A_169 = arith.constant 0 : i32
      %dma_wait3A_170 = tpu.memref_slice %arg10[%mul3A_157, %dma_wait3A_169] : memref<10112x128xf32, #tpu.memory_space<vmem_shared>> -> memref<632x128xf32, #tpu.memory_space<vmem_shared>>
      tpu.wait_dma2 semaphore(%run_scoped3A : memref<!tpu.dma_semaphore, #tpu.memory_space<semaphore_mem>>) src(%dma_wait3A_170 : memref<632x128xf32, #tpu.memory_space<vmem_shared>>) dst(%dma_wait3A_168 : memref<632x128xf32, #tpu.memory_space<hbm>>)
      tpu.yield
    }) : () -> ()
    return
  }
}

#map = affine_map<(d0, d1) -> (0)>
module attributes {stable_mosaic.version = 14 : i64} {
  func.func @_deg_kernel(%arg0: i32, %arg1: i32, %arg2: memref<320000xi32, #tpu.memory_space<hbm>>, %arg3: memref<128xf32, #tpu.memory_space<hbm>>, %arg4: memref<640xf32, #tpu.memory_space<hbm>>, %arg5: memref<20480xf32, #tpu.memory_space<hbm>>, %arg6: memref<2x128xi32, #tpu.memory_space<vmem>>, %arg7: memref<128xf32, #tpu.memory_space<vmem>>, %arg8: memref<10240xf32, #tpu.memory_space<vmem_shared>>, %arg9: memref<!tpu.dma_semaphore, #tpu.memory_space<semaphore_mem>>, %arg10: memref<!tpu.dma_semaphore, #tpu.memory_space<semaphore_mem>>) attributes {dimension_semantics = [#tpu.dimension_semantics<core_parallel>, #tpu.dimension_semantics<subcore_parallel>], iteration_bounds = array<i64: 2, 16>, scalar_prefetch = 0 : i64, scratch_operands = 5 : i64, tpu.core_type = #tpu.core_type<sc_vector_subcore>, window_params = [{transform_indices = #map}, {transform_indices = #map}, {transform_indices = #map}, {transform_indices = #map}]} {
    %mul3A = arith.constant 16 : i32
    %mul3A_0 = arith.muli %arg0, %mul3A : i32
    %add3A = arith.addi %mul3A_0, %arg1 : i32
    %mul3A_1 = arith.constant 2500 : i32
    %mul3A_2 = arith.muli %add3A, %mul3A_1 : i32
    %jit3A = arith.constant 32 : i32
    %div3A = arith.divsi %mul3A_2, %jit3A : i32
    %sign3A = arith.constant 0 : i32
    %sign3A_3 = arith.cmpi sgt, %mul3A_2, %sign3A : i32
    %sign3A_4 = arith.extui %sign3A_3 : i1 to i32
    %sign3A_5 = arith.constant 0 : i32
    %sign3A_6 = arith.cmpi slt, %mul3A_2, %sign3A_5 : i32
    %sign3A_7 = arith.extui %sign3A_6 : i1 to i32
    %sign3A_8 = arith.subi %sign3A_4, %sign3A_7 : i32
    %sign3A_9 = arith.constant 0 : i32
    %sign3A_10 = arith.cmpi sgt, %jit3A, %sign3A_9 : i32
    %sign3A_11 = arith.extui %sign3A_10 : i1 to i32
    %sign3A_12 = arith.constant 0 : i32
    %sign3A_13 = arith.cmpi slt, %jit3A, %sign3A_12 : i32
    %sign3A_14 = arith.extui %sign3A_13 : i1 to i32
    %sign3A_15 = arith.subi %sign3A_11, %sign3A_14 : i32
    %ne3A = arith.cmpi ne, %sign3A_8, %sign3A_15 : i32
    %rem3A = arith.remsi %mul3A_2, %jit3A : i32
    %ne3A_16 = arith.constant 0 : i32
    %ne3A_17 = arith.cmpi ne, %rem3A, %ne3A_16 : i32
    %and3A = arith.andi %ne3A, %ne3A_17 : i1
    %sub3A = arith.constant 1 : i32
    %sub3A_18 = arith.subi %div3A, %sub3A : i32
    %select_n3A = arith.select %and3A, %sub3A_18, %div3A : i32
    %add3A_19 = arith.constant 1 : i32
    %add3A_20 = arith.addi %add3A, %add3A_19 : i32
    %mul3A_21 = arith.constant 2500 : i32
    %mul3A_22 = arith.muli %add3A_20, %mul3A_21 : i32
    %jit3A_23 = arith.constant 32 : i32
    %div3A_24 = arith.divsi %mul3A_22, %jit3A_23 : i32
    %sign3A_25 = arith.constant 0 : i32
    %sign3A_26 = arith.cmpi sgt, %mul3A_22, %sign3A_25 : i32
    %sign3A_27 = arith.extui %sign3A_26 : i1 to i32
    %sign3A_28 = arith.constant 0 : i32
    %sign3A_29 = arith.cmpi slt, %mul3A_22, %sign3A_28 : i32
    %sign3A_30 = arith.extui %sign3A_29 : i1 to i32
    %sign3A_31 = arith.subi %sign3A_27, %sign3A_30 : i32
    %sign3A_32 = arith.constant 0 : i32
    %sign3A_33 = arith.cmpi sgt, %jit3A_23, %sign3A_32 : i32
    %sign3A_34 = arith.extui %sign3A_33 : i1 to i32
    %sign3A_35 = arith.constant 0 : i32
    %sign3A_36 = arith.cmpi slt, %jit3A_23, %sign3A_35 : i32
    %sign3A_37 = arith.extui %sign3A_36 : i1 to i32
    %sign3A_38 = arith.subi %sign3A_34, %sign3A_37 : i32
    %ne3A_39 = arith.cmpi ne, %sign3A_31, %sign3A_38 : i32
    %rem3A_40 = arith.remsi %mul3A_22, %jit3A_23 : i32
    %ne3A_41 = arith.constant 0 : i32
    %ne3A_42 = arith.cmpi ne, %rem3A_40, %ne3A_41 : i32
    %and3A_43 = arith.andi %ne3A_39, %ne3A_42 : i1
    %sub3A_44 = arith.constant 1 : i32
    %sub3A_45 = arith.subi %div3A_24, %sub3A_44 : i32
    %select_n3A_46 = arith.select %and3A_43, %sub3A_45, %div3A_24 : i32
    %sub3A_47 = arith.subi %select_n3A_46, %select_n3A : i32
    %mul3A_48 = arith.constant 128 : i32
    %mul3A_49 = arith.muli %select_n3A, %mul3A_48 : i32
    "tpu.region"() ({
      %run_scoped3A = tpu.sem_alloc : memref<!tpu.dma_semaphore, #tpu.memory_space<semaphore_mem>>
      tpu.enqueue_dma source(%arg3 : memref<128xf32, #tpu.memory_space<hbm>>) target(%arg7 : memref<128xf32, #tpu.memory_space<vmem>>) target_semaphore(%run_scoped3A : memref<!tpu.dma_semaphore, #tpu.memory_space<semaphore_mem>>)
      tpu.wait_dma2 semaphore(%run_scoped3A : memref<!tpu.dma_semaphore, #tpu.memory_space<semaphore_mem>>) src(%arg3 : memref<128xf32, #tpu.memory_space<hbm>>) dst(%arg7 : memref<128xf32, #tpu.memory_space<vmem>>)
      tpu.yield
    }) : () -> ()
    %mul3A_50 = arith.constant 640 : i32
    %mul3A_51 = arith.muli %arg1, %mul3A_50 : i32
    "tpu.region"() ({
      %run_scoped3A = tpu.sem_alloc : memref<!tpu.dma_semaphore, #tpu.memory_space<semaphore_mem>>
      %dma_start3A_86 = tpu.memref_slice %arg8[%mul3A_51] : memref<10240xf32, #tpu.memory_space<vmem_shared>> -> memref<640xf32, #tpu.memory_space<vmem_shared>>
      tpu.enqueue_dma source(%arg4 : memref<640xf32, #tpu.memory_space<hbm>>) target(%dma_start3A_86 : memref<640xf32, #tpu.memory_space<vmem_shared>>) target_semaphore(%run_scoped3A : memref<!tpu.dma_semaphore, #tpu.memory_space<semaphore_mem>>)
      %dma_wait3A = tpu.memref_slice %arg8[%mul3A_51] : memref<10240xf32, #tpu.memory_space<vmem_shared>> -> memref<640xf32, #tpu.memory_space<vmem_shared>>
      tpu.wait_dma2 semaphore(%run_scoped3A : memref<!tpu.dma_semaphore, #tpu.memory_space<semaphore_mem>>) src(%arg4 : memref<640xf32, #tpu.memory_space<hbm>>) dst(%dma_wait3A : memref<640xf32, #tpu.memory_space<vmem_shared>>)
      tpu.yield
    }) : () -> ()
    %barrier3A = arith.constant 0 : index
    tpu.barrier barrier_id(%barrier3A)
    %add3A_52 = arith.constant 0 : i32
    %add3A_53 = arith.addi %mul3A_49, %add3A_52 : i32
    %dma_start3A = arith.constant 0 : i32
    %dma_start3A_54 = arith.constant 0 : i32
    %dma_start3A_55 = tpu.memref_slice %arg6[%dma_start3A, %dma_start3A_54] : memref<2x128xi32, #tpu.memory_space<vmem>> -> memref<1x128xi32, #tpu.memory_space<vmem>>
    %dma_start3A_56 = tpu.memref_squeeze %dma_start3A_55 : memref<1x128xi32, #tpu.memory_space<vmem>> -> memref<128xi32, #tpu.memory_space<vmem>>
    %dma_start3A_57 = tpu.memref_slice %arg2[%add3A_53] : memref<320000xi32, #tpu.memory_space<hbm>> -> memref<128xi32, #tpu.memory_space<hbm>>
    %dma_start3A_58 = arith.constant 0 : i32
    %dma_start3A_59 = tpu.memref_slice %arg6[%dma_start3A, %dma_start3A_58] : memref<2x128xi32, #tpu.memory_space<vmem>> -> memref<1x128xi32, #tpu.memory_space<vmem>>
    %dma_start3A_60 = tpu.memref_squeeze %dma_start3A_59 : memref<1x128xi32, #tpu.memory_space<vmem>> -> memref<128xi32, #tpu.memory_space<vmem>>
    %dma_start3A_61 = tpu.memref_slice %arg2[%add3A_53] : memref<320000xi32, #tpu.memory_space<hbm>> -> memref<128xi32, #tpu.memory_space<hbm>>
    tpu.enqueue_dma source(%dma_start3A_61 : memref<128xi32, #tpu.memory_space<hbm>>) target(%dma_start3A_60 : memref<128xi32, #tpu.memory_space<vmem>>) target_semaphore(%arg9 : memref<!tpu.dma_semaphore, #tpu.memory_space<semaphore_mem>>)
    %add3A_62 = arith.constant 128 : i32
    %add3A_63 = arith.addi %mul3A_49, %add3A_62 : i32
    %dma_start3A_64 = arith.constant 1 : i32
    %dma_start3A_65 = arith.constant 0 : i32
    %dma_start3A_66 = tpu.memref_slice %arg6[%dma_start3A_64, %dma_start3A_65] : memref<2x128xi32, #tpu.memory_space<vmem>> -> memref<1x128xi32, #tpu.memory_space<vmem>>
    %dma_start3A_67 = tpu.memref_squeeze %dma_start3A_66 : memref<1x128xi32, #tpu.memory_space<vmem>> -> memref<128xi32, #tpu.memory_space<vmem>>
    %dma_start3A_68 = tpu.memref_slice %arg2[%add3A_63] : memref<320000xi32, #tpu.memory_space<hbm>> -> memref<128xi32, #tpu.memory_space<hbm>>
    %dma_start3A_69 = arith.constant 0 : i32
    %dma_start3A_70 = tpu.memref_slice %arg6[%dma_start3A_64, %dma_start3A_69] : memref<2x128xi32, #tpu.memory_space<vmem>> -> memref<1x128xi32, #tpu.memory_space<vmem>>
    %dma_start3A_71 = tpu.memref_squeeze %dma_start3A_70 : memref<1x128xi32, #tpu.memory_space<vmem>> -> memref<128xi32, #tpu.memory_space<vmem>>
    %dma_start3A_72 = tpu.memref_slice %arg2[%add3A_63] : memref<320000xi32, #tpu.memory_space<hbm>> -> memref<128xi32, #tpu.memory_space<hbm>>
    tpu.enqueue_dma source(%dma_start3A_72 : memref<128xi32, #tpu.memory_space<hbm>>) target(%dma_start3A_71 : memref<128xi32, #tpu.memory_space<vmem>>) target_semaphore(%arg10 : memref<!tpu.dma_semaphore, #tpu.memory_space<semaphore_mem>>)
    %scan3A = arith.constant 0 : i32
    %scan3A_73 = arith.constant 0 : i32
    %scan3A_74 = arith.constant 40 : i32
    %scan3A_75 = arith.addi %scan3A_73, %scan3A_74 : i32
    %scan3A_76 = arith.constant 1 : i32
    scf.for %scan3A_86 = %scan3A_73 to %scan3A_75 step %scan3A_76  : i32 {
      %mul3A_87 = arith.constant 2 : i32
      %mul3A_88 = arith.muli %mul3A_87, %scan3A_86 : i32
      %lt3A = arith.cmpi slt, %mul3A_88, %sub3A_47 : i32
      %convert_element_type3A = arith.extui %lt3A : i1 to i32
      %cond3A = arith.constant 0 : i32
      %cond3A_89 = arith.cmpi ne, %convert_element_type3A, %cond3A : i32
      scf.if %cond3A_89 {
        %dma_wait3A = arith.constant 0 : i32
        %dma_wait3A_110 = arith.constant 0 : i32
        %dma_wait3A_111 = tpu.memref_slice %arg6[%dma_wait3A, %dma_wait3A_110] : memref<2x128xi32, #tpu.memory_space<vmem>> -> memref<1x128xi32, #tpu.memory_space<vmem>>
        %dma_wait3A_112 = tpu.memref_squeeze %dma_wait3A_111 : memref<1x128xi32, #tpu.memory_space<vmem>> -> memref<128xi32, #tpu.memory_space<vmem>>
        %dma_wait3A_113 = arith.constant 0 : i32
        %dma_wait3A_114 = tpu.memref_slice %arg2[%dma_wait3A_113] : memref<320000xi32, #tpu.memory_space<hbm>> -> memref<128xi32, #tpu.memory_space<hbm>>
        %dma_wait3A_115 = arith.constant 0 : i32
        %dma_wait3A_116 = tpu.memref_slice %arg6[%dma_wait3A, %dma_wait3A_115] : memref<2x128xi32, #tpu.memory_space<vmem>> -> memref<1x128xi32, #tpu.memory_space<vmem>>
        %dma_wait3A_117 = tpu.memref_squeeze %dma_wait3A_116 : memref<1x128xi32, #tpu.memory_space<vmem>> -> memref<128xi32, #tpu.memory_space<vmem>>
        %dma_wait3A_118 = arith.constant 0 : i32
        %dma_wait3A_119 = tpu.memref_slice %arg2[%dma_wait3A_118] : memref<320000xi32, #tpu.memory_space<hbm>> -> memref<128xi32, #tpu.memory_space<hbm>>
        tpu.wait_dma2 semaphore(%arg9 : memref<!tpu.dma_semaphore, #tpu.memory_space<semaphore_mem>>) src(%dma_wait3A_119 : memref<128xi32, #tpu.memory_space<hbm>>) dst(%dma_wait3A_117 : memref<128xi32, #tpu.memory_space<vmem>>)
        %run_scoped3A = arith.constant 0 : i32
        "tpu.region"() ({
          %run_scoped3A_120 = tpu.sem_alloc : memref<!tpu.dma_semaphore, #tpu.memory_space<semaphore_mem>>
          %dma_start3A_121 = arith.constant 0 : i32
          %dma_start3A_122 = tpu.memref_slice %arg6[%run_scoped3A, %dma_start3A_121] : memref<2x128xi32, #tpu.memory_space<vmem>> -> memref<1x128xi32, #tpu.memory_space<vmem>>
          %dma_start3A_123 = tpu.memref_squeeze %dma_start3A_122 : memref<1x128xi32, #tpu.memory_space<vmem>> -> memref<128xi32, #tpu.memory_space<vmem>>
          %dma_start3A_124 = arith.constant 0 : i32
          %dma_start3A_125 = tpu.memref_slice %arg8[%dma_start3A_124] : memref<10240xf32, #tpu.memory_space<vmem_shared>> -> memref<10240xf32, #tpu.memory_space<vmem_shared>>
          tpu.enqueue_indirect_dma source(%arg7 : memref<128xf32, #tpu.memory_space<vmem>>) target(%dma_start3A_125 : memref<10240xf32, #tpu.memory_space<vmem_shared>>) offsets(%dma_start3A_123 : memref<128xi32, #tpu.memory_space<vmem>>) semaphore(%run_scoped3A_120 : memref<!tpu.dma_semaphore, #tpu.memory_space<semaphore_mem>>) {add = true}
          %dma_wait3A_126 = arith.constant 0 : i32
          %dma_wait3A_127 = tpu.memref_slice %arg6[%run_scoped3A, %dma_wait3A_126] : memref<2x128xi32, #tpu.memory_space<vmem>> -> memref<1x128xi32, #tpu.memory_space<vmem>>
          %dma_wait3A_128 = tpu.memref_squeeze %dma_wait3A_127 : memref<1x128xi32, #tpu.memory_space<vmem>> -> memref<128xi32, #tpu.memory_space<vmem>>
          %dma_wait3A_129 = arith.constant 0 : i32
          %dma_wait3A_130 = tpu.memref_slice %arg8[%dma_wait3A_129] : memref<10240xf32, #tpu.memory_space<vmem_shared>> -> memref<10240xf32, #tpu.memory_space<vmem_shared>>
          tpu.wait_indirect_dma semaphore(%run_scoped3A_120 : memref<!tpu.dma_semaphore, #tpu.memory_space<semaphore_mem>>) src(%arg7 : memref<128xf32, #tpu.memory_space<vmem>>) dst(%dma_wait3A_130 : memref<10240xf32, #tpu.memory_space<vmem_shared>>)
          tpu.yield
        }) : () -> ()
      } else {
      }
      %add3A_90 = arith.constant 2 : i32
      %add3A_91 = arith.addi %mul3A_88, %add3A_90 : i32
      %lt3A_92 = arith.cmpi slt, %add3A_91, %sub3A_47 : i32
      %convert_element_type3A_93 = arith.extui %lt3A_92 : i1 to i32
      %cond3A_94 = arith.constant 0 : i32
      %cond3A_95 = arith.cmpi ne, %convert_element_type3A_93, %cond3A_94 : i32
      scf.if %cond3A_95 {
        %add3A_110 = arith.constant 2 : i32
        %add3A_111 = arith.addi %mul3A_88, %add3A_110 : i32
        %mul3A_112 = arith.constant 128 : i32
        %mul3A_113 = arith.muli %add3A_111, %mul3A_112 : i32
        %add3A_114 = arith.addi %mul3A_49, %mul3A_113 : i32
        %dma_start3A_115 = arith.constant 0 : i32
        %dma_start3A_116 = arith.constant 0 : i32
        %dma_start3A_117 = tpu.memref_slice %arg6[%dma_start3A_115, %dma_start3A_116] : memref<2x128xi32, #tpu.memory_space<vmem>> -> memref<1x128xi32, #tpu.memory_space<vmem>>
        %dma_start3A_118 = tpu.memref_squeeze %dma_start3A_117 : memref<1x128xi32, #tpu.memory_space<vmem>> -> memref<128xi32, #tpu.memory_space<vmem>>
        %dma_start3A_119 = tpu.memref_slice %arg2[%add3A_114] : memref<320000xi32, #tpu.memory_space<hbm>> -> memref<128xi32, #tpu.memory_space<hbm>>
        %dma_start3A_120 = arith.constant 0 : i32
        %dma_start3A_121 = tpu.memref_slice %arg6[%dma_start3A_115, %dma_start3A_120] : memref<2x128xi32, #tpu.memory_space<vmem>> -> memref<1x128xi32, #tpu.memory_space<vmem>>
        %dma_start3A_122 = tpu.memref_squeeze %dma_start3A_121 : memref<1x128xi32, #tpu.memory_space<vmem>> -> memref<128xi32, #tpu.memory_space<vmem>>
        %dma_start3A_123 = tpu.memref_slice %arg2[%add3A_114] : memref<320000xi32, #tpu.memory_space<hbm>> -> memref<128xi32, #tpu.memory_space<hbm>>
        tpu.enqueue_dma source(%dma_start3A_123 : memref<128xi32, #tpu.memory_space<hbm>>) target(%dma_start3A_122 : memref<128xi32, #tpu.memory_space<vmem>>) target_semaphore(%arg9 : memref<!tpu.dma_semaphore, #tpu.memory_space<semaphore_mem>>)
      } else {
      }
      %mul3A_96 = arith.constant 2 : i32
      %mul3A_97 = arith.muli %mul3A_96, %scan3A_86 : i32
      %add3A_98 = arith.constant 1 : i32
      %add3A_99 = arith.addi %mul3A_97, %add3A_98 : i32
      %lt3A_100 = arith.cmpi slt, %add3A_99, %sub3A_47 : i32
      %convert_element_type3A_101 = arith.extui %lt3A_100 : i1 to i32
      %cond3A_102 = arith.constant 0 : i32
      %cond3A_103 = arith.cmpi ne, %convert_element_type3A_101, %cond3A_102 : i32
      scf.if %cond3A_103 {
        %dma_wait3A = arith.constant 1 : i32
        %dma_wait3A_110 = arith.constant 0 : i32
        %dma_wait3A_111 = tpu.memref_slice %arg6[%dma_wait3A, %dma_wait3A_110] : memref<2x128xi32, #tpu.memory_space<vmem>> -> memref<1x128xi32, #tpu.memory_space<vmem>>
        %dma_wait3A_112 = tpu.memref_squeeze %dma_wait3A_111 : memref<1x128xi32, #tpu.memory_space<vmem>> -> memref<128xi32, #tpu.memory_space<vmem>>
        %dma_wait3A_113 = arith.constant 0 : i32
        %dma_wait3A_114 = tpu.memref_slice %arg2[%dma_wait3A_113] : memref<320000xi32, #tpu.memory_space<hbm>> -> memref<128xi32, #tpu.memory_space<hbm>>
        %dma_wait3A_115 = arith.constant 0 : i32
        %dma_wait3A_116 = tpu.memref_slice %arg6[%dma_wait3A, %dma_wait3A_115] : memref<2x128xi32, #tpu.memory_space<vmem>> -> memref<1x128xi32, #tpu.memory_space<vmem>>
        %dma_wait3A_117 = tpu.memref_squeeze %dma_wait3A_116 : memref<1x128xi32, #tpu.memory_space<vmem>> -> memref<128xi32, #tpu.memory_space<vmem>>
        %dma_wait3A_118 = arith.constant 0 : i32
        %dma_wait3A_119 = tpu.memref_slice %arg2[%dma_wait3A_118] : memref<320000xi32, #tpu.memory_space<hbm>> -> memref<128xi32, #tpu.memory_space<hbm>>
        tpu.wait_dma2 semaphore(%arg10 : memref<!tpu.dma_semaphore, #tpu.memory_space<semaphore_mem>>) src(%dma_wait3A_119 : memref<128xi32, #tpu.memory_space<hbm>>) dst(%dma_wait3A_117 : memref<128xi32, #tpu.memory_space<vmem>>)
        %run_scoped3A = arith.constant 1 : i32
        "tpu.region"() ({
          %run_scoped3A_120 = tpu.sem_alloc : memref<!tpu.dma_semaphore, #tpu.memory_space<semaphore_mem>>
          %dma_start3A_121 = arith.constant 0 : i32
          %dma_start3A_122 = tpu.memref_slice %arg6[%run_scoped3A, %dma_start3A_121] : memref<2x128xi32, #tpu.memory_space<vmem>> -> memref<1x128xi32, #tpu.memory_space<vmem>>
          %dma_start3A_123 = tpu.memref_squeeze %dma_start3A_122 : memref<1x128xi32, #tpu.memory_space<vmem>> -> memref<128xi32, #tpu.memory_space<vmem>>
          %dma_start3A_124 = arith.constant 0 : i32
          %dma_start3A_125 = tpu.memref_slice %arg8[%dma_start3A_124] : memref<10240xf32, #tpu.memory_space<vmem_shared>> -> memref<10240xf32, #tpu.memory_space<vmem_shared>>
          tpu.enqueue_indirect_dma source(%arg7 : memref<128xf32, #tpu.memory_space<vmem>>) target(%dma_start3A_125 : memref<10240xf32, #tpu.memory_space<vmem_shared>>) offsets(%dma_start3A_123 : memref<128xi32, #tpu.memory_space<vmem>>) semaphore(%run_scoped3A_120 : memref<!tpu.dma_semaphore, #tpu.memory_space<semaphore_mem>>) {add = true}
          %dma_wait3A_126 = arith.constant 0 : i32
          %dma_wait3A_127 = tpu.memref_slice %arg6[%run_scoped3A, %dma_wait3A_126] : memref<2x128xi32, #tpu.memory_space<vmem>> -> memref<1x128xi32, #tpu.memory_space<vmem>>
          %dma_wait3A_128 = tpu.memref_squeeze %dma_wait3A_127 : memref<1x128xi32, #tpu.memory_space<vmem>> -> memref<128xi32, #tpu.memory_space<vmem>>
          %dma_wait3A_129 = arith.constant 0 : i32
          %dma_wait3A_130 = tpu.memref_slice %arg8[%dma_wait3A_129] : memref<10240xf32, #tpu.memory_space<vmem_shared>> -> memref<10240xf32, #tpu.memory_space<vmem_shared>>
          tpu.wait_indirect_dma semaphore(%run_scoped3A_120 : memref<!tpu.dma_semaphore, #tpu.memory_space<semaphore_mem>>) src(%arg7 : memref<128xf32, #tpu.memory_space<vmem>>) dst(%dma_wait3A_130 : memref<10240xf32, #tpu.memory_space<vmem_shared>>)
          tpu.yield
        }) : () -> ()
      } else {
      }
      %add3A_104 = arith.constant 2 : i32
      %add3A_105 = arith.addi %add3A_99, %add3A_104 : i32
      %lt3A_106 = arith.cmpi slt, %add3A_105, %sub3A_47 : i32
      %convert_element_type3A_107 = arith.extui %lt3A_106 : i1 to i32
      %cond3A_108 = arith.constant 0 : i32
      %cond3A_109 = arith.cmpi ne, %convert_element_type3A_107, %cond3A_108 : i32
      scf.if %cond3A_109 {
        %add3A_110 = arith.constant 2 : i32
        %add3A_111 = arith.addi %add3A_99, %add3A_110 : i32
        %mul3A_112 = arith.constant 128 : i32
        %mul3A_113 = arith.muli %add3A_111, %mul3A_112 : i32
        %add3A_114 = arith.addi %mul3A_49, %mul3A_113 : i32
        %dma_start3A_115 = arith.constant 1 : i32
        %dma_start3A_116 = arith.constant 0 : i32
        %dma_start3A_117 = tpu.memref_slice %arg6[%dma_start3A_115, %dma_start3A_116] : memref<2x128xi32, #tpu.memory_space<vmem>> -> memref<1x128xi32, #tpu.memory_space<vmem>>
        %dma_start3A_118 = tpu.memref_squeeze %dma_start3A_117 : memref<1x128xi32, #tpu.memory_space<vmem>> -> memref<128xi32, #tpu.memory_space<vmem>>
        %dma_start3A_119 = tpu.memref_slice %arg2[%add3A_114] : memref<320000xi32, #tpu.memory_space<hbm>> -> memref<128xi32, #tpu.memory_space<hbm>>
        %dma_start3A_120 = arith.constant 0 : i32
        %dma_start3A_121 = tpu.memref_slice %arg6[%dma_start3A_115, %dma_start3A_120] : memref<2x128xi32, #tpu.memory_space<vmem>> -> memref<1x128xi32, #tpu.memory_space<vmem>>
        %dma_start3A_122 = tpu.memref_squeeze %dma_start3A_121 : memref<1x128xi32, #tpu.memory_space<vmem>> -> memref<128xi32, #tpu.memory_space<vmem>>
        %dma_start3A_123 = tpu.memref_slice %arg2[%add3A_114] : memref<320000xi32, #tpu.memory_space<hbm>> -> memref<128xi32, #tpu.memory_space<hbm>>
        tpu.enqueue_dma source(%dma_start3A_123 : memref<128xi32, #tpu.memory_space<hbm>>) target(%dma_start3A_122 : memref<128xi32, #tpu.memory_space<vmem>>) target_semaphore(%arg10 : memref<!tpu.dma_semaphore, #tpu.memory_space<semaphore_mem>>)
      } else {
      }
    }
    %scan3A_77 = arith.constant 40 : i32
    %barrier3A_78 = arith.constant 0 : index
    tpu.barrier barrier_id(%barrier3A_78)
    %mul3A_79 = arith.constant 640 : i32
    %mul3A_80 = arith.muli %arg1, %mul3A_79 : i32
    %mul3A_81 = arith.constant 10240 : i32
    %mul3A_82 = arith.muli %arg0, %mul3A_81 : i32
    %mul3A_83 = arith.constant 640 : i32
    %mul3A_84 = arith.muli %arg1, %mul3A_83 : i32
    %add3A_85 = arith.addi %mul3A_82, %mul3A_84 : i32
    "tpu.region"() ({
      %run_scoped3A = tpu.sem_alloc : memref<!tpu.dma_semaphore, #tpu.memory_space<semaphore_mem>>
      %dma_start3A_86 = tpu.memref_slice %arg5[%add3A_85] : memref<20480xf32, #tpu.memory_space<hbm>> -> memref<640xf32, #tpu.memory_space<hbm>>
      %dma_start3A_87 = tpu.memref_slice %arg8[%mul3A_80] : memref<10240xf32, #tpu.memory_space<vmem_shared>> -> memref<640xf32, #tpu.memory_space<vmem_shared>>
      tpu.enqueue_dma source(%dma_start3A_87 : memref<640xf32, #tpu.memory_space<vmem_shared>>) target(%dma_start3A_86 : memref<640xf32, #tpu.memory_space<hbm>>) target_semaphore(%run_scoped3A : memref<!tpu.dma_semaphore, #tpu.memory_space<semaphore_mem>>)
      %dma_wait3A = tpu.memref_slice %arg5[%add3A_85] : memref<20480xf32, #tpu.memory_space<hbm>> -> memref<640xf32, #tpu.memory_space<hbm>>
      %dma_wait3A_88 = tpu.memref_slice %arg8[%mul3A_80] : memref<10240xf32, #tpu.memory_space<vmem_shared>> -> memref<640xf32, #tpu.memory_space<vmem_shared>>
      tpu.wait_dma2 semaphore(%run_scoped3A : memref<!tpu.dma_semaphore, #tpu.memory_space<semaphore_mem>>) src(%dma_wait3A_88 : memref<640xf32, #tpu.memory_space<vmem_shared>>) dst(%dma_wait3A : memref<640xf32, #tpu.memory_space<hbm>>)
      tpu.yield
    }) : () -> ()
    return
  }
}

#map = affine_map<(d0, d1) -> (0, 0)>
#map1 = affine_map<(d0, d1) -> (0)>
module attributes {stable_mosaic.version = 14 : i64} {
  func.func @_agg_kernel(%arg0: i32, %arg1: i32, %arg2: memref<10000x128xf32, #tpu.memory_space<hbm>>, %arg3: memref<320000xi32, #tpu.memory_space<hbm>>, %arg4: memref<320000xi32, #tpu.memory_space<hbm>>, %arg5: memref<632x128xf32, #tpu.memory_space<hbm>>, %arg6: memref<20224x128xf32, #tpu.memory_space<hbm>>, %arg7: memref<3x128xi32, #tpu.memory_space<vmem>>, %arg8: memref<3x128xi32, #tpu.memory_space<vmem>>, %arg9: memref<3x128x128xf32, #tpu.memory_space<vmem>>, %arg10: memref<10112x128xf32, #tpu.memory_space<vmem_shared>>, %arg11: memref<!tpu.dma_semaphore, #tpu.memory_space<semaphore_mem>>, %arg12: memref<!tpu.dma_semaphore, #tpu.memory_space<semaphore_mem>>, %arg13: memref<!tpu.dma_semaphore, #tpu.memory_space<semaphore_mem>>, %arg14: memref<!tpu.dma_semaphore, #tpu.memory_space<semaphore_mem>>, %arg15: memref<!tpu.dma_semaphore, #tpu.memory_space<semaphore_mem>>, %arg16: memref<!tpu.dma_semaphore, #tpu.memory_space<semaphore_mem>>) attributes {dimension_semantics = [#tpu.dimension_semantics<core_parallel>, #tpu.dimension_semantics<subcore_parallel>], iteration_bounds = array<i64: 2, 16>, scalar_prefetch = 0 : i64, scratch_operands = 10 : i64, tpu.core_type = #tpu.core_type<sc_vector_subcore>, window_params = [{transform_indices = #map}, {transform_indices = #map1}, {transform_indices = #map1}, {transform_indices = #map}, {transform_indices = #map}]} {
    %mul3A = arith.constant 16 : i32
    %mul3A_0 = arith.muli %arg0, %mul3A : i32
    %add3A = arith.addi %mul3A_0, %arg1 : i32
    %mul3A_1 = arith.constant 2500 : i32
    %mul3A_2 = arith.muli %add3A, %mul3A_1 : i32
    %jit3A = arith.constant 32 : i32
    %div3A = arith.divsi %mul3A_2, %jit3A : i32
    %sign3A = arith.constant 0 : i32
    %sign3A_3 = arith.cmpi sgt, %mul3A_2, %sign3A : i32
    %sign3A_4 = arith.extui %sign3A_3 : i1 to i32
    %sign3A_5 = arith.constant 0 : i32
    %sign3A_6 = arith.cmpi slt, %mul3A_2, %sign3A_5 : i32
    %sign3A_7 = arith.extui %sign3A_6 : i1 to i32
    %sign3A_8 = arith.subi %sign3A_4, %sign3A_7 : i32
    %sign3A_9 = arith.constant 0 : i32
    %sign3A_10 = arith.cmpi sgt, %jit3A, %sign3A_9 : i32
    %sign3A_11 = arith.extui %sign3A_10 : i1 to i32
    %sign3A_12 = arith.constant 0 : i32
    %sign3A_13 = arith.cmpi slt, %jit3A, %sign3A_12 : i32
    %sign3A_14 = arith.extui %sign3A_13 : i1 to i32
    %sign3A_15 = arith.subi %sign3A_11, %sign3A_14 : i32
    %ne3A = arith.cmpi ne, %sign3A_8, %sign3A_15 : i32
    %rem3A = arith.remsi %mul3A_2, %jit3A : i32
    %ne3A_16 = arith.constant 0 : i32
    %ne3A_17 = arith.cmpi ne, %rem3A, %ne3A_16 : i32
    %and3A = arith.andi %ne3A, %ne3A_17 : i1
    %sub3A = arith.constant 1 : i32
    %sub3A_18 = arith.subi %div3A, %sub3A : i32
    %select_n3A = arith.select %and3A, %sub3A_18, %div3A : i32
    %add3A_19 = arith.constant 1 : i32
    %add3A_20 = arith.addi %add3A, %add3A_19 : i32
    %mul3A_21 = arith.constant 2500 : i32
    %mul3A_22 = arith.muli %add3A_20, %mul3A_21 : i32
    %jit3A_23 = arith.constant 32 : i32
    %div3A_24 = arith.divsi %mul3A_22, %jit3A_23 : i32
    %sign3A_25 = arith.constant 0 : i32
    %sign3A_26 = arith.cmpi sgt, %mul3A_22, %sign3A_25 : i32
    %sign3A_27 = arith.extui %sign3A_26 : i1 to i32
    %sign3A_28 = arith.constant 0 : i32
    %sign3A_29 = arith.cmpi slt, %mul3A_22, %sign3A_28 : i32
    %sign3A_30 = arith.extui %sign3A_29 : i1 to i32
    %sign3A_31 = arith.subi %sign3A_27, %sign3A_30 : i32
    %sign3A_32 = arith.constant 0 : i32
    %sign3A_33 = arith.cmpi sgt, %jit3A_23, %sign3A_32 : i32
    %sign3A_34 = arith.extui %sign3A_33 : i1 to i32
    %sign3A_35 = arith.constant 0 : i32
    %sign3A_36 = arith.cmpi slt, %jit3A_23, %sign3A_35 : i32
    %sign3A_37 = arith.extui %sign3A_36 : i1 to i32
    %sign3A_38 = arith.subi %sign3A_34, %sign3A_37 : i32
    %ne3A_39 = arith.cmpi ne, %sign3A_31, %sign3A_38 : i32
    %rem3A_40 = arith.remsi %mul3A_22, %jit3A_23 : i32
    %ne3A_41 = arith.constant 0 : i32
    %ne3A_42 = arith.cmpi ne, %rem3A_40, %ne3A_41 : i32
    %and3A_43 = arith.andi %ne3A_39, %ne3A_42 : i1
    %sub3A_44 = arith.constant 1 : i32
    %sub3A_45 = arith.subi %div3A_24, %sub3A_44 : i32
    %select_n3A_46 = arith.select %and3A_43, %sub3A_45, %div3A_24 : i32
    %sub3A_47 = arith.subi %select_n3A_46, %select_n3A : i32
    %mul3A_48 = arith.constant 128 : i32
    %mul3A_49 = arith.muli %select_n3A, %mul3A_48 : i32
    %mul3A_50 = arith.constant 632 : i32
    %mul3A_51 = arith.muli %arg1, %mul3A_50 : i32
    "tpu.region"() ({
      %run_scoped3A = tpu.sem_alloc : memref<!tpu.dma_semaphore, #tpu.memory_space<semaphore_mem>>
      %dma_start3A_163 = arith.constant 0 : i32
      %dma_start3A_164 = tpu.memref_slice %arg10[%mul3A_51, %dma_start3A_163] : memref<10112x128xf32, #tpu.memory_space<vmem_shared>> -> memref<632x128xf32, #tpu.memory_space<vmem_shared>>
      tpu.enqueue_dma source(%arg5 : memref<632x128xf32, #tpu.memory_space<hbm>>) target(%dma_start3A_164 : memref<632x128xf32, #tpu.memory_space<vmem_shared>>) target_semaphore(%run_scoped3A : memref<!tpu.dma_semaphore, #tpu.memory_space<semaphore_mem>>)
      %dma_wait3A_165 = arith.constant 0 : i32
      %dma_wait3A_166 = tpu.memref_slice %arg10[%mul3A_51, %dma_wait3A_165] : memref<10112x128xf32, #tpu.memory_space<vmem_shared>> -> memref<632x128xf32, #tpu.memory_space<vmem_shared>>
      tpu.wait_dma2 semaphore(%run_scoped3A : memref<!tpu.dma_semaphore, #tpu.memory_space<semaphore_mem>>) src(%arg5 : memref<632x128xf32, #tpu.memory_space<hbm>>) dst(%dma_wait3A_166 : memref<632x128xf32, #tpu.memory_space<vmem_shared>>)
      tpu.yield
    }) : () -> ()
    %barrier3A = arith.constant 0 : index
    tpu.barrier barrier_id(%barrier3A)
    %add3A_52 = arith.constant 0 : i32
    %add3A_53 = arith.addi %mul3A_49, %add3A_52 : i32
    %dma_start3A = arith.constant 0 : i32
    %dma_start3A_54 = arith.constant 0 : i32
    %dma_start3A_55 = tpu.memref_slice %arg7[%dma_start3A, %dma_start3A_54] : memref<3x128xi32, #tpu.memory_space<vmem>> -> memref<1x128xi32, #tpu.memory_space<vmem>>
    %dma_start3A_56 = tpu.memref_squeeze %dma_start3A_55 : memref<1x128xi32, #tpu.memory_space<vmem>> -> memref<128xi32, #tpu.memory_space<vmem>>
    %dma_start3A_57 = tpu.memref_slice %arg3[%add3A_53] : memref<320000xi32, #tpu.memory_space<hbm>> -> memref<128xi32, #tpu.memory_space<hbm>>
    %dma_start3A_58 = arith.constant 0 : i32
    %dma_start3A_59 = tpu.memref_slice %arg7[%dma_start3A, %dma_start3A_58] : memref<3x128xi32, #tpu.memory_space<vmem>> -> memref<1x128xi32, #tpu.memory_space<vmem>>
    %dma_start3A_60 = tpu.memref_squeeze %dma_start3A_59 : memref<1x128xi32, #tpu.memory_space<vmem>> -> memref<128xi32, #tpu.memory_space<vmem>>
    %dma_start3A_61 = tpu.memref_slice %arg3[%add3A_53] : memref<320000xi32, #tpu.memory_space<hbm>> -> memref<128xi32, #tpu.memory_space<hbm>>
    tpu.enqueue_dma source(%dma_start3A_61 : memref<128xi32, #tpu.memory_space<hbm>>) target(%dma_start3A_60 : memref<128xi32, #tpu.memory_space<vmem>>) target_semaphore(%arg14 : memref<!tpu.dma_semaphore, #tpu.memory_space<semaphore_mem>>)
    %add3A_62 = arith.constant 0 : i32
    %add3A_63 = arith.addi %mul3A_49, %add3A_62 : i32
    %dma_start3A_64 = arith.constant 0 : i32
    %dma_start3A_65 = arith.constant 0 : i32
    %dma_start3A_66 = tpu.memref_slice %arg8[%dma_start3A_64, %dma_start3A_65] : memref<3x128xi32, #tpu.memory_space<vmem>> -> memref<1x128xi32, #tpu.memory_space<vmem>>
    %dma_start3A_67 = tpu.memref_squeeze %dma_start3A_66 : memref<1x128xi32, #tpu.memory_space<vmem>> -> memref<128xi32, #tpu.memory_space<vmem>>
    %dma_start3A_68 = tpu.memref_slice %arg4[%add3A_63] : memref<320000xi32, #tpu.memory_space<hbm>> -> memref<128xi32, #tpu.memory_space<hbm>>
    %dma_start3A_69 = arith.constant 0 : i32
    %dma_start3A_70 = tpu.memref_slice %arg8[%dma_start3A_64, %dma_start3A_69] : memref<3x128xi32, #tpu.memory_space<vmem>> -> memref<1x128xi32, #tpu.memory_space<vmem>>
    %dma_start3A_71 = tpu.memref_squeeze %dma_start3A_70 : memref<1x128xi32, #tpu.memory_space<vmem>> -> memref<128xi32, #tpu.memory_space<vmem>>
    %dma_start3A_72 = tpu.memref_slice %arg4[%add3A_63] : memref<320000xi32, #tpu.memory_space<hbm>> -> memref<128xi32, #tpu.memory_space<hbm>>
    tpu.enqueue_dma source(%dma_start3A_72 : memref<128xi32, #tpu.memory_space<hbm>>) target(%dma_start3A_71 : memref<128xi32, #tpu.memory_space<vmem>>) target_semaphore(%arg14 : memref<!tpu.dma_semaphore, #tpu.memory_space<semaphore_mem>>)
    %add3A_73 = arith.constant 128 : i32
    %add3A_74 = arith.addi %mul3A_49, %add3A_73 : i32
    %dma_start3A_75 = arith.constant 1 : i32
    %dma_start3A_76 = arith.constant 0 : i32
    %dma_start3A_77 = tpu.memref_slice %arg7[%dma_start3A_75, %dma_start3A_76] : memref<3x128xi32, #tpu.memory_space<vmem>> -> memref<1x128xi32, #tpu.memory_space<vmem>>
    %dma_start3A_78 = tpu.memref_squeeze %dma_start3A_77 : memref<1x128xi32, #tpu.memory_space<vmem>> -> memref<128xi32, #tpu.memory_space<vmem>>
    %dma_start3A_79 = tpu.memref_slice %arg3[%add3A_74] : memref<320000xi32, #tpu.memory_space<hbm>> -> memref<128xi32, #tpu.memory_space<hbm>>
    %dma_start3A_80 = arith.constant 0 : i32
    %dma_start3A_81 = tpu.memref_slice %arg7[%dma_start3A_75, %dma_start3A_80] : memref<3x128xi32, #tpu.memory_space<vmem>> -> memref<1x128xi32, #tpu.memory_space<vmem>>
    %dma_start3A_82 = tpu.memref_squeeze %dma_start3A_81 : memref<1x128xi32, #tpu.memory_space<vmem>> -> memref<128xi32, #tpu.memory_space<vmem>>
    %dma_start3A_83 = tpu.memref_slice %arg3[%add3A_74] : memref<320000xi32, #tpu.memory_space<hbm>> -> memref<128xi32, #tpu.memory_space<hbm>>
    tpu.enqueue_dma source(%dma_start3A_83 : memref<128xi32, #tpu.memory_space<hbm>>) target(%dma_start3A_82 : memref<128xi32, #tpu.memory_space<vmem>>) target_semaphore(%arg15 : memref<!tpu.dma_semaphore, #tpu.memory_space<semaphore_mem>>)
    %add3A_84 = arith.constant 128 : i32
    %add3A_85 = arith.addi %mul3A_49, %add3A_84 : i32
    %dma_start3A_86 = arith.constant 1 : i32
    %dma_start3A_87 = arith.constant 0 : i32
    %dma_start3A_88 = tpu.memref_slice %arg8[%dma_start3A_86, %dma_start3A_87] : memref<3x128xi32, #tpu.memory_space<vmem>> -> memref<1x128xi32, #tpu.memory_space<vmem>>
    %dma_start3A_89 = tpu.memref_squeeze %dma_start3A_88 : memref<1x128xi32, #tpu.memory_space<vmem>> -> memref<128xi32, #tpu.memory_space<vmem>>
    %dma_start3A_90 = tpu.memref_slice %arg4[%add3A_85] : memref<320000xi32, #tpu.memory_space<hbm>> -> memref<128xi32, #tpu.memory_space<hbm>>
    %dma_start3A_91 = arith.constant 0 : i32
    %dma_start3A_92 = tpu.memref_slice %arg8[%dma_start3A_86, %dma_start3A_91] : memref<3x128xi32, #tpu.memory_space<vmem>> -> memref<1x128xi32, #tpu.memory_space<vmem>>
    %dma_start3A_93 = tpu.memref_squeeze %dma_start3A_92 : memref<1x128xi32, #tpu.memory_space<vmem>> -> memref<128xi32, #tpu.memory_space<vmem>>
    %dma_start3A_94 = tpu.memref_slice %arg4[%add3A_85] : memref<320000xi32, #tpu.memory_space<hbm>> -> memref<128xi32, #tpu.memory_space<hbm>>
    tpu.enqueue_dma source(%dma_start3A_94 : memref<128xi32, #tpu.memory_space<hbm>>) target(%dma_start3A_93 : memref<128xi32, #tpu.memory_space<vmem>>) target_semaphore(%arg15 : memref<!tpu.dma_semaphore, #tpu.memory_space<semaphore_mem>>)
    %add3A_95 = arith.constant 256 : i32
    %add3A_96 = arith.addi %mul3A_49, %add3A_95 : i32
    %dma_start3A_97 = arith.constant 2 : i32
    %dma_start3A_98 = arith.constant 0 : i32
    %dma_start3A_99 = tpu.memref_slice %arg7[%dma_start3A_97, %dma_start3A_98] : memref<3x128xi32, #tpu.memory_space<vmem>> -> memref<1x128xi32, #tpu.memory_space<vmem>>
    %dma_start3A_100 = tpu.memref_squeeze %dma_start3A_99 : memref<1x128xi32, #tpu.memory_space<vmem>> -> memref<128xi32, #tpu.memory_space<vmem>>
    %dma_start3A_101 = tpu.memref_slice %arg3[%add3A_96] : memref<320000xi32, #tpu.memory_space<hbm>> -> memref<128xi32, #tpu.memory_space<hbm>>
    %dma_start3A_102 = arith.constant 0 : i32
    %dma_start3A_103 = tpu.memref_slice %arg7[%dma_start3A_97, %dma_start3A_102] : memref<3x128xi32, #tpu.memory_space<vmem>> -> memref<1x128xi32, #tpu.memory_space<vmem>>
    %dma_start3A_104 = tpu.memref_squeeze %dma_start3A_103 : memref<1x128xi32, #tpu.memory_space<vmem>> -> memref<128xi32, #tpu.memory_space<vmem>>
    %dma_start3A_105 = tpu.memref_slice %arg3[%add3A_96] : memref<320000xi32, #tpu.memory_space<hbm>> -> memref<128xi32, #tpu.memory_space<hbm>>
    tpu.enqueue_dma source(%dma_start3A_105 : memref<128xi32, #tpu.memory_space<hbm>>) target(%dma_start3A_104 : memref<128xi32, #tpu.memory_space<vmem>>) target_semaphore(%arg16 : memref<!tpu.dma_semaphore, #tpu.memory_space<semaphore_mem>>)
    %add3A_106 = arith.constant 256 : i32
    %add3A_107 = arith.addi %mul3A_49, %add3A_106 : i32
    %dma_start3A_108 = arith.constant 2 : i32
    %dma_start3A_109 = arith.constant 0 : i32
    %dma_start3A_110 = tpu.memref_slice %arg8[%dma_start3A_108, %dma_start3A_109] : memref<3x128xi32, #tpu.memory_space<vmem>> -> memref<1x128xi32, #tpu.memory_space<vmem>>
    %dma_start3A_111 = tpu.memref_squeeze %dma_start3A_110 : memref<1x128xi32, #tpu.memory_space<vmem>> -> memref<128xi32, #tpu.memory_space<vmem>>
    %dma_start3A_112 = tpu.memref_slice %arg4[%add3A_107] : memref<320000xi32, #tpu.memory_space<hbm>> -> memref<128xi32, #tpu.memory_space<hbm>>
    %dma_start3A_113 = arith.constant 0 : i32
    %dma_start3A_114 = tpu.memref_slice %arg8[%dma_start3A_108, %dma_start3A_113] : memref<3x128xi32, #tpu.memory_space<vmem>> -> memref<1x128xi32, #tpu.memory_space<vmem>>
    %dma_start3A_115 = tpu.memref_squeeze %dma_start3A_114 : memref<1x128xi32, #tpu.memory_space<vmem>> -> memref<128xi32, #tpu.memory_space<vmem>>
    %dma_start3A_116 = tpu.memref_slice %arg4[%add3A_107] : memref<320000xi32, #tpu.memory_space<hbm>> -> memref<128xi32, #tpu.memory_space<hbm>>
    tpu.enqueue_dma source(%dma_start3A_116 : memref<128xi32, #tpu.memory_space<hbm>>) target(%dma_start3A_115 : memref<128xi32, #tpu.memory_space<vmem>>) target_semaphore(%arg16 : memref<!tpu.dma_semaphore, #tpu.memory_space<semaphore_mem>>)
    %dma_wait3A = arith.constant 0 : i32
    %dma_wait3A_117 = arith.constant 0 : i32
    %dma_wait3A_118 = tpu.memref_slice %arg7[%dma_wait3A, %dma_wait3A_117] : memref<3x128xi32, #tpu.memory_space<vmem>> -> memref<1x128xi32, #tpu.memory_space<vmem>>
    %dma_wait3A_119 = tpu.memref_squeeze %dma_wait3A_118 : memref<1x128xi32, #tpu.memory_space<vmem>> -> memref<128xi32, #tpu.memory_space<vmem>>
    %dma_wait3A_120 = arith.constant 0 : i32
    %dma_wait3A_121 = tpu.memref_slice %arg3[%dma_wait3A_120] : memref<320000xi32, #tpu.memory_space<hbm>> -> memref<128xi32, #tpu.memory_space<hbm>>
    %dma_wait3A_122 = arith.constant 0 : i32
    %dma_wait3A_123 = tpu.memref_slice %arg7[%dma_wait3A, %dma_wait3A_122] : memref<3x128xi32, #tpu.memory_space<vmem>> -> memref<1x128xi32, #tpu.memory_space<vmem>>
    %dma_wait3A_124 = tpu.memref_squeeze %dma_wait3A_123 : memref<1x128xi32, #tpu.memory_space<vmem>> -> memref<128xi32, #tpu.memory_space<vmem>>
    %dma_wait3A_125 = arith.constant 0 : i32
    %dma_wait3A_126 = tpu.memref_slice %arg3[%dma_wait3A_125] : memref<320000xi32, #tpu.memory_space<hbm>> -> memref<128xi32, #tpu.memory_space<hbm>>
    tpu.wait_dma2 semaphore(%arg14 : memref<!tpu.dma_semaphore, #tpu.memory_space<semaphore_mem>>) src(%dma_wait3A_126 : memref<128xi32, #tpu.memory_space<hbm>>) dst(%dma_wait3A_124 : memref<128xi32, #tpu.memory_space<vmem>>)
    %dma_wait3A_127 = arith.constant 0 : i32
    %dma_wait3A_128 = arith.constant 0 : i32
    %dma_wait3A_129 = tpu.memref_slice %arg8[%dma_wait3A_127, %dma_wait3A_128] : memref<3x128xi32, #tpu.memory_space<vmem>> -> memref<1x128xi32, #tpu.memory_space<vmem>>
    %dma_wait3A_130 = tpu.memref_squeeze %dma_wait3A_129 : memref<1x128xi32, #tpu.memory_space<vmem>> -> memref<128xi32, #tpu.memory_space<vmem>>
    %dma_wait3A_131 = arith.constant 0 : i32
    %dma_wait3A_132 = tpu.memref_slice %arg4[%dma_wait3A_131] : memref<320000xi32, #tpu.memory_space<hbm>> -> memref<128xi32, #tpu.memory_space<hbm>>
    %dma_wait3A_133 = arith.constant 0 : i32
    %dma_wait3A_134 = tpu.memref_slice %arg8[%dma_wait3A_127, %dma_wait3A_133] : memref<3x128xi32, #tpu.memory_space<vmem>> -> memref<1x128xi32, #tpu.memory_space<vmem>>
    %dma_wait3A_135 = tpu.memref_squeeze %dma_wait3A_134 : memref<1x128xi32, #tpu.memory_space<vmem>> -> memref<128xi32, #tpu.memory_space<vmem>>
    %dma_wait3A_136 = arith.constant 0 : i32
    %dma_wait3A_137 = tpu.memref_slice %arg4[%dma_wait3A_136] : memref<320000xi32, #tpu.memory_space<hbm>> -> memref<128xi32, #tpu.memory_space<hbm>>
    tpu.wait_dma2 semaphore(%arg14 : memref<!tpu.dma_semaphore, #tpu.memory_space<semaphore_mem>>) src(%dma_wait3A_137 : memref<128xi32, #tpu.memory_space<hbm>>) dst(%dma_wait3A_135 : memref<128xi32, #tpu.memory_space<vmem>>)
    %dma_start3A_138 = arith.constant 0 : i32
    %dma_start3A_139 = arith.constant 0 : i32
    %dma_start3A_140 = arith.constant 0 : i32
    %dma_start3A_141 = arith.constant 0 : i32
    %dma_start3A_142 = tpu.memref_slice %arg9[%dma_start3A_139, %dma_start3A_140, %dma_start3A_141] : memref<3x128x128xf32, #tpu.memory_space<vmem>> -> memref<1x128x128xf32, #tpu.memory_space<vmem>>
    %dma_start3A_143 = tpu.memref_squeeze %dma_start3A_142 : memref<1x128x128xf32, #tpu.memory_space<vmem>> -> memref<128x128xf32, #tpu.memory_space<vmem>>
    %dma_start3A_144 = arith.constant 0 : i32
    %dma_start3A_145 = tpu.memref_slice %arg7[%dma_start3A_138, %dma_start3A_144] : memref<3x128xi32, #tpu.memory_space<vmem>> -> memref<1x128xi32, #tpu.memory_space<vmem>>
    %dma_start3A_146 = tpu.memref_squeeze %dma_start3A_145 : memref<1x128xi32, #tpu.memory_space<vmem>> -> memref<128xi32, #tpu.memory_space<vmem>>
    %dma_start3A_147 = arith.constant 0 : i32
    %dma_start3A_148 = arith.constant 0 : i32
    %dma_start3A_149 = tpu.memref_slice %arg2[%dma_start3A_147, %dma_start3A_148] : memref<10000x128xf32, #tpu.memory_space<hbm>> -> memref<10000x128xf32, #tpu.memory_space<hbm>>
    tpu.enqueue_indirect_dma source(%dma_start3A_149 : memref<10000x128xf32, #tpu.memory_space<hbm>>) target(%dma_start3A_143 : memref<128x128xf32, #tpu.memory_space<vmem>>) offsets(%dma_start3A_146 : memref<128xi32, #tpu.memory_space<vmem>>) semaphore(%arg11 : memref<!tpu.dma_semaphore, #tpu.memory_space<semaphore_mem>>)
    %scan3A = arith.constant 0 : i32
    %scan3A_150 = arith.constant 0 : i32
    %scan3A_151 = arith.constant 27 : i32
    %scan3A_152 = arith.addi %scan3A_150, %scan3A_151 : i32
    %scan3A_153 = arith.constant 1 : i32
    scf.for %scan3A_163 = %scan3A_150 to %scan3A_152 step %scan3A_153  : i32 {
      %mul3A_164 = arith.constant 3 : i32
      %mul3A_165 = arith.muli %mul3A_164, %scan3A_163 : i32
      %add3A_166 = arith.constant 0 : i32
      %add3A_167 = arith.addi %mul3A_165, %add3A_166 : i32
      %add3A_168 = arith.constant 1 : i32
      %add3A_169 = arith.addi %add3A_167, %add3A_168 : i32
      %lt3A = arith.cmpi slt, %add3A_169, %sub3A_47 : i32
      %convert_element_type3A = arith.extui %lt3A : i1 to i32
      %cond3A = arith.constant 0 : i32
      %cond3A_170 = arith.cmpi ne, %convert_element_type3A, %cond3A : i32
      scf.if %cond3A_170 {
        %dma_wait3A_221 = arith.constant 1 : i32
        %dma_wait3A_222 = arith.constant 0 : i32
        %dma_wait3A_223 = tpu.memref_slice %arg7[%dma_wait3A_221, %dma_wait3A_222] : memref<3x128xi32, #tpu.memory_space<vmem>> -> memref<1x128xi32, #tpu.memory_space<vmem>>
        %dma_wait3A_224 = tpu.memref_squeeze %dma_wait3A_223 : memref<1x128xi32, #tpu.memory_space<vmem>> -> memref<128xi32, #tpu.memory_space<vmem>>
        %dma_wait3A_225 = arith.constant 0 : i32
        %dma_wait3A_226 = tpu.memref_slice %arg3[%dma_wait3A_225] : memref<320000xi32, #tpu.memory_space<hbm>> -> memref<128xi32, #tpu.memory_space<hbm>>
        %dma_wait3A_227 = arith.constant 0 : i32
        %dma_wait3A_228 = tpu.memref_slice %arg7[%dma_wait3A_221, %dma_wait3A_227] : memref<3x128xi32, #tpu.memory_space<vmem>> -> memref<1x128xi32, #tpu.memory_space<vmem>>
        %dma_wait3A_229 = tpu.memref_squeeze %dma_wait3A_228 : memref<1x128xi32, #tpu.memory_space<vmem>> -> memref<128xi32, #tpu.memory_space<vmem>>
        %dma_wait3A_230 = arith.constant 0 : i32
        %dma_wait3A_231 = tpu.memref_slice %arg3[%dma_wait3A_230] : memref<320000xi32, #tpu.memory_space<hbm>> -> memref<128xi32, #tpu.memory_space<hbm>>
        tpu.wait_dma2 semaphore(%arg15 : memref<!tpu.dma_semaphore, #tpu.memory_space<semaphore_mem>>) src(%dma_wait3A_231 : memref<128xi32, #tpu.memory_space<hbm>>) dst(%dma_wait3A_229 : memref<128xi32, #tpu.memory_space<vmem>>)
        %dma_wait3A_232 = arith.constant 1 : i32
        %dma_wait3A_233 = arith.constant 0 : i32
        %dma_wait3A_234 = tpu.memref_slice %arg8[%dma_wait3A_232, %dma_wait3A_233] : memref<3x128xi32, #tpu.memory_space<vmem>> -> memref<1x128xi32, #tpu.memory_space<vmem>>
        %dma_wait3A_235 = tpu.memref_squeeze %dma_wait3A_234 : memref<1x128xi32, #tpu.memory_space<vmem>> -> memref<128xi32, #tpu.memory_space<vmem>>
        %dma_wait3A_236 = arith.constant 0 : i32
        %dma_wait3A_237 = tpu.memref_slice %arg4[%dma_wait3A_236] : memref<320000xi32, #tpu.memory_space<hbm>> -> memref<128xi32, #tpu.memory_space<hbm>>
        %dma_wait3A_238 = arith.constant 0 : i32
        %dma_wait3A_239 = tpu.memref_slice %arg8[%dma_wait3A_232, %dma_wait3A_238] : memref<3x128xi32, #tpu.memory_space<vmem>> -> memref<1x128xi32, #tpu.memory_space<vmem>>
        %dma_wait3A_240 = tpu.memref_squeeze %dma_wait3A_239 : memref<1x128xi32, #tpu.memory_space<vmem>> -> memref<128xi32, #tpu.memory_space<vmem>>
        %dma_wait3A_241 = arith.constant 0 : i32
        %dma_wait3A_242 = tpu.memref_slice %arg4[%dma_wait3A_241] : memref<320000xi32, #tpu.memory_space<hbm>> -> memref<128xi32, #tpu.memory_space<hbm>>
        tpu.wait_dma2 semaphore(%arg15 : memref<!tpu.dma_semaphore, #tpu.memory_space<semaphore_mem>>) src(%dma_wait3A_242 : memref<128xi32, #tpu.memory_space<hbm>>) dst(%dma_wait3A_240 : memref<128xi32, #tpu.memory_space<vmem>>)
        %dma_start3A_243 = arith.constant 1 : i32
        %dma_start3A_244 = arith.constant 1 : i32
        %dma_start3A_245 = arith.constant 0 : i32
        %dma_start3A_246 = arith.constant 0 : i32
        %dma_start3A_247 = tpu.memref_slice %arg9[%dma_start3A_244, %dma_start3A_245, %dma_start3A_246] : memref<3x128x128xf32, #tpu.memory_space<vmem>> -> memref<1x128x128xf32, #tpu.memory_space<vmem>>
        %dma_start3A_248 = tpu.memref_squeeze %dma_start3A_247 : memref<1x128x128xf32, #tpu.memory_space<vmem>> -> memref<128x128xf32, #tpu.memory_space<vmem>>
        %dma_start3A_249 = arith.constant 0 : i32
        %dma_start3A_250 = tpu.memref_slice %arg7[%dma_start3A_243, %dma_start3A_249] : memref<3x128xi32, #tpu.memory_space<vmem>> -> memref<1x128xi32, #tpu.memory_space<vmem>>
        %dma_start3A_251 = tpu.memref_squeeze %dma_start3A_250 : memref<1x128xi32, #tpu.memory_space<vmem>> -> memref<128xi32, #tpu.memory_space<vmem>>
        %dma_start3A_252 = arith.constant 0 : i32
        %dma_start3A_253 = arith.constant 0 : i32
        %dma_start3A_254 = tpu.memref_slice %arg2[%dma_start3A_252, %dma_start3A_253] : memref<10000x128xf32, #tpu.memory_space<hbm>> -> memref<10000x128xf32, #tpu.memory_space<hbm>>
        tpu.enqueue_indirect_dma source(%dma_start3A_254 : memref<10000x128xf32, #tpu.memory_space<hbm>>) target(%dma_start3A_248 : memref<128x128xf32, #tpu.memory_space<vmem>>) offsets(%dma_start3A_251 : memref<128xi32, #tpu.memory_space<vmem>>) semaphore(%arg12 : memref<!tpu.dma_semaphore, #tpu.memory_space<semaphore_mem>>)
      } else {
      }
      %lt3A_171 = arith.cmpi slt, %add3A_167, %sub3A_47 : i32
      %convert_element_type3A_172 = arith.extui %lt3A_171 : i1 to i32
      %cond3A_173 = arith.constant 0 : i32
      %cond3A_174 = arith.cmpi ne, %convert_element_type3A_172, %cond3A_173 : i32
      scf.if %cond3A_174 {
        %dma_wait3A_221 = arith.constant 0 : i32
        %dma_wait3A_222 = arith.constant 0 : i32
        %dma_wait3A_223 = arith.constant 0 : i32
        %dma_wait3A_224 = arith.constant 0 : i32
        %dma_wait3A_225 = tpu.memref_slice %arg9[%dma_wait3A_222, %dma_wait3A_223, %dma_wait3A_224] : memref<3x128x128xf32, #tpu.memory_space<vmem>> -> memref<1x128x128xf32, #tpu.memory_space<vmem>>
        %dma_wait3A_226 = tpu.memref_squeeze %dma_wait3A_225 : memref<1x128x128xf32, #tpu.memory_space<vmem>> -> memref<128x128xf32, #tpu.memory_space<vmem>>
        %dma_wait3A_227 = arith.constant 0 : i32
        %dma_wait3A_228 = tpu.memref_slice %arg7[%dma_wait3A_221, %dma_wait3A_227] : memref<3x128xi32, #tpu.memory_space<vmem>> -> memref<1x128xi32, #tpu.memory_space<vmem>>
        %dma_wait3A_229 = tpu.memref_squeeze %dma_wait3A_228 : memref<1x128xi32, #tpu.memory_space<vmem>> -> memref<128xi32, #tpu.memory_space<vmem>>
        %dma_wait3A_230 = arith.constant 0 : i32
        %dma_wait3A_231 = arith.constant 0 : i32
        %dma_wait3A_232 = tpu.memref_slice %arg2[%dma_wait3A_230, %dma_wait3A_231] : memref<10000x128xf32, #tpu.memory_space<hbm>> -> memref<10000x128xf32, #tpu.memory_space<hbm>>
        tpu.wait_indirect_dma semaphore(%arg11 : memref<!tpu.dma_semaphore, #tpu.memory_space<semaphore_mem>>) src(%dma_wait3A_232 : memref<10000x128xf32, #tpu.memory_space<hbm>>) dst(%dma_wait3A_226 : memref<128x128xf32, #tpu.memory_space<vmem>>)
        %run_scoped3A = arith.constant 0 : i32
        %run_scoped3A_233 = arith.constant 0 : i32
        "tpu.region"() ({
          %run_scoped3A_234 = tpu.sem_alloc : memref<!tpu.dma_semaphore, #tpu.memory_space<semaphore_mem>>
          %dma_start3A_235 = arith.constant 0 : i32
          %dma_start3A_236 = arith.constant 0 : i32
          %dma_start3A_237 = tpu.memref_slice %arg9[%run_scoped3A, %dma_start3A_235, %dma_start3A_236] : memref<3x128x128xf32, #tpu.memory_space<vmem>> -> memref<1x128x128xf32, #tpu.memory_space<vmem>>
          %dma_start3A_238 = tpu.memref_squeeze %dma_start3A_237 : memref<1x128x128xf32, #tpu.memory_space<vmem>> -> memref<128x128xf32, #tpu.memory_space<vmem>>
          %dma_start3A_239 = arith.constant 0 : i32
          %dma_start3A_240 = tpu.memref_slice %arg8[%run_scoped3A_233, %dma_start3A_239] : memref<3x128xi32, #tpu.memory_space<vmem>> -> memref<1x128xi32, #tpu.memory_space<vmem>>
          %dma_start3A_241 = tpu.memref_squeeze %dma_start3A_240 : memref<1x128xi32, #tpu.memory_space<vmem>> -> memref<128xi32, #tpu.memory_space<vmem>>
          %dma_start3A_242 = arith.constant 0 : i32
          %dma_start3A_243 = arith.constant 0 : i32
          %dma_start3A_244 = tpu.memref_slice %arg10[%dma_start3A_242, %dma_start3A_243] : memref<10112x128xf32, #tpu.memory_space<vmem_shared>> -> memref<10112x128xf32, #tpu.memory_space<vmem_shared>>
          tpu.enqueue_indirect_dma source(%dma_start3A_238 : memref<128x128xf32, #tpu.memory_space<vmem>>) target(%dma_start3A_244 : memref<10112x128xf32, #tpu.memory_space<vmem_shared>>) offsets(%dma_start3A_241 : memref<128xi32, #tpu.memory_space<vmem>>) semaphore(%run_scoped3A_234 : memref<!tpu.dma_semaphore, #tpu.memory_space<semaphore_mem>>) {add = true}
          %dma_wait3A_245 = arith.constant 0 : i32
          %dma_wait3A_246 = arith.constant 0 : i32
          %dma_wait3A_247 = tpu.memref_slice %arg9[%run_scoped3A, %dma_wait3A_245, %dma_wait3A_246] : memref<3x128x128xf32, #tpu.memory_space<vmem>> -> memref<1x128x128xf32, #tpu.memory_space<vmem>>
          %dma_wait3A_248 = tpu.memref_squeeze %dma_wait3A_247 : memref<1x128x128xf32, #tpu.memory_space<vmem>> -> memref<128x128xf32, #tpu.memory_space<vmem>>
          %dma_wait3A_249 = arith.constant 0 : i32
          %dma_wait3A_250 = tpu.memref_slice %arg8[%run_scoped3A_233, %dma_wait3A_249] : memref<3x128xi32, #tpu.memory_space<vmem>> -> memref<1x128xi32, #tpu.memory_space<vmem>>
          %dma_wait3A_251 = tpu.memref_squeeze %dma_wait3A_250 : memref<1x128xi32, #tpu.memory_space<vmem>> -> memref<128xi32, #tpu.memory_space<vmem>>
          %dma_wait3A_252 = arith.constant 0 : i32
          %dma_wait3A_253 = arith.constant 0 : i32
          %dma_wait3A_254 = tpu.memref_slice %arg10[%dma_wait3A_252, %dma_wait3A_253] : memref<10112x128xf32, #tpu.memory_space<vmem_shared>> -> memref<10112x128xf32, #tpu.memory_space<vmem_shared>>
          tpu.wait_indirect_dma semaphore(%run_scoped3A_234 : memref<!tpu.dma_semaphore, #tpu.memory_space<semaphore_mem>>) src(%dma_wait3A_248 : memref<128x128xf32, #tpu.memory_space<vmem>>) dst(%dma_wait3A_254 : memref<10112x128xf32, #tpu.memory_space<vmem_shared>>)
          tpu.yield
        }) : () -> ()
      } else {
      }
      %add3A_175 = arith.constant 3 : i32
      %add3A_176 = arith.addi %add3A_167, %add3A_175 : i32
      %lt3A_177 = arith.cmpi slt, %add3A_176, %sub3A_47 : i32
      %convert_element_type3A_178 = arith.extui %lt3A_177 : i1 to i32
      %cond3A_179 = arith.constant 0 : i32
      %cond3A_180 = arith.cmpi ne, %convert_element_type3A_178, %cond3A_179 : i32
      scf.if %cond3A_180 {
        %add3A_221 = arith.constant 3 : i32
        %add3A_222 = arith.addi %add3A_167, %add3A_221 : i32
        %mul3A_223 = arith.constant 128 : i32
        %mul3A_224 = arith.muli %add3A_222, %mul3A_223 : i32
        %add3A_225 = arith.addi %mul3A_49, %mul3A_224 : i32
        %dma_start3A_226 = arith.constant 0 : i32
        %dma_start3A_227 = arith.constant 0 : i32
        %dma_start3A_228 = tpu.memref_slice %arg7[%dma_start3A_226, %dma_start3A_227] : memref<3x128xi32, #tpu.memory_space<vmem>> -> memref<1x128xi32, #tpu.memory_space<vmem>>
        %dma_start3A_229 = tpu.memref_squeeze %dma_start3A_228 : memref<1x128xi32, #tpu.memory_space<vmem>> -> memref<128xi32, #tpu.memory_space<vmem>>
        %dma_start3A_230 = tpu.memref_slice %arg3[%add3A_225] : memref<320000xi32, #tpu.memory_space<hbm>> -> memref<128xi32, #tpu.memory_space<hbm>>
        %dma_start3A_231 = arith.constant 0 : i32
        %dma_start3A_232 = tpu.memref_slice %arg7[%dma_start3A_226, %dma_start3A_231] : memref<3x128xi32, #tpu.memory_space<vmem>> -> memref<1x128xi32, #tpu.memory_space<vmem>>
        %dma_start3A_233 = tpu.memref_squeeze %dma_start3A_232 : memref<1x128xi32, #tpu.memory_space<vmem>> -> memref<128xi32, #tpu.memory_space<vmem>>
        %dma_start3A_234 = tpu.memref_slice %arg3[%add3A_225] : memref<320000xi32, #tpu.memory_space<hbm>> -> memref<128xi32, #tpu.memory_space<hbm>>
        tpu.enqueue_dma source(%dma_start3A_234 : memref<128xi32, #tpu.memory_space<hbm>>) target(%dma_start3A_233 : memref<128xi32, #tpu.memory_space<vmem>>) target_semaphore(%arg14 : memref<!tpu.dma_semaphore, #tpu.memory_space<semaphore_mem>>)
        %mul3A_235 = arith.constant 128 : i32
        %mul3A_236 = arith.muli %add3A_222, %mul3A_235 : i32
        %add3A_237 = arith.addi %mul3A_49, %mul3A_236 : i32
        %dma_start3A_238 = arith.constant 0 : i32
        %dma_start3A_239 = arith.constant 0 : i32
        %dma_start3A_240 = tpu.memref_slice %arg8[%dma_start3A_238, %dma_start3A_239] : memref<3x128xi32, #tpu.memory_space<vmem>> -> memref<1x128xi32, #tpu.memory_space<vmem>>
        %dma_start3A_241 = tpu.memref_squeeze %dma_start3A_240 : memref<1x128xi32, #tpu.memory_space<vmem>> -> memref<128xi32, #tpu.memory_space<vmem>>
        %dma_start3A_242 = tpu.memref_slice %arg4[%add3A_237] : memref<320000xi32, #tpu.memory_space<hbm>> -> memref<128xi32, #tpu.memory_space<hbm>>
        %dma_start3A_243 = arith.constant 0 : i32
        %dma_start3A_244 = tpu.memref_slice %arg8[%dma_start3A_238, %dma_start3A_243] : memref<3x128xi32, #tpu.memory_space<vmem>> -> memref<1x128xi32, #tpu.memory_space<vmem>>
        %dma_start3A_245 = tpu.memref_squeeze %dma_start3A_244 : memref<1x128xi32, #tpu.memory_space<vmem>> -> memref<128xi32, #tpu.memory_space<vmem>>
        %dma_start3A_246 = tpu.memref_slice %arg4[%add3A_237] : memref<320000xi32, #tpu.memory_space<hbm>> -> memref<128xi32, #tpu.memory_space<hbm>>
        tpu.enqueue_dma source(%dma_start3A_246 : memref<128xi32, #tpu.memory_space<hbm>>) target(%dma_start3A_245 : memref<128xi32, #tpu.memory_space<vmem>>) target_semaphore(%arg14 : memref<!tpu.dma_semaphore, #tpu.memory_space<semaphore_mem>>)
      } else {
      }
      %mul3A_181 = arith.constant 3 : i32
      %mul3A_182 = arith.muli %mul3A_181, %scan3A_163 : i32
      %add3A_183 = arith.constant 1 : i32
      %add3A_184 = arith.addi %mul3A_182, %add3A_183 : i32
      %add3A_185 = arith.constant 1 : i32
      %add3A_186 = arith.addi %add3A_184, %add3A_185 : i32
      %lt3A_187 = arith.cmpi slt, %add3A_186, %sub3A_47 : i32
      %convert_element_type3A_188 = arith.extui %lt3A_187 : i1 to i32
      %cond3A_189 = arith.constant 0 : i32
      %cond3A_190 = arith.cmpi ne, %convert_element_type3A_188, %cond3A_189 : i32
      scf.if %cond3A_190 {
        %dma_wait3A_221 = arith.constant 2 : i32
        %dma_wait3A_222 = arith.constant 0 : i32
        %dma_wait3A_223 = tpu.memref_slice %arg7[%dma_wait3A_221, %dma_wait3A_222] : memref<3x128xi32, #tpu.memory_space<vmem>> -> memref<1x128xi32, #tpu.memory_space<vmem>>
        %dma_wait3A_224 = tpu.memref_squeeze %dma_wait3A_223 : memref<1x128xi32, #tpu.memory_space<vmem>> -> memref<128xi32, #tpu.memory_space<vmem>>
        %dma_wait3A_225 = arith.constant 0 : i32
        %dma_wait3A_226 = tpu.memref_slice %arg3[%dma_wait3A_225] : memref<320000xi32, #tpu.memory_space<hbm>> -> memref<128xi32, #tpu.memory_space<hbm>>
        %dma_wait3A_227 = arith.constant 0 : i32
        %dma_wait3A_228 = tpu.memref_slice %arg7[%dma_wait3A_221, %dma_wait3A_227] : memref<3x128xi32, #tpu.memory_space<vmem>> -> memref<1x128xi32, #tpu.memory_space<vmem>>
        %dma_wait3A_229 = tpu.memref_squeeze %dma_wait3A_228 : memref<1x128xi32, #tpu.memory_space<vmem>> -> memref<128xi32, #tpu.memory_space<vmem>>
        %dma_wait3A_230 = arith.constant 0 : i32
        %dma_wait3A_231 = tpu.memref_slice %arg3[%dma_wait3A_230] : memref<320000xi32, #tpu.memory_space<hbm>> -> memref<128xi32, #tpu.memory_space<hbm>>
        tpu.wait_dma2 semaphore(%arg16 : memref<!tpu.dma_semaphore, #tpu.memory_space<semaphore_mem>>) src(%dma_wait3A_231 : memref<128xi32, #tpu.memory_space<hbm>>) dst(%dma_wait3A_229 : memref<128xi32, #tpu.memory_space<vmem>>)
        %dma_wait3A_232 = arith.constant 2 : i32
        %dma_wait3A_233 = arith.constant 0 : i32
        %dma_wait3A_234 = tpu.memref_slice %arg8[%dma_wait3A_232, %dma_wait3A_233] : memref<3x128xi32, #tpu.memory_space<vmem>> -> memref<1x128xi32, #tpu.memory_space<vmem>>
        %dma_wait3A_235 = tpu.memref_squeeze %dma_wait3A_234 : memref<1x128xi32, #tpu.memory_space<vmem>> -> memref<128xi32, #tpu.memory_space<vmem>>
        %dma_wait3A_236 = arith.constant 0 : i32
        %dma_wait3A_237 = tpu.memref_slice %arg4[%dma_wait3A_236] : memref<320000xi32, #tpu.memory_space<hbm>> -> memref<128xi32, #tpu.memory_space<hbm>>
        %dma_wait3A_238 = arith.constant 0 : i32
        %dma_wait3A_239 = tpu.memref_slice %arg8[%dma_wait3A_232, %dma_wait3A_238] : memref<3x128xi32, #tpu.memory_space<vmem>> -> memref<1x128xi32, #tpu.memory_space<vmem>>
        %dma_wait3A_240 = tpu.memref_squeeze %dma_wait3A_239 : memref<1x128xi32, #tpu.memory_space<vmem>> -> memref<128xi32, #tpu.memory_space<vmem>>
        %dma_wait3A_241 = arith.constant 0 : i32
        %dma_wait3A_242 = tpu.memref_slice %arg4[%dma_wait3A_241] : memref<320000xi32, #tpu.memory_space<hbm>> -> memref<128xi32, #tpu.memory_space<hbm>>
        tpu.wait_dma2 semaphore(%arg16 : memref<!tpu.dma_semaphore, #tpu.memory_space<semaphore_mem>>) src(%dma_wait3A_242 : memref<128xi32, #tpu.memory_space<hbm>>) dst(%dma_wait3A_240 : memref<128xi32, #tpu.memory_space<vmem>>)
        %dma_start3A_243 = arith.constant 2 : i32
        %dma_start3A_244 = arith.constant 2 : i32
        %dma_start3A_245 = arith.constant 0 : i32
        %dma_start3A_246 = arith.constant 0 : i32
        %dma_start3A_247 = tpu.memref_slice %arg9[%dma_start3A_244, %dma_start3A_245, %dma_start3A_246] : memref<3x128x128xf32, #tpu.memory_space<vmem>> -> memref<1x128x128xf32, #tpu.memory_space<vmem>>
        %dma_start3A_248 = tpu.memref_squeeze %dma_start3A_247 : memref<1x128x128xf32, #tpu.memory_space<vmem>> -> memref<128x128xf32, #tpu.memory_space<vmem>>
        %dma_start3A_249 = arith.constant 0 : i32
        %dma_start3A_250 = tpu.memref_slice %arg7[%dma_start3A_243, %dma_start3A_249] : memref<3x128xi32, #tpu.memory_space<vmem>> -> memref<1x128xi32, #tpu.memory_space<vmem>>
        %dma_start3A_251 = tpu.memref_squeeze %dma_start3A_250 : memref<1x128xi32, #tpu.memory_space<vmem>> -> memref<128xi32, #tpu.memory_space<vmem>>
        %dma_start3A_252 = arith.constant 0 : i32
        %dma_start3A_253 = arith.constant 0 : i32
        %dma_start3A_254 = tpu.memref_slice %arg2[%dma_start3A_252, %dma_start3A_253] : memref<10000x128xf32, #tpu.memory_space<hbm>> -> memref<10000x128xf32, #tpu.memory_space<hbm>>
        tpu.enqueue_indirect_dma source(%dma_start3A_254 : memref<10000x128xf32, #tpu.memory_space<hbm>>) target(%dma_start3A_248 : memref<128x128xf32, #tpu.memory_space<vmem>>) offsets(%dma_start3A_251 : memref<128xi32, #tpu.memory_space<vmem>>) semaphore(%arg13 : memref<!tpu.dma_semaphore, #tpu.memory_space<semaphore_mem>>)
      } else {
      }
      %lt3A_191 = arith.cmpi slt, %add3A_184, %sub3A_47 : i32
      %convert_element_type3A_192 = arith.extui %lt3A_191 : i1 to i32
      %cond3A_193 = arith.constant 0 : i32
      %cond3A_194 = arith.cmpi ne, %convert_element_type3A_192, %cond3A_193 : i32
      scf.if %cond3A_194 {
        %dma_wait3A_221 = arith.constant 0 : i32
        %dma_wait3A_222 = arith.constant 1 : i32
        %dma_wait3A_223 = arith.constant 0 : i32
        %dma_wait3A_224 = arith.constant 0 : i32
        %dma_wait3A_225 = tpu.memref_slice %arg9[%dma_wait3A_222, %dma_wait3A_223, %dma_wait3A_224] : memref<3x128x128xf32, #tpu.memory_space<vmem>> -> memref<1x128x128xf32, #tpu.memory_space<vmem>>
        %dma_wait3A_226 = tpu.memref_squeeze %dma_wait3A_225 : memref<1x128x128xf32, #tpu.memory_space<vmem>> -> memref<128x128xf32, #tpu.memory_space<vmem>>
        %dma_wait3A_227 = arith.constant 0 : i32
        %dma_wait3A_228 = tpu.memref_slice %arg7[%dma_wait3A_221, %dma_wait3A_227] : memref<3x128xi32, #tpu.memory_space<vmem>> -> memref<1x128xi32, #tpu.memory_space<vmem>>
        %dma_wait3A_229 = tpu.memref_squeeze %dma_wait3A_228 : memref<1x128xi32, #tpu.memory_space<vmem>> -> memref<128xi32, #tpu.memory_space<vmem>>
        %dma_wait3A_230 = arith.constant 0 : i32
        %dma_wait3A_231 = arith.constant 0 : i32
        %dma_wait3A_232 = tpu.memref_slice %arg2[%dma_wait3A_230, %dma_wait3A_231] : memref<10000x128xf32, #tpu.memory_space<hbm>> -> memref<10000x128xf32, #tpu.memory_space<hbm>>
        tpu.wait_indirect_dma semaphore(%arg12 : memref<!tpu.dma_semaphore, #tpu.memory_space<semaphore_mem>>) src(%dma_wait3A_232 : memref<10000x128xf32, #tpu.memory_space<hbm>>) dst(%dma_wait3A_226 : memref<128x128xf32, #tpu.memory_space<vmem>>)
        %run_scoped3A = arith.constant 1 : i32
        %run_scoped3A_233 = arith.constant 1 : i32
        "tpu.region"() ({
          %run_scoped3A_234 = tpu.sem_alloc : memref<!tpu.dma_semaphore, #tpu.memory_space<semaphore_mem>>
          %dma_start3A_235 = arith.constant 0 : i32
          %dma_start3A_236 = arith.constant 0 : i32
          %dma_start3A_237 = tpu.memref_slice %arg9[%run_scoped3A, %dma_start3A_235, %dma_start3A_236] : memref<3x128x128xf32, #tpu.memory_space<vmem>> -> memref<1x128x128xf32, #tpu.memory_space<vmem>>
          %dma_start3A_238 = tpu.memref_squeeze %dma_start3A_237 : memref<1x128x128xf32, #tpu.memory_space<vmem>> -> memref<128x128xf32, #tpu.memory_space<vmem>>
          %dma_start3A_239 = arith.constant 0 : i32
          %dma_start3A_240 = tpu.memref_slice %arg8[%run_scoped3A_233, %dma_start3A_239] : memref<3x128xi32, #tpu.memory_space<vmem>> -> memref<1x128xi32, #tpu.memory_space<vmem>>
          %dma_start3A_241 = tpu.memref_squeeze %dma_start3A_240 : memref<1x128xi32, #tpu.memory_space<vmem>> -> memref<128xi32, #tpu.memory_space<vmem>>
          %dma_start3A_242 = arith.constant 0 : i32
          %dma_start3A_243 = arith.constant 0 : i32
          %dma_start3A_244 = tpu.memref_slice %arg10[%dma_start3A_242, %dma_start3A_243] : memref<10112x128xf32, #tpu.memory_space<vmem_shared>> -> memref<10112x128xf32, #tpu.memory_space<vmem_shared>>
          tpu.enqueue_indirect_dma source(%dma_start3A_238 : memref<128x128xf32, #tpu.memory_space<vmem>>) target(%dma_start3A_244 : memref<10112x128xf32, #tpu.memory_space<vmem_shared>>) offsets(%dma_start3A_241 : memref<128xi32, #tpu.memory_space<vmem>>) semaphore(%run_scoped3A_234 : memref<!tpu.dma_semaphore, #tpu.memory_space<semaphore_mem>>) {add = true}
          %dma_wait3A_245 = arith.constant 0 : i32
          %dma_wait3A_246 = arith.constant 0 : i32
          %dma_wait3A_247 = tpu.memref_slice %arg9[%run_scoped3A, %dma_wait3A_245, %dma_wait3A_246] : memref<3x128x128xf32, #tpu.memory_space<vmem>> -> memref<1x128x128xf32, #tpu.memory_space<vmem>>
          %dma_wait3A_248 = tpu.memref_squeeze %dma_wait3A_247 : memref<1x128x128xf32, #tpu.memory_space<vmem>> -> memref<128x128xf32, #tpu.memory_space<vmem>>
          %dma_wait3A_249 = arith.constant 0 : i32
          %dma_wait3A_250 = tpu.memref_slice %arg8[%run_scoped3A_233, %dma_wait3A_249] : memref<3x128xi32, #tpu.memory_space<vmem>> -> memref<1x128xi32, #tpu.memory_space<vmem>>
          %dma_wait3A_251 = tpu.memref_squeeze %dma_wait3A_250 : memref<1x128xi32, #tpu.memory_space<vmem>> -> memref<128xi32, #tpu.memory_space<vmem>>
          %dma_wait3A_252 = arith.constant 0 : i32
          %dma_wait3A_253 = arith.constant 0 : i32
          %dma_wait3A_254 = tpu.memref_slice %arg10[%dma_wait3A_252, %dma_wait3A_253] : memref<10112x128xf32, #tpu.memory_space<vmem_shared>> -> memref<10112x128xf32, #tpu.memory_space<vmem_shared>>
          tpu.wait_indirect_dma semaphore(%run_scoped3A_234 : memref<!tpu.dma_semaphore, #tpu.memory_space<semaphore_mem>>) src(%dma_wait3A_248 : memref<128x128xf32, #tpu.memory_space<vmem>>) dst(%dma_wait3A_254 : memref<10112x128xf32, #tpu.memory_space<vmem_shared>>)
          tpu.yield
        }) : () -> ()
      } else {
      }
      %add3A_195 = arith.constant 3 : i32
      %add3A_196 = arith.addi %add3A_184, %add3A_195 : i32
      %lt3A_197 = arith.cmpi slt, %add3A_196, %sub3A_47 : i32
      %convert_element_type3A_198 = arith.extui %lt3A_197 : i1 to i32
      %cond3A_199 = arith.constant 0 : i32
      %cond3A_200 = arith.cmpi ne, %convert_element_type3A_198, %cond3A_199 : i32
      scf.if %cond3A_200 {
        %add3A_221 = arith.constant 3 : i32
        %add3A_222 = arith.addi %add3A_184, %add3A_221 : i32
        %mul3A_223 = arith.constant 128 : i32
        %mul3A_224 = arith.muli %add3A_222, %mul3A_223 : i32
        %add3A_225 = arith.addi %mul3A_49, %mul3A_224 : i32
        %dma_start3A_226 = arith.constant 1 : i32
        %dma_start3A_227 = arith.constant 0 : i32
        %dma_start3A_228 = tpu.memref_slice %arg7[%dma_start3A_226, %dma_start3A_227] : memref<3x128xi32, #tpu.memory_space<vmem>> -> memref<1x128xi32, #tpu.memory_space<vmem>>
        %dma_start3A_229 = tpu.memref_squeeze %dma_start3A_228 : memref<1x128xi32, #tpu.memory_space<vmem>> -> memref<128xi32, #tpu.memory_space<vmem>>
        %dma_start3A_230 = tpu.memref_slice %arg3[%add3A_225] : memref<320000xi32, #tpu.memory_space<hbm>> -> memref<128xi32, #tpu.memory_space<hbm>>
        %dma_start3A_231 = arith.constant 0 : i32
        %dma_start3A_232 = tpu.memref_slice %arg7[%dma_start3A_226, %dma_start3A_231] : memref<3x128xi32, #tpu.memory_space<vmem>> -> memref<1x128xi32, #tpu.memory_space<vmem>>
        %dma_start3A_233 = tpu.memref_squeeze %dma_start3A_232 : memref<1x128xi32, #tpu.memory_space<vmem>> -> memref<128xi32, #tpu.memory_space<vmem>>
        %dma_start3A_234 = tpu.memref_slice %arg3[%add3A_225] : memref<320000xi32, #tpu.memory_space<hbm>> -> memref<128xi32, #tpu.memory_space<hbm>>
        tpu.enqueue_dma source(%dma_start3A_234 : memref<128xi32, #tpu.memory_space<hbm>>) target(%dma_start3A_233 : memref<128xi32, #tpu.memory_space<vmem>>) target_semaphore(%arg15 : memref<!tpu.dma_semaphore, #tpu.memory_space<semaphore_mem>>)
        %mul3A_235 = arith.constant 128 : i32
        %mul3A_236 = arith.muli %add3A_222, %mul3A_235 : i32
        %add3A_237 = arith.addi %mul3A_49, %mul3A_236 : i32
        %dma_start3A_238 = arith.constant 1 : i32
        %dma_start3A_239 = arith.constant 0 : i32
        %dma_start3A_240 = tpu.memref_slice %arg8[%dma_start3A_238, %dma_start3A_239] : memref<3x128xi32, #tpu.memory_space<vmem>> -> memref<1x128xi32, #tpu.memory_space<vmem>>
        %dma_start3A_241 = tpu.memref_squeeze %dma_start3A_240 : memref<1x128xi32, #tpu.memory_space<vmem>> -> memref<128xi32, #tpu.memory_space<vmem>>
        %dma_start3A_242 = tpu.memref_slice %arg4[%add3A_237] : memref<320000xi32, #tpu.memory_space<hbm>> -> memref<128xi32, #tpu.memory_space<hbm>>
        %dma_start3A_243 = arith.constant 0 : i32
        %dma_start3A_244 = tpu.memref_slice %arg8[%dma_start3A_238, %dma_start3A_243] : memref<3x128xi32, #tpu.memory_space<vmem>> -> memref<1x128xi32, #tpu.memory_space<vmem>>
        %dma_start3A_245 = tpu.memref_squeeze %dma_start3A_244 : memref<1x128xi32, #tpu.memory_space<vmem>> -> memref<128xi32, #tpu.memory_space<vmem>>
        %dma_start3A_246 = tpu.memref_slice %arg4[%add3A_237] : memref<320000xi32, #tpu.memory_space<hbm>> -> memref<128xi32, #tpu.memory_space<hbm>>
        tpu.enqueue_dma source(%dma_start3A_246 : memref<128xi32, #tpu.memory_space<hbm>>) target(%dma_start3A_245 : memref<128xi32, #tpu.memory_space<vmem>>) target_semaphore(%arg15 : memref<!tpu.dma_semaphore, #tpu.memory_space<semaphore_mem>>)
      } else {
      }
      %mul3A_201 = arith.constant 3 : i32
      %mul3A_202 = arith.muli %mul3A_201, %scan3A_163 : i32
      %add3A_203 = arith.constant 2 : i32
      %add3A_204 = arith.addi %mul3A_202, %add3A_203 : i32
      %add3A_205 = arith.constant 1 : i32
      %add3A_206 = arith.addi %add3A_204, %add3A_205 : i32
      %lt3A_207 = arith.cmpi slt, %add3A_206, %sub3A_47 : i32
      %convert_element_type3A_208 = arith.extui %lt3A_207 : i1 to i32
      %cond3A_209 = arith.constant 0 : i32
      %cond3A_210 = arith.cmpi ne, %convert_element_type3A_208, %cond3A_209 : i32
      scf.if %cond3A_210 {
        %dma_wait3A_221 = arith.constant 0 : i32
        %dma_wait3A_222 = arith.constant 0 : i32
        %dma_wait3A_223 = tpu.memref_slice %arg7[%dma_wait3A_221, %dma_wait3A_222] : memref<3x128xi32, #tpu.memory_space<vmem>> -> memref<1x128xi32, #tpu.memory_space<vmem>>
        %dma_wait3A_224 = tpu.memref_squeeze %dma_wait3A_223 : memref<1x128xi32, #tpu.memory_space<vmem>> -> memref<128xi32, #tpu.memory_space<vmem>>
        %dma_wait3A_225 = arith.constant 0 : i32
        %dma_wait3A_226 = tpu.memref_slice %arg3[%dma_wait3A_225] : memref<320000xi32, #tpu.memory_space<hbm>> -> memref<128xi32, #tpu.memory_space<hbm>>
        %dma_wait3A_227 = arith.constant 0 : i32
        %dma_wait3A_228 = tpu.memref_slice %arg7[%dma_wait3A_221, %dma_wait3A_227] : memref<3x128xi32, #tpu.memory_space<vmem>> -> memref<1x128xi32, #tpu.memory_space<vmem>>
        %dma_wait3A_229 = tpu.memref_squeeze %dma_wait3A_228 : memref<1x128xi32, #tpu.memory_space<vmem>> -> memref<128xi32, #tpu.memory_space<vmem>>
        %dma_wait3A_230 = arith.constant 0 : i32
        %dma_wait3A_231 = tpu.memref_slice %arg3[%dma_wait3A_230] : memref<320000xi32, #tpu.memory_space<hbm>> -> memref<128xi32, #tpu.memory_space<hbm>>
        tpu.wait_dma2 semaphore(%arg14 : memref<!tpu.dma_semaphore, #tpu.memory_space<semaphore_mem>>) src(%dma_wait3A_231 : memref<128xi32, #tpu.memory_space<hbm>>) dst(%dma_wait3A_229 : memref<128xi32, #tpu.memory_space<vmem>>)
        %dma_wait3A_232 = arith.constant 0 : i32
        %dma_wait3A_233 = arith.constant 0 : i32
        %dma_wait3A_234 = tpu.memref_slice %arg8[%dma_wait3A_232, %dma_wait3A_233] : memref<3x128xi32, #tpu.memory_space<vmem>> -> memref<1x128xi32, #tpu.memory_space<vmem>>
        %dma_wait3A_235 = tpu.memref_squeeze %dma_wait3A_234 : memref<1x128xi32, #tpu.memory_space<vmem>> -> memref<128xi32, #tpu.memory_space<vmem>>
        %dma_wait3A_236 = arith.constant 0 : i32
        %dma_wait3A_237 = tpu.memref_slice %arg4[%dma_wait3A_236] : memref<320000xi32, #tpu.memory_space<hbm>> -> memref<128xi32, #tpu.memory_space<hbm>>
        %dma_wait3A_238 = arith.constant 0 : i32
        %dma_wait3A_239 = tpu.memref_slice %arg8[%dma_wait3A_232, %dma_wait3A_238] : memref<3x128xi32, #tpu.memory_space<vmem>> -> memref<1x128xi32, #tpu.memory_space<vmem>>
        %dma_wait3A_240 = tpu.memref_squeeze %dma_wait3A_239 : memref<1x128xi32, #tpu.memory_space<vmem>> -> memref<128xi32, #tpu.memory_space<vmem>>
        %dma_wait3A_241 = arith.constant 0 : i32
        %dma_wait3A_242 = tpu.memref_slice %arg4[%dma_wait3A_241] : memref<320000xi32, #tpu.memory_space<hbm>> -> memref<128xi32, #tpu.memory_space<hbm>>
        tpu.wait_dma2 semaphore(%arg14 : memref<!tpu.dma_semaphore, #tpu.memory_space<semaphore_mem>>) src(%dma_wait3A_242 : memref<128xi32, #tpu.memory_space<hbm>>) dst(%dma_wait3A_240 : memref<128xi32, #tpu.memory_space<vmem>>)
        %dma_start3A_243 = arith.constant 0 : i32
        %dma_start3A_244 = arith.constant 0 : i32
        %dma_start3A_245 = arith.constant 0 : i32
        %dma_start3A_246 = arith.constant 0 : i32
        %dma_start3A_247 = tpu.memref_slice %arg9[%dma_start3A_244, %dma_start3A_245, %dma_start3A_246] : memref<3x128x128xf32, #tpu.memory_space<vmem>> -> memref<1x128x128xf32, #tpu.memory_space<vmem>>
        %dma_start3A_248 = tpu.memref_squeeze %dma_start3A_247 : memref<1x128x128xf32, #tpu.memory_space<vmem>> -> memref<128x128xf32, #tpu.memory_space<vmem>>
        %dma_start3A_249 = arith.constant 0 : i32
        %dma_start3A_250 = tpu.memref_slice %arg7[%dma_start3A_243, %dma_start3A_249] : memref<3x128xi32, #tpu.memory_space<vmem>> -> memref<1x128xi32, #tpu.memory_space<vmem>>
        %dma_start3A_251 = tpu.memref_squeeze %dma_start3A_250 : memref<1x128xi32, #tpu.memory_space<vmem>> -> memref<128xi32, #tpu.memory_space<vmem>>
        %dma_start3A_252 = arith.constant 0 : i32
        %dma_start3A_253 = arith.constant 0 : i32
        %dma_start3A_254 = tpu.memref_slice %arg2[%dma_start3A_252, %dma_start3A_253] : memref<10000x128xf32, #tpu.memory_space<hbm>> -> memref<10000x128xf32, #tpu.memory_space<hbm>>
        tpu.enqueue_indirect_dma source(%dma_start3A_254 : memref<10000x128xf32, #tpu.memory_space<hbm>>) target(%dma_start3A_248 : memref<128x128xf32, #tpu.memory_space<vmem>>) offsets(%dma_start3A_251 : memref<128xi32, #tpu.memory_space<vmem>>) semaphore(%arg11 : memref<!tpu.dma_semaphore, #tpu.memory_space<semaphore_mem>>)
      } else {
      }
      %lt3A_211 = arith.cmpi slt, %add3A_204, %sub3A_47 : i32
      %convert_element_type3A_212 = arith.extui %lt3A_211 : i1 to i32
      %cond3A_213 = arith.constant 0 : i32
      %cond3A_214 = arith.cmpi ne, %convert_element_type3A_212, %cond3A_213 : i32
      scf.if %cond3A_214 {
        %dma_wait3A_221 = arith.constant 0 : i32
        %dma_wait3A_222 = arith.constant 2 : i32
        %dma_wait3A_223 = arith.constant 0 : i32
        %dma_wait3A_224 = arith.constant 0 : i32
        %dma_wait3A_225 = tpu.memref_slice %arg9[%dma_wait3A_222, %dma_wait3A_223, %dma_wait3A_224] : memref<3x128x128xf32, #tpu.memory_space<vmem>> -> memref<1x128x128xf32, #tpu.memory_space<vmem>>
        %dma_wait3A_226 = tpu.memref_squeeze %dma_wait3A_225 : memref<1x128x128xf32, #tpu.memory_space<vmem>> -> memref<128x128xf32, #tpu.memory_space<vmem>>
        %dma_wait3A_227 = arith.constant 0 : i32
        %dma_wait3A_228 = tpu.memref_slice %arg7[%dma_wait3A_221, %dma_wait3A_227] : memref<3x128xi32, #tpu.memory_space<vmem>> -> memref<1x128xi32, #tpu.memory_space<vmem>>
        %dma_wait3A_229 = tpu.memref_squeeze %dma_wait3A_228 : memref<1x128xi32, #tpu.memory_space<vmem>> -> memref<128xi32, #tpu.memory_space<vmem>>
        %dma_wait3A_230 = arith.constant 0 : i32
        %dma_wait3A_231 = arith.constant 0 : i32
        %dma_wait3A_232 = tpu.memref_slice %arg2[%dma_wait3A_230, %dma_wait3A_231] : memref<10000x128xf32, #tpu.memory_space<hbm>> -> memref<10000x128xf32, #tpu.memory_space<hbm>>
        tpu.wait_indirect_dma semaphore(%arg13 : memref<!tpu.dma_semaphore, #tpu.memory_space<semaphore_mem>>) src(%dma_wait3A_232 : memref<10000x128xf32, #tpu.memory_space<hbm>>) dst(%dma_wait3A_226 : memref<128x128xf32, #tpu.memory_space<vmem>>)
        %run_scoped3A = arith.constant 2 : i32
        %run_scoped3A_233 = arith.constant 2 : i32
        "tpu.region"() ({
          %run_scoped3A_234 = tpu.sem_alloc : memref<!tpu.dma_semaphore, #tpu.memory_space<semaphore_mem>>
          %dma_start3A_235 = arith.constant 0 : i32
          %dma_start3A_236 = arith.constant 0 : i32
          %dma_start3A_237 = tpu.memref_slice %arg9[%run_scoped3A, %dma_start3A_235, %dma_start3A_236] : memref<3x128x128xf32, #tpu.memory_space<vmem>> -> memref<1x128x128xf32, #tpu.memory_space<vmem>>
          %dma_start3A_238 = tpu.memref_squeeze %dma_start3A_237 : memref<1x128x128xf32, #tpu.memory_space<vmem>> -> memref<128x128xf32, #tpu.memory_space<vmem>>
          %dma_start3A_239 = arith.constant 0 : i32
          %dma_start3A_240 = tpu.memref_slice %arg8[%run_scoped3A_233, %dma_start3A_239] : memref<3x128xi32, #tpu.memory_space<vmem>> -> memref<1x128xi32, #tpu.memory_space<vmem>>
          %dma_start3A_241 = tpu.memref_squeeze %dma_start3A_240 : memref<1x128xi32, #tpu.memory_space<vmem>> -> memref<128xi32, #tpu.memory_space<vmem>>
          %dma_start3A_242 = arith.constant 0 : i32
          %dma_start3A_243 = arith.constant 0 : i32
          %dma_start3A_244 = tpu.memref_slice %arg10[%dma_start3A_242, %dma_start3A_243] : memref<10112x128xf32, #tpu.memory_space<vmem_shared>> -> memref<10112x128xf32, #tpu.memory_space<vmem_shared>>
          tpu.enqueue_indirect_dma source(%dma_start3A_238 : memref<128x128xf32, #tpu.memory_space<vmem>>) target(%dma_start3A_244 : memref<10112x128xf32, #tpu.memory_space<vmem_shared>>) offsets(%dma_start3A_241 : memref<128xi32, #tpu.memory_space<vmem>>) semaphore(%run_scoped3A_234 : memref<!tpu.dma_semaphore, #tpu.memory_space<semaphore_mem>>) {add = true}
          %dma_wait3A_245 = arith.constant 0 : i32
          %dma_wait3A_246 = arith.constant 0 : i32
          %dma_wait3A_247 = tpu.memref_slice %arg9[%run_scoped3A, %dma_wait3A_245, %dma_wait3A_246] : memref<3x128x128xf32, #tpu.memory_space<vmem>> -> memref<1x128x128xf32, #tpu.memory_space<vmem>>
          %dma_wait3A_248 = tpu.memref_squeeze %dma_wait3A_247 : memref<1x128x128xf32, #tpu.memory_space<vmem>> -> memref<128x128xf32, #tpu.memory_space<vmem>>
          %dma_wait3A_249 = arith.constant 0 : i32
          %dma_wait3A_250 = tpu.memref_slice %arg8[%run_scoped3A_233, %dma_wait3A_249] : memref<3x128xi32, #tpu.memory_space<vmem>> -> memref<1x128xi32, #tpu.memory_space<vmem>>
          %dma_wait3A_251 = tpu.memref_squeeze %dma_wait3A_250 : memref<1x128xi32, #tpu.memory_space<vmem>> -> memref<128xi32, #tpu.memory_space<vmem>>
          %dma_wait3A_252 = arith.constant 0 : i32
          %dma_wait3A_253 = arith.constant 0 : i32
          %dma_wait3A_254 = tpu.memref_slice %arg10[%dma_wait3A_252, %dma_wait3A_253] : memref<10112x128xf32, #tpu.memory_space<vmem_shared>> -> memref<10112x128xf32, #tpu.memory_space<vmem_shared>>
          tpu.wait_indirect_dma semaphore(%run_scoped3A_234 : memref<!tpu.dma_semaphore, #tpu.memory_space<semaphore_mem>>) src(%dma_wait3A_248 : memref<128x128xf32, #tpu.memory_space<vmem>>) dst(%dma_wait3A_254 : memref<10112x128xf32, #tpu.memory_space<vmem_shared>>)
          tpu.yield
        }) : () -> ()
      } else {
      }
      %add3A_215 = arith.constant 3 : i32
      %add3A_216 = arith.addi %add3A_204, %add3A_215 : i32
      %lt3A_217 = arith.cmpi slt, %add3A_216, %sub3A_47 : i32
      %convert_element_type3A_218 = arith.extui %lt3A_217 : i1 to i32
      %cond3A_219 = arith.constant 0 : i32
      %cond3A_220 = arith.cmpi ne, %convert_element_type3A_218, %cond3A_219 : i32
      scf.if %cond3A_220 {
        %add3A_221 = arith.constant 3 : i32
        %add3A_222 = arith.addi %add3A_204, %add3A_221 : i32
        %mul3A_223 = arith.constant 128 : i32
        %mul3A_224 = arith.muli %add3A_222, %mul3A_223 : i32
        %add3A_225 = arith.addi %mul3A_49, %mul3A_224 : i32
        %dma_start3A_226 = arith.constant 2 : i32
        %dma_start3A_227 = arith.constant 0 : i32
        %dma_start3A_228 = tpu.memref_slice %arg7[%dma_start3A_226, %dma_start3A_227] : memref<3x128xi32, #tpu.memory_space<vmem>> -> memref<1x128xi32, #tpu.memory_space<vmem>>
        %dma_start3A_229 = tpu.memref_squeeze %dma_start3A_228 : memref<1x128xi32, #tpu.memory_space<vmem>> -> memref<128xi32, #tpu.memory_space<vmem>>
        %dma_start3A_230 = tpu.memref_slice %arg3[%add3A_225] : memref<320000xi32, #tpu.memory_space<hbm>> -> memref<128xi32, #tpu.memory_space<hbm>>
        %dma_start3A_231 = arith.constant 0 : i32
        %dma_start3A_232 = tpu.memref_slice %arg7[%dma_start3A_226, %dma_start3A_231] : memref<3x128xi32, #tpu.memory_space<vmem>> -> memref<1x128xi32, #tpu.memory_space<vmem>>
        %dma_start3A_233 = tpu.memref_squeeze %dma_start3A_232 : memref<1x128xi32, #tpu.memory_space<vmem>> -> memref<128xi32, #tpu.memory_space<vmem>>
        %dma_start3A_234 = tpu.memref_slice %arg3[%add3A_225] : memref<320000xi32, #tpu.memory_space<hbm>> -> memref<128xi32, #tpu.memory_space<hbm>>
        tpu.enqueue_dma source(%dma_start3A_234 : memref<128xi32, #tpu.memory_space<hbm>>) target(%dma_start3A_233 : memref<128xi32, #tpu.memory_space<vmem>>) target_semaphore(%arg16 : memref<!tpu.dma_semaphore, #tpu.memory_space<semaphore_mem>>)
        %mul3A_235 = arith.constant 128 : i32
        %mul3A_236 = arith.muli %add3A_222, %mul3A_235 : i32
        %add3A_237 = arith.addi %mul3A_49, %mul3A_236 : i32
        %dma_start3A_238 = arith.constant 2 : i32
        %dma_start3A_239 = arith.constant 0 : i32
        %dma_start3A_240 = tpu.memref_slice %arg8[%dma_start3A_238, %dma_start3A_239] : memref<3x128xi32, #tpu.memory_space<vmem>> -> memref<1x128xi32, #tpu.memory_space<vmem>>
        %dma_start3A_241 = tpu.memref_squeeze %dma_start3A_240 : memref<1x128xi32, #tpu.memory_space<vmem>> -> memref<128xi32, #tpu.memory_space<vmem>>
        %dma_start3A_242 = tpu.memref_slice %arg4[%add3A_237] : memref<320000xi32, #tpu.memory_space<hbm>> -> memref<128xi32, #tpu.memory_space<hbm>>
        %dma_start3A_243 = arith.constant 0 : i32
        %dma_start3A_244 = tpu.memref_slice %arg8[%dma_start3A_238, %dma_start3A_243] : memref<3x128xi32, #tpu.memory_space<vmem>> -> memref<1x128xi32, #tpu.memory_space<vmem>>
        %dma_start3A_245 = tpu.memref_squeeze %dma_start3A_244 : memref<1x128xi32, #tpu.memory_space<vmem>> -> memref<128xi32, #tpu.memory_space<vmem>>
        %dma_start3A_246 = tpu.memref_slice %arg4[%add3A_237] : memref<320000xi32, #tpu.memory_space<hbm>> -> memref<128xi32, #tpu.memory_space<hbm>>
        tpu.enqueue_dma source(%dma_start3A_246 : memref<128xi32, #tpu.memory_space<hbm>>) target(%dma_start3A_245 : memref<128xi32, #tpu.memory_space<vmem>>) target_semaphore(%arg16 : memref<!tpu.dma_semaphore, #tpu.memory_space<semaphore_mem>>)
      } else {
      }
    }
    %scan3A_154 = arith.constant 27 : i32
    %barrier3A_155 = arith.constant 0 : index
    tpu.barrier barrier_id(%barrier3A_155)
    %mul3A_156 = arith.constant 632 : i32
    %mul3A_157 = arith.muli %arg1, %mul3A_156 : i32
    %mul3A_158 = arith.constant 10112 : i32
    %mul3A_159 = arith.muli %arg0, %mul3A_158 : i32
    %mul3A_160 = arith.constant 632 : i32
    %mul3A_161 = arith.muli %arg1, %mul3A_160 : i32
    %add3A_162 = arith.addi %mul3A_159, %mul3A_161 : i32
    "tpu.region"() ({
      %run_scoped3A = tpu.sem_alloc : memref<!tpu.dma_semaphore, #tpu.memory_space<semaphore_mem>>
      %dma_start3A_163 = arith.constant 0 : i32
      %dma_start3A_164 = tpu.memref_slice %arg6[%add3A_162, %dma_start3A_163] : memref<20224x128xf32, #tpu.memory_space<hbm>> -> memref<632x128xf32, #tpu.memory_space<hbm>>
      %dma_start3A_165 = arith.constant 0 : i32
      %dma_start3A_166 = tpu.memref_slice %arg10[%mul3A_157, %dma_start3A_165] : memref<10112x128xf32, #tpu.memory_space<vmem_shared>> -> memref<632x128xf32, #tpu.memory_space<vmem_shared>>
      tpu.enqueue_dma source(%dma_start3A_166 : memref<632x128xf32, #tpu.memory_space<vmem_shared>>) target(%dma_start3A_164 : memref<632x128xf32, #tpu.memory_space<hbm>>) target_semaphore(%run_scoped3A : memref<!tpu.dma_semaphore, #tpu.memory_space<semaphore_mem>>)
      %dma_wait3A_167 = arith.constant 0 : i32
      %dma_wait3A_168 = tpu.memref_slice %arg6[%add3A_162, %dma_wait3A_167] : memref<20224x128xf32, #tpu.memory_space<hbm>> -> memref<632x128xf32, #tpu.memory_space<hbm>>
      %dma_wait3A_169 = arith.constant 0 : i32
      %dma_wait3A_170 = tpu.memref_slice %arg10[%mul3A_157, %dma_wait3A_169] : memref<10112x128xf32, #tpu.memory_space<vmem_shared>> -> memref<632x128xf32, #tpu.memory_space<vmem_shared>>
      tpu.wait_dma2 semaphore(%run_scoped3A : memref<!tpu.dma_semaphore, #tpu.memory_space<semaphore_mem>>) src(%dma_wait3A_170 : memref<632x128xf32, #tpu.memory_space<vmem_shared>>) dst(%dma_wait3A_168 : memref<632x128xf32, #tpu.memory_space<hbm>>)
      tpu.yield
    }) : () -> ()
    return
  }
}

module attributes {stable_mosaic.version = 14 : i64} {
  func.func @_k1m_body(%arg0: i32, %arg1: memref<1000x128xf32, #tpu.memory_space<vmem>>, %arg2: memref<128x128xf32, #tpu.memory_space<vmem>>, %arg3: memref<1000x128xf32, #tpu.memory_space<vmem>>) attributes {dimension_semantics = [#tpu.dimension_semantics<arbitrary>], iteration_bounds = array<i64: 10>, scalar_prefetch = 0 : i64, scratch_operands = 0 : i64, tpu.core_type = #tpu.core_type<tc>, window_params = [{transform_indices = @transform_0, window_bounds = array<i64: 1000, 128>}, {pipeline_mode = #tpu.pipeline_mode<synchronous>, transform_indices = @transform_1, window_bounds = array<i64: 128, 128>}, {transform_indices = @transform_2, window_bounds = array<i64: 1000, 128>}]} {
    %get3A = arith.constant 0 : index
    %get3A_0 = arith.constant 0 : index
    %get3A_1 = vector.load %arg1[%get3A, %get3A_0] : memref<1000x128xf32, #tpu.memory_space<vmem>>, vector<1000x128xf32>
    %get3A_2 = arith.constant 0 : index
    %get3A_3 = arith.constant 0 : index
    %get3A_4 = vector.load %arg2[%get3A_2, %get3A_3] : memref<128x128xf32, #tpu.memory_space<vmem>>, vector<128x128xf32>
    %dot_general3A = arith.constant dense<0.000000e+00> : vector<1000x128xf32>
    %dot_general3A_5 = tpu.matmul %get3A_1, %get3A_4, %dot_general3A {dimension_numbers = #tpu.dot_dimension_numbers<[1], [0], [0], [1], [0, 0, 1, 1], [], []>, transpose_lhs_hint = false} : vector<1000x128xf32>, vector<128x128xf32>, vector<1000x128xf32> -> vector<1000x128xf32>
    %swap3A = arith.constant 0 : index
    %swap3A_6 = arith.constant 0 : index
    %swap3A_7 = vector.load %arg3[%swap3A, %swap3A_6] : memref<1000x128xf32, #tpu.memory_space<vmem>>, vector<1000x128xf32>
    tpu.vector_store %arg3[%swap3A, %swap3A_6], %dot_general3A_5 {strides = array<i32>} : memref<1000x128xf32, #tpu.memory_space<vmem>>, vector<1000x128xf32>,
    return
  }
  func.func @transform_0(%arg0: i32) -> (i32, i32) {
    %c0_i32 = arith.constant 0 : i32
    %c0_i32_0 = arith.constant 0 : i32
    return %arg0, %c0_i32 : i32, i32
  }
  func.func @transform_1(%arg0: i32) -> (i32, i32) {
    %c0_i32 = arith.constant 0 : i32
    %c0_i32_0 = arith.constant 0 : i32
    %c0_i32_1 = arith.constant 0 : i32
    return %c0_i32, %c0_i32_0 : i32, i32
  }
  func.func @transform_2(%arg0: i32) -> (i32, i32) {
    %c0_i32 = arith.constant 0 : i32
    %c0_i32_0 = arith.constant 0 : i32
    return %arg0, %c0_i32 : i32, i32
  }
}

module attributes {stable_mosaic.version = 14 : i64} {
  func.func @_ksc_body(%arg0: i32, %arg1: memref<1000x128xf32, #tpu.memory_space<vmem>>, %arg2: memref<1000x1xf32, #tpu.memory_space<vmem>>, %arg3: memref<1000x128xf32, #tpu.memory_space<vmem>>) attributes {dimension_semantics = [#tpu.dimension_semantics<arbitrary>], iteration_bounds = array<i64: 10>, scalar_prefetch = 0 : i64, scratch_operands = 0 : i64, tpu.core_type = #tpu.core_type<tc>, window_params = [{transform_indices = @transform_0, window_bounds = array<i64: 1000, 128>}, {transform_indices = @transform_1, window_bounds = array<i64: 1000, 1>}, {transform_indices = @transform_2, window_bounds = array<i64: 1000, 128>}]} {
    %get3A = arith.constant 0 : index
    %get3A_0 = arith.constant 0 : index
    %get3A_1 = vector.load %arg2[%get3A, %get3A_0] : memref<1000x1xf32, #tpu.memory_space<vmem>>, vector<1000x1xf32>
    %rsqrt3A = math.rsqrt %get3A_1 : vector<1000x1xf32>
    %get3A_2 = arith.constant 0 : index
    %get3A_3 = arith.constant 0 : index
    %get3A_4 = vector.load %arg1[%get3A_2, %get3A_3] : memref<1000x128xf32, #tpu.memory_space<vmem>>, vector<1000x128xf32>
    %mul3A = vector.broadcast %rsqrt3A : vector<1000x1xf32> to vector<1000x128xf32>
    %mul3A_5 = arith.mulf %mul3A, %get3A_4 : vector<1000x128xf32>
    %swap3A = arith.constant 0 : index
    %swap3A_6 = arith.constant 0 : index
    %swap3A_7 = vector.load %arg3[%swap3A, %swap3A_6] : memref<1000x128xf32, #tpu.memory_space<vmem>>, vector<1000x128xf32>
    tpu.vector_store %arg3[%swap3A, %swap3A_6], %mul3A_5 {strides = array<i32>} : memref<1000x128xf32, #tpu.memory_space<vmem>>, vector<1000x128xf32>,
    return
  }
  func.func @transform_0(%arg0: i32) -> (i32, i32) {
    %c0_i32 = arith.constant 0 : i32
    %c0_i32_0 = arith.constant 0 : i32
    return %arg0, %c0_i32 : i32, i32
  }
  func.func @transform_1(%arg0: i32) -> (i32, i32) {
    %c0_i32 = arith.constant 0 : i32
    %c0_i32_0 = arith.constant 0 : i32
    return %arg0, %c0_i32 : i32, i32
  }
  func.func @transform_2(%arg0: i32) -> (i32, i32) {
    %c0_i32 = arith.constant 0 : i32
    %c0_i32_0 = arith.constant 0 : i32
    return %arg0, %c0_i32 : i32, i32
  }
}

module attributes {stable_mosaic.version = 14 : i64} {
  func.func @_k2_body(%arg0: i32, %arg1: memref<2x1000x128xf32, #tpu.memory_space<vmem>>, %arg2: memref<1000x128xf32, #tpu.memory_space<vmem>>, %arg3: memref<1000x1xf32, #tpu.memory_space<vmem>>, %arg4: memref<1x128xf32, #tpu.memory_space<vmem>>, %arg5: memref<128x128xf32, #tpu.memory_space<vmem>>, %arg6: memref<1000x128xf32, #tpu.memory_space<vmem>>) attributes {dimension_semantics = [#tpu.dimension_semantics<arbitrary>], iteration_bounds = array<i64: 10>, scalar_prefetch = 0 : i64, scratch_operands = 0 : i64, tpu.core_type = #tpu.core_type<tc>, window_params = [{transform_indices = @transform_0, window_bounds = array<i64: 2, 1000, 128>}, {transform_indices = @transform_1, window_bounds = array<i64: 1000, 128>}, {transform_indices = @transform_2, window_bounds = array<i64: 1000, 1>}, {pipeline_mode = #tpu.pipeline_mode<synchronous>, transform_indices = @transform_3, window_bounds = array<i64: 1, 128>}, {pipeline_mode = #tpu.pipeline_mode<synchronous>, transform_indices = @transform_4, window_bounds = array<i64: 128, 128>}, {transform_indices = @transform_5, window_bounds = array<i64: 1000, 128>}]} {
    %get3A = arith.constant 0 : index
    %get3A_0 = arith.constant 0 : index
    %get3A_1 = vector.load %arg3[%get3A, %get3A_0] : memref<1000x1xf32, #tpu.memory_space<vmem>>, vector<1000x1xf32>
    %rsqrt3A = math.rsqrt %get3A_1 : vector<1000x1xf32>
    %get3A_2 = arith.constant 0 : index
    %get3A_3 = arith.constant 0 : index
    %get3A_4 = arith.constant 0 : index
    %get3A_5 = vector.load %arg1[%get3A_2, %get3A_3, %get3A_4] : memref<2x1000x128xf32, #tpu.memory_space<vmem>>, vector<2x1000x128xf32>
    %slice3A = vector.extract_strided_slice %get3A_5 {offsets = [0, 0, 0], sizes = [1, 1000, 128], strides = [1, 1, 1]} : vector<2x1000x128xf32> to vector<1x1000x128xf32>
    %squeeze3A = vector.shape_cast %slice3A : vector<1x1000x128xf32> to vector<1000x128xf32>
    %slice3A_6 = vector.extract_strided_slice %get3A_5 {offsets = [1, 0, 0], sizes = [1, 1000, 128], strides = [1, 1, 1]} : vector<2x1000x128xf32> to vector<1x1000x128xf32>
    %squeeze3A_7 = vector.shape_cast %slice3A_6 : vector<1x1000x128xf32> to vector<1000x128xf32>
    %add3A = arith.addf %squeeze3A, %squeeze3A_7 : vector<1000x128xf32>
    %get3A_8 = arith.constant 0 : index
    %get3A_9 = arith.constant 0 : index
    %get3A_10 = vector.load %arg2[%get3A_8, %get3A_9] : memref<1000x128xf32, #tpu.memory_space<vmem>>, vector<1000x128xf32>
    %add3A_11 = arith.addf %add3A, %get3A_10 : vector<1000x128xf32>
    %mul3A = vector.broadcast %rsqrt3A : vector<1000x1xf32> to vector<1000x128xf32>
    %mul3A_12 = arith.mulf %mul3A, %add3A_11 : vector<1000x128xf32>
    %get3A_13 = arith.constant 0 : index
    %get3A_14 = arith.constant 0 : index
    %get3A_15 = vector.load %arg4[%get3A_13, %get3A_14] : memref<1x128xf32, #tpu.memory_space<vmem>>, vector<1x128xf32>
    %add3A_16 = vector.broadcast %get3A_15 : vector<1x128xf32> to vector<1000x128xf32>
    %add3A_17 = arith.addf %mul3A_12, %add3A_16 : vector<1000x128xf32>
    %max3A = arith.constant 0.000000e+00 : f32
    %max3A_18 = vector.broadcast %max3A : f32 to vector<1000x128xf32>
    %max3A_19 = arith.maximumf %add3A_17, %max3A_18 : vector<1000x128xf32>
    %get3A_20 = arith.constant 0 : index
    %get3A_21 = arith.constant 0 : index
    %get3A_22 = vector.load %arg5[%get3A_20, %get3A_21] : memref<128x128xf32, #tpu.memory_space<vmem>>, vector<128x128xf32>
    %dot_general3A = arith.constant dense<0.000000e+00> : vector<1000x128xf32>
    %dot_general3A_23 = tpu.matmul %max3A_19, %get3A_22, %dot_general3A {dimension_numbers = #tpu.dot_dimension_numbers<[1], [0], [0], [1], [0, 0, 1, 1], [], []>, transpose_lhs_hint = false} : vector<1000x128xf32>, vector<128x128xf32>, vector<1000x128xf32> -> vector<1000x128xf32>
    %mul3A_24 = vector.broadcast %rsqrt3A : vector<1000x1xf32> to vector<1000x128xf32>
    %mul3A_25 = arith.mulf %mul3A_24, %dot_general3A_23 : vector<1000x128xf32>
    %swap3A = arith.constant 0 : index
    %swap3A_26 = arith.constant 0 : index
    %swap3A_27 = vector.load %arg6[%swap3A, %swap3A_26] : memref<1000x128xf32, #tpu.memory_space<vmem>>, vector<1000x128xf32>
    tpu.vector_store %arg6[%swap3A, %swap3A_26], %mul3A_25 {strides = array<i32>} : memref<1000x128xf32, #tpu.memory_space<vmem>>, vector<1000x128xf32>,
    return
  }
  func.func @transform_0(%arg0: i32) -> (i32, i32, i32) {
    %c0_i32 = arith.constant 0 : i32
    %c0_i32_0 = arith.constant 0 : i32
    %c0_i32_1 = arith.constant 0 : i32
    return %c0_i32, %arg0, %c0_i32_0 : i32, i32, i32
  }
  func.func @transform_1(%arg0: i32) -> (i32, i32) {
    %c0_i32 = arith.constant 0 : i32
    %c0_i32_0 = arith.constant 0 : i32
    return %arg0, %c0_i32 : i32, i32
  }
  func.func @transform_2(%arg0: i32) -> (i32, i32) {
    %c0_i32 = arith.constant 0 : i32
    %c0_i32_0 = arith.constant 0 : i32
    return %arg0, %c0_i32 : i32, i32
  }
  func.func @transform_3(%arg0: i32) -> (i32, i32) {
    %c0_i32 = arith.constant 0 : i32
    %c0_i32_0 = arith.constant 0 : i32
    %c0_i32_1 = arith.constant 0 : i32
    return %c0_i32, %c0_i32_0 : i32, i32
  }
  func.func @transform_4(%arg0: i32) -> (i32, i32) {
    %c0_i32 = arith.constant 0 : i32
    %c0_i32_0 = arith.constant 0 : i32
    %c0_i32_1 = arith.constant 0 : i32
    return %c0_i32, %c0_i32_0 : i32, i32
  }
  func.func @transform_5(%arg0: i32) -> (i32, i32) {
    %c0_i32 = arith.constant 0 : i32
    %c0_i32_0 = arith.constant 0 : i32
    return %arg0, %c0_i32 : i32, i32
  }
}

module attributes {stable_mosaic.version = 14 : i64} {
  func.func @_k4_body(%arg0: i32, %arg1: memref<2x1000x128xf32, #tpu.memory_space<vmem>>, %arg2: memref<1000x128xf32, #tpu.memory_space<vmem>>, %arg3: memref<1000x1xf32, #tpu.memory_space<vmem>>, %arg4: memref<1x128xf32, #tpu.memory_space<vmem>>, %arg5: memref<128x128xf32, #tpu.memory_space<vmem>>, %arg6: memref<1x128xf32, #tpu.memory_space<vmem>>, %arg7: memref<128x16xf32, #tpu.memory_space<vmem>>, %arg8: memref<1x16xf32, #tpu.memory_space<vmem>>, %arg9: memref<1000x16xf32, #tpu.memory_space<vmem>>) attributes {dimension_semantics = [#tpu.dimension_semantics<arbitrary>], iteration_bounds = array<i64: 10>, scalar_prefetch = 0 : i64, scratch_operands = 0 : i64, tpu.core_type = #tpu.core_type<tc>, window_params = [{transform_indices = @transform_0, window_bounds = array<i64: 2, 1000, 128>}, {transform_indices = @transform_1, window_bounds = array<i64: 1000, 128>}, {transform_indices = @transform_2, window_bounds = array<i64: 1000, 1>}, {pipeline_mode = #tpu.pipeline_mode<synchronous>, transform_indices = @transform_3, window_bounds = array<i64: 1, 128>}, {pipeline_mode = #tpu.pipeline_mode<synchronous>, transform_indices = @transform_4, window_bounds = array<i64: 128, 128>}, {pipeline_mode = #tpu.pipeline_mode<synchronous>, transform_indices = @transform_5, window_bounds = array<i64: 1, 128>}, {pipeline_mode = #tpu.pipeline_mode<synchronous>, transform_indices = @transform_6, window_bounds = array<i64: 128, 16>}, {pipeline_mode = #tpu.pipeline_mode<synchronous>, transform_indices = @transform_7, window_bounds = array<i64: 1, 16>}, {transform_indices = @transform_8, window_bounds = array<i64: 1000, 16>}]} {
    %get3A = arith.constant 0 : index
    %get3A_0 = arith.constant 0 : index
    %get3A_1 = vector.load %arg3[%get3A, %get3A_0] : memref<1000x1xf32, #tpu.memory_space<vmem>>, vector<1000x1xf32>
    %rsqrt3A = math.rsqrt %get3A_1 : vector<1000x1xf32>
    %get3A_2 = arith.constant 0 : index
    %get3A_3 = arith.constant 0 : index
    %get3A_4 = arith.constant 0 : index
    %get3A_5 = vector.load %arg1[%get3A_2, %get3A_3, %get3A_4] : memref<2x1000x128xf32, #tpu.memory_space<vmem>>, vector<2x1000x128xf32>
    %slice3A = vector.extract_strided_slice %get3A_5 {offsets = [0, 0, 0], sizes = [1, 1000, 128], strides = [1, 1, 1]} : vector<2x1000x128xf32> to vector<1x1000x128xf32>
    %squeeze3A = vector.shape_cast %slice3A : vector<1x1000x128xf32> to vector<1000x128xf32>
    %slice3A_6 = vector.extract_strided_slice %get3A_5 {offsets = [1, 0, 0], sizes = [1, 1000, 128], strides = [1, 1, 1]} : vector<2x1000x128xf32> to vector<1x1000x128xf32>
    %squeeze3A_7 = vector.shape_cast %slice3A_6 : vector<1x1000x128xf32> to vector<1000x128xf32>
    %add3A = arith.addf %squeeze3A, %squeeze3A_7 : vector<1000x128xf32>
    %get3A_8 = arith.constant 0 : index
    %get3A_9 = arith.constant 0 : index
    %get3A_10 = vector.load %arg2[%get3A_8, %get3A_9] : memref<1000x128xf32, #tpu.memory_space<vmem>>, vector<1000x128xf32>
    %add3A_11 = arith.addf %add3A, %get3A_10 : vector<1000x128xf32>
    %mul3A = vector.broadcast %rsqrt3A : vector<1000x1xf32> to vector<1000x128xf32>
    %mul3A_12 = arith.mulf %mul3A, %add3A_11 : vector<1000x128xf32>
    %get3A_13 = arith.constant 0 : index
    %get3A_14 = arith.constant 0 : index
    %get3A_15 = vector.load %arg4[%get3A_13, %get3A_14] : memref<1x128xf32, #tpu.memory_space<vmem>>, vector<1x128xf32>
    %add3A_16 = vector.broadcast %get3A_15 : vector<1x128xf32> to vector<1000x128xf32>
    %add3A_17 = arith.addf %mul3A_12, %add3A_16 : vector<1000x128xf32>
    %max3A = arith.constant 0.000000e+00 : f32
    %max3A_18 = vector.broadcast %max3A : f32 to vector<1000x128xf32>
    %max3A_19 = arith.maximumf %add3A_17, %max3A_18 : vector<1000x128xf32>
    %get3A_20 = arith.constant 0 : index
    %get3A_21 = arith.constant 0 : index
    %get3A_22 = vector.load %arg5[%get3A_20, %get3A_21] : memref<128x128xf32, #tpu.memory_space<vmem>>, vector<128x128xf32>
    %dot_general3A = arith.constant dense<0.000000e+00> : vector<1000x128xf32>
    %dot_general3A_23 = tpu.matmul %max3A_19, %get3A_22, %dot_general3A {dimension_numbers = #tpu.dot_dimension_numbers<[1], [0], [0], [1], [0, 0, 1, 1], [], []>, transpose_lhs_hint = false} : vector<1000x128xf32>, vector<128x128xf32>, vector<1000x128xf32> -> vector<1000x128xf32>
    %get3A_24 = arith.constant 0 : index
    %get3A_25 = arith.constant 0 : index
    %get3A_26 = vector.load %arg6[%get3A_24, %get3A_25] : memref<1x128xf32, #tpu.memory_space<vmem>>, vector<1x128xf32>
    %add3A_27 = vector.broadcast %get3A_26 : vector<1x128xf32> to vector<1000x128xf32>
    %add3A_28 = arith.addf %dot_general3A_23, %add3A_27 : vector<1000x128xf32>
    %max3A_29 = arith.constant 0.000000e+00 : f32
    %max3A_30 = vector.broadcast %max3A_29 : f32 to vector<1000x128xf32>
    %max3A_31 = arith.maximumf %add3A_28, %max3A_30 : vector<1000x128xf32>
    %get3A_32 = arith.constant 0 : index
    %get3A_33 = arith.constant 0 : index
    %get3A_34 = vector.load %arg7[%get3A_32, %get3A_33] : memref<128x16xf32, #tpu.memory_space<vmem>>, vector<128x16xf32>
    %dot_general3A_35 = arith.constant dense<0.000000e+00> : vector<1000x16xf32>
    %dot_general3A_36 = tpu.matmul %max3A_31, %get3A_34, %dot_general3A_35 {dimension_numbers = #tpu.dot_dimension_numbers<[1], [0], [0], [1], [0, 0, 1, 1], [], []>, transpose_lhs_hint = false} : vector<1000x128xf32>, vector<128x16xf32>, vector<1000x16xf32> -> vector<1000x16xf32>
    %get3A_37 = arith.constant 0 : index
    %get3A_38 = arith.constant 0 : index
    %get3A_39 = vector.load %arg8[%get3A_37, %get3A_38] : memref<1x16xf32, #tpu.memory_space<vmem>>, vector<1x16xf32>
    %add3A_40 = vector.broadcast %get3A_39 : vector<1x16xf32> to vector<1000x16xf32>
    %add3A_41 = arith.addf %dot_general3A_36, %add3A_40 : vector<1000x16xf32>
    %swap3A = arith.constant 0 : index
    %swap3A_42 = arith.constant 0 : index
    %swap3A_43 = vector.load %arg9[%swap3A, %swap3A_42] : memref<1000x16xf32, #tpu.memory_space<vmem>>, vector<1000x16xf32>
    tpu.vector_store %arg9[%swap3A, %swap3A_42], %add3A_41 {strides = array<i32>} : memref<1000x16xf32, #tpu.memory_space<vmem>>, vector<1000x16xf32>,
    return
  }
  func.func @transform_0(%arg0: i32) -> (i32, i32, i32) {
    %c0_i32 = arith.constant 0 : i32
    %c0_i32_0 = arith.constant 0 : i32
    %c0_i32_1 = arith.constant 0 : i32
    return %c0_i32, %arg0, %c0_i32_0 : i32, i32, i32
  }
  func.func @transform_1(%arg0: i32) -> (i32, i32) {
    %c0_i32 = arith.constant 0 : i32
    %c0_i32_0 = arith.constant 0 : i32
    return %arg0, %c0_i32 : i32, i32
  }
  func.func @transform_2(%arg0: i32) -> (i32, i32) {
    %c0_i32 = arith.constant 0 : i32
    %c0_i32_0 = arith.constant 0 : i32
    return %arg0, %c0_i32 : i32, i32
  }
  func.func @transform_3(%arg0: i32) -> (i32, i32) {
    %c0_i32 = arith.constant 0 : i32
    %c0_i32_0 = arith.constant 0 : i32
    %c0_i32_1 = arith.constant 0 : i32
    return %c0_i32, %c0_i32_0 : i32, i32
  }
  func.func @transform_4(%arg0: i32) -> (i32, i32) {
    %c0_i32 = arith.constant 0 : i32
    %c0_i32_0 = arith.constant 0 : i32
    %c0_i32_1 = arith.constant 0 : i32
    return %c0_i32, %c0_i32_0 : i32, i32
  }
  func.func @transform_5(%arg0: i32) -> (i32, i32) {
    %c0_i32 = arith.constant 0 : i32
    %c0_i32_0 = arith.constant 0 : i32
    %c0_i32_1 = arith.constant 0 : i32
    return %c0_i32, %c0_i32_0 : i32, i32
  }
  func.func @transform_6(%arg0: i32) -> (i32, i32) {
    %c0_i32 = arith.constant 0 : i32
    %c0_i32_0 = arith.constant 0 : i32
    %c0_i32_1 = arith.constant 0 : i32
    return %c0_i32, %c0_i32_0 : i32, i32
  }
  func.func @transform_7(%arg0: i32) -> (i32, i32) {
    %c0_i32 = arith.constant 0 : i32
    %c0_i32_0 = arith.constant 0 : i32
    %c0_i32_1 = arith.constant 0 : i32
    return %c0_i32, %c0_i32_0 : i32, i32
  }
  func.func @transform_8(%arg0: i32) -> (i32, i32) {
    %c0_i32 = arith.constant 0 : i32
    %c0_i32_0 = arith.constant 0 : i32
    return %arg0, %c0_i32 : i32, i32
  }
}

</mosaic_0001>

<sc_bundles>
// kernel: kernel.11.cloned.1.call-start
scs
__scs_entry_jumppad:
0x0: {  	(pc) =	sbr.rel $0x88, $3  }
0x1: {  	(tag) =	ssettag $0x0;
	lr =	simm.s32 $0x1  }
0x2: {  	[smem:$0x3F95] =	sst lr;
	_ =	strace $0xD0000000  }
0x3: {  	_ = 	snop  }
0x4: {  	_ = 	snop  }
0x5: {  	_ = 	snop  }
0x6: {  	_ = 	snop  }
0x7: {  	_ = 	snop  }
__scs_overlays_trampoline_lowered:
0x8: {  	[smem:$0x3FA4] =	sst s0  }
0x9: {  	[smem:$0x3FA5] =	sst s1  }
0xa: {  	[smem:$0x3FA6] =	sst s2  }
0xb: {  	[smem:$0x3FA7] =	sst s3  }
0xc: {  	[smem:$0x3FA8] =	sst s4  }
0xd: {  	[smem:$0x3FA9] =	sst s5  }
0xe: {  	[smem:$0x3FAA] =	sst s6  }
0xf: {  	[smem:$0x3FAB] =	sst s7  }
0x10: {  	[smem:$0x3FAC] =	sst s8  }
0x11: {  	[smem:$0x3FAD] =	sst s9;
	s0 =	simm.s32 @!p0 $0x0  }
0x12: {  	s1 =	sld [smem:$0x3F93];
	s0 =	simm.s32 @p0 $0x1  }
0x13: {  	[smem:$0x3FAE] =	sst s0;
	s0 =	simm.s32 @!p1 $0x0  }
0x14: {  	s2 =	sld [smem:$0x3F92];
	s0 =	simm.s32 @p1 $0x1  }
0x15: {  	[smem:$0x3FAF] =	sst s0;
	s0 =	simm.s32 @!p2 $0x0  }
0x16: {  	s3 =	sld [smem:$0x3FDB];
	s0 =	simm.s32 @p2 $0x1  }
0x17: {  	s4 =	simm.s32 $0x1BF5;
	[smem:$0x3FB1] =	sst s0  }
0x18: {  	s0 =	sld [smem:$0x3F94];
	_ =	swait.ge [sflag:s4], $0x0  }
0x19: {  	s7 =	sld [smem:$0x3F95]  }
0x1a: {  	s8 =	sadd.s32 $0xFFFFE003, lr  }
0x1b: {  	s9 =	sadd.s32 $0xFFFFFEF7, lr;
	s5 =	simm.s32 $0xFFFFFFFF;
	p2 =	slt.u32 s8, $0xFFFFF086  }
0x1c: {  	p1 =	slt.u32 s9, $0xF7A;
	s5 =	simm.s32 @!p2 $0x0  }
0x1d: {  	s5 =	simm.s32 @p1 $0x1;
	p0 =	seq.s32 s7, s2  }
0x1e: {  	s7 =	smul.u32 @!p0 $0xF7A, s2;
	p2 =	seq.s32 @!p0 s5, $0x0  }
0x1f: {  	s9 =	smul.u32 $0xF7A, s1;
	s8 =	simm.s32 @!p0 $0x1BF5;
	p2 =	por !p2, p0  }
0x20: {  	[sflag:s8] =	ssyncset.s32 @!p0 $0xFFFFF086;
	s6 =	sadd.s32 @!p0 s3, s7;
	s7 =	simm.s32 @!p0 $0x108  }
0x21: {  	s3 =	sadd.s32 s3, s9;
	s6 =	sadd.s32 @!p0 $0x88, s6;
	s7 =	simm.s32 @p2 $0x1082  }
0x22: {  	[simem:s7], [sflag:s8] =	dma.local @!p0 [hbm:s6], $0xF7A  }
0x23: {  	s9 =	sor.u32 $0xD0000000, s2;
	s6 =	simm.s32 $0x108;
	_ =	swait.ge @!p0 [sflag:s8], $0x0  }
0x24: {  	s3 =	sadd.s32 $0x88, s3;
	s6 =	simm.s32 @!p1 $0x1082;
	[sflag:s4] =	ssyncset.s32 $0xFFFFF086  }
0x25: {  	[simem:s6], [sflag:s4] =	dma.local [hbm:s3], $0xF7A  }
0x26: {  	[smem:$0x3F95] =	sst s1;
	(tag) =	ssettag s2;
	_ =	strace s9  }
0x27: {  	s1 =	sld [smem:$0x3FA5]  }
0x28: {  	s2 =	sld [smem:$0x3FA6]  }
0x29: {  	s4 =	sld [smem:$0x3FA8]  }
0x2a: {  	p0 =	seq.s32 s5, $0x0;
	s5 =	sld [smem:$0x3FA9]  }
0x2b: {  	s6 =	sld [smem:$0x3FAA]  }
0x2c: {  	s7 =	sld [smem:$0x3FAB]  }
0x2d: {  	s3 =	simm.s32 $0x108;
	s8 =	sld [smem:$0x3FAC]  }
0x2e: {  	s3 =	simm.s32 @!p0 $0x1082;
	s9 =	sld [smem:$0x3FAD]  }
0x2f: {  	lr =	sadd.s32 s0, s3;
	s0 =	sld [smem:$0x3FA4]  }
0x30: {  	s3 =	sld [smem:$0x3FA7]  }
0x31: {  	[smem:$0x3FB0] =	sst s10  }
0x32: {  	s10 =	sld [smem:$0x3FAE];
	_ =	sdelay $0x3  }
0x33: {  	p0 =	seq.s32 s10, $0x1;
	s10 =	sld [smem:$0x3FB0];
	_ =	sdelay $0x3  }
0x34: {  	[smem:$0x3FB0] =	sst s10  }
0x35: {  	s10 =	sld [smem:$0x3FAF];
	_ =	sdelay $0x3  }
0x36: {  	p1 =	seq.s32 s10, $0x1;
	s10 =	sld [smem:$0x3FB0];
	_ =	sdelay $0x3  }
0x37: {  	[smem:$0x3FB0] =	sst s10  }
0x38: {  	s10 =	sld [smem:$0x3FB1]  }
0x39: {  	_ = 	snop;
	(pc) =	sbr.ind lr, $3  }
0x3a: {  	_ = 	snop  }
0x3b: {  	_ = 	snop  }
0x3c: {  	p2 =	seq.s32 s10, $0x1;
	s10 =	sld [smem:$0x3FB0]  }
0x3d: {  	_ =	shalt  }
0x3e: {  	_ =	shalt  }
0x3f: {  	_ =	shalt  }
0x40: {  	_ =	shalt  }
0x41: {  	_ =	shalt  }
0x42: {  	_ =	shalt  }
0x43: {  	_ =	shalt  }
0x44: {  	_ =	shalt  }
0x45: {  	_ =	shalt  }
0x46: {  	_ =	shalt  }
0x47: {  	_ =	shalt  }
0x48: {  	_ =	shalt  }
0x49: {  	_ =	shalt  }
0x4a: {  	_ =	shalt  }
0x4b: {  	_ =	shalt  }
0x4c: {  	_ =	shalt  }
0x4d: {  	_ =	shalt  }
0x4e: {  	_ =	shalt  }
0x4f: {  	_ =	shalt  }
0x50: {  	_ =	shalt  }
0x51: {  	_ =	shalt  }
0x52: {  	_ =	shalt  }
0x53: {  	_ =	shalt  }
0x54: {  	_ =	shalt  }
0x55: {  	_ =	shalt  }
0x56: {  	_ =	shalt  }
0x57: {  	_ =	shalt  }
0x58: {  	_ =	shalt  }
0x59: {  	_ =	shalt  }
0x5a: {  	_ =	shalt  }
0x5b: {  	_ =	shalt  }
0x5c: {  	_ =	shalt  }
0x5d: {  	_ =	shalt  }
0x5e: {  	_ =	shalt  }
0x5f: {  	_ =	shalt  }
0x60: {  	_ =	shalt  }
0x61: {  	_ =	shalt  }
0x62: {  	_ =	shalt  }
0x63: {  	_ =	shalt  }
0x64: {  	_ =	shalt  }
0x65: {  	_ =	shalt  }
0x66: {  	_ =	shalt  }
0x67: {  	_ =	shalt  }
0x68: {  	_ =	shalt  }
0x69: {  	_ =	shalt  }
0x6a: {  	_ =	shalt  }
0x6b: {  	_ =	shalt  }
0x6c: {  	_ =	shalt  }
0x6d: {  	_ =	shalt  }
0x6e: {  	_ =	shalt  }
0x6f: {  	_ =	shalt  }
0x70: {  	_ =	shalt  }
0x71: {  	_ =	shalt  }
0x72: {  	_ =	shalt  }
0x73: {  	_ =	shalt  }
0x74: {  	_ =	shalt  }
0x75: {  	_ =	shalt  }
0x76: {  	_ =	shalt  }
0x77: {  	_ =	shalt  }
0x78: {  	_ =	shalt  }
0x79: {  	_ =	shalt  }
0x7a: {  	_ =	shalt  }
0x7b: {  	_ =	shalt  }
0x7c: {  	_ =	shalt  }
0x7d: {  	_ =	shalt  }
0x7e: {  	_ =	shalt  }
0x7f: {  	_ =	shalt  }
0x80: {  	_ =	shalt  }
0x81: {  	_ =	shalt  }
0x82: {  	_ =	shalt  }
0x83: {  	_ =	shalt  }
0x84: {  	_ =	shalt  }
0x85: {  	_ =	shalt  }
0x86: {  	_ =	shalt  }
0x87: {  	_ =	shalt  }
.Lfunc_end0:
.L_simem_size_0:
called_computation_lowered:
.L_overlay_start_0:
0x88: {  	s2 =	sld [smem:$0x3FD9]  }
0x89: {  	s3 =	sld [smem:$0x3FFE];
	_ =	sdelay $0x1  }
0x8a: {  	s1 =	srdreg.scid  }
0x8b: {  	s0 =	sand.u32 $0x1, s1  }
0x8c: {  	s17 =	sshll.u32 s0, $0xA;
	s2 =	sadd.s32 s3, s2  }
0x8d: {  	s2 =	sadd.s32 s2, s17  }
0x8e: {  	[smem:$0x3FBC] =	sst s2  }
0x8f: {  	_ = 	snop  }
0x90: {  	s2 =	sld [smem:$0x3FD0];
	(tm) =	ssettm $0x1  }
0x91: {  	s18 =	sld [smem:$0x3FFB];
	_ =	sdelay $0x3  }
0x92: {  	_ =	strace s18  }
0x93: {  	s3 =	sld [smem:$0x3FFC];
	_ =	sdelay $0x3  }
0x94: {  	_ =	strace s3  }
0x95: {  	s3 =	sld [smem:$0x3FFD];
	_ =	sdelay $0x3  }
0x96: {  	_ =	strace s3  }
0x97: {  	_ =	strace $0x8FFFFFFF  }
0x98: {  	s19 =	sld [smem:$0x3FDB];
	_ =	sdelay $0x1  }
0x99: {  	s4 =	simm.s32 $_scs_section_size  }
0x9a: {  	s5 =	simm.s32 $_size__tile_overlayer_lowered;
	s6 =	simm.s32 $_tile_overlayer_lowered  }
0x9b: {  	s22 =	simm.s32 $0x1BFF;
	s21 =	sshll.u32 s6, $0x1;
	s3 =	sadd.s32 s4, s19  }
0x9c: {  	s7 =	simm.s32 $0x0;
	s20 =	sshll.u32 s5, $0x1;
	s5 =	sadd.s32 s21, s3  }
0x9d: {  	[timem:s7], [sflag:s22] =	dma.local [hbm:s5], s20  }
0x9e: {  	_ =	swait.ge [sflag:s22], s20  }
0x9f: {  	s4 =	ssub.s32 $0x0, s20;
	[sflag:s22] =	ssyncset.done $0x0  }
0xa0: {  	[sflag:s22] =	ssyncadd.s32 s4;
	_ =	sdelay $0x1  }
0xa1: {  	s23 =	simm.s32 $0x1B8B  }
0xa2: {  	_ =	swait.ge [sflag:s23], $0x1  }
0xa3: {  	[sflag:s23] =	ssyncset.done $0x0  }
0xa4: {  	s25 =	simm.s32 $0x1B8E;
	s24 =	sld [smem:$0x3FFE];
	[sflag:s23] =	ssyncadd.s32 $0xFFFFFFFF  }
0xa5: {  	s26 =	simm.s32 $execute0_lowered;
	[smem:$0x3FD2] =	sst s25  }
0xa6: {  	s5 =	sshll.u32 s26, $0x1;
	_ =	strace $0x80000046;
	[dreg:$0x1] =	wrdreg $0xFFFFFFFF  }
0xa7: {  	s28 =	simm.s32 $_size_execute0_lowered;
	s3 =	sadd.s32 s3, s5;
	[dreg:$0x0] =	wrdreg $0x0  }
0xa8: {  	s5 =	sshll.u32 s28, $0x1;
	[dreg:$0x2] =	wrdreg s3  }
0xa9: {  	[dreg:$0x3] =	wrdreg s5  }
0xaa: {  	[dreg:$0x4] =	wrdreg $0xC0  }
0xab: {  	_ =	task [dreg:s7], $0x5FFFF  }
0xac: {  	[dreg:$0x1] =	wrdreg $0xFFFFFFFF  }
0xad: {  	[dreg:$0x0] =	wrdreg $0x60  }
0xae: {  	[dreg:$0x2] =	wrdreg s24  }
0xaf: {  	[dreg:$0x3] =	wrdreg s2  }
0xb0: {  	[dreg:$0x4] =	wrdreg $0x1800  }
0xb1: {  	[dreg:$0x5] =	wrdreg $0x9  }
0xb2: {  	_ =	task.clear_ibuf [dreg:s7], $0x6FFFF;
	_ =	strace $0x90000046  }
0xb3: {  	s29 =	simm.s32 $0x9;
	_ =	strace $0x80000048  }
0xb4: {  	_ =	swait.ge [sflag:s29], $0x1  }
0xb5: {  	[sflag:s29] =	ssyncadd.s32 $0xFFFFFFFF  }
0xb6: {  	_ =	strace $0x90000048  }
0xb7: {  	_ =	sfence  }
0xb8: {  	s30 =	sld [smem:$0x0];
	_ =	sdelay $0x2  }
0xb9: {  	s31 =	sshll.u32 s1, $0xD;
	s1 =	sshrl.u32 s1, $0x2  }
0xba: {  	s3 =	sand.u32 $0x4000, s31;
	s1 =	sadd.s32 s1, s30  }
0xbb: {  	s0 =	sor.u32 s3, s0;
	s1 =	sshll.u32 s1, $0x11  }
0xbc: {  	s0 =	sor.u32 s1, s0  }
0xbd: {  	s0 =	sadd.s32 $0x8F2B, s0  }
0xbe: {  	[sflag:s0] =	ssyncadd.remote.s32 $0x1  }
0xbf: {  	_ =	sfence.sel $0xFFFF  }
0xc0: {  	[dreg:$0x0] =	wrdreg $0xFFFFFFFF;
	(pc) =	sbr.abs _section_cstart, $3  }
0xc1: {  	[dreg:$0x1] =	wrdreg $0xFFFFFFFF  }
0xc2: {  	_ =	task.clear_ibuf [dreg:s7], $0x2FFFF;
	_ =	strace $0x9FFFFFFF  }
0xc3: {  	(tm) =	ssettm $0x7FFFFFFF  }
tec
execute0_lowered:
.L_overlay_start_1:
0x0: {  	(tag) =	ssettag $0x1  }
0x1: {  	s5 =	rddreg [dreg:$0x0]  }
0x2: {  	s10 =	rddreg [dreg:$0x1]  }
0x3: {  	s1 =	rddreg [dreg:$0x2];
	s2 =	srdreg.scid  }
0x4: {  	s0 =	rddreg [dreg:$0x3];
	s7 =	sand.u32 $0x1, s2;
	s2 =	stileid.u32  }
0x5: {  	s3 =	simm.s32 $0x0;
	s17 =	simm.s32 $0x3;
	s12 =	smul.u32 $0x280, s2  }
0x6: {  	s18 =	simm.s32 $0x0;
	[smem:$0x7FF] =	sst s3;
	s22 =	smul.u32 $0xFFFF9C40, s7  }
0x7: {  	s11 =	sadd.s32 $0xCE00, s5;
	s4 =	sshll.u32 s7, $0x4;
	s24 =	smul.u32 $0x9C4, s2  }
0x8: {  	_ =	strace $0x80000047;
	s8 =	ssub.s32 $0x2, s7;
	s15 =	smul.u32 $0x2800, s7  }
0x9: {  	s31 =	sshll.u32 s2, $0x6;
	s6 =	sor.u32 s2, s4;
	s4 =	sadd.s32 $0x16E00, s5  }
0xa: {  	s5 =	sadd.s32 $0x16C00, s5;
	s9 =	sshrl.u32 s8, $0x1;
	s6 =	smul.u32 $0x9C4, s6  }
0xb: {  	s13 =	ssub.s32 s8, s9;
	s25 =	sand.u32 $0xFFC0, s22;
	s28 =	sadd.s32 s12, s15  }
0xc: {  	s16 =	sadd.s32 s12, s1;
	s8 =	sadd.s32 s24, s25;
	s30 =	sshrl.u32 s28, $0x3  }
0xd: {  	s15 =	sshrl.u32 s16, $0x3;
	s16 =	simm.s32 $0x80;
	s21 =	sadd.s32 $0x9C4, s6  }
0xe: {  	s14 =	sshrl.u32 s6, $0x5;
	s29 =	sshrl.u32 s8, $0x1;
	s10 =	sadd.s32 s10, s30  }
0xf: {  	s23 =	sshrl.u32 s21, $0x5;
	s26 =	sshll.u32 s14, $0x4;
	s12 =	sand.u32 $0xFFF0, s29  }
0x10: {  	s6 =	ssub.s32 s23, s14;
	s7 =	sadd.s32 s11, s26;
	s12 =	sadd.s32 s12, s11  }
0x11: {  	s11 =	smax.u32 s13, $0x1;
	s13 =	simm.s32 $0x100;
	s14 =	sor.u32 $0x1C03, s31  }
0x12: {  	s8 =	sadd.s32 $0x10, s7;
	s9 =	sadd.s32 $0xFFFFFFFF, s6;
	s12 =	sadd.s32 $0x20, s12  }
.LBB2_1:
0x13: {  	[tilespmem:s13], [sflag:$0x3] =	stream.linear.gather [hbm4b:s4+s3], $0x80, $0x38;
	[tilespmem:$0x400] =	vst v63  }
0x14: {  	_ =	swait.ge [sflag:s17], $0x80  }
0x15: {  	[sflag:s17] =	ssyncset.done $0x0  }
0x16: {  	[sflag:s17] =	ssyncadd.s32 $0xFFFFFF80  }
0x17: {  	[spmem:s15], [sflag:s14] =	dma.local [hbm:s5], $0x50  }
0x18: {  	_ =	swait.ge [sflag:s17], $0x50  }
0x19: {  	[sflag:s17] =	ssyncset.done $0x0  }
0x1a: {  	[sflag:s17] =	ssyncadd.s32 $0xFFFFFFB0  }
0x1b: {  	p0 =	sle.s32 s6, $0x0;
	[bflag:$0x0] =	sbarrier.arrive $0xFFFF  }
0x1c: {  	[tilespmem:s3], [sflag:$0x1] =	stream.linear.gather [hbm4b:s7+s3], $0x80, $0x38;
	[tilespmem:$0x400] =	vst v63  }
0x1d: {  	s19 =	simm.s32 @!p0 $0x1  }
0x1e: {  	[tilespmem:s16], [sflag:$0x2] =	stream.linear.gather [hbm4b:s8+s3], $0x80, $0x38;
	[tilespmem:$0x400] =	vst v63  }
0x1f: {  	_ =	swait.ge @!p0 [sflag:s19], $0x80  }
0x20: {  	s20 =	simm.s32 @!p0 $0x100;
	s21 =	simm.s32 @!p0 $0x3;
	[sflag:s19] =	ssyncset.done @!p0 $0x0  }
0x21: {  	s22 =	simm.s32 @!p0 $0x0;
	[sflag:s19] =	ssyncadd.s32 @!p0 $0xFFFFFF80;
	s19 =	simm.s32 @!p0 $0x80  }
0x22: {  	[spmem:s1] =	stream.indirect.scatter.add.f32 @!p0 [tilespmem:s20], [sflag:$0x3], $0x1, s22, s19, $0xb8;
	[tilespmem:$0x400] =	vst v63  }
0x23: {  	p1 =	sle.s32 s6, $0x2;
	p2 =	sle.s32 s9, $0x0;
	_ =	swait.ge @!p0 [sflag:s21], $0x80  }
0x24: {  	p6 =	sle.s32 s6, $0x3;
	s25 =	simm.s32 @!p2 $0x3;
	[sflag:s21] =	ssyncset.done @!p0 $0x0  }
0x25: {  	s19 =	simm.s32 @!p1 $0x0;
	s20 =	simm.s32 $0x5;
	[sflag:s21] =	ssyncadd.s32 @!p0 $0xFFFFFF80  }
0x26: {  	[tilespmem:s19], [sflag:$0x1] =	stream.linear.gather @!p1 [hbm4b:s12+s19], $0x80, $0x38;
	[tilespmem:$0x400] =	vst v63  }
0x27: {  	s22 =	simm.s32 @!p2 $0x100;
	s21 =	simm.s32 $0x7;
	s19 =	simm.s32 @!p2 $0x2  }
0x28: {  	p0 =	sle.s32 s6, $0x5;
	p1 =	por p6, p6;
	_ =	swait.ge @!p2 [sflag:s19], $0x80  }
0x29: {  	s23 =	simm.s32 @!p1 $0x80;
	s24 =	simm.s32 @!p1 $0x0;
	[sflag:s19] =	ssyncset.done @!p2 $0x0  }
0x2a: {  	s26 =	sadd.s32 @!p1 $0x10, s12;
	[sflag:s19] =	ssyncadd.s32 @!p2 $0xFFFFFF80;
	s19 =	simm.s32 @!p2 $0x80  }
0x2b: {  	[spmem:s1] =	stream.indirect.scatter.add.f32 @!p2 [tilespmem:s22], [sflag:$0x3], $0x1, s19, s19, $0xb8;
	[tilespmem:$0x400] =	vst v63  }
0x2c: {  	s19 =	sadd.s32 $0x20, s12;
	s22 =	simm.s32 $0x2;
	_ =	swait.ge @!p2 [sflag:s25], $0x80  }
.LBB2_2:
0x2d: {  	p4 =	sge.s32 s22, s6;
	[sflag:s25] =	ssyncset.done @!p2 $0x0  }
0x2e: {  	s28 =	smov.u32 s21;
	s21 =	sadd.s32 $0x2, s21;
	s29 =	smov.u32 s19  }
0x2f: {  	p3 =	sne.s32 s21, $0x53;
	s30 =	simm.s32 @!p4 $0x1;
	[sflag:s25] =	ssyncadd.s32 @!p2 $0xFFFFFF80  }
0x30: {  	[tilespmem:s23], [sflag:$0x2] =	stream.linear.gather @!p1 [hbm4b:s26+s24], $0x80, $0x38;
	[tilespmem:$0x400] =	vst v63  }
0x31: {  	p1 =	por p0, p0;
	p0 =	sge.s32 s28, s6;
	_ =	swait.ge @!p4 [sflag:s30], $0x80  }
0x32: {  	s23 =	simm.s32 @!p4 $0x100;
	s24 =	simm.s32 @!p4 $0x3;
	[sflag:s30] =	ssyncset.done @!p4 $0x0  }
0x33: {  	s25 =	simm.s32 @!p4 $0x80;
	s26 =	simm.s32 @!p4 $0x0;
	[sflag:s30] =	ssyncadd.s32 @!p4 $0xFFFFFF80  }
0x34: {  	[spmem:s1] =	stream.indirect.scatter.add.f32 @!p4 [tilespmem:s23], [sflag:$0x3], $0x1, s26, s25, $0xb8;
	[tilespmem:$0x400] =	vst v63  }
0x35: {  	s23 =	sadd.s32 $0xFFFFFFFF, s20;
	s20 =	smov.u32 s28;
	_ =	swait.ge @!p4 [sflag:s24], $0x80  }
0x36: {  	p5 =	sge.s32 s23, s6;
	[sflag:s24] =	ssyncset.done @!p4 $0x0  }
0x37: {  	p2 =	sge.s32 s22, s9;
	s23 =	simm.s32 @!p5 $0x0;
	[sflag:s24] =	ssyncadd.s32 @!p4 $0xFFFFFF80  }
0x38: {  	[tilespmem:s23], [sflag:$0x1] =	stream.linear.gather @!p5 [hbm4b:s19+s23], $0x80, $0x38;
	[tilespmem:$0x400] =	vst v63  }
0x39: {  	s22 =	simm.s32 @!p2 $0x2;
	s23 =	simm.s32 @!p1 $0x80  }
.Ltmp0:
0x3a: {  	s19 =	sadd.s32 $0x20, s19;
	_ =	swait.ge @!p2 [sflag:s22], $0x80;
	(pc) =	sbr.rel @p3 .LBB2_2-.Ltmp0, $4  }
0x3b: {  	s25 =	simm.s32 @!p2 $0x3;
	s24 =	simm.s32 @!p1 $0x0;
	[sflag:s22] =	ssyncset.done @!p2 $0x0  }
0x3c: {  	s26 =	simm.s32 @!p2 $0x100;
	[sflag:s22] =	ssyncadd.s32 @!p2 $0xFFFFFF80;
	s22 =	simm.s32 @!p2 $0x80  }
0x3d: {  	[spmem:s1] =	stream.indirect.scatter.add.f32 @!p2 [tilespmem:s26], [sflag:$0x3], $0x1, s22, s22, $0xb8;
	[tilespmem:$0x400] =	vst v63  }
0x3e: {  	s22 =	sadd.s32 $0xFFFFFFFD, s20;
	s26 =	sadd.s32 @!p1 $0x10, s29;
	_ =	swait.ge @!p2 [sflag:s25], $0x80  }
0x3f: {  	p3 =	sge.s32 s22, s6;
	[sflag:s25] =	ssyncset.done @!p2 $0x0  }
0x40: {  	s21 =	simm.s32 @!p3 $0x1;
	[sflag:s25] =	ssyncadd.s32 @!p2 $0xFFFFFF80  }
0x41: {  	[tilespmem:s23], [sflag:$0x2] =	stream.linear.gather @!p1 [hbm4b:s26+s24], $0x80, $0x38;
	[tilespmem:$0x400] =	vst v63  }
0x42: {  	_ =	swait.ge @!p3 [sflag:s21], $0x80  }
0x43: {  	s25 =	simm.s32 @!p3 $0x0;
	s23 =	simm.s32 @!p3 $0x100;
	[sflag:s21] =	ssyncset.done @!p3 $0x0  }
0x44: {  	s24 =	simm.s32 @!p3 $0x3;
	[sflag:s21] =	ssyncadd.s32 @!p3 $0xFFFFFF80;
	s21 =	simm.s32 @!p3 $0x80  }
0x45: {  	[spmem:s1] =	stream.indirect.scatter.add.f32 @!p3 [tilespmem:s23], [sflag:$0x3], $0x1, s25, s21, $0xb8;
	[tilespmem:$0x400] =	vst v63  }
0x46: {  	s20 =	sadd.s32 $0xFFFFFFFF, s20;
	_ =	swait.ge @!p3 [sflag:s24], $0x80  }
0x47: {  	p2 =	sge.s32 s20, s6;
	[sflag:s24] =	ssyncset.done @!p3 $0x0  }
0x48: {  	s20 =	simm.s32 @!p2 $0x0;
	p1 =	sge.s32 s22, s9;
	[sflag:s24] =	ssyncadd.s32 @!p3 $0xFFFFFF80  }
0x49: {  	[tilespmem:s20], [sflag:$0x1] =	stream.linear.gather @!p2 [hbm4b:s19+s20], $0x80, $0x38;
	[tilespmem:$0x400] =	vst v63  }
0x4a: {  	s20 =	simm.s32 @!p1 $0x2  }
0x4b: {  	_ =	swait.ge @!p1 [sflag:s20], $0x80  }
0x4c: {  	s22 =	simm.s32 @!p1 $0x100;
	[sflag:s20] =	ssyncset.done @!p1 $0x0  }
0x4d: {  	s21 =	simm.s32 @!p1 $0x3;
	[sflag:s20] =	ssyncadd.s32 @!p1 $0xFFFFFF80;
	s20 =	simm.s32 @!p1 $0x80  }
0x4e: {  	[spmem:s1] =	stream.indirect.scatter.add.f32 @!p1 [tilespmem:s22], [sflag:$0x3], $0x1, s20, s20, $0xb8;
	[tilespmem:$0x400] =	vst v63  }
0x4f: {  	p0 =	por p0, p0;
	_ =	swait.ge @!p1 [sflag:s21], $0x80  }
0x50: {  	s18 =	sadd.s32 $0x1, s18;
	s19 =	sadd.s32 @!p0 $0x10, s19;
	[sflag:s21] =	ssyncset.done @!p1 $0x0  }
0x51: {  	s20 =	simm.s32 @!p0 $0x80;
	s22 =	simm.s32 @!p0 $0x0;
	[sflag:s21] =	ssyncadd.s32 @!p1 $0xFFFFFF80  }
0x52: {  	[tilespmem:s20], [sflag:$0x2] =	stream.linear.gather @!p0 [hbm4b:s19+s22], $0x80, $0x38;
	[tilespmem:$0x400] =	vst v63  }
0x53: {  	p0 =	sne.s32 s18, s11  }
.Ltmp1:
0x54: {  	[bflag:$0x0] =	sbarrier.arrive $0xFFFF;
	(pc) =	sbr.rel @p0 .LBB2_1-.Ltmp1, $4  }
0x55: {  	[hbm:s10], [sflag:s14] =	dma.local [spmem:s15], $0x50  }
0x56: {  	_ =	swait.ge [sflag:s17], $0x50  }
0x57: {  	[sflag:s17] =	ssyncset.done $0x0  }
0x58: {  	[sflag:s17] =	ssyncadd.s32 $0xFFFFFFB0  }
0x59: {  	_ =	sfence.sel $0x180000  }
0x5a: {  	[bflag:$0x0] =	sbarrier.arrive $0xFFFF  }
0x5b: {  	p0 =	sne.s32 s2, $0x0;
	_ =	strace $0x90000047  }
0x5c: {  	s0 =	sadd.s32 @!p0 $0x100000, s0;
	[bflag:$0x2] =	sbarrier.arrive $0xFFFF  }
0x5d: {  	[sflag:s0] =	ssyncadd.tile.s32 @!p0 $0x1;
	_ =	shalt  }
.Lfunc_end2:
_tile_overlayer_lowered:
.L_overlay_start_2:
0x5e: {  	(tag) =	ssettag $0x2  }
0x5f: {  	s0 =	rddreg [dreg:$0x0];
	s2 =	stileid.u32  }
0x60: {  	s1 =	rddreg [dreg:$0x1];
	p0 =	sne.s32 s2, $0x0  }
0x61: {  	s3 =	rddreg [dreg:$0x2];
	[bflag:$0x3] =	sbarrier.arrive $0xFFFF;
	s2 =	simm.s32 @!p0 $0x1C03  }
0x62: {  	[timem:s3], [sflag:s2] =	dma.local @!p0 [hbm:s0], s1  }
0x63: {  	s0 =	simm.s32 @!p0 $0x3  }
0x64: {  	_ =	swait.ge @!p0 [sflag:s0], s1  }
0x65: {  	s1 =	ssub.s32 @!p0 $0x0, s1;
	[sflag:s0] =	ssyncset.done @!p0 $0x0  }
0x66: {  	[sflag:s0] =	ssyncadd.s32 @!p0 s1  }
0x67: {  	[bflag:$0x3] =	sbarrier.arrive $0xFFFF  }
0x68: {  	_ =	shalt  }

// kernel: kernel.14.cloned.1.call-start
scs
__scs_entry_jumppad:
0x0: {  	(pc) =	sbr.rel $0x88, $3  }
0x1: {  	(tag) =	ssettag $0x0;
	lr =	simm.s32 $0x1  }
0x2: {  	[smem:$0x3F95] =	sst lr;
	_ =	strace $0xD0000000  }
0x3: {  	_ = 	snop  }
0x4: {  	_ = 	snop  }
0x5: {  	_ = 	snop  }
0x6: {  	_ = 	snop  }
0x7: {  	_ = 	snop  }
__scs_overlays_trampoline_lowered:
0x8: {  	[smem:$0x3FA4] =	sst s0  }
0x9: {  	[smem:$0x3FA5] =	sst s1  }
0xa: {  	[smem:$0x3FA6] =	sst s2  }
0xb: {  	[smem:$0x3FA7] =	sst s3  }
0xc: {  	[smem:$0x3FA8] =	sst s4  }
0xd: {  	[smem:$0x3FA9] =	sst s5  }
0xe: {  	[smem:$0x3FAA] =	sst s6  }
0xf: {  	[smem:$0x3FAB] =	sst s7  }
0x10: {  	[smem:$0x3FAC] =	sst s8  }
0x11: {  	[smem:$0x3FAD] =	sst s9;
	s0 =	simm.s32 @!p0 $0x0  }
0x12: {  	s1 =	sld [smem:$0x3F93];
	s0 =	simm.s32 @p0 $0x1  }
0x13: {  	[smem:$0x3FAE] =	sst s0;
	s0 =	simm.s32 @!p1 $0x0  }
0x14: {  	s2 =	sld [smem:$0x3F92];
	s0 =	simm.s32 @p1 $0x1  }
0x15: {  	[smem:$0x3FAF] =	sst s0;
	s0 =	simm.s32 @!p2 $0x0  }
0x16: {  	s3 =	sld [smem:$0x3FDB];
	s0 =	simm.s32 @p2 $0x1  }
0x17: {  	s4 =	simm.s32 $0x1BF5;
	[smem:$0x3FB1] =	sst s0  }
0x18: {  	s0 =	sld [smem:$0x3F94];
	_ =	swait.ge [sflag:s4], $0x0  }
0x19: {  	s7 =	sld [smem:$0x3F95]  }
0x1a: {  	s8 =	sadd.s32 $0xFFFFE003, lr  }
0x1b: {  	s9 =	sadd.s32 $0xFFFFFEF7, lr;
	s5 =	simm.s32 $0xFFFFFFFF;
	p2 =	slt.u32 s8, $0xFFFFF086  }
0x1c: {  	p1 =	slt.u32 s9, $0xF7A;
	s5 =	simm.s32 @!p2 $0x0  }
0x1d: {  	s5 =	simm.s32 @p1 $0x1;
	p0 =	seq.s32 s7, s2  }
0x1e: {  	s7 =	smul.u32 @!p0 $0xF7A, s2;
	p2 =	seq.s32 @!p0 s5, $0x0  }
0x1f: {  	s9 =	smul.u32 $0xF7A, s1;
	s8 =	simm.s32 @!p0 $0x1BF5;
	p2 =	por !p2, p0  }
0x20: {  	[sflag:s8] =	ssyncset.s32 @!p0 $0xFFFFF086;
	s6 =	sadd.s32 @!p0 s3, s7;
	s7 =	simm.s32 @!p0 $0x108  }
0x21: {  	s3 =	sadd.s32 s3, s9;
	s6 =	sadd.s32 @!p0 $0x88, s6;
	s7 =	simm.s32 @p2 $0x1082  }
0x22: {  	[simem:s7], [sflag:s8] =	dma.local @!p0 [hbm:s6], $0xF7A  }
0x23: {  	s9 =	sor.u32 $0xD0000000, s2;
	s6 =	simm.s32 $0x108;
	_ =	swait.ge @!p0 [sflag:s8], $0x0  }
0x24: {  	s3 =	sadd.s32 $0x88, s3;
	s6 =	simm.s32 @!p1 $0x1082;
	[sflag:s4] =	ssyncset.s32 $0xFFFFF086  }
0x25: {  	[simem:s6], [sflag:s4] =	dma.local [hbm:s3], $0xF7A  }
0x26: {  	[smem:$0x3F95] =	sst s1;
	(tag) =	ssettag s2;
	_ =	strace s9  }
0x27: {  	s1 =	sld [smem:$0x3FA5]  }
0x28: {  	s2 =	sld [smem:$0x3FA6]  }
0x29: {  	s4 =	sld [smem:$0x3FA8]  }
0x2a: {  	p0 =	seq.s32 s5, $0x0;
	s5 =	sld [smem:$0x3FA9]  }
0x2b: {  	s6 =	sld [smem:$0x3FAA]  }
0x2c: {  	s7 =	sld [smem:$0x3FAB]  }
0x2d: {  	s3 =	simm.s32 $0x108;
	s8 =	sld [smem:$0x3FAC]  }
0x2e: {  	s3 =	simm.s32 @!p0 $0x1082;
	s9 =	sld [smem:$0x3FAD]  }
0x2f: {  	lr =	sadd.s32 s0, s3;
	s0 =	sld [smem:$0x3FA4]  }
0x30: {  	s3 =	sld [smem:$0x3FA7]  }
0x31: {  	[smem:$0x3FB0] =	sst s10  }
0x32: {  	s10 =	sld [smem:$0x3FAE];
	_ =	sdelay $0x3  }
0x33: {  	p0 =	seq.s32 s10, $0x1;
	s10 =	sld [smem:$0x3FB0];
	_ =	sdelay $0x3  }
0x34: {  	[smem:$0x3FB0] =	sst s10  }
0x35: {  	s10 =	sld [smem:$0x3FAF];
	_ =	sdelay $0x3  }
0x36: {  	p1 =	seq.s32 s10, $0x1;
	s10 =	sld [smem:$0x3FB0];
	_ =	sdelay $0x3  }
0x37: {  	[smem:$0x3FB0] =	sst s10  }
0x38: {  	s10 =	sld [smem:$0x3FB1]  }
0x39: {  	_ = 	snop;
	(pc) =	sbr.ind lr, $3  }
0x3a: {  	_ = 	snop  }
0x3b: {  	_ = 	snop  }
0x3c: {  	p2 =	seq.s32 s10, $0x1;
	s10 =	sld [smem:$0x3FB0]  }
0x3d: {  	_ =	shalt  }
0x3e: {  	_ =	shalt  }
0x3f: {  	_ =	shalt  }
0x40: {  	_ =	shalt  }
0x41: {  	_ =	shalt  }
0x42: {  	_ =	shalt  }
0x43: {  	_ =	shalt  }
0x44: {  	_ =	shalt  }
0x45: {  	_ =	shalt  }
0x46: {  	_ =	shalt  }
0x47: {  	_ =	shalt  }
0x48: {  	_ =	shalt  }
0x49: {  	_ =	shalt  }
0x4a: {  	_ =	shalt  }
0x4b: {  	_ =	shalt  }
0x4c: {  	_ =	shalt  }
0x4d: {  	_ =	shalt  }
0x4e: {  	_ =	shalt  }
0x4f: {  	_ =	shalt  }
0x50: {  	_ =	shalt  }
0x51: {  	_ =	shalt  }
0x52: {  	_ =	shalt  }
0x53: {  	_ =	shalt  }
0x54: {  	_ =	shalt  }
0x55: {  	_ =	shalt  }
0x56: {  	_ =	shalt  }
0x57: {  	_ =	shalt  }
0x58: {  	_ =	shalt  }
0x59: {  	_ =	shalt  }
0x5a: {  	_ =	shalt  }
0x5b: {  	_ =	shalt  }
0x5c: {  	_ =	shalt  }
0x5d: {  	_ =	shalt  }
0x5e: {  	_ =	shalt  }
0x5f: {  	_ =	shalt  }
0x60: {  	_ =	shalt  }
0x61: {  	_ =	shalt  }
0x62: {  	_ =	shalt  }
0x63: {  	_ =	shalt  }
0x64: {  	_ =	shalt  }
0x65: {  	_ =	shalt  }
0x66: {  	_ =	shalt  }
0x67: {  	_ =	shalt  }
0x68: {  	_ =	shalt  }
0x69: {  	_ =	shalt  }
0x6a: {  	_ =	shalt  }
0x6b: {  	_ =	shalt  }
0x6c: {  	_ =	shalt  }
0x6d: {  	_ =	shalt  }
0x6e: {  	_ =	shalt  }
0x6f: {  	_ =	shalt  }
0x70: {  	_ =	shalt  }
0x71: {  	_ =	shalt  }
0x72: {  	_ =	shalt  }
0x73: {  	_ =	shalt  }
0x74: {  	_ =	shalt  }
0x75: {  	_ =	shalt  }
0x76: {  	_ =	shalt  }
0x77: {  	_ =	shalt  }
0x78: {  	_ =	shalt  }
0x79: {  	_ =	shalt  }
0x7a: {  	_ =	shalt  }
0x7b: {  	_ =	shalt  }
0x7c: {  	_ =	shalt  }
0x7d: {  	_ =	shalt  }
0x7e: {  	_ =	shalt  }
0x7f: {  	_ =	shalt  }
0x80: {  	_ =	shalt  }
0x81: {  	_ =	shalt  }
0x82: {  	_ =	shalt  }
0x83: {  	_ =	shalt  }
0x84: {  	_ =	shalt  }
0x85: {  	_ =	shalt  }
0x86: {  	_ =	shalt  }
0x87: {  	_ =	shalt  }
.Lfunc_end0:
.L_simem_size_0:
called_computation.1_lowered:
.L_overlay_start_0:
0x88: {  	s2 =	sld [smem:$0x3FD9]  }
0x89: {  	s3 =	sld [smem:$0x3FFE];
	_ =	sdelay $0x1  }
0x8a: {  	s1 =	srdreg.scid  }
0x8b: {  	s0 =	sand.u32 $0x1, s1  }
0x8c: {  	s17 =	sshll.u32 s0, $0xA;
	s2 =	sadd.s32 s3, s2  }
0x8d: {  	s2 =	sadd.s32 s2, s17  }
0x8e: {  	[smem:$0x3FBC] =	sst s2  }
0x8f: {  	_ = 	snop  }
0x90: {  	s2 =	sld [smem:$0x3FD0];
	(tm) =	ssettm $0x1  }
0x91: {  	s18 =	sld [smem:$0x3FFB];
	_ =	sdelay $0x3  }
0x92: {  	_ =	strace s18  }
0x93: {  	s3 =	sld [smem:$0x3FFC];
	_ =	sdelay $0x3  }
0x94: {  	_ =	strace s3  }
0x95: {  	s3 =	sld [smem:$0x3FFD];
	_ =	sdelay $0x3  }
0x96: {  	_ =	strace s3  }
0x97: {  	_ =	strace $0x8FFFFFFF  }
0x98: {  	s19 =	sld [smem:$0x3FDB];
	_ =	sdelay $0x1  }
0x99: {  	s4 =	simm.s32 $_scs_section_size  }
0x9a: {  	s5 =	simm.s32 $_size__tile_overlayer_lowered;
	s6 =	simm.s32 $_tile_overlayer_lowered  }
0x9b: {  	s22 =	simm.s32 $0x1BFF;
	s21 =	sshll.u32 s6, $0x1;
	s3 =	sadd.s32 s4, s19  }
0x9c: {  	s7 =	simm.s32 $0x0;
	s20 =	sshll.u32 s5, $0x1;
	s5 =	sadd.s32 s21, s3  }
0x9d: {  	[timem:s7], [sflag:s22] =	dma.local [hbm:s5], s20  }
0x9e: {  	_ =	swait.ge [sflag:s22], s20  }
0x9f: {  	s4 =	ssub.s32 $0x0, s20;
	[sflag:s22] =	ssyncset.done $0x0  }
0xa0: {  	[sflag:s22] =	ssyncadd.s32 s4;
	_ =	sdelay $0x1  }
0xa1: {  	s23 =	simm.s32 $0x1B8B  }
0xa2: {  	_ =	swait.ge [sflag:s23], $0x1  }
0xa3: {  	[sflag:s23] =	ssyncset.done $0x0  }
0xa4: {  	s25 =	simm.s32 $0x1B8E;
	s24 =	sld [smem:$0x3FFE];
	[sflag:s23] =	ssyncadd.s32 $0xFFFFFFFF  }
0xa5: {  	s26 =	simm.s32 $execute0_lowered;
	[smem:$0x3FD2] =	sst s25  }
0xa6: {  	s5 =	sshll.u32 s26, $0x1;
	_ =	strace $0x80000049;
	[dreg:$0x1] =	wrdreg $0xFFFFFFFF  }
0xa7: {  	s28 =	simm.s32 $_size_execute0_lowered;
	s3 =	sadd.s32 s3, s5;
	[dreg:$0x0] =	wrdreg $0x0  }
0xa8: {  	s5 =	sshll.u32 s28, $0x1;
	[dreg:$0x2] =	wrdreg s3  }
0xa9: {  	[dreg:$0x3] =	wrdreg s5  }
0xaa: {  	[dreg:$0x4] =	wrdreg $0xC0  }
0xab: {  	_ =	task [dreg:s7], $0x5FFFF  }
0xac: {  	[dreg:$0x1] =	wrdreg $0xFFFFFFFF  }
0xad: {  	[dreg:$0x0] =	wrdreg $0x60  }
0xae: {  	[dreg:$0x2] =	wrdreg s24  }
0xaf: {  	[dreg:$0x3] =	wrdreg s2  }
0xb0: {  	[dreg:$0x4] =	wrdreg $0xC4000  }
0xb1: {  	[dreg:$0x5] =	wrdreg $0x9  }
0xb2: {  	_ =	task.clear_ibuf [dreg:s7], $0x6FFFF;
	_ =	strace $0x90000049  }
0xb3: {  	s29 =	simm.s32 $0x9;
	_ =	strace $0x8000004B  }
0xb4: {  	_ =	swait.ge [sflag:s29], $0x1  }
0xb5: {  	[sflag:s29] =	ssyncadd.s32 $0xFFFFFFFF  }
0xb6: {  	_ =	strace $0x9000004B  }
0xb7: {  	_ =	sfence  }
0xb8: {  	s30 =	sld [smem:$0x0];
	_ =	sdelay $0x2  }
0xb9: {  	s31 =	sshll.u32 s1, $0xD;
	s1 =	sshrl.u32 s1, $0x2  }
0xba: {  	s3 =	sand.u32 $0x4000, s31;
	s1 =	sadd.s32 s1, s30  }
0xbb: {  	s0 =	sor.u32 s3, s0;
	s1 =	sshll.u32 s1, $0x11  }
0xbc: {  	s0 =	sor.u32 s1, s0  }
0xbd: {  	s0 =	sadd.s32 $0x8F2B, s0  }
0xbe: {  	[sflag:s0] =	ssyncadd.remote.s32 $0x1  }
0xbf: {  	_ =	sfence.sel $0xFFFF  }
0xc0: {  	[dreg:$0x0] =	wrdreg $0xFFFFFFFF;
	(pc) =	sbr.abs _section_cstart, $3  }
0xc1: {  	[dreg:$0x1] =	wrdreg $0xFFFFFFFF  }
0xc2: {  	_ =	task.clear_ibuf [dreg:s7], $0x2FFFF;
	_ =	strace $0x9FFFFFFF  }
0xc3: {  	(tm) =	ssettm $0x7FFFFFFF  }
tec
execute0_lowered:
.L_overlay_start_1:
0x0: {  	(tag) =	ssettag $0x1  }
0x1: {  	s0 =	rddreg [dreg:$0x0]  }
0x2: {  	s3 =	rddreg [dreg:$0x2]  }
0x3: {  	s1 =	srdreg.scid;
	s13 =	stileid.u32;
	s4 =	simm.s32 $0x0  }
0x4: {  	s28 =	simm.s32 $0x0;
	s1 =	sand.u32 $0x1, s1;
	s2 =	smul.u32 $0x2780, s13  }
0x5: {  	[smem:$0x7FF] =	sst s4;
	s5 =	sadd.s32 $0x16C00, s0;
	s10 =	smul.u32 $0x4F000, s13  }
0x6: {  	s9 =	sadd.s32 $0x3000, s0;
	s17 =	sadd.s32 $0xCE00, s0;
	s15 =	smul.u32 $0x9C4, s13  }
0x7: {  	s22 =	sshll.u32 s13, $0x6;
	s6 =	smul.u32 $0x27800, s1;
	s7 =	sshll.u32 s1, $0x4  }
0x8: {  	_ =	strace $0x8000004A;
	s18 =	ssub.s32 $0x2, s1;
	s1 =	smul.u32 $0xFFFF9C40, s1  }
0x9: {  	s7 =	sor.u32 s13, s7;
	s19 =	sshrl.u32 s18, $0x1;
	s21 =	sshrl.u32 s10, $0x2  }
0xa: {  	s2 =	sadd.s32 s2, s6;
	s7 =	smul.u32 $0x9C4, s7;
	s1 =	sand.u32 $0xFFC0, s1  }
0xb: {  	s0 =	sadd.s32 s2, s0;
	s2 =	ssub.s32 s18, s19;
	s1 =	sadd.s32 s15, s1  }
0xc: {  	s19 =	simm.s32 $0x7;
	s8 =	sadd.s32 $0x9C4, s7;
	s11 =	sshrl.u32 s7, $0x5  }
0xd: {  	s7 =	sshrl.u32 s7, $0x1;
	s1 =	sshrl.u32 s1, $0x1;
	s15 =	sadd.s32 $0x3DE00, s0  }
0xe: {  	s16 =	smax.u32 s2, $0x1;
	s20 =	sshrl.u32 s8, $0x5;
	s8 =	sadd.s32 s21, s3  }
0xf: {  	s7 =	sand.u32 $0xFFF0, s7;
	s12 =	sshll.u32 s11, $0x4;
	s31 =	sand.u32 $0xFFF0, s1  }
0x10: {  	s21 =	simm.s32 $0x80;
	[dreg:$0x6] =	wrdreg s8;
	s23 =	sadd.s32 s9, s7  }
0x11: {  	s7 =	sadd.s32 s17, s7;
	s24 =	sadd.s32 $0x10, s12;
	[dreg:$0x7] =	wrdreg s23  }
0x12: {  	s6 =	ssub.s32 s20, s11;
	[dreg:$0x8] =	wrdreg s7;
	s25 =	sadd.s32 s9, s24  }
0x13: {  	s14 =	sadd.s32 $0x20, s12;
	s7 =	sadd.s32 s17, s24;
	[dreg:$0x9] =	wrdreg s25  }
0x14: {  	s8 =	sor.u32 $0x1C07, s22;
	s26 =	sadd.s32 s9, s14;
	[dreg:$0xa] =	wrdreg s7  }
0x15: {  	s18 =	sadd.s32 s31, s9;
	s29 =	sadd.s32 $0xFFFFFFFF, s6;
	[dreg:$0xb] =	wrdreg s26  }
0x16: {  	s14 =	sadd.s32 s17, s14;
	s30 =	sadd.s32 $0xFFFFFFFE, s6;
	[dreg:$0x4] =	wrdreg s29  }
0x17: {  	s17 =	sadd.s32 s31, s17;
	[dreg:$0x5] =	wrdreg s30;
	s25 =	simm.s32 $0x4  }
.LBB2_1:
0x18: {  	s0 =	rddreg [dreg:$0x6]  }
0x19: {  	s2 =	rddreg [dreg:$0x1];
	s29 =	sshrl.u32 s0, $0x3  }
0x1a: {  	[spmem:s29], [sflag:s8] =	dma.local [hbm:s2], $0x2780  }
0x1b: {  	_ =	swait.ge [sflag:s19], $0x2780  }
0x1c: {  	[sflag:s19] =	ssyncset.done $0x0  }
0x1d: {  	[sflag:s19] =	ssyncadd.s32 $0xFFFFD880  }
0x1e: {  	[bflag:$0x0] =	sbarrier.arrive $0xFFFF  }
0x1f: {  	s7 =	rddreg [dreg:$0x7]  }
0x20: {  	[tilespmem:s4], [sflag:$0x4] =	stream.linear.gather [hbm4b:s7+s4], $0x80, $0x38;
	v63 =	vld [tilespmem:$0x0]  }
0x21: {  	s1 =	simm.s32 $0x200;
	s9 =	rddreg [dreg:$0x8]  }
0x22: {  	[tilespmem:s1], [sflag:$0x4] =	stream.linear.gather [hbm4b:s9+s4], $0x80, $0x38;
	v63 =	vld [tilespmem:$0x0]  }
0x23: {  	s10 =	rddreg [dreg:$0x9]  }
0x24: {  	[tilespmem:s21], [sflag:$0x5] =	stream.linear.gather [hbm4b:s10+s4], $0x80, $0x38;
	v63 =	vld [tilespmem:$0x0]  }
0x25: {  	s12 =	simm.s32 $0x280;
	s11 =	rddreg [dreg:$0xa]  }
0x26: {  	[tilespmem:s12], [sflag:$0x5] =	stream.linear.gather [hbm4b:s11+s4], $0x80, $0x38;
	v63 =	vld [tilespmem:$0x0]  }
0x27: {  	s20 =	simm.s32 $0x100;
	s13 =	rddreg [dreg:$0xb]  }
0x28: {  	[tilespmem:s20], [sflag:$0x6] =	stream.linear.gather [hbm4b:s13+s4], $0x80, $0x38;
	v63 =	vld [tilespmem:$0x0]  }
0x29: {  	s22 =	simm.s32 $0x300  }
0x2a: {  	[tilespmem:s22], [sflag:$0x6] =	stream.linear.gather [hbm4b:s14+s4], $0x80, $0x38;
	v63 =	vld [tilespmem:$0x0]  }
0x2b: {  	_ =	swait.ge [sflag:s25], $0x80  }
0x2c: {  	[sflag:s25] =	ssyncset.done $0x0  }
0x2d: {  	[sflag:s25] =	ssyncadd.s32 $0xFFFFFF80  }
0x2e: {  	_ =	swait.ge [sflag:s25], $0x80  }
0x2f: {  	[sflag:s25] =	ssyncset.done $0x0;
	s23 =	rddreg [dreg:$0x4]  }
0x30: {  	s24 =	simm.s32 $0x400;
	[sflag:s25] =	ssyncadd.s32 $0xFFFFFF80;
	p2 =	sle.s32 s23, $0x0  }
0x31: {  	[tilespmem:s24], [sflag:$0x1] =	stream.indirect.gather [hbm4b:s5+s21], $0x80, s4, s21, $0xb8;
	v63 =	vld [tilespmem:$0x0]  }
0x32: {  	s0 =	simm.s32 @!p2 $0x5  }
0x33: {  	_ =	swait.ge @!p2 [sflag:s0], $0x80  }
0x34: {  	[sflag:s0] =	ssyncset.done @!p2 $0x0  }
0x35: {  	[sflag:s0] =	ssyncadd.s32 @!p2 $0xFFFFFF80  }
0x36: {  	p1 =	sle.s32 s6, $0x0;
	_ =	swait.ge @!p2 [sflag:s0], $0x80  }
0x37: {  	s2 =	simm.s32 @!p1 $0x1;
	[sflag:s0] =	ssyncset.done @!p2 $0x0  }
0x38: {  	s1 =	simm.s32 @!p2 $0x80;
	s7 =	simm.s32 @!p2 $0x4400;
	[sflag:s0] =	ssyncadd.s32 @!p2 $0xFFFFFF80  }
0x39: {  	[tilespmem:s7], [sflag:$0x2] =	stream.indirect.gather @!p2 [hbm4b:s5+s1], $0x80, s1, s1, $0xb8;
	v63 =	vld [tilespmem:$0x0]  }
0x3a: {  	_ =	swait.ge @!p1 [sflag:s2], $0x4000  }
0x3b: {  	s9 =	simm.s32 @!p1 $0x7;
	s20 =	simm.s32 @!p1 $0x200;
	[sflag:s2] =	ssyncset.done @!p1 $0x0  }
0x3c: {  	s0 =	simm.s32 @!p1 $0x400;
	[sflag:s2] =	ssyncadd.s32 @!p1 $0xFFFFC000;
	s2 =	simm.s32 @!p1 $0x80  }
0x3d: {  	[spmem:s3] =	stream.indirect.scatter.add.f32 @!p1 [tilespmem:s0], [sflag:$0x7], $0x80, s20, s2, $0xb8;
	v63 =	vld [tilespmem:$0x0]  }
0x3e: {  	p0 =	sle.s32 s6, $0x3;
	_ =	swait.ge @!p1 [sflag:s9], $0x4000  }
0x3f: {  	s0 =	sadd.s32 @!p0 $0x0, s18;
	s2 =	simm.s32 @!p0 $0x0;
	[sflag:s9] =	ssyncset.done @!p1 $0x0  }
0x40: {  	s0 =	sadd.s32 @!p0 $0x30, s0;
	s26 =	rddreg [dreg:$0x5];
	[sflag:s9] =	ssyncadd.s32 @!p1 $0xFFFFC000  }
0x41: {  	[tilespmem:s2], [sflag:$0x4] =	stream.linear.gather @!p0 [hbm4b:s0+s2], $0x80, $0x38;
	v63 =	vld [tilespmem:$0x0]  }
0x42: {  	p1 =	sle.s32 s26, $0x0;
	s0 =	sadd.s32 @!p0 $0x0, s17  }
0x43: {  	s9 =	simm.s32 @!p0 $0x200;
	s22 =	simm.s32 @!p1 $0x6;
	s0 =	sadd.s32 @!p0 $0x30, s0  }
0x44: {  	[tilespmem:s9], [sflag:$0x4] =	stream.linear.gather @!p0 [hbm4b:s0+s2], $0x80, $0x38;
	v63 =	vld [tilespmem:$0x0]  }
0x45: {  	_ =	swait.ge @!p1 [sflag:s22], $0x80  }
0x46: {  	[sflag:s22] =	ssyncset.done @!p1 $0x0  }
0x47: {  	[sflag:s22] =	ssyncadd.s32 @!p1 $0xFFFFFF80  }
0x48: {  	_ =	swait.ge @!p1 [sflag:s22], $0x80  }
0x49: {  	s20 =	simm.s32 @!p1 $0x80;
	s23 =	simm.s32 @!p1 $0x8400;
	[sflag:s22] =	ssyncset.done @!p1 $0x0  }
0x4a: {  	s0 =	simm.s32 @!p2 $0x2;
	s9 =	simm.s32 @!p1 $0x100;
	[sflag:s22] =	ssyncadd.s32 @!p1 $0xFFFFFF80  }
0x4b: {  	[tilespmem:s23], [sflag:$0x3] =	stream.indirect.gather @!p1 [hbm4b:s5+s20], $0x80, s9, s20, $0xb8;
	v63 =	vld [tilespmem:$0x0]  }
0x4c: {  	p4 =	sle.s32 s6, $0x4;
	s30 =	simm.s32 $0x30;
	_ =	swait.ge @!p2 [sflag:s0], $0x4000  }
0x4d: {  	s31 =	simm.s32 $0x0;
	s24 =	simm.s32 @!p4 $0x0;
	[sflag:s0] =	ssyncset.done @!p2 $0x0  }
0x4e: {  	s9 =	simm.s32 @!p2 $0x7;
	[sflag:s0] =	ssyncadd.s32 @!p2 $0xFFFFC000;
	s0 =	simm.s32 @!p2 $0x280  }
0x4f: {  	[spmem:s3] =	stream.indirect.scatter.add.f32 @!p2 [tilespmem:s7], [sflag:$0x7], $0x80, s0, s1, $0xb8;
	v63 =	vld [tilespmem:$0x0]  }
0x50: {  	s22 =	simm.s32 @!p0 $0x4;
	s0 =	sadd.s32 @!p4 $0x0, s18;
	_ =	swait.ge @!p2 [sflag:s9], $0x4000  }
0x51: {  	s1 =	sadd.s32 @!p4 $0x0, s17;
	s7 =	simm.s32 @!p4 $0x80;
	[sflag:s9] =	ssyncset.done @!p2 $0x0  }
0x52: {  	s0 =	sadd.s32 @!p4 $0x40, s0;
	[sflag:s9] =	ssyncadd.s32 @!p2 $0xFFFFC000;
	s9 =	simm.s32 @!p4 $0x280  }
0x53: {  	[tilespmem:s7], [sflag:$0x5] =	stream.linear.gather @!p4 [hbm4b:s0+s24], $0x80, $0x38;
	v63 =	vld [tilespmem:$0x0]  }
0x54: {  	s0 =	simm.s32 $0x3;
	s7 =	sadd.s32 @!p4 $0x40, s1;
	s1 =	simm.s32 $0x0  }
.LBB2_2:
0x55: {  	[tilespmem:s9], [sflag:$0x5] =	stream.linear.gather @!p4 [hbm4b:s7+s24], $0x80, $0x38;
	v63 =	vld [tilespmem:$0x0]  }
0x56: {  	_ =	swait.ge @!p0 [sflag:s22], $0x80  }
0x57: {  	[sflag:s22] =	ssyncset.done @!p0 $0x0  }
0x58: {  	[sflag:s22] =	ssyncadd.s32 @!p0 $0xFFFFFF80  }
0x59: {  	_ =	swait.ge @!p0 [sflag:s22], $0x80  }
0x5a: {  	s7 =	simm.s32 @!p0 $0x80;
	[sflag:s22] =	ssyncset.done @!p0 $0x0  }
0x5b: {  	s9 =	simm.s32 @!p1 $0x3;
	s24 =	simm.s32 @!p0 $0x400;
	[sflag:s22] =	ssyncadd.s32 @!p0 $0xFFFFFF80  }
0x5c: {  	[tilespmem:s24], [sflag:$0x1] =	stream.indirect.gather @!p0 [hbm4b:s5+s7], $0x80, s2, s7, $0xb8;
	v63 =	vld [tilespmem:$0x0]  }
0x5d: {  	s1 =	sadd.s32 $0x5, s1;
	_ =	swait.ge @!p1 [sflag:s9], $0x4000  }
0x5e: {  	s2 =	simm.s32 @!p1 $0x7;
	p0 =	sge.s32 s1, s6;
	[sflag:s9] =	ssyncset.done @!p1 $0x0  }
0x5f: {  	s7 =	simm.s32 @!p1 $0x300;
	s1 =	sadd.s32 @!p0 s31, s18;
	[sflag:s9] =	ssyncadd.s32 @!p1 $0xFFFFC000  }
0x60: {  	[spmem:s3] =	stream.indirect.scatter.add.f32 @!p1 [tilespmem:s23], [sflag:$0x7], $0x80, s7, s20, $0xb8;
	v63 =	vld [tilespmem:$0x0]  }
0x61: {  	s1 =	sadd.s32 @!p0 $0x50, s1;
	s7 =	sadd.s32 @!p0 s31, s17;
	_ =	swait.ge @!p1 [sflag:s2], $0x4000  }
0x62: {  	s20 =	simm.s32 @!p0 $0x100;
	s13 =	rddreg [dreg:$0x4];
	[sflag:s2] =	ssyncset.done @!p1 $0x0  }
0x63: {  	[sflag:s2] =	ssyncadd.s32 @!p1 $0xFFFFC000;
	s2 =	simm.s32 @!p0 $0x0;
	p3 =	sge.s32 s0, s13  }
0x64: {  	[tilespmem:s20], [sflag:$0x6] =	stream.linear.gather @!p0 [hbm4b:s1+s2], $0x80, $0x38;
	v63 =	vld [tilespmem:$0x0]  }
0x65: {  	s7 =	sadd.s32 @!p0 $0x50, s7;
	s9 =	simm.s32 @!p3 $0x5;
	s20 =	simm.s32 @!p0 $0x300  }
0x66: {  	[tilespmem:s20], [sflag:$0x6] =	stream.linear.gather @!p0 [hbm4b:s7+s2], $0x80, $0x38;
	v63 =	vld [tilespmem:$0x0]  }
0x67: {  	_ =	swait.ge @!p3 [sflag:s9], $0x80  }
0x68: {  	s26 =	smov.u32 s30;
	[sflag:s9] =	ssyncset.done @!p3 $0x0  }
0x69: {  	s31 =	smov.u32 s26;
	p1 =	sge.s32 s0, s6;
	[sflag:s9] =	ssyncadd.s32 @!p3 $0xFFFFFF80  }
0x6a: {  	s1 =	smov.u32 s0;
	s24 =	simm.s32 @!p3 $0x80;
	_ =	swait.ge @!p3 [sflag:s9], $0x80  }
0x6b: {  	s0 =	sadd.s32 $0x3, s0;
	s26 =	simm.s32 @!p3 $0x4400;
	[sflag:s9] =	ssyncset.done @!p3 $0x0  }
0x6c: {  	s2 =	simm.s32 @!p1 $0x1;
	p0 =	sge.s32 s0, s6;
	[sflag:s9] =	ssyncadd.s32 @!p3 $0xFFFFFF80  }
0x6d: {  	[tilespmem:s26], [sflag:$0x2] =	stream.indirect.gather @!p3 [hbm4b:s5+s24], $0x80, s24, s24, $0xb8;
	v63 =	vld [tilespmem:$0x0]  }
0x6e: {  	s23 =	simm.s32 @!p1 $0x7;
	s20 =	sadd.s32 @!p0 s31, s17;
	_ =	swait.ge @!p1 [sflag:s2], $0x4000  }
0x6f: {  	s10 =	simm.s32 @!p1 $0x200;
	s9 =	sadd.s32 @!p0 $0x30, s20;
	[sflag:s2] =	ssyncset.done @!p1 $0x0  }
0x70: {  	s20 =	simm.s32 @!p1 $0x400;
	[sflag:s2] =	ssyncadd.s32 @!p1 $0xFFFFC000;
	s2 =	simm.s32 @!p1 $0x80  }
0x71: {  	[spmem:s3] =	stream.indirect.scatter.add.f32 @!p1 [tilespmem:s20], [sflag:$0x7], $0x80, s10, s2, $0xb8;
	v63 =	vld [tilespmem:$0x0]  }
0x72: {  	s7 =	sadd.s32 @!p0 s31, s18;
	_ =	swait.ge @!p1 [sflag:s23], $0x4000  }
0x73: {  	s7 =	sadd.s32 @!p0 $0x30, s7;
	[sflag:s23] =	ssyncset.done @!p1 $0x0;
	s20 =	rddreg [dreg:$0x5]  }
0x74: {  	s2 =	simm.s32 @!p0 $0x0;
	[sflag:s23] =	ssyncadd.s32 @!p1 $0xFFFFC000;
	p1 =	sge.s32 s1, s20  }
0x75: {  	[tilespmem:s2], [sflag:$0x4] =	stream.linear.gather @!p0 [hbm4b:s7+s2], $0x80, $0x38;
	v63 =	vld [tilespmem:$0x0]  }
0x76: {  	s7 =	simm.s32 @!p0 $0x200;
	s11 =	simm.s32 @!p1 $0x6  }
0x77: {  	[tilespmem:s7], [sflag:$0x4] =	stream.linear.gather @!p0 [hbm4b:s9+s2], $0x80, $0x38;
	v63 =	vld [tilespmem:$0x0]  }
0x78: {  	_ =	swait.ge @!p1 [sflag:s11], $0x80  }
0x79: {  	[sflag:s11] =	ssyncset.done @!p1 $0x0  }
0x7a: {  	[sflag:s11] =	ssyncadd.s32 @!p1 $0xFFFFFF80  }
0x7b: {  	s13 =	simm.s32 @!p3 $0x2;
	s23 =	sadd.s32 $0x4, s1;
	_ =	swait.ge @!p1 [sflag:s11], $0x80  }
0x7c: {  	p4 =	sge.s32 s23, s6;
	s20 =	simm.s32 @!p1 $0x80;
	[sflag:s11] =	ssyncset.done @!p1 $0x0  }
0x7d: {  	s23 =	simm.s32 @!p1 $0x8400;
	[sflag:s11] =	ssyncadd.s32 @!p1 $0xFFFFFF80;
	s11 =	simm.s32 @!p1 $0x100  }
0x7e: {  	[tilespmem:s23], [sflag:$0x3] =	stream.indirect.gather @!p1 [hbm4b:s5+s20], $0x80, s11, s20, $0xb8;
	v63 =	vld [tilespmem:$0x0]  }
0x7f: {  	s30 =	sadd.s32 $0x30, s30;
	_ =	swait.ge @!p3 [sflag:s13], $0x4000  }
0x80: {  	p2 =	sne.s32 s30, $0x510;
	[sflag:s13] =	ssyncset.done @!p3 $0x0  }
0x81: {  	s22 =	simm.s32 @!p0 $0x4;
	s11 =	simm.s32 @!p3 $0x280;
	[sflag:s13] =	ssyncadd.s32 @!p3 $0xFFFFC000  }
0x82: {  	[spmem:s3] =	stream.indirect.scatter.add.f32 @!p3 [tilespmem:s26], [sflag:$0x7], $0x80, s11, s24, $0xb8;
	v63 =	vld [tilespmem:$0x0]  }
.Ltmp0:
0x83: {  	s10 =	simm.s32 @!p3 $0x7;
	s7 =	sadd.s32 @!p4 s31, s17;
	(pc) =	sbr.rel @p2 .LBB2_2-.Ltmp0, $4  }
0x84: {  	s9 =	sadd.s32 @!p4 s31, s18;
	s7 =	sadd.s32 @!p4 $0x40, s7;
	_ =	swait.ge @!p3 [sflag:s10], $0x4000  }
0x85: {  	s12 =	sadd.s32 @!p4 $0x40, s9;
	s9 =	simm.s32 @!p4 $0x280;
	[sflag:s10] =	ssyncset.done @!p3 $0x0  }
0x86: {  	s11 =	simm.s32 @!p4 $0x80;
	s24 =	simm.s32 @!p4 $0x0;
	[sflag:s10] =	ssyncadd.s32 @!p3 $0xFFFFC000  }
0x87: {  	[tilespmem:s11], [sflag:$0x5] =	stream.linear.gather @!p4 [hbm4b:s12+s24], $0x80, $0x38;
	v63 =	vld [tilespmem:$0x0]  }
0x88: {  	[tilespmem:s9], [sflag:$0x5] =	stream.linear.gather @!p4 [hbm4b:s7+s24], $0x80, $0x38;
	v63 =	vld [tilespmem:$0x0]  }
0x89: {  	_ =	swait.ge @!p0 [sflag:s22], $0x80  }
0x8a: {  	[sflag:s22] =	ssyncset.done @!p0 $0x0  }
0x8b: {  	[sflag:s22] =	ssyncadd.s32 @!p0 $0xFFFFFF80  }
0x8c: {  	_ =	swait.ge @!p0 [sflag:s22], $0x80  }
0x8d: {  	s0 =	simm.s32 @!p0 $0x80;
	[sflag:s22] =	ssyncset.done @!p0 $0x0  }
0x8e: {  	s7 =	simm.s32 @!p1 $0x3;
	s9 =	simm.s32 @!p0 $0x400;
	[sflag:s22] =	ssyncadd.s32 @!p0 $0xFFFFFF80  }
0x8f: {  	[tilespmem:s9], [sflag:$0x1] =	stream.indirect.gather @!p0 [hbm4b:s5+s0], $0x80, s2, s0, $0xb8;
	v63 =	vld [tilespmem:$0x0]  }
0x90: {  	_ =	swait.ge @!p1 [sflag:s7], $0x4000  }
0x91: {  	s1 =	sadd.s32 $0x5, s1;
	s0 =	simm.s32 @!p1 $0x7;
	[sflag:s7] =	ssyncset.done @!p1 $0x0  }
0x92: {  	s2 =	simm.s32 @!p1 $0x300;
	p0 =	sge.s32 s1, s6;
	[sflag:s7] =	ssyncadd.s32 @!p1 $0xFFFFC000  }
0x93: {  	[spmem:s3] =	stream.indirect.scatter.add.f32 @!p1 [tilespmem:s23], [sflag:$0x7], $0x80, s2, s20, $0xb8;
	v63 =	vld [tilespmem:$0x0]  }
0x94: {  	s1 =	sadd.s32 @!p0 s31, s18;
	_ =	swait.ge @!p1 [sflag:s0], $0x4000  }
0x95: {  	s1 =	sadd.s32 @!p0 $0x50, s1;
	s7 =	simm.s32 @!p0 $0x100;
	[sflag:s0] =	ssyncset.done @!p1 $0x0  }
0x96: {  	s2 =	sadd.s32 @!p0 s31, s17;
	[sflag:s0] =	ssyncadd.s32 @!p1 $0xFFFFC000;
	s0 =	simm.s32 @!p0 $0x0  }
0x97: {  	[tilespmem:s7], [sflag:$0x6] =	stream.linear.gather @!p0 [hbm4b:s1+s0], $0x80, $0x38;
	v63 =	vld [tilespmem:$0x0]  }
0x98: {  	s28 =	sadd.s32 $0x1, s28;
	s1 =	sadd.s32 @!p0 $0x50, s2;
	s2 =	simm.s32 @!p0 $0x300  }
0x99: {  	[tilespmem:s2], [sflag:$0x6] =	stream.linear.gather @!p0 [hbm4b:s1+s0], $0x80, $0x38;
	v63 =	vld [tilespmem:$0x0]  }
0x9a: {  	p0 =	sne.s32 s28, s16  }
.Ltmp1:
0x9b: {  	[bflag:$0x0] =	sbarrier.arrive $0xFFFF;
	(pc) =	sbr.rel @p0 .LBB2_1-.Ltmp1, $4  }
0x9c: {  	[hbm:s15], [sflag:s8] =	dma.local [spmem:s29], $0x2780  }
0x9d: {  	_ =	swait.ge [sflag:s19], $0x2780  }
0x9e: {  	[sflag:s19] =	ssyncset.done $0x0  }
0x9f: {  	[sflag:s19] =	ssyncadd.s32 $0xFFFFD880  }
0xa0: {  	_ =	sfence.sel $0x180000  }
0xa1: {  	[bflag:$0x0] =	sbarrier.arrive $0xFFFF  }
0xa2: {  	_ =	strace $0x9000004A  }
0xa3: {  	s0 =	stileid.u32;
	[bflag:$0x2] =	sbarrier.arrive $0xFFFF  }
0xa4: {  	p0 =	sne.s32 s0, $0x0;
	s0 =	rddreg [dreg:$0x3]  }
0xa5: {  	s0 =	sadd.s32 @!p0 $0x100000, s0  }
0xa6: {  	[sflag:s0] =	ssyncadd.tile.s32 @!p0 $0x1;
	_ =	shalt  }
.Lfunc_end2:
_tile_overlayer_lowered:
.L_overlay_start_2:
0xa7: {  	(tag) =	ssettag $0x2  }
0xa8: {  	s0 =	rddreg [dreg:$0x0];
	s2 =	stileid.u32  }
0xa9: {  	s1 =	rddreg [dreg:$0x1];
	p0 =	sne.s32 s2, $0x0  }
0xaa: {  	s3 =	rddreg [dreg:$0x2];
	[bflag:$0x3] =	sbarrier.arrive $0xFFFF;
	s2 =	simm.s32 @!p0 $0x1C07  }
0xab: {  	[timem:s3], [sflag:s2] =	dma.local @!p0 [hbm:s0], s1  }
0xac: {  	s0 =	simm.s32 @!p0 $0x7  }
0xad: {  	_ =	swait.ge @!p0 [sflag:s0], s1  }
0xae: {  	s1 =	ssub.s32 @!p0 $0x0, s1;
	[sflag:s0] =	ssyncset.done @!p0 $0x0  }
0xaf: {  	[sflag:s0] =	ssyncadd.s32 @!p0 s1  }
0xb0: {  	[bflag:$0x3] =	sbarrier.arrive $0xFFFF  }
0xb1: {  	_ =	shalt  }

// kernel: kernel.17.cloned.1.call-start
scs
__scs_entry_jumppad:
0x0: {  	(pc) =	sbr.rel $0x88, $3  }
0x1: {  	(tag) =	ssettag $0x0;
	lr =	simm.s32 $0x1  }
0x2: {  	[smem:$0x3F95] =	sst lr;
	_ =	strace $0xD0000000  }
0x3: {  	_ = 	snop  }
0x4: {  	_ = 	snop  }
0x5: {  	_ = 	snop  }
0x6: {  	_ = 	snop  }
0x7: {  	_ = 	snop  }
__scs_overlays_trampoline_lowered:
0x8: {  	[smem:$0x3FA4] =	sst s0  }
0x9: {  	[smem:$0x3FA5] =	sst s1  }
0xa: {  	[smem:$0x3FA6] =	sst s2  }
0xb: {  	[smem:$0x3FA7] =	sst s3  }
0xc: {  	[smem:$0x3FA8] =	sst s4  }
0xd: {  	[smem:$0x3FA9] =	sst s5  }
0xe: {  	[smem:$0x3FAA] =	sst s6  }
0xf: {  	[smem:$0x3FAB] =	sst s7  }
0x10: {  	[smem:$0x3FAC] =	sst s8  }
0x11: {  	[smem:$0x3FAD] =	sst s9;
	s0 =	simm.s32 @!p0 $0x0  }
0x12: {  	s1 =	sld [smem:$0x3F93];
	s0 =	simm.s32 @p0 $0x1  }
0x13: {  	[smem:$0x3FAE] =	sst s0;
	s0 =	simm.s32 @!p1 $0x0  }
0x14: {  	s2 =	sld [smem:$0x3F92];
	s0 =	simm.s32 @p1 $0x1  }
0x15: {  	[smem:$0x3FAF] =	sst s0;
	s0 =	simm.s32 @!p2 $0x0  }
0x16: {  	s3 =	sld [smem:$0x3FDB];
	s0 =	simm.s32 @p2 $0x1  }
0x17: {  	s4 =	simm.s32 $0x1BF5;
	[smem:$0x3FB1] =	sst s0  }
0x18: {  	s0 =	sld [smem:$0x3F94];
	_ =	swait.ge [sflag:s4], $0x0  }
0x19: {  	s7 =	sld [smem:$0x3F95]  }
0x1a: {  	s8 =	sadd.s32 $0xFFFFE003, lr  }
0x1b: {  	s9 =	sadd.s32 $0xFFFFFEF7, lr;
	s5 =	simm.s32 $0xFFFFFFFF;
	p2 =	slt.u32 s8, $0xFFFFF086  }
0x1c: {  	p1 =	slt.u32 s9, $0xF7A;
	s5 =	simm.s32 @!p2 $0x0  }
0x1d: {  	s5 =	simm.s32 @p1 $0x1;
	p0 =	seq.s32 s7, s2  }
0x1e: {  	s7 =	smul.u32 @!p0 $0xF7A, s2;
	p2 =	seq.s32 @!p0 s5, $0x0  }
0x1f: {  	s9 =	smul.u32 $0xF7A, s1;
	s8 =	simm.s32 @!p0 $0x1BF5;
	p2 =	por !p2, p0  }
0x20: {  	[sflag:s8] =	ssyncset.s32 @!p0 $0xFFFFF086;
	s6 =	sadd.s32 @!p0 s3, s7;
	s7 =	simm.s32 @!p0 $0x108  }
0x21: {  	s3 =	sadd.s32 s3, s9;
	s6 =	sadd.s32 @!p0 $0x88, s6;
	s7 =	simm.s32 @p2 $0x1082  }
0x22: {  	[simem:s7], [sflag:s8] =	dma.local @!p0 [hbm:s6], $0xF7A  }
0x23: {  	s9 =	sor.u32 $0xD0000000, s2;
	s6 =	simm.s32 $0x108;
	_ =	swait.ge @!p0 [sflag:s8], $0x0  }
0x24: {  	s3 =	sadd.s32 $0x88, s3;
	s6 =	simm.s32 @!p1 $0x1082;
	[sflag:s4] =	ssyncset.s32 $0xFFFFF086  }
0x25: {  	[simem:s6], [sflag:s4] =	dma.local [hbm:s3], $0xF7A  }
0x26: {  	[smem:$0x3F95] =	sst s1;
	(tag) =	ssettag s2;
	_ =	strace s9  }
0x27: {  	s1 =	sld [smem:$0x3FA5]  }
0x28: {  	s2 =	sld [smem:$0x3FA6]  }
0x29: {  	s4 =	sld [smem:$0x3FA8]  }
0x2a: {  	p0 =	seq.s32 s5, $0x0;
	s5 =	sld [smem:$0x3FA9]  }
0x2b: {  	s6 =	sld [smem:$0x3FAA]  }
0x2c: {  	s7 =	sld [smem:$0x3FAB]  }
0x2d: {  	s3 =	simm.s32 $0x108;
	s8 =	sld [smem:$0x3FAC]  }
0x2e: {  	s3 =	simm.s32 @!p0 $0x1082;
	s9 =	sld [smem:$0x3FAD]  }
0x2f: {  	lr =	sadd.s32 s0, s3;
	s0 =	sld [smem:$0x3FA4]  }
0x30: {  	s3 =	sld [smem:$0x3FA7]  }
0x31: {  	[smem:$0x3FB0] =	sst s10  }
0x32: {  	s10 =	sld [smem:$0x3FAE];
	_ =	sdelay $0x3  }
0x33: {  	p0 =	seq.s32 s10, $0x1;
	s10 =	sld [smem:$0x3FB0];
	_ =	sdelay $0x3  }
0x34: {  	[smem:$0x3FB0] =	sst s10  }
0x35: {  	s10 =	sld [smem:$0x3FAF];
	_ =	sdelay $0x3  }
0x36: {  	p1 =	seq.s32 s10, $0x1;
	s10 =	sld [smem:$0x3FB0];
	_ =	sdelay $0x3  }
0x37: {  	[smem:$0x3FB0] =	sst s10  }
0x38: {  	s10 =	sld [smem:$0x3FB1]  }
0x39: {  	_ = 	snop;
	(pc) =	sbr.ind lr, $3  }
0x3a: {  	_ = 	snop  }
0x3b: {  	_ = 	snop  }
0x3c: {  	p2 =	seq.s32 s10, $0x1;
	s10 =	sld [smem:$0x3FB0]  }
0x3d: {  	_ =	shalt  }
0x3e: {  	_ =	shalt  }
0x3f: {  	_ =	shalt  }
0x40: {  	_ =	shalt  }
0x41: {  	_ =	shalt  }
0x42: {  	_ =	shalt  }
0x43: {  	_ =	shalt  }
0x44: {  	_ =	shalt  }
0x45: {  	_ =	shalt  }
0x46: {  	_ =	shalt  }
0x47: {  	_ =	shalt  }
0x48: {  	_ =	shalt  }
0x49: {  	_ =	shalt  }
0x4a: {  	_ =	shalt  }
0x4b: {  	_ =	shalt  }
0x4c: {  	_ =	shalt  }
0x4d: {  	_ =	shalt  }
0x4e: {  	_ =	shalt  }
0x4f: {  	_ =	shalt  }
0x50: {  	_ =	shalt  }
0x51: {  	_ =	shalt  }
0x52: {  	_ =	shalt  }
0x53: {  	_ =	shalt  }
0x54: {  	_ =	shalt  }
0x55: {  	_ =	shalt  }
0x56: {  	_ =	shalt  }
0x57: {  	_ =	shalt  }
0x58: {  	_ =	shalt  }
0x59: {  	_ =	shalt  }
0x5a: {  	_ =	shalt  }
0x5b: {  	_ =	shalt  }
0x5c: {  	_ =	shalt  }
0x5d: {  	_ =	shalt  }
0x5e: {  	_ =	shalt  }
0x5f: {  	_ =	shalt  }
0x60: {  	_ =	shalt  }
0x61: {  	_ =	shalt  }
0x62: {  	_ =	shalt  }
0x63: {  	_ =	shalt  }
0x64: {  	_ =	shalt  }
0x65: {  	_ =	shalt  }
0x66: {  	_ =	shalt  }
0x67: {  	_ =	shalt  }
0x68: {  	_ =	shalt  }
0x69: {  	_ =	shalt  }
0x6a: {  	_ =	shalt  }
0x6b: {  	_ =	shalt  }
0x6c: {  	_ =	shalt  }
0x6d: {  	_ =	shalt  }
0x6e: {  	_ =	shalt  }
0x6f: {  	_ =	shalt  }
0x70: {  	_ =	shalt  }
0x71: {  	_ =	shalt  }
0x72: {  	_ =	shalt  }
0x73: {  	_ =	shalt  }
0x74: {  	_ =	shalt  }
0x75: {  	_ =	shalt  }
0x76: {  	_ =	shalt  }
0x77: {  	_ =	shalt  }
0x78: {  	_ =	shalt  }
0x79: {  	_ =	shalt  }
0x7a: {  	_ =	shalt  }
0x7b: {  	_ =	shalt  }
0x7c: {  	_ =	shalt  }
0x7d: {  	_ =	shalt  }
0x7e: {  	_ =	shalt  }
0x7f: {  	_ =	shalt  }
0x80: {  	_ =	shalt  }
0x81: {  	_ =	shalt  }
0x82: {  	_ =	shalt  }
0x83: {  	_ =	shalt  }
0x84: {  	_ =	shalt  }
0x85: {  	_ =	shalt  }
0x86: {  	_ =	shalt  }
0x87: {  	_ =	shalt  }
.Lfunc_end0:
.L_simem_size_0:
called_computation.2_lowered:
.L_overlay_start_0:
0x88: {  	s2 =	sld [smem:$0x3FD9]  }
0x89: {  	s3 =	sld [smem:$0x3FFE];
	_ =	sdelay $0x1  }
0x8a: {  	s1 =	srdreg.scid  }
0x8b: {  	s0 =	sand.u32 $0x1, s1  }
0x8c: {  	s17 =	sshll.u32 s0, $0xA;
	s2 =	sadd.s32 s3, s2  }
0x8d: {  	s2 =	sadd.s32 s2, s17  }
0x8e: {  	[smem:$0x3FBC] =	sst s2  }
0x8f: {  	_ = 	snop  }
0x90: {  	s2 =	sld [smem:$0x3FD0];
	(tm) =	ssettm $0x1  }
0x91: {  	s18 =	sld [smem:$0x3FFB];
	_ =	sdelay $0x3  }
0x92: {  	_ =	strace s18  }
0x93: {  	s3 =	sld [smem:$0x3FFC];
	_ =	sdelay $0x3  }
0x94: {  	_ =	strace s3  }
0x95: {  	s3 =	sld [smem:$0x3FFD];
	_ =	sdelay $0x3  }
0x96: {  	_ =	strace s3  }
0x97: {  	_ =	strace $0x8FFFFFFF  }
0x98: {  	s19 =	sld [smem:$0x3FDB];
	_ =	sdelay $0x1  }
0x99: {  	s4 =	simm.s32 $_scs_section_size  }
0x9a: {  	s5 =	simm.s32 $_size__tile_overlayer_lowered;
	s6 =	simm.s32 $_tile_overlayer_lowered  }
0x9b: {  	s22 =	simm.s32 $0x1BFF;
	s21 =	sshll.u32 s6, $0x1;
	s3 =	sadd.s32 s4, s19  }
0x9c: {  	s7 =	simm.s32 $0x0;
	s20 =	sshll.u32 s5, $0x1;
	s5 =	sadd.s32 s21, s3  }
0x9d: {  	[timem:s7], [sflag:s22] =	dma.local [hbm:s5], s20  }
0x9e: {  	_ =	swait.ge [sflag:s22], s20  }
0x9f: {  	s4 =	ssub.s32 $0x0, s20;
	[sflag:s22] =	ssyncset.done $0x0  }
0xa0: {  	[sflag:s22] =	ssyncadd.s32 s4;
	_ =	sdelay $0x1  }
0xa1: {  	s23 =	simm.s32 $0x1B8B  }
0xa2: {  	_ =	swait.ge [sflag:s23], $0x1  }
0xa3: {  	[sflag:s23] =	ssyncset.done $0x0  }
0xa4: {  	s25 =	simm.s32 $0x1B8E;
	s24 =	sld [smem:$0x3FFE];
	[sflag:s23] =	ssyncadd.s32 $0xFFFFFFFF  }
0xa5: {  	s26 =	simm.s32 $execute0_lowered;
	[smem:$0x3FD2] =	sst s25  }
0xa6: {  	s5 =	sshll.u32 s26, $0x1;
	_ =	strace $0x8000004C;
	[dreg:$0x1] =	wrdreg $0xFFFFFFFF  }
0xa7: {  	s28 =	simm.s32 $_size_execute0_lowered;
	s3 =	sadd.s32 s3, s5;
	[dreg:$0x0] =	wrdreg $0x0  }
0xa8: {  	s5 =	sshll.u32 s28, $0x1;
	[dreg:$0x2] =	wrdreg s3  }
0xa9: {  	[dreg:$0x3] =	wrdreg s5  }
0xaa: {  	[dreg:$0x4] =	wrdreg $0xC0  }
0xab: {  	_ =	task [dreg:s7], $0x5FFFF  }
0xac: {  	[dreg:$0x1] =	wrdreg $0xFFFFFFFF  }
0xad: {  	[dreg:$0x0] =	wrdreg $0x60  }
0xae: {  	[dreg:$0x2] =	wrdreg s24  }
0xaf: {  	[dreg:$0x3] =	wrdreg s2  }
0xb0: {  	[dreg:$0x4] =	wrdreg $0xC4000  }
0xb1: {  	[dreg:$0x5] =	wrdreg $0x9  }
0xb2: {  	_ =	task.clear_ibuf [dreg:s7], $0x6FFFF;
	_ =	strace $0x9000004C  }
0xb3: {  	s29 =	simm.s32 $0x9;
	_ =	strace $0x8000004E  }
0xb4: {  	_ =	swait.ge [sflag:s29], $0x1  }
0xb5: {  	[sflag:s29] =	ssyncadd.s32 $0xFFFFFFFF  }
0xb6: {  	_ =	strace $0x9000004E  }
0xb7: {  	_ =	sfence  }
0xb8: {  	s30 =	sld [smem:$0x0];
	_ =	sdelay $0x2  }
0xb9: {  	s31 =	sshll.u32 s1, $0xD;
	s1 =	sshrl.u32 s1, $0x2  }
0xba: {  	s3 =	sand.u32 $0x4000, s31;
	s1 =	sadd.s32 s1, s30  }
0xbb: {  	s0 =	sor.u32 s3, s0;
	s1 =	sshll.u32 s1, $0x11  }
0xbc: {  	s0 =	sor.u32 s1, s0  }
0xbd: {  	s0 =	sadd.s32 $0x8F2B, s0  }
0xbe: {  	[sflag:s0] =	ssyncadd.remote.s32 $0x1  }
0xbf: {  	_ =	sfence.sel $0xFFFF  }
0xc0: {  	[dreg:$0x0] =	wrdreg $0xFFFFFFFF;
	(pc) =	sbr.abs _section_cstart, $3  }
0xc1: {  	[dreg:$0x1] =	wrdreg $0xFFFFFFFF  }
0xc2: {  	_ =	task.clear_ibuf [dreg:s7], $0x2FFFF;
	_ =	strace $0x9FFFFFFF  }
0xc3: {  	(tm) =	ssettm $0x7FFFFFFF  }
tec
execute0_lowered:
.L_overlay_start_1:
0x0: {  	(tag) =	ssettag $0x1  }
0x1: {  	s0 =	rddreg [dreg:$0x0]  }
0x2: {  	s3 =	rddreg [dreg:$0x2]  }
0x3: {  	s1 =	srdreg.scid;
	s13 =	stileid.u32;
	s4 =	simm.s32 $0x0  }
0x4: {  	s28 =	simm.s32 $0x0;
	s1 =	sand.u32 $0x1, s1;
	s2 =	smul.u32 $0x2780, s13  }
0x5: {  	[smem:$0x7FF] =	sst s4;
	s5 =	sadd.s32 $0x16C00, s0;
	s10 =	smul.u32 $0x4F000, s13  }
0x6: {  	s9 =	sadd.s32 $0x3000, s0;
	s17 =	sadd.s32 $0xCE00, s0;
	s15 =	smul.u32 $0x9C4, s13  }
0x7: {  	s22 =	sshll.u32 s13, $0x6;
	s6 =	smul.u32 $0x27800, s1;
	s7 =	sshll.u32 s1, $0x4  }
0x8: {  	_ =	strace $0x8000004D;
	s18 =	ssub.s32 $0x2, s1;
	s1 =	smul.u32 $0xFFFF9C40, s1  }
0x9: {  	s7 =	sor.u32 s13, s7;
	s19 =	sshrl.u32 s18, $0x1;
	s21 =	sshrl.u32 s10, $0x2  }
0xa: {  	s2 =	sadd.s32 s2, s6;
	s7 =	smul.u32 $0x9C4, s7;
	s1 =	sand.u32 $0xFFC0, s1  }
0xb: {  	s0 =	sadd.s32 s2, s0;
	s2 =	ssub.s32 s18, s19;
	s1 =	sadd.s32 s15, s1  }
0xc: {  	s19 =	simm.s32 $0x7;
	s8 =	sadd.s32 $0x9C4, s7;
	s11 =	sshrl.u32 s7, $0x5  }
0xd: {  	s7 =	sshrl.u32 s7, $0x1;
	s1 =	sshrl.u32 s1, $0x1;
	s15 =	sadd.s32 $0x3DE00, s0  }
0xe: {  	s16 =	smax.u32 s2, $0x1;
	s20 =	sshrl.u32 s8, $0x5;
	s8 =	sadd.s32 s21, s3  }
0xf: {  	s7 =	sand.u32 $0xFFF0, s7;
	s12 =	sshll.u32 s11, $0x4;
	s31 =	sand.u32 $0xFFF0, s1  }
0x10: {  	s21 =	simm.s32 $0x80;
	[dreg:$0x6] =	wrdreg s8;
	s23 =	sadd.s32 s9, s7  }
0x11: {  	s7 =	sadd.s32 s17, s7;
	s24 =	sadd.s32 $0x10, s12;
	[dreg:$0x7] =	wrdreg s23  }
0x12: {  	s6 =	ssub.s32 s20, s11;
	[dreg:$0x8] =	wrdreg s7;
	s25 =	sadd.s32 s9, s24  }
0x13: {  	s14 =	sadd.s32 $0x20, s12;
	s7 =	sadd.s32 s17, s24;
	[dreg:$0x9] =	wrdreg s25  }
0x14: {  	s8 =	sor.u32 $0x1C07, s22;
	s26 =	sadd.s32 s9, s14;
	[dreg:$0xa] =	wrdreg s7  }
0x15: {  	s18 =	sadd.s32 s31, s9;
	s29 =	sadd.s32 $0xFFFFFFFF, s6;
	[dreg:$0xb] =	wrdreg s26  }
0x16: {  	s14 =	sadd.s32 s17, s14;
	s30 =	sadd.s32 $0xFFFFFFFE, s6;
	[dreg:$0x4] =	wrdreg s29  }
0x17: {  	s17 =	sadd.s32 s31, s17;
	[dreg:$0x5] =	wrdreg s30;
	s25 =	simm.s32 $0x4  }
.LBB2_1:
0x18: {  	s0 =	rddreg [dreg:$0x6]  }
0x19: {  	s2 =	rddreg [dreg:$0x1];
	s29 =	sshrl.u32 s0, $0x3  }
0x1a: {  	[spmem:s29], [sflag:s8] =	dma.local [hbm:s2], $0x2780  }
0x1b: {  	_ =	swait.ge [sflag:s19], $0x2780  }
0x1c: {  	[sflag:s19] =	ssyncset.done $0x0  }
0x1d: {  	[sflag:s19] =	ssyncadd.s32 $0xFFFFD880  }
0x1e: {  	[bflag:$0x0] =	sbarrier.arrive $0xFFFF  }
0x1f: {  	s7 =	rddreg [dreg:$0x7]  }
0x20: {  	[tilespmem:s4], [sflag:$0x4] =	stream.linear.gather [hbm4b:s7+s4], $0x80, $0x38;
	v63 =	vld [tilespmem:$0x0]  }
0x21: {  	s1 =	simm.s32 $0x200;
	s9 =	rddreg [dreg:$0x8]  }
0x22: {  	[tilespmem:s1], [sflag:$0x4] =	stream.linear.gather [hbm4b:s9+s4], $0x80, $0x38;
	v63 =	vld [tilespmem:$0x0]  }
0x23: {  	s10 =	rddreg [dreg:$0x9]  }
0x24: {  	[tilespmem:s21], [sflag:$0x5] =	stream.linear.gather [hbm4b:s10+s4], $0x80, $0x38;
	v63 =	vld [tilespmem:$0x0]  }
0x25: {  	s12 =	simm.s32 $0x280;
	s11 =	rddreg [dreg:$0xa]  }
0x26: {  	[tilespmem:s12], [sflag:$0x5] =	stream.linear.gather [hbm4b:s11+s4], $0x80, $0x38;
	v63 =	vld [tilespmem:$0x0]  }
0x27: {  	s20 =	simm.s32 $0x100;
	s13 =	rddreg [dreg:$0xb]  }
0x28: {  	[tilespmem:s20], [sflag:$0x6] =	stream.linear.gather [hbm4b:s13+s4], $0x80, $0x38;
	v63 =	vld [tilespmem:$0x0]  }
0x29: {  	s22 =	simm.s32 $0x300  }
0x2a: {  	[tilespmem:s22], [sflag:$0x6] =	stream.linear.gather [hbm4b:s14+s4], $0x80, $0x38;
	v63 =	vld [tilespmem:$0x0]  }
0x2b: {  	_ =	swait.ge [sflag:s25], $0x80  }
0x2c: {  	[sflag:s25] =	ssyncset.done $0x0  }
0x2d: {  	[sflag:s25] =	ssyncadd.s32 $0xFFFFFF80  }
0x2e: {  	_ =	swait.ge [sflag:s25], $0x80  }
0x2f: {  	[sflag:s25] =	ssyncset.done $0x0;
	s23 =	rddreg [dreg:$0x4]  }
0x30: {  	s24 =	simm.s32 $0x400;
	[sflag:s25] =	ssyncadd.s32 $0xFFFFFF80;
	p2 =	sle.s32 s23, $0x0  }
0x31: {  	[tilespmem:s24], [sflag:$0x1] =	stream.indirect.gather [hbm4b:s5+s21], $0x80, s4, s21, $0xb8;
	v63 =	vld [tilespmem:$0x0]  }
0x32: {  	s0 =	simm.s32 @!p2 $0x5  }
0x33: {  	_ =	swait.ge @!p2 [sflag:s0], $0x80  }
0x34: {  	[sflag:s0] =	ssyncset.done @!p2 $0x0  }
0x35: {  	[sflag:s0] =	ssyncadd.s32 @!p2 $0xFFFFFF80  }
0x36: {  	p1 =	sle.s32 s6, $0x0;
	_ =	swait.ge @!p2 [sflag:s0], $0x80  }
0x37: {  	s2 =	simm.s32 @!p1 $0x1;
	[sflag:s0] =	ssyncset.done @!p2 $0x0  }
0x38: {  	s1 =	simm.s32 @!p2 $0x80;
	s7 =	simm.s32 @!p2 $0x4400;
	[sflag:s0] =	ssyncadd.s32 @!p2 $0xFFFFFF80  }
0x39: {  	[tilespmem:s7], [sflag:$0x2] =	stream.indirect.gather @!p2 [hbm4b:s5+s1], $0x80, s1, s1, $0xb8;
	v63 =	vld [tilespmem:$0x0]  }
0x3a: {  	_ =	swait.ge @!p1 [sflag:s2], $0x4000  }
0x3b: {  	s9 =	simm.s32 @!p1 $0x7;
	s20 =	simm.s32 @!p1 $0x200;
	[sflag:s2] =	ssyncset.done @!p1 $0x0  }
0x3c: {  	s0 =	simm.s32 @!p1 $0x400;
	[sflag:s2] =	ssyncadd.s32 @!p1 $0xFFFFC000;
	s2 =	simm.s32 @!p1 $0x80  }
0x3d: {  	[spmem:s3] =	stream.indirect.scatter.add.f32 @!p1 [tilespmem:s0], [sflag:$0x7], $0x80, s20, s2, $0xb8;
	v63 =	vld [tilespmem:$0x0]  }
0x3e: {  	p0 =	sle.s32 s6, $0x3;
	_ =	swait.ge @!p1 [sflag:s9], $0x4000  }
0x3f: {  	s0 =	sadd.s32 @!p0 $0x0, s18;
	s2 =	simm.s32 @!p0 $0x0;
	[sflag:s9] =	ssyncset.done @!p1 $0x0  }
0x40: {  	s0 =	sadd.s32 @!p0 $0x30, s0;
	s26 =	rddreg [dreg:$0x5];
	[sflag:s9] =	ssyncadd.s32 @!p1 $0xFFFFC000  }
0x41: {  	[tilespmem:s2], [sflag:$0x4] =	stream.linear.gather @!p0 [hbm4b:s0+s2], $0x80, $0x38;
	v63 =	vld [tilespmem:$0x0]  }
0x42: {  	p1 =	sle.s32 s26, $0x0;
	s0 =	sadd.s32 @!p0 $0x0, s17  }
0x43: {  	s9 =	simm.s32 @!p0 $0x200;
	s22 =	simm.s32 @!p1 $0x6;
	s0 =	sadd.s32 @!p0 $0x30, s0  }
0x44: {  	[tilespmem:s9], [sflag:$0x4] =	stream.linear.gather @!p0 [hbm4b:s0+s2], $0x80, $0x38;
	v63 =	vld [tilespmem:$0x0]  }
0x45: {  	_ =	swait.ge @!p1 [sflag:s22], $0x80  }
0x46: {  	[sflag:s22] =	ssyncset.done @!p1 $0x0  }
0x47: {  	[sflag:s22] =	ssyncadd.s32 @!p1 $0xFFFFFF80  }
0x48: {  	_ =	swait.ge @!p1 [sflag:s22], $0x80  }
0x49: {  	s20 =	simm.s32 @!p1 $0x80;
	s23 =	simm.s32 @!p1 $0x8400;
	[sflag:s22] =	ssyncset.done @!p1 $0x0  }
0x4a: {  	s0 =	simm.s32 @!p2 $0x2;
	s9 =	simm.s32 @!p1 $0x100;
	[sflag:s22] =	ssyncadd.s32 @!p1 $0xFFFFFF80  }
0x4b: {  	[tilespmem:s23], [sflag:$0x3] =	stream.indirect.gather @!p1 [hbm4b:s5+s20], $0x80, s9, s20, $0xb8;
	v63 =	vld [tilespmem:$0x0]  }
0x4c: {  	p4 =	sle.s32 s6, $0x4;
	s30 =	simm.s32 $0x30;
	_ =	swait.ge @!p2 [sflag:s0], $0x4000  }
0x4d: {  	s31 =	simm.s32 $0x0;
	s24 =	simm.s32 @!p4 $0x0;
	[sflag:s0] =	ssyncset.done @!p2 $0x0  }
0x4e: {  	s9 =	simm.s32 @!p2 $0x7;
	[sflag:s0] =	ssyncadd.s32 @!p2 $0xFFFFC000;
	s0 =	simm.s32 @!p2 $0x280  }
0x4f: {  	[spmem:s3] =	stream.indirect.scatter.add.f32 @!p2 [tilespmem:s7], [sflag:$0x7], $0x80, s0, s1, $0xb8;
	v63 =	vld [tilespmem:$0x0]  }
0x50: {  	s22 =	simm.s32 @!p0 $0x4;
	s0 =	sadd.s32 @!p4 $0x0, s18;
	_ =	swait.ge @!p2 [sflag:s9], $0x4000  }
0x51: {  	s1 =	sadd.s32 @!p4 $0x0, s17;
	s7 =	simm.s32 @!p4 $0x80;
	[sflag:s9] =	ssyncset.done @!p2 $0x0  }
0x52: {  	s0 =	sadd.s32 @!p4 $0x40, s0;
	[sflag:s9] =	ssyncadd.s32 @!p2 $0xFFFFC000;
	s9 =	simm.s32 @!p4 $0x280  }
0x53: {  	[tilespmem:s7], [sflag:$0x5] =	stream.linear.gather @!p4 [hbm4b:s0+s24], $0x80, $0x38;
	v63 =	vld [tilespmem:$0x0]  }
0x54: {  	s0 =	simm.s32 $0x3;
	s7 =	sadd.s32 @!p4 $0x40, s1;
	s1 =	simm.s32 $0x0  }
.LBB2_2:
0x55: {  	[tilespmem:s9], [sflag:$0x5] =	stream.linear.gather @!p4 [hbm4b:s7+s24], $0x80, $0x38;
	v63 =	vld [tilespmem:$0x0]  }
0x56: {  	_ =	swait.ge @!p0 [sflag:s22], $0x80  }
0x57: {  	[sflag:s22] =	ssyncset.done @!p0 $0x0  }
0x58: {  	[sflag:s22] =	ssyncadd.s32 @!p0 $0xFFFFFF80  }
0x59: {  	_ =	swait.ge @!p0 [sflag:s22], $0x80  }
0x5a: {  	s7 =	simm.s32 @!p0 $0x80;
	[sflag:s22] =	ssyncset.done @!p0 $0x0  }
0x5b: {  	s9 =	simm.s32 @!p1 $0x3;
	s24 =	simm.s32 @!p0 $0x400;
	[sflag:s22] =	ssyncadd.s32 @!p0 $0xFFFFFF80  }
0x5c: {  	[tilespmem:s24], [sflag:$0x1] =	stream.indirect.gather @!p0 [hbm4b:s5+s7], $0x80, s2, s7, $0xb8;
	v63 =	vld [tilespmem:$0x0]  }
0x5d: {  	s1 =	sadd.s32 $0x5, s1;
	_ =	swait.ge @!p1 [sflag:s9], $0x4000  }
0x5e: {  	s2 =	simm.s32 @!p1 $0x7;
	p0 =	sge.s32 s1, s6;
	[sflag:s9] =	ssyncset.done @!p1 $0x0  }
0x5f: {  	s7 =	simm.s32 @!p1 $0x300;
	s1 =	sadd.s32 @!p0 s31, s18;
	[sflag:s9] =	ssyncadd.s32 @!p1 $0xFFFFC000  }
0x60: {  	[spmem:s3] =	stream.indirect.scatter.add.f32 @!p1 [tilespmem:s23], [sflag:$0x7], $0x80, s7, s20, $0xb8;
	v63 =	vld [tilespmem:$0x0]  }
0x61: {  	s1 =	sadd.s32 @!p0 $0x50, s1;
	s7 =	sadd.s32 @!p0 s31, s17;
	_ =	swait.ge @!p1 [sflag:s2], $0x4000  }
0x62: {  	s20 =	simm.s32 @!p0 $0x100;
	s13 =	rddreg [dreg:$0x4];
	[sflag:s2] =	ssyncset.done @!p1 $0x0  }
0x63: {  	[sflag:s2] =	ssyncadd.s32 @!p1 $0xFFFFC000;
	s2 =	simm.s32 @!p0 $0x0;
	p3 =	sge.s32 s0, s13  }
0x64: {  	[tilespmem:s20], [sflag:$0x6] =	stream.linear.gather @!p0 [hbm4b:s1+s2], $0x80, $0x38;
	v63 =	vld [tilespmem:$0x0]  }
0x65: {  	s7 =	sadd.s32 @!p0 $0x50, s7;
	s9 =	simm.s32 @!p3 $0x5;
	s20 =	simm.s32 @!p0 $0x300  }
0x66: {  	[tilespmem:s20], [sflag:$0x6] =	stream.linear.gather @!p0 [hbm4b:s7+s2], $0x80, $0x38;
	v63 =	vld [tilespmem:$0x0]  }
0x67: {  	_ =	swait.ge @!p3 [sflag:s9], $0x80  }
0x68: {  	s26 =	smov.u32 s30;
	[sflag:s9] =	ssyncset.done @!p3 $0x0  }
0x69: {  	s31 =	smov.u32 s26;
	p1 =	sge.s32 s0, s6;
	[sflag:s9] =	ssyncadd.s32 @!p3 $0xFFFFFF80  }
0x6a: {  	s1 =	smov.u32 s0;
	s24 =	simm.s32 @!p3 $0x80;
	_ =	swait.ge @!p3 [sflag:s9], $0x80  }
0x6b: {  	s0 =	sadd.s32 $0x3, s0;
	s26 =	simm.s32 @!p3 $0x4400;
	[sflag:s9] =	ssyncset.done @!p3 $0x0  }
0x6c: {  	s2 =	simm.s32 @!p1 $0x1;
	p0 =	sge.s32 s0, s6;
	[sflag:s9] =	ssyncadd.s32 @!p3 $0xFFFFFF80  }
0x6d: {  	[tilespmem:s26], [sflag:$0x2] =	stream.indirect.gather @!p3 [hbm4b:s5+s24], $0x80, s24, s24, $0xb8;
	v63 =	vld [tilespmem:$0x0]  }
0x6e: {  	s23 =	simm.s32 @!p1 $0x7;
	s20 =	sadd.s32 @!p0 s31, s17;
	_ =	swait.ge @!p1 [sflag:s2], $0x4000  }
0x6f: {  	s10 =	simm.s32 @!p1 $0x200;
	s9 =	sadd.s32 @!p0 $0x30, s20;
	[sflag:s2] =	ssyncset.done @!p1 $0x0  }
0x70: {  	s20 =	simm.s32 @!p1 $0x400;
	[sflag:s2] =	ssyncadd.s32 @!p1 $0xFFFFC000;
	s2 =	simm.s32 @!p1 $0x80  }
0x71: {  	[spmem:s3] =	stream.indirect.scatter.add.f32 @!p1 [tilespmem:s20], [sflag:$0x7], $0x80, s10, s2, $0xb8;
	v63 =	vld [tilespmem:$0x0]  }
0x72: {  	s7 =	sadd.s32 @!p0 s31, s18;
	_ =	swait.ge @!p1 [sflag:s23], $0x4000  }
0x73: {  	s7 =	sadd.s32 @!p0 $0x30, s7;
	[sflag:s23] =	ssyncset.done @!p1 $0x0;
	s20 =	rddreg [dreg:$0x5]  }
0x74: {  	s2 =	simm.s32 @!p0 $0x0;
	[sflag:s23] =	ssyncadd.s32 @!p1 $0xFFFFC000;
	p1 =	sge.s32 s1, s20  }
0x75: {  	[tilespmem:s2], [sflag:$0x4] =	stream.linear.gather @!p0 [hbm4b:s7+s2], $0x80, $0x38;
	v63 =	vld [tilespmem:$0x0]  }
0x76: {  	s7 =	simm.s32 @!p0 $0x200;
	s11 =	simm.s32 @!p1 $0x6  }
0x77: {  	[tilespmem:s7], [sflag:$0x4] =	stream.linear.gather @!p0 [hbm4b:s9+s2], $0x80, $0x38;
	v63 =	vld [tilespmem:$0x0]  }
0x78: {  	_ =	swait.ge @!p1 [sflag:s11], $0x80  }
0x79: {  	[sflag:s11] =	ssyncset.done @!p1 $0x0  }
0x7a: {  	[sflag:s11] =	ssyncadd.s32 @!p1 $0xFFFFFF80  }
0x7b: {  	s13 =	simm.s32 @!p3 $0x2;
	s23 =	sadd.s32 $0x4, s1;
	_ =	swait.ge @!p1 [sflag:s11], $0x80  }
0x7c: {  	p4 =	sge.s32 s23, s6;
	s20 =	simm.s32 @!p1 $0x80;
	[sflag:s11] =	ssyncset.done @!p1 $0x0  }
0x7d: {  	s23 =	simm.s32 @!p1 $0x8400;
	[sflag:s11] =	ssyncadd.s32 @!p1 $0xFFFFFF80;
	s11 =	simm.s32 @!p1 $0x100  }
0x7e: {  	[tilespmem:s23], [sflag:$0x3] =	stream.indirect.gather @!p1 [hbm4b:s5+s20], $0x80, s11, s20, $0xb8;
	v63 =	vld [tilespmem:$0x0]  }
0x7f: {  	s30 =	sadd.s32 $0x30, s30;
	_ =	swait.ge @!p3 [sflag:s13], $0x4000  }
0x80: {  	p2 =	sne.s32 s30, $0x510;
	[sflag:s13] =	ssyncset.done @!p3 $0x0  }
0x81: {  	s22 =	simm.s32 @!p0 $0x4;
	s11 =	simm.s32 @!p3 $0x280;
	[sflag:s13] =	ssyncadd.s32 @!p3 $0xFFFFC000  }
0x82: {  	[spmem:s3] =	stream.indirect.scatter.add.f32 @!p3 [tilespmem:s26], [sflag:$0x7], $0x80, s11, s24, $0xb8;
	v63 =	vld [tilespmem:$0x0]  }
.Ltmp0:
0x83: {  	s10 =	simm.s32 @!p3 $0x7;
	s7 =	sadd.s32 @!p4 s31, s17;
	(pc) =	sbr.rel @p2 .LBB2_2-.Ltmp0, $4  }
0x84: {  	s9 =	sadd.s32 @!p4 s31, s18;
	s7 =	sadd.s32 @!p4 $0x40, s7;
	_ =	swait.ge @!p3 [sflag:s10], $0x4000  }
0x85: {  	s12 =	sadd.s32 @!p4 $0x40, s9;
	s9 =	simm.s32 @!p4 $0x280;
	[sflag:s10] =	ssyncset.done @!p3 $0x0  }
0x86: {  	s11 =	simm.s32 @!p4 $0x80;
	s24 =	simm.s32 @!p4 $0x0;
	[sflag:s10] =	ssyncadd.s32 @!p3 $0xFFFFC000  }
0x87: {  	[tilespmem:s11], [sflag:$0x5] =	stream.linear.gather @!p4 [hbm4b:s12+s24], $0x80, $0x38;
	v63 =	vld [tilespmem:$0x0]  }
0x88: {  	[tilespmem:s9], [sflag:$0x5] =	stream.linear.gather @!p4 [hbm4b:s7+s24], $0x80, $0x38;
	v63 =	vld [tilespmem:$0x0]  }
0x89: {  	_ =	swait.ge @!p0 [sflag:s22], $0x80  }
0x8a: {  	[sflag:s22] =	ssyncset.done @!p0 $0x0  }
0x8b: {  	[sflag:s22] =	ssyncadd.s32 @!p0 $0xFFFFFF80  }
0x8c: {  	_ =	swait.ge @!p0 [sflag:s22], $0x80  }
0x8d: {  	s0 =	simm.s32 @!p0 $0x80;
	[sflag:s22] =	ssyncset.done @!p0 $0x0  }
0x8e: {  	s7 =	simm.s32 @!p1 $0x3;
	s9 =	simm.s32 @!p0 $0x400;
	[sflag:s22] =	ssyncadd.s32 @!p0 $0xFFFFFF80  }
0x8f: {  	[tilespmem:s9], [sflag:$0x1] =	stream.indirect.gather @!p0 [hbm4b:s5+s0], $0x80, s2, s0, $0xb8;
	v63 =	vld [tilespmem:$0x0]  }
0x90: {  	_ =	swait.ge @!p1 [sflag:s7], $0x4000  }
0x91: {  	s1 =	sadd.s32 $0x5, s1;
	s0 =	simm.s32 @!p1 $0x7;
	[sflag:s7] =	ssyncset.done @!p1 $0x0  }
0x92: {  	s2 =	simm.s32 @!p1 $0x300;
	p0 =	sge.s32 s1, s6;
	[sflag:s7] =	ssyncadd.s32 @!p1 $0xFFFFC000  }
0x93: {  	[spmem:s3] =	stream.indirect.scatter.add.f32 @!p1 [tilespmem:s23], [sflag:$0x7], $0x80, s2, s20, $0xb8;
	v63 =	vld [tilespmem:$0x0]  }
0x94: {  	s1 =	sadd.s32 @!p0 s31, s18;
	_ =	swait.ge @!p1 [sflag:s0], $0x4000  }
0x95: {  	s1 =	sadd.s32 @!p0 $0x50, s1;
	s7 =	simm.s32 @!p0 $0x100;
	[sflag:s0] =	ssyncset.done @!p1 $0x0  }
0x96: {  	s2 =	sadd.s32 @!p0 s31, s17;
	[sflag:s0] =	ssyncadd.s32 @!p1 $0xFFFFC000;
	s0 =	simm.s32 @!p0 $0x0  }
0x97: {  	[tilespmem:s7], [sflag:$0x6] =	stream.linear.gather @!p0 [hbm4b:s1+s0], $0x80, $0x38;
	v63 =	vld [tilespmem:$0x0]  }
0x98: {  	s28 =	sadd.s32 $0x1, s28;
	s1 =	sadd.s32 @!p0 $0x50, s2;
	s2 =	simm.s32 @!p0 $0x300  }
0x99: {  	[tilespmem:s2], [sflag:$0x6] =	stream.linear.gather @!p0 [hbm4b:s1+s0], $0x80, $0x38;
	v63 =	vld [tilespmem:$0x0]  }
0x9a: {  	p0 =	sne.s32 s28, s16  }
.Ltmp1:
0x9b: {  	[bflag:$0x0] =	sbarrier.arrive $0xFFFF;
	(pc) =	sbr.rel @p0 .LBB2_1-.Ltmp1, $4  }
0x9c: {  	[hbm:s15], [sflag:s8] =	dma.local [spmem:s29], $0x2780  }
0x9d: {  	_ =	swait.ge [sflag:s19], $0x2780  }
0x9e: {  	[sflag:s19] =	ssyncset.done $0x0  }
0x9f: {  	[sflag:s19] =	ssyncadd.s32 $0xFFFFD880  }
0xa0: {  	_ =	sfence.sel $0x180000  }
0xa1: {  	[bflag:$0x0] =	sbarrier.arrive $0xFFFF  }
0xa2: {  	_ =	strace $0x9000004D  }
0xa3: {  	s0 =	stileid.u32;
	[bflag:$0x2] =	sbarrier.arrive $0xFFFF  }
0xa4: {  	p0 =	sne.s32 s0, $0x0;
	s0 =	rddreg [dreg:$0x3]  }
0xa5: {  	s0 =	sadd.s32 @!p0 $0x100000, s0  }
0xa6: {  	[sflag:s0] =	ssyncadd.tile.s32 @!p0 $0x1;
	_ =	shalt  }
.Lfunc_end2:
_tile_overlayer_lowered:
.L_overlay_start_2:
0xa7: {  	(tag) =	ssettag $0x2  }
0xa8: {  	s0 =	rddreg [dreg:$0x0];
	s2 =	stileid.u32  }
0xa9: {  	s1 =	rddreg [dreg:$0x1];
	p0 =	sne.s32 s2, $0x0  }
0xaa: {  	s3 =	rddreg [dreg:$0x2];
	[bflag:$0x3] =	sbarrier.arrive $0xFFFF;
	s2 =	simm.s32 @!p0 $0x1C07  }
0xab: {  	[timem:s3], [sflag:s2] =	dma.local @!p0 [hbm:s0], s1  }
0xac: {  	s0 =	simm.s32 @!p0 $0x7  }
0xad: {  	_ =	swait.ge @!p0 [sflag:s0], s1  }
0xae: {  	s1 =	ssub.s32 @!p0 $0x0, s1;
	[sflag:s0] =	ssyncset.done @!p0 $0x0  }
0xaf: {  	[sflag:s0] =	ssyncadd.s32 @!p0 s1  }
0xb0: {  	[bflag:$0x3] =	sbarrier.arrive $0xFFFF  }
0xb1: {  	_ =	shalt  }

// kernel: kernel.20.cloned.1.call-start
scs
__scs_entry_jumppad:
0x0: {  	(pc) =	sbr.rel $0x88, $3  }
0x1: {  	(tag) =	ssettag $0x0;
	lr =	simm.s32 $0x1  }
0x2: {  	[smem:$0x3F95] =	sst lr;
	_ =	strace $0xD0000000  }
0x3: {  	_ = 	snop  }
0x4: {  	_ = 	snop  }
0x5: {  	_ = 	snop  }
0x6: {  	_ = 	snop  }
0x7: {  	_ = 	snop  }
__scs_overlays_trampoline_lowered:
0x8: {  	[smem:$0x3FA4] =	sst s0  }
0x9: {  	[smem:$0x3FA5] =	sst s1  }
0xa: {  	[smem:$0x3FA6] =	sst s2  }
0xb: {  	[smem:$0x3FA7] =	sst s3  }
0xc: {  	[smem:$0x3FA8] =	sst s4  }
0xd: {  	[smem:$0x3FA9] =	sst s5  }
0xe: {  	[smem:$0x3FAA] =	sst s6  }
0xf: {  	[smem:$0x3FAB] =	sst s7  }
0x10: {  	[smem:$0x3FAC] =	sst s8  }
0x11: {  	[smem:$0x3FAD] =	sst s9;
	s0 =	simm.s32 @!p0 $0x0  }
0x12: {  	s1 =	sld [smem:$0x3F93];
	s0 =	simm.s32 @p0 $0x1  }
0x13: {  	[smem:$0x3FAE] =	sst s0;
	s0 =	simm.s32 @!p1 $0x0  }
0x14: {  	s2 =	sld [smem:$0x3F92];
	s0 =	simm.s32 @p1 $0x1  }
0x15: {  	[smem:$0x3FAF] =	sst s0;
	s0 =	simm.s32 @!p2 $0x0  }
0x16: {  	s3 =	sld [smem:$0x3FDB];
	s0 =	simm.s32 @p2 $0x1  }
0x17: {  	s4 =	simm.s32 $0x1BF5;
	[smem:$0x3FB1] =	sst s0  }
0x18: {  	s0 =	sld [smem:$0x3F94];
	_ =	swait.ge [sflag:s4], $0x0  }
0x19: {  	s7 =	sld [smem:$0x3F95]  }
0x1a: {  	s8 =	sadd.s32 $0xFFFFE003, lr  }
0x1b: {  	s9 =	sadd.s32 $0xFFFFFEF7, lr;
	s5 =	simm.s32 $0xFFFFFFFF;
	p2 =	slt.u32 s8, $0xFFFFF086  }
0x1c: {  	p1 =	slt.u32 s9, $0xF7A;
	s5 =	simm.s32 @!p2 $0x0  }
0x1d: {  	s5 =	simm.s32 @p1 $0x1;
	p0 =	seq.s32 s7, s2  }
0x1e: {  	s7 =	smul.u32 @!p0 $0xF7A, s2;
	p2 =	seq.s32 @!p0 s5, $0x0  }
0x1f: {  	s9 =	smul.u32 $0xF7A, s1;
	s8 =	simm.s32 @!p0 $0x1BF5;
	p2 =	por !p2, p0  }
0x20: {  	[sflag:s8] =	ssyncset.s32 @!p0 $0xFFFFF086;
	s6 =	sadd.s32 @!p0 s3, s7;
	s7 =	simm.s32 @!p0 $0x108  }
0x21: {  	s3 =	sadd.s32 s3, s9;
	s6 =	sadd.s32 @!p0 $0x88, s6;
	s7 =	simm.s32 @p2 $0x1082  }
0x22: {  	[simem:s7], [sflag:s8] =	dma.local @!p0 [hbm:s6], $0xF7A  }
0x23: {  	s9 =	sor.u32 $0xD0000000, s2;
	s6 =	simm.s32 $0x108;
	_ =	swait.ge @!p0 [sflag:s8], $0x0  }
0x24: {  	s3 =	sadd.s32 $0x88, s3;
	s6 =	simm.s32 @!p1 $0x1082;
	[sflag:s4] =	ssyncset.s32 $0xFFFFF086  }
0x25: {  	[simem:s6], [sflag:s4] =	dma.local [hbm:s3], $0xF7A  }
0x26: {  	[smem:$0x3F95] =	sst s1;
	(tag) =	ssettag s2;
	_ =	strace s9  }
0x27: {  	s1 =	sld [smem:$0x3FA5]  }
0x28: {  	s2 =	sld [smem:$0x3FA6]  }
0x29: {  	s4 =	sld [smem:$0x3FA8]  }
0x2a: {  	p0 =	seq.s32 s5, $0x0;
	s5 =	sld [smem:$0x3FA9]  }
0x2b: {  	s6 =	sld [smem:$0x3FAA]  }
0x2c: {  	s7 =	sld [smem:$0x3FAB]  }
0x2d: {  	s3 =	simm.s32 $0x108;
	s8 =	sld [smem:$0x3FAC]  }
0x2e: {  	s3 =	simm.s32 @!p0 $0x1082;
	s9 =	sld [smem:$0x3FAD]  }
0x2f: {  	lr =	sadd.s32 s0, s3;
	s0 =	sld [smem:$0x3FA4]  }
0x30: {  	s3 =	sld [smem:$0x3FA7]  }
0x31: {  	[smem:$0x3FB0] =	sst s10  }
0x32: {  	s10 =	sld [smem:$0x3FAE];
	_ =	sdelay $0x3  }
0x33: {  	p0 =	seq.s32 s10, $0x1;
	s10 =	sld [smem:$0x3FB0];
	_ =	sdelay $0x3  }
0x34: {  	[smem:$0x3FB0] =	sst s10  }
0x35: {  	s10 =	sld [smem:$0x3FAF];
	_ =	sdelay $0x3  }
0x36: {  	p1 =	seq.s32 s10, $0x1;
	s10 =	sld [smem:$0x3FB0];
	_ =	sdelay $0x3  }
0x37: {  	[smem:$0x3FB0] =	sst s10  }
0x38: {  	s10 =	sld [smem:$0x3FB1]  }
0x39: {  	_ = 	snop;
	(pc) =	sbr.ind lr, $3  }
0x3a: {  	_ = 	snop  }
0x3b: {  	_ = 	snop  }
0x3c: {  	p2 =	seq.s32 s10, $0x1;
	s10 =	sld [smem:$0x3FB0]  }
0x3d: {  	_ =	shalt  }
0x3e: {  	_ =	shalt  }
0x3f: {  	_ =	shalt  }
0x40: {  	_ =	shalt  }
0x41: {  	_ =	shalt  }
0x42: {  	_ =	shalt  }
0x43: {  	_ =	shalt  }
0x44: {  	_ =	shalt  }
0x45: {  	_ =	shalt  }
0x46: {  	_ =	shalt  }
0x47: {  	_ =	shalt  }
0x48: {  	_ =	shalt  }
0x49: {  	_ =	shalt  }
0x4a: {  	_ =	shalt  }
0x4b: {  	_ =	shalt  }
0x4c: {  	_ =	shalt  }
0x4d: {  	_ =	shalt  }
0x4e: {  	_ =	shalt  }
0x4f: {  	_ =	shalt  }
0x50: {  	_ =	shalt  }
0x51: {  	_ =	shalt  }
0x52: {  	_ =	shalt  }
0x53: {  	_ =	shalt  }
0x54: {  	_ =	shalt  }
0x55: {  	_ =	shalt  }
0x56: {  	_ =	shalt  }
0x57: {  	_ =	shalt  }
0x58: {  	_ =	shalt  }
0x59: {  	_ =	shalt  }
0x5a: {  	_ =	shalt  }
0x5b: {  	_ =	shalt  }
0x5c: {  	_ =	shalt  }
0x5d: {  	_ =	shalt  }
0x5e: {  	_ =	shalt  }
0x5f: {  	_ =	shalt  }
0x60: {  	_ =	shalt  }
0x61: {  	_ =	shalt  }
0x62: {  	_ =	shalt  }
0x63: {  	_ =	shalt  }
0x64: {  	_ =	shalt  }
0x65: {  	_ =	shalt  }
0x66: {  	_ =	shalt  }
0x67: {  	_ =	shalt  }
0x68: {  	_ =	shalt  }
0x69: {  	_ =	shalt  }
0x6a: {  	_ =	shalt  }
0x6b: {  	_ =	shalt  }
0x6c: {  	_ =	shalt  }
0x6d: {  	_ =	shalt  }
0x6e: {  	_ =	shalt  }
0x6f: {  	_ =	shalt  }
0x70: {  	_ =	shalt  }
0x71: {  	_ =	shalt  }
0x72: {  	_ =	shalt  }
0x73: {  	_ =	shalt  }
0x74: {  	_ =	shalt  }
0x75: {  	_ =	shalt  }
0x76: {  	_ =	shalt  }
0x77: {  	_ =	shalt  }
0x78: {  	_ =	shalt  }
0x79: {  	_ =	shalt  }
0x7a: {  	_ =	shalt  }
0x7b: {  	_ =	shalt  }
0x7c: {  	_ =	shalt  }
0x7d: {  	_ =	shalt  }
0x7e: {  	_ =	shalt  }
0x7f: {  	_ =	shalt  }
0x80: {  	_ =	shalt  }
0x81: {  	_ =	shalt  }
0x82: {  	_ =	shalt  }
0x83: {  	_ =	shalt  }
0x84: {  	_ =	shalt  }
0x85: {  	_ =	shalt  }
0x86: {  	_ =	shalt  }
0x87: {  	_ =	shalt  }
.Lfunc_end0:
.L_simem_size_0:
called_computation.3_lowered:
.L_overlay_start_0:
0x88: {  	s2 =	sld [smem:$0x3FD9]  }
0x89: {  	s3 =	sld [smem:$0x3FFE];
	_ =	sdelay $0x1  }
0x8a: {  	s1 =	srdreg.scid  }
0x8b: {  	s0 =	sand.u32 $0x1, s1  }
0x8c: {  	s17 =	sshll.u32 s0, $0xA;
	s2 =	sadd.s32 s3, s2  }
0x8d: {  	s2 =	sadd.s32 s2, s17  }
0x8e: {  	[smem:$0x3FBC] =	sst s2  }
0x8f: {  	_ = 	snop  }
0x90: {  	s2 =	sld [smem:$0x3FD0];
	(tm) =	ssettm $0x1  }
0x91: {  	s18 =	sld [smem:$0x3FFB];
	_ =	sdelay $0x3  }
0x92: {  	_ =	strace s18  }
0x93: {  	s3 =	sld [smem:$0x3FFC];
	_ =	sdelay $0x3  }
0x94: {  	_ =	strace s3  }
0x95: {  	s3 =	sld [smem:$0x3FFD];
	_ =	sdelay $0x3  }
0x96: {  	_ =	strace s3  }
0x97: {  	_ =	strace $0x8FFFFFFF  }
0x98: {  	s19 =	sld [smem:$0x3FDB];
	_ =	sdelay $0x1  }
0x99: {  	s4 =	simm.s32 $_scs_section_size  }
0x9a: {  	s5 =	simm.s32 $_size__tile_overlayer_lowered;
	s6 =	simm.s32 $_tile_overlayer_lowered  }
0x9b: {  	s22 =	simm.s32 $0x1BFF;
	s21 =	sshll.u32 s6, $0x1;
	s3 =	sadd.s32 s4, s19  }
0x9c: {  	s7 =	simm.s32 $0x0;
	s20 =	sshll.u32 s5, $0x1;
	s5 =	sadd.s32 s21, s3  }
0x9d: {  	[timem:s7], [sflag:s22] =	dma.local [hbm:s5], s20  }
0x9e: {  	_ =	swait.ge [sflag:s22], s20  }
0x9f: {  	s4 =	ssub.s32 $0x0, s20;
	[sflag:s22] =	ssyncset.done $0x0  }
0xa0: {  	[sflag:s22] =	ssyncadd.s32 s4;
	_ =	sdelay $0x1  }
0xa1: {  	s23 =	simm.s32 $0x1B8B  }
0xa2: {  	_ =	swait.ge [sflag:s23], $0x1  }
0xa3: {  	[sflag:s23] =	ssyncset.done $0x0  }
0xa4: {  	s25 =	simm.s32 $0x1B8E;
	s24 =	sld [smem:$0x3FFE];
	[sflag:s23] =	ssyncadd.s32 $0xFFFFFFFF  }
0xa5: {  	s26 =	simm.s32 $execute0_lowered;
	[smem:$0x3FD2] =	sst s25  }
0xa6: {  	s5 =	sshll.u32 s26, $0x1;
	_ =	strace $0x8000004F;
	[dreg:$0x1] =	wrdreg $0xFFFFFFFF  }
0xa7: {  	s28 =	simm.s32 $_size_execute0_lowered;
	s3 =	sadd.s32 s3, s5;
	[dreg:$0x0] =	wrdreg $0x0  }
0xa8: {  	s5 =	sshll.u32 s28, $0x1;
	[dreg:$0x2] =	wrdreg s3  }
0xa9: {  	[dreg:$0x3] =	wrdreg s5  }
0xaa: {  	[dreg:$0x4] =	wrdreg $0xC0  }
0xab: {  	_ =	task [dreg:s7], $0x5FFFF  }
0xac: {  	[dreg:$0x1] =	wrdreg $0xFFFFFFFF  }
0xad: {  	[dreg:$0x0] =	wrdreg $0x60  }
0xae: {  	[dreg:$0x2] =	wrdreg s24  }
0xaf: {  	[dreg:$0x3] =	wrdreg s2  }
0xb0: {  	[dreg:$0x4] =	wrdreg $0xC4000  }
0xb1: {  	[dreg:$0x5] =	wrdreg $0x9  }
0xb2: {  	_ =	task.clear_ibuf [dreg:s7], $0x6FFFF;
	_ =	strace $0x9000004F  }
0xb3: {  	s29 =	simm.s32 $0x9;
	_ =	strace $0x80000051  }
0xb4: {  	_ =	swait.ge [sflag:s29], $0x1  }
0xb5: {  	[sflag:s29] =	ssyncadd.s32 $0xFFFFFFFF  }
0xb6: {  	_ =	strace $0x90000051  }
0xb7: {  	_ =	sfence  }
0xb8: {  	s30 =	sld [smem:$0x0];
	_ =	sdelay $0x2  }
0xb9: {  	s31 =	sshll.u32 s1, $0xD;
	s1 =	sshrl.u32 s1, $0x2  }
0xba: {  	s3 =	sand.u32 $0x4000, s31;
	s1 =	sadd.s32 s1, s30  }
0xbb: {  	s0 =	sor.u32 s3, s0;
	s1 =	sshll.u32 s1, $0x11  }
0xbc: {  	s0 =	sor.u32 s1, s0  }
0xbd: {  	s0 =	sadd.s32 $0x8F2B, s0  }
0xbe: {  	[sflag:s0] =	ssyncadd.remote.s32 $0x1  }
0xbf: {  	_ =	sfence.sel $0xFFFF  }
0xc0: {  	[dreg:$0x0] =	wrdreg $0xFFFFFFFF;
	(pc) =	sbr.abs _section_cstart, $3  }
0xc1: {  	[dreg:$0x1] =	wrdreg $0xFFFFFFFF  }
0xc2: {  	_ =	task.clear_ibuf [dreg:s7], $0x2FFFF;
	_ =	strace $0x9FFFFFFF  }
0xc3: {  	(tm) =	ssettm $0x7FFFFFFF  }
tec
execute0_lowered:
.L_overlay_start_1:
0x0: {  	(tag) =	ssettag $0x1  }
0x1: {  	s0 =	rddreg [dreg:$0x0]  }
0x2: {  	s3 =	rddreg [dreg:$0x2]  }
0x3: {  	s1 =	srdreg.scid;
	s13 =	stileid.u32;
	s4 =	simm.s32 $0x0  }
0x4: {  	s28 =	simm.s32 $0x0;
	s1 =	sand.u32 $0x1, s1;
	s2 =	smul.u32 $0x2780, s13  }
0x5: {  	[smem:$0x7FF] =	sst s4;
	s5 =	sadd.s32 $0x16C00, s0;
	s10 =	smul.u32 $0x4F000, s13  }
0x6: {  	s9 =	sadd.s32 $0x3000, s0;
	s17 =	sadd.s32 $0xCE00, s0;
	s15 =	smul.u32 $0x9C4, s13  }
0x7: {  	s22 =	sshll.u32 s13, $0x6;
	s6 =	smul.u32 $0x27800, s1;
	s7 =	sshll.u32 s1, $0x4  }
0x8: {  	_ =	strace $0x80000050;
	s18 =	ssub.s32 $0x2, s1;
	s1 =	smul.u32 $0xFFFF9C40, s1  }
0x9: {  	s7 =	sor.u32 s13, s7;
	s19 =	sshrl.u32 s18, $0x1;
	s21 =	sshrl.u32 s10, $0x2  }
0xa: {  	s2 =	sadd.s32 s2, s6;
	s7 =	smul.u32 $0x9C4, s7;
	s1 =	sand.u32 $0xFFC0, s1  }
0xb: {  	s0 =	sadd.s32 s2, s0;
	s2 =	ssub.s32 s18, s19;
	s1 =	sadd.s32 s15, s1  }
0xc: {  	s19 =	simm.s32 $0x7;
	s8 =	sadd.s32 $0x9C4, s7;
	s11 =	sshrl.u32 s7, $0x5  }
0xd: {  	s7 =	sshrl.u32 s7, $0x1;
	s1 =	sshrl.u32 s1, $0x1;
	s15 =	sadd.s32 $0x3DE00, s0  }
0xe: {  	s16 =	smax.u32 s2, $0x1;
	s20 =	sshrl.u32 s8, $0x5;
	s8 =	sadd.s32 s21, s3  }
0xf: {  	s7 =	sand.u32 $0xFFF0, s7;
	s12 =	sshll.u32 s11, $0x4;
	s31 =	sand.u32 $0xFFF0, s1  }
0x10: {  	s21 =	simm.s32 $0x80;
	[dreg:$0x6] =	wrdreg s8;
	s23 =	sadd.s32 s9, s7  }
0x11: {  	s7 =	sadd.s32 s17, s7;
	s24 =	sadd.s32 $0x10, s12;
	[dreg:$0x7] =	wrdreg s23  }
0x12: {  	s6 =	ssub.s32 s20, s11;
	[dreg:$0x8] =	wrdreg s7;
	s25 =	sadd.s32 s9, s24  }
0x13: {  	s14 =	sadd.s32 $0x20, s12;
	s7 =	sadd.s32 s17, s24;
	[dreg:$0x9] =	wrdreg s25  }
0x14: {  	s8 =	sor.u32 $0x1C07, s22;
	s26 =	sadd.s32 s9, s14;
	[dreg:$0xa] =	wrdreg s7  }
0x15: {  	s18 =	sadd.s32 s31, s9;
	s29 =	sadd.s32 $0xFFFFFFFF, s6;
	[dreg:$0xb] =	wrdreg s26  }
0x16: {  	s14 =	sadd.s32 s17, s14;
	s30 =	sadd.s32 $0xFFFFFFFE, s6;
	[dreg:$0x4] =	wrdreg s29  }
0x17: {  	s17 =	sadd.s32 s31, s17;
	[dreg:$0x5] =	wrdreg s30;
	s25 =	simm.s32 $0x4  }
.LBB2_1:
0x18: {  	s0 =	rddreg [dreg:$0x6]  }
0x19: {  	s2 =	rddreg [dreg:$0x1];
	s29 =	sshrl.u32 s0, $0x3  }
0x1a: {  	[spmem:s29], [sflag:s8] =	dma.local [hbm:s2], $0x2780  }
0x1b: {  	_ =	swait.ge [sflag:s19], $0x2780  }
0x1c: {  	[sflag:s19] =	ssyncset.done $0x0  }
0x1d: {  	[sflag:s19] =	ssyncadd.s32 $0xFFFFD880  }
0x1e: {  	[bflag:$0x0] =	sbarrier.arrive $0xFFFF  }
0x1f: {  	s7 =	rddreg [dreg:$0x7]  }
0x20: {  	[tilespmem:s4], [sflag:$0x4] =	stream.linear.gather [hbm4b:s7+s4], $0x80, $0x38;
	v63 =	vld [tilespmem:$0x0]  }
0x21: {  	s1 =	simm.s32 $0x200;
	s9 =	rddreg [dreg:$0x8]  }
0x22: {  	[tilespmem:s1], [sflag:$0x4] =	stream.linear.gather [hbm4b:s9+s4], $0x80, $0x38;
	v63 =	vld [tilespmem:$0x0]  }
0x23: {  	s10 =	rddreg [dreg:$0x9]  }
0x24: {  	[tilespmem:s21], [sflag:$0x5] =	stream.linear.gather [hbm4b:s10+s4], $0x80, $0x38;
	v63 =	vld [tilespmem:$0x0]  }
0x25: {  	s12 =	simm.s32 $0x280;
	s11 =	rddreg [dreg:$0xa]  }
0x26: {  	[tilespmem:s12], [sflag:$0x5] =	stream.linear.gather [hbm4b:s11+s4], $0x80, $0x38;
	v63 =	vld [tilespmem:$0x0]  }
0x27: {  	s20 =	simm.s32 $0x100;
	s13 =	rddreg [dreg:$0xb]  }
0x28: {  	[tilespmem:s20], [sflag:$0x6] =	stream.linear.gather [hbm4b:s13+s4], $0x80, $0x38;
	v63 =	vld [tilespmem:$0x0]  }
0x29: {  	s22 =	simm.s32 $0x300  }
0x2a: {  	[tilespmem:s22], [sflag:$0x6] =	stream.linear.gather [hbm4b:s14+s4], $0x80, $0x38;
	v63 =	vld [tilespmem:$0x0]  }
0x2b: {  	_ =	swait.ge [sflag:s25], $0x80  }
0x2c: {  	[sflag:s25] =	ssyncset.done $0x0  }
0x2d: {  	[sflag:s25] =	ssyncadd.s32 $0xFFFFFF80  }
0x2e: {  	_ =	swait.ge [sflag:s25], $0x80  }
0x2f: {  	[sflag:s25] =	ssyncset.done $0x0;
	s23 =	rddreg [dreg:$0x4]  }
0x30: {  	s24 =	simm.s32 $0x400;
	[sflag:s25] =	ssyncadd.s32 $0xFFFFFF80;
	p2 =	sle.s32 s23, $0x0  }
0x31: {  	[tilespmem:s24], [sflag:$0x1] =	stream.indirect.gather [hbm4b:s5+s21], $0x80, s4, s21, $0xb8;
	v63 =	vld [tilespmem:$0x0]  }
0x32: {  	s0 =	simm.s32 @!p2 $0x5  }
0x33: {  	_ =	swait.ge @!p2 [sflag:s0], $0x80  }
0x34: {  	[sflag:s0] =	ssyncset.done @!p2 $0x0  }
0x35: {  	[sflag:s0] =	ssyncadd.s32 @!p2 $0xFFFFFF80  }
0x36: {  	p1 =	sle.s32 s6, $0x0;
	_ =	swait.ge @!p2 [sflag:s0], $0x80  }
0x37: {  	s2 =	simm.s32 @!p1 $0x1;
	[sflag:s0] =	ssyncset.done @!p2 $0x0  }
0x38: {  	s1 =	simm.s32 @!p2 $0x80;
	s7 =	simm.s32 @!p2 $0x4400;
	[sflag:s0] =	ssyncadd.s32 @!p2 $0xFFFFFF80  }
0x39: {  	[tilespmem:s7], [sflag:$0x2] =	stream.indirect.gather @!p2 [hbm4b:s5+s1], $0x80, s1, s1, $0xb8;
	v63 =	vld [tilespmem:$0x0]  }
0x3a: {  	_ =	swait.ge @!p1 [sflag:s2], $0x4000  }
0x3b: {  	s9 =	simm.s32 @!p1 $0x7;
	s20 =	simm.s32 @!p1 $0x200;
	[sflag:s2] =	ssyncset.done @!p1 $0x0  }
0x3c: {  	s0 =	simm.s32 @!p1 $0x400;
	[sflag:s2] =	ssyncadd.s32 @!p1 $0xFFFFC000;
	s2 =	simm.s32 @!p1 $0x80  }
0x3d: {  	[spmem:s3] =	stream.indirect.scatter.add.f32 @!p1 [tilespmem:s0], [sflag:$0x7], $0x80, s20, s2, $0xb8;
	v63 =	vld [tilespmem:$0x0]  }
0x3e: {  	p0 =	sle.s32 s6, $0x3;
	_ =	swait.ge @!p1 [sflag:s9], $0x4000  }
0x3f: {  	s0 =	sadd.s32 @!p0 $0x0, s18;
	s2 =	simm.s32 @!p0 $0x0;
	[sflag:s9] =	ssyncset.done @!p1 $0x0  }
0x40: {  	s0 =	sadd.s32 @!p0 $0x30, s0;
	s26 =	rddreg [dreg:$0x5];
	[sflag:s9] =	ssyncadd.s32 @!p1 $0xFFFFC000  }
0x41: {  	[tilespmem:s2], [sflag:$0x4] =	stream.linear.gather @!p0 [hbm4b:s0+s2], $0x80, $0x38;
	v63 =	vld [tilespmem:$0x0]  }
0x42: {  	p1 =	sle.s32 s26, $0x0;
	s0 =	sadd.s32 @!p0 $0x0, s17  }
0x43: {  	s9 =	simm.s32 @!p0 $0x200;
	s22 =	simm.s32 @!p1 $0x6;
	s0 =	sadd.s32 @!p0 $0x30, s0  }
0x44: {  	[tilespmem:s9], [sflag:$0x4] =	stream.linear.gather @!p0 [hbm4b:s0+s2], $0x80, $0x38;
	v63 =	vld [tilespmem:$0x0]  }
0x45: {  	_ =	swait.ge @!p1 [sflag:s22], $0x80  }
0x46: {  	[sflag:s22] =	ssyncset.done @!p1 $0x0  }
0x47: {  	[sflag:s22] =	ssyncadd.s32 @!p1 $0xFFFFFF80  }
0x48: {  	_ =	swait.ge @!p1 [sflag:s22], $0x80  }
0x49: {  	s20 =	simm.s32 @!p1 $0x80;
	s23 =	simm.s32 @!p1 $0x8400;
	[sflag:s22] =	ssyncset.done @!p1 $0x0  }
0x4a: {  	s0 =	simm.s32 @!p2 $0x2;
	s9 =	simm.s32 @!p1 $0x100;
	[sflag:s22] =	ssyncadd.s32 @!p1 $0xFFFFFF80  }
0x4b: {  	[tilespmem:s23], [sflag:$0x3] =	stream.indirect.gather @!p1 [hbm4b:s5+s20], $0x80, s9, s20, $0xb8;
	v63 =	vld [tilespmem:$0x0]  }
0x4c: {  	p4 =	sle.s32 s6, $0x4;
	s30 =	simm.s32 $0x30;
	_ =	swait.ge @!p2 [sflag:s0], $0x4000  }
0x4d: {  	s31 =	simm.s32 $0x0;
	s24 =	simm.s32 @!p4 $0x0;
	[sflag:s0] =	ssyncset.done @!p2 $0x0  }
0x4e: {  	s9 =	simm.s32 @!p2 $0x7;
	[sflag:s0] =	ssyncadd.s32 @!p2 $0xFFFFC000;
	s0 =	simm.s32 @!p2 $0x280  }
0x4f: {  	[spmem:s3] =	stream.indirect.scatter.add.f32 @!p2 [tilespmem:s7], [sflag:$0x7], $0x80, s0, s1, $0xb8;
	v63 =	vld [tilespmem:$0x0]  }
0x50: {  	s22 =	simm.s32 @!p0 $0x4;
	s0 =	sadd.s32 @!p4 $0x0, s18;
	_ =	swait.ge @!p2 [sflag:s9], $0x4000  }
0x51: {  	s1 =	sadd.s32 @!p4 $0x0, s17;
	s7 =	simm.s32 @!p4 $0x80;
	[sflag:s9] =	ssyncset.done @!p2 $0x0  }
0x52: {  	s0 =	sadd.s32 @!p4 $0x40, s0;
	[sflag:s9] =	ssyncadd.s32 @!p2 $0xFFFFC000;
	s9 =	simm.s32 @!p4 $0x280  }
0x53: {  	[tilespmem:s7], [sflag:$0x5] =	stream.linear.gather @!p4 [hbm4b:s0+s24], $0x80, $0x38;
	v63 =	vld [tilespmem:$0x0]  }
0x54: {  	s0 =	simm.s32 $0x3;
	s7 =	sadd.s32 @!p4 $0x40, s1;
	s1 =	simm.s32 $0x0  }
.LBB2_2:
0x55: {  	[tilespmem:s9], [sflag:$0x5] =	stream.linear.gather @!p4 [hbm4b:s7+s24], $0x80, $0x38;
	v63 =	vld [tilespmem:$0x0]  }
0x56: {  	_ =	swait.ge @!p0 [sflag:s22], $0x80  }
0x57: {  	[sflag:s22] =	ssyncset.done @!p0 $0x0  }
0x58: {  	[sflag:s22] =	ssyncadd.s32 @!p0 $0xFFFFFF80  }
0x59: {  	_ =	swait.ge @!p0 [sflag:s22], $0x80  }
0x5a: {  	s7 =	simm.s32 @!p0 $0x80;
	[sflag:s22] =	ssyncset.done @!p0 $0x0  }
0x5b: {  	s9 =	simm.s32 @!p1 $0x3;
	s24 =	simm.s32 @!p0 $0x400;
	[sflag:s22] =	ssyncadd.s32 @!p0 $0xFFFFFF80  }
0x5c: {  	[tilespmem:s24], [sflag:$0x1] =	stream.indirect.gather @!p0 [hbm4b:s5+s7], $0x80, s2, s7, $0xb8;
	v63 =	vld [tilespmem:$0x0]  }
0x5d: {  	s1 =	sadd.s32 $0x5, s1;
	_ =	swait.ge @!p1 [sflag:s9], $0x4000  }
0x5e: {  	s2 =	simm.s32 @!p1 $0x7;
	p0 =	sge.s32 s1, s6;
	[sflag:s9] =	ssyncset.done @!p1 $0x0  }
0x5f: {  	s7 =	simm.s32 @!p1 $0x300;
	s1 =	sadd.s32 @!p0 s31, s18;
	[sflag:s9] =	ssyncadd.s32 @!p1 $0xFFFFC000  }
0x60: {  	[spmem:s3] =	stream.indirect.scatter.add.f32 @!p1 [tilespmem:s23], [sflag:$0x7], $0x80, s7, s20, $0xb8;
	v63 =	vld [tilespmem:$0x0]  }
0x61: {  	s1 =	sadd.s32 @!p0 $0x50, s1;
	s7 =	sadd.s32 @!p0 s31, s17;
	_ =	swait.ge @!p1 [sflag:s2], $0x4000  }
0x62: {  	s20 =	simm.s32 @!p0 $0x100;
	s13 =	rddreg [dreg:$0x4];
	[sflag:s2] =	ssyncset.done @!p1 $0x0  }
0x63: {  	[sflag:s2] =	ssyncadd.s32 @!p1 $0xFFFFC000;
	s2 =	simm.s32 @!p0 $0x0;
	p3 =	sge.s32 s0, s13  }
0x64: {  	[tilespmem:s20], [sflag:$0x6] =	stream.linear.gather @!p0 [hbm4b:s1+s2], $0x80, $0x38;
	v63 =	vld [tilespmem:$0x0]  }
0x65: {  	s7 =	sadd.s32 @!p0 $0x50, s7;
	s9 =	simm.s32 @!p3 $0x5;
	s20 =	simm.s32 @!p0 $0x300  }
0x66: {  	[tilespmem:s20], [sflag:$0x6] =	stream.linear.gather @!p0 [hbm4b:s7+s2], $0x80, $0x38;
	v63 =	vld [tilespmem:$0x0]  }
0x67: {  	_ =	swait.ge @!p3 [sflag:s9], $0x80  }
0x68: {  	s26 =	smov.u32 s30;
	[sflag:s9] =	ssyncset.done @!p3 $0x0  }
0x69: {  	s31 =	smov.u32 s26;
	p1 =	sge.s32 s0, s6;
	[sflag:s9] =	ssyncadd.s32 @!p3 $0xFFFFFF80  }
0x6a: {  	s1 =	smov.u32 s0;
	s24 =	simm.s32 @!p3 $0x80;
	_ =	swait.ge @!p3 [sflag:s9], $0x80  }
0x6b: {  	s0 =	sadd.s32 $0x3, s0;
	s26 =	simm.s32 @!p3 $0x4400;
	[sflag:s9] =	ssyncset.done @!p3 $0x0  }
0x6c: {  	s2 =	simm.s32 @!p1 $0x1;
	p0 =	sge.s32 s0, s6;
	[sflag:s9] =	ssyncadd.s32 @!p3 $0xFFFFFF80  }
0x6d: {  	[tilespmem:s26], [sflag:$0x2] =	stream.indirect.gather @!p3 [hbm4b:s5+s24], $0x80, s24, s24, $0xb8;
	v63 =	vld [tilespmem:$0x0]  }
0x6e: {  	s23 =	simm.s32 @!p1 $0x7;
	s20 =	sadd.s32 @!p0 s31, s17;
	_ =	swait.ge @!p1 [sflag:s2], $0x4000  }
0x6f: {  	s10 =	simm.s32 @!p1 $0x200;
	s9 =	sadd.s32 @!p0 $0x30, s20;
	[sflag:s2] =	ssyncset.done @!p1 $0x0  }
0x70: {  	s20 =	simm.s32 @!p1 $0x400;
	[sflag:s2] =	ssyncadd.s32 @!p1 $0xFFFFC000;
	s2 =	simm.s32 @!p1 $0x80  }
0x71: {  	[spmem:s3] =	stream.indirect.scatter.add.f32 @!p1 [tilespmem:s20], [sflag:$0x7], $0x80, s10, s2, $0xb8;
	v63 =	vld [tilespmem:$0x0]  }
0x72: {  	s7 =	sadd.s32 @!p0 s31, s18;
	_ =	swait.ge @!p1 [sflag:s23], $0x4000  }
0x73: {  	s7 =	sadd.s32 @!p0 $0x30, s7;
	[sflag:s23] =	ssyncset.done @!p1 $0x0;
	s20 =	rddreg [dreg:$0x5]  }
0x74: {  	s2 =	simm.s32 @!p0 $0x0;
	[sflag:s23] =	ssyncadd.s32 @!p1 $0xFFFFC000;
	p1 =	sge.s32 s1, s20  }
0x75: {  	[tilespmem:s2], [sflag:$0x4] =	stream.linear.gather @!p0 [hbm4b:s7+s2], $0x80, $0x38;
	v63 =	vld [tilespmem:$0x0]  }
0x76: {  	s7 =	simm.s32 @!p0 $0x200;
	s11 =	simm.s32 @!p1 $0x6  }
0x77: {  	[tilespmem:s7], [sflag:$0x4] =	stream.linear.gather @!p0 [hbm4b:s9+s2], $0x80, $0x38;
	v63 =	vld [tilespmem:$0x0]  }
0x78: {  	_ =	swait.ge @!p1 [sflag:s11], $0x80  }
0x79: {  	[sflag:s11] =	ssyncset.done @!p1 $0x0  }
0x7a: {  	[sflag:s11] =	ssyncadd.s32 @!p1 $0xFFFFFF80  }
0x7b: {  	s13 =	simm.s32 @!p3 $0x2;
	s23 =	sadd.s32 $0x4, s1;
	_ =	swait.ge @!p1 [sflag:s11], $0x80  }
0x7c: {  	p4 =	sge.s32 s23, s6;
	s20 =	simm.s32 @!p1 $0x80;
	[sflag:s11] =	ssyncset.done @!p1 $0x0  }
0x7d: {  	s23 =	simm.s32 @!p1 $0x8400;
	[sflag:s11] =	ssyncadd.s32 @!p1 $0xFFFFFF80;
	s11 =	simm.s32 @!p1 $0x100  }
0x7e: {  	[tilespmem:s23], [sflag:$0x3] =	stream.indirect.gather @!p1 [hbm4b:s5+s20], $0x80, s11, s20, $0xb8;
	v63 =	vld [tilespmem:$0x0]  }
0x7f: {  	s30 =	sadd.s32 $0x30, s30;
	_ =	swait.ge @!p3 [sflag:s13], $0x4000  }
0x80: {  	p2 =	sne.s32 s30, $0x510;
	[sflag:s13] =	ssyncset.done @!p3 $0x0  }
0x81: {  	s22 =	simm.s32 @!p0 $0x4;
	s11 =	simm.s32 @!p3 $0x280;
	[sflag:s13] =	ssyncadd.s32 @!p3 $0xFFFFC000  }
0x82: {  	[spmem:s3] =	stream.indirect.scatter.add.f32 @!p3 [tilespmem:s26], [sflag:$0x7], $0x80, s11, s24, $0xb8;
	v63 =	vld [tilespmem:$0x0]  }
.Ltmp0:
0x83: {  	s10 =	simm.s32 @!p3 $0x7;
	s7 =	sadd.s32 @!p4 s31, s17;
	(pc) =	sbr.rel @p2 .LBB2_2-.Ltmp0, $4  }
0x84: {  	s9 =	sadd.s32 @!p4 s31, s18;
	s7 =	sadd.s32 @!p4 $0x40, s7;
	_ =	swait.ge @!p3 [sflag:s10], $0x4000  }
0x85: {  	s12 =	sadd.s32 @!p4 $0x40, s9;
	s9 =	simm.s32 @!p4 $0x280;
	[sflag:s10] =	ssyncset.done @!p3 $0x0  }
0x86: {  	s11 =	simm.s32 @!p4 $0x80;
	s24 =	simm.s32 @!p4 $0x0;
	[sflag:s10] =	ssyncadd.s32 @!p3 $0xFFFFC000  }
0x87: {  	[tilespmem:s11], [sflag:$0x5] =	stream.linear.gather @!p4 [hbm4b:s12+s24], $0x80, $0x38;
	v63 =	vld [tilespmem:$0x0]  }
0x88: {  	[tilespmem:s9], [sflag:$0x5] =	stream.linear.gather @!p4 [hbm4b:s7+s24], $0x80, $0x38;
	v63 =	vld [tilespmem:$0x0]  }
0x89: {  	_ =	swait.ge @!p0 [sflag:s22], $0x80  }
0x8a: {  	[sflag:s22] =	ssyncset.done @!p0 $0x0  }
0x8b: {  	[sflag:s22] =	ssyncadd.s32 @!p0 $0xFFFFFF80  }
0x8c: {  	_ =	swait.ge @!p0 [sflag:s22], $0x80  }
0x8d: {  	s0 =	simm.s32 @!p0 $0x80;
	[sflag:s22] =	ssyncset.done @!p0 $0x0  }
0x8e: {  	s7 =	simm.s32 @!p1 $0x3;
	s9 =	simm.s32 @!p0 $0x400;
	[sflag:s22] =	ssyncadd.s32 @!p0 $0xFFFFFF80  }
0x8f: {  	[tilespmem:s9], [sflag:$0x1] =	stream.indirect.gather @!p0 [hbm4b:s5+s0], $0x80, s2, s0, $0xb8;
	v63 =	vld [tilespmem:$0x0]  }
0x90: {  	_ =	swait.ge @!p1 [sflag:s7], $0x4000  }
0x91: {  	s1 =	sadd.s32 $0x5, s1;
	s0 =	simm.s32 @!p1 $0x7;
	[sflag:s7] =	ssyncset.done @!p1 $0x0  }
0x92: {  	s2 =	simm.s32 @!p1 $0x300;
	p0 =	sge.s32 s1, s6;
	[sflag:s7] =	ssyncadd.s32 @!p1 $0xFFFFC000  }
0x93: {  	[spmem:s3] =	stream.indirect.scatter.add.f32 @!p1 [tilespmem:s23], [sflag:$0x7], $0x80, s2, s20, $0xb8;
	v63 =	vld [tilespmem:$0x0]  }
0x94: {  	s1 =	sadd.s32 @!p0 s31, s18;
	_ =	swait.ge @!p1 [sflag:s0], $0x4000  }
0x95: {  	s1 =	sadd.s32 @!p0 $0x50, s1;
	s7 =	simm.s32 @!p0 $0x100;
	[sflag:s0] =	ssyncset.done @!p1 $0x0  }
0x96: {  	s2 =	sadd.s32 @!p0 s31, s17;
	[sflag:s0] =	ssyncadd.s32 @!p1 $0xFFFFC000;
	s0 =	simm.s32 @!p0 $0x0  }
0x97: {  	[tilespmem:s7], [sflag:$0x6] =	stream.linear.gather @!p0 [hbm4b:s1+s0], $0x80, $0x38;
	v63 =	vld [tilespmem:$0x0]  }
0x98: {  	s28 =	sadd.s32 $0x1, s28;
	s1 =	sadd.s32 @!p0 $0x50, s2;
	s2 =	simm.s32 @!p0 $0x300  }
0x99: {  	[tilespmem:s2], [sflag:$0x6] =	stream.linear.gather @!p0 [hbm4b:s1+s0], $0x80, $0x38;
	v63 =	vld [tilespmem:$0x0]  }
0x9a: {  	p0 =	sne.s32 s28, s16  }
.Ltmp1:
0x9b: {  	[bflag:$0x0] =	sbarrier.arrive $0xFFFF;
	(pc) =	sbr.rel @p0 .LBB2_1-.Ltmp1, $4  }
0x9c: {  	[hbm:s15], [sflag:s8] =	dma.local [spmem:s29], $0x2780  }
0x9d: {  	_ =	swait.ge [sflag:s19], $0x2780  }
0x9e: {  	[sflag:s19] =	ssyncset.done $0x0  }
0x9f: {  	[sflag:s19] =	ssyncadd.s32 $0xFFFFD880  }
0xa0: {  	_ =	sfence.sel $0x180000  }
0xa1: {  	[bflag:$0x0] =	sbarrier.arrive $0xFFFF  }
0xa2: {  	_ =	strace $0x90000050  }
0xa3: {  	s0 =	stileid.u32;
	[bflag:$0x2] =	sbarrier.arrive $0xFFFF  }
0xa4: {  	p0 =	sne.s32 s0, $0x0;
	s0 =	rddreg [dreg:$0x3]  }
0xa5: {  	s0 =	sadd.s32 @!p0 $0x100000, s0  }
0xa6: {  	[sflag:s0] =	ssyncadd.tile.s32 @!p0 $0x1;
	_ =	shalt  }
.Lfunc_end2:
_tile_overlayer_lowered:
.L_overlay_start_2:
0xa7: {  	(tag) =	ssettag $0x2  }
0xa8: {  	s0 =	rddreg [dreg:$0x0];
	s2 =	stileid.u32  }
0xa9: {  	s1 =	rddreg [dreg:$0x1];
	p0 =	sne.s32 s2, $0x0  }
0xaa: {  	s3 =	rddreg [dreg:$0x2];
	[bflag:$0x3] =	sbarrier.arrive $0xFFFF;
	s2 =	simm.s32 @!p0 $0x1C07  }
0xab: {  	[timem:s3], [sflag:s2] =	dma.local @!p0 [hbm:s0], s1  }
0xac: {  	s0 =	simm.s32 @!p0 $0x7  }
0xad: {  	_ =	swait.ge @!p0 [sflag:s0], s1  }
0xae: {  	s1 =	ssub.s32 @!p0 $0x0, s1;
	[sflag:s0] =	ssyncset.done @!p0 $0x0  }
0xaf: {  	[sflag:s0] =	ssyncadd.s32 @!p0 s1  }
0xb0: {  	[bflag:$0x3] =	sbarrier.arrive $0xFFFF  }
0xb1: {  	_ =	shalt  }

</sc_bundles>
